<compile_context>
chip_gen: v7x
topology: tpu7x:2x2x1
jax: 0.10.2.dev20260603
libtpu: 0.0.44.dev20260713+nightly
codegen_flags: <defaults>
</compile_context>

<pallas_src>
import functools

import jax
import jax.numpy as jnp
from jax import lax
from jax.experimental import pallas as pl
from jax.experimental.pallas import tpu as pltpu
from jax.experimental.pallas import tpu_sc as plsc

_LANES = 16
_WCOLS = 3
_NSLOT = 8


@functools.lru_cache(maxsize=None)
def _make_gather(batch: int, vocab: int, dim: int):
    info = plsc.get_sparse_core_info()
    nc, ns = info.num_cores, info.num_subcores
    nw = nc * ns
    L = _LANES
    assert batch % L == 0 and dim <= 128
    tcols = -(-vocab // 128)
    cols_per_tile = -(-tcols // nw)
    wa = _WCOLS * 128
    nwin_static = -(-cols_per_tile // _WCOLS)
    if nwin_static % 2:
        nwin_static += 1
    tail_start = (vocab // 128) * 128 if vocab % 128 else vocab
    tail_n = vocab - tail_start
    max_sk = ((vocab - wa) // 128) * 128
    n_groups_all = batch // L
    bshift = max(batch - 1, 1).bit_length()
    bmask = (1 << bshift) - 1
    assert (cols_per_tile * 128) << bshift < 2**31
    mesh = plsc.VectorSubcoreMesh(core_axis_name="c", subcore_axis_name="s")

    tail_shape = (dim, tail_n if tail_n else 128)

    @functools.partial(
        pl.kernel,
        mesh=mesh,
        out_type=jax.ShapeDtypeStruct((batch + 128, 128), jnp.float32),
        scratch_types=[
            pltpu.VMEM((batch + _LANES,), jnp.int32),
            pltpu.VMEM((batch + _LANES,), jnp.int32),
            pltpu.VMEM((dim, wa), jnp.float32),
            pltpu.VMEM((dim, wa), jnp.float32),
            pltpu.VMEM(tail_shape, jnp.float32),
            pltpu.VMEM((2 * _NSLOT * L, 128), jnp.float32),
            pltpu.VMEM((_NSLOT * L,), jnp.int32),
            pltpu.VMEM((_NSLOT * L,), jnp.int32),
            pltpu.SemaphoreType.DMA,
            pltpu.SemaphoreType.DMA,
            pltpu.SemaphoreType.DMA,
            pltpu.SemaphoreType.DMA,
        ],
        compiler_params=pltpu.CompilerParams(
            use_tc_tiling_on_sc=True, needs_layout_passes=False
        ),
    )
    def gather_kernel(
        table_hbm, idx_hbm, tail_hbm, out_hbm,
        hits_p, wp_v, win0, win1, tail_v, outstage, idx_a, idx_b,
        sem_a, sem_b, sem_oa, sem_ob,
    ):
        wid = lax.axis_index("s") * nc + lax.axis_index("c")
        c0 = wid * cols_per_tile
        c1 = jnp.minimum(c0 + cols_per_tile, tcols)
        a0 = c0 * 128
        a1 = jnp.minimum(c1 * 128, vocab)
        my_nwin = -(-(c1 - c0) // _WCOLS)
        lane = lax.iota(jnp.int32, L)

        def fire(k, buf, sem):
            @pl.when(k < my_nwin)
            def _():
                sk = jnp.minimum((c0 + k * _WCOLS) * 128, max_sk)
                sk = pl.multiple_of(sk, 128)
                pltpu.async_copy(table_hbm.at[:, pl.ds(sk, wa)], buf, sem)

        fire(0, win0, sem_a)
        fire(1, win1, sem_b)

        pltpu.sync_copy(idx_hbm, wp_v.at[pl.ds(0, batch)])
        if tail_n:
            pltpu.sync_copy(tail_hbm, tail_v)

        def scan_body(i, ptr):
            g = wp_v[pl.ds(i * L, L)]
            mi = ((g >= a0) & (g < a1)).astype(jnp.int32)
            n = jnp.sum(mi)

            def do(p):
                rank = plsc.cumsum(mi) - mi
                dest = mi * (p + rank) + (1 - mi) * (batch + lane)
                packed = ((g - a0) << bshift) + (lane + i * L)
                plsc.store_scatter(hits_p, [dest], packed)
                return p + n

            return lax.cond(n > 0, do, lambda p: p, ptr)

        n_hits = lax.fori_loop(0, n_groups_all, scan_body, 0)
        n_groups = -(-n_hits // L)

        def drain_win(k, buf, sem):
            @pl.when(k < my_nwin)
            def _():
                pltpu.make_async_copy(table_hbm.at[:, pl.ds(0, wa)], buf, sem).wait()

        def drain_half(sem):
            pltpu.make_async_copy(
                out_hbm.at[pl.ds(0, _NSLOT * L)],
                outstage.at[pl.ds(0, _NSLOT * L)],
                sem,
            ).wait()

        def fire_half(half):
            if half == 0:
                pltpu.async_copy(
                    outstage.at[pl.ds(0, _NSLOT * L)], out_hbm.at[idx_a], sem_oa
                )
            else:
                pltpu.async_copy(
                    outstage.at[pl.ds(_NSLOT * L, _NSLOT * L)],
                    out_hbm.at[idx_b],
                    sem_ob,
                )

        def extract(src_ref, width, base_rel, hp, mi, c):
            slot = lax.rem(c, _NSLOT)
            half = lax.rem(lax.div(c, _NSLOT), 2)

            @pl.when((slot == 0) & (c >= 2 * _NSLOT) & (half == 0))
            def _():
                drain_half(sem_oa)

            @pl.when((slot == 0) & (c >= 2 * _NSLOT) & (half == 1))
            def _():
                drain_half(sem_ob)

            av = lax.shift_right_logical(hp, bshift)
            bv = hp & bmask
            off = jnp.clip(av - base_rel, 0, width - 1)
            row0 = pl.multiple_of((half * _NSLOT + slot) * L, L)
            for f in range(dim):
                fvec = jnp.full((L,), f, jnp.int32)
                vals = plsc.load_gather(src_ref, [fvec, off])
                plsc.store_scatter(outstage, [row0 + lane, fvec], vals)
            rows = mi * bv + (1 - mi) * (batch + slot * L + lane)

            @pl.when(half == 0)
            def _():
                idx_a[pl.ds(pl.multiple_of(slot * L, L), L)] = rows

            @pl.when(half == 1)
            def _():
                idx_b[pl.ds(pl.multiple_of(slot * L, L), L)] = rows

            @pl.when((slot == _NSLOT - 1) & (half == 0))
            def _():
                fire_half(0)

            @pl.when((slot == _NSLOT - 1) & (half == 1))
            def _():
                fire_half(1)

            return c + 1

        def compact_extract(wlo_rel, whi_rel, buf, width, base_rel, state):
            plo = wlo_rel << bshift
            phi = whi_rel << bshift

            def cgrp(j, cnt):
                hp = hits_p[pl.ds(j * L, L)]
                mi = (
                    (hp >= plo) & (hp < phi) & (lane < (n_hits - j * L))
                ).astype(jnp.int32)
                n = jnp.sum(mi)

                def do(c):
                    rank = plsc.cumsum(mi) - mi
                    dest = mi * (c + rank) + (1 - mi) * (batch + lane)
                    plsc.store_scatter(wp_v, [dest], hp)
                    return c + n

                return lax.cond(n > 0, do, lambda c: c, cnt)

            cw = lax.fori_loop(0, n_groups, cgrp, 0)

            def egrp(e, st):
                hp = wp_v[pl.ds(e * L, L)]
                mi = (lane < (cw - e * L)).astype(jnp.int32)
                return extract(buf, width, base_rel, hp, mi, st)


            return lax.cond(
                cw > 0,
                lambda st: lax.fori_loop(0, -(-cw // L), egrp, st),
                lambda st: st,
                state,
            )

        def process(k, buf, state):
            wlo_rel = k * wa
            whi_rel = jnp.clip(
                jnp.minimum(wlo_rel + wa, tail_start - a0), 0, a1 - a0
            )
            sk = jnp.minimum((c0 + k * _WCOLS) * 128, max_sk)
            return compact_extract(wlo_rel, whi_rel, buf, wa, sk - a0, state)

        def pair(t, state):
            k0, k1 = 2 * t, 2 * t + 1
            drain_win(k0, win0, sem_a)
            state = lax.cond(
                k0 < my_nwin, lambda s: process(k0, win0, s), lambda s: s, state
            )
            fire(k0 + 2, win0, sem_a)
            drain_win(k1, win1, sem_b)
            state = lax.cond(
                k1 < my_nwin, lambda s: process(k1, win1, s), lambda s: s, state
            )
            fire(k1 + 2, win1, sem_b)
            return state

        state = lax.fori_loop(0, nwin_static // 2, pair, 0)

        if tail_n:
            ts_rel = jnp.clip(tail_start - a0, 0, a1 - a0)
            state = compact_extract(
                ts_rel, a1 - a0, tail_v, tail_n, ts_rel, state
            )

        c = state
        partial = lax.rem(c, _NSLOT)
        half = lax.rem(lax.div(c, _NSLOT), 2)

        def fill(s, x):
            dummy = batch + s * L + lane

            @pl.when(half == 0)
            def _():
                idx_a[pl.ds(pl.multiple_of(s * L, L), L)] = dummy

            @pl.when(half == 1)
            def _():
                idx_b[pl.ds(pl.multiple_of(s * L, L), L)] = dummy

            return x

        @pl.when(partial > 0)
        def _():
            lax.fori_loop(partial, _NSLOT, fill, 0)

        @pl.when((partial > 0) & (half == 0))
        def _():
            fire_half(0)

        @pl.when((partial > 0) & (half == 1))
        def _():
            fire_half(1)

        fires = lax.div(c, _NSLOT) + (partial > 0).astype(jnp.int32)
        fires_a = lax.div(fires + 1, 2)
        fires_b = lax.div(fires, 2)

        @pl.when(fires_a > 0)
        def _():
            drain_half(sem_oa)

        @pl.when(fires_b > 0)
        def _():
            drain_half(sem_ob)

    def run(table_t, idx, tail_t):
        return gather_kernel(table_t, idx, tail_t)

    return run, tail_start, tail_n


def kernel(input, action_embedding):
    batch = input.shape[0]
    vocab, dim = action_embedding.shape
    run, tail_start, tail_n = _make_gather(batch, vocab, dim)
    idx = input.astype(jnp.int32)
    table_t = action_embedding.T
    if tail_n:
        tail_t = action_embedding[tail_start:].T
    else:
        tail_t = jnp.zeros((dim, 128), jnp.float32)
    out128 = run(table_t, idx, tail_t)
    return out128[:batch, :dim]

# --- scband reference (transcript-rebuilt; emitter-appended) ---
"""Pipeline reference for scband-embed-action-62637803045187 (READ-ONLY COPY).

The authoritative reference and input builder live on the scoring server;
editing this copy changes nothing except your own understanding.
"""

import jax, jax.numpy as jnp
import numpy as np

NUM_ACTIONS = 1000000
LATENT_DIM = 64
BATCH = 16384

def setup_inputs(seed: int = 0) -> dict:
    key = jax.random.key(seed)
    k_idx, k_emb = jax.random.split(key)
    input_idx = jax.random.randint(k_idx, (BATCH,), 0, NUM_ACTIONS, dtype=jnp.int64 if jax.config.jax_enable_x64 else jnp.int32)
    action_embedding = jax.random.normal(k_emb, (NUM_ACTIONS, LATENT_DIM), dtype=jnp.float32)
    return {"input": input_idx, "action_embedding": action_embedding}

def reference(input, action_embedding):
    idx = input.astype(jnp.int32)
    output = jnp.take(action_embedding, idx, axis=0)
    return output

if __name__ == "__main__":
    import jax
    _d = setup_inputs()
    print(jax.jit(kernel)(*tuple(_d.values())))

</pallas_src>

<mosaic_0001>
#map = affine_map<(d0, d1) -> (0, 0)>
#map1 = affine_map<(d0, d1) -> (0)>
module attributes {stable_mosaic.version = 14 : i64} {
  func.func @gather_kernel(%arg0: i32, %arg1: i32, %arg2: memref<64x1000000xf32, #tpu.memory_space<hbm>>, %arg3: memref<16384xi32, #tpu.memory_space<hbm>>, %arg4: memref<64x64xf32, #tpu.memory_space<hbm>>, %arg5: memref<16512x128xf32, #tpu.memory_space<hbm>>, %arg6: memref<16400xi32, #tpu.memory_space<vmem>>, %arg7: memref<16400xi32, #tpu.memory_space<vmem>>, %arg8: memref<64x384xf32, #tpu.memory_space<vmem>>, %arg9: memref<64x384xf32, #tpu.memory_space<vmem>>, %arg10: memref<64x64xf32, #tpu.memory_space<vmem>>, %arg11: memref<256x128xf32, #tpu.memory_space<vmem>>, %arg12: memref<128xi32, #tpu.memory_space<vmem>>, %arg13: memref<128xi32, #tpu.memory_space<vmem>>, %arg14: memref<!tpu.dma_semaphore, #tpu.memory_space<semaphore_mem>>, %arg15: memref<!tpu.dma_semaphore, #tpu.memory_space<semaphore_mem>>, %arg16: memref<!tpu.dma_semaphore, #tpu.memory_space<semaphore_mem>>, %arg17: memref<!tpu.dma_semaphore, #tpu.memory_space<semaphore_mem>>) attributes {dimension_semantics = [#tpu.dimension_semantics<core_parallel>, #tpu.dimension_semantics<subcore_parallel>], iteration_bounds = array<i64: 2, 16>, scalar_prefetch = 0 : i64, scratch_operands = 12 : i64, tpu.core_type = #tpu.core_type<sc_vector_subcore>, window_params = [{transform_indices = #map}, {transform_indices = #map1}, {transform_indices = #map}, {transform_indices = #map}]} {
    %mul3A = arith.constant 2 : i32
    %mul3A_0 = arith.muli %arg1, %mul3A : i32
    %add3A = arith.addi %mul3A_0, %arg0 : i32
    %mul3A_1 = arith.constant 245 : i32
    %mul3A_2 = arith.muli %add3A, %mul3A_1 : i32
    %add3A_3 = arith.constant 245 : i32
    %add3A_4 = arith.addi %mul3A_2, %add3A_3 : i32
    %min3A = arith.constant 7813 : i32
    %min3A_5 = arith.minsi %add3A_4, %min3A : i32
    %mul3A_6 = arith.constant 128 : i32
    %mul3A_7 = arith.muli %mul3A_2, %mul3A_6 : i32
    %mul3A_8 = arith.constant 128 : i32
    %mul3A_9 = arith.muli %min3A_5, %mul3A_8 : i32
    %min3A_10 = arith.constant 1000000 : i32
    %min3A_11 = arith.minsi %mul3A_9, %min3A_10 : i32
    %sub3A = arith.subi %min3A_5, %mul3A_2 : i32
    %neg3A = arith.constant 0 : i32
    %neg3A_12 = arith.subi %neg3A, %sub3A : i32
    %jit3A = arith.constant 3 : i32
    %div3A = arith.divsi %neg3A_12, %jit3A : i32
    %sign3A = arith.constant 0 : i32
    %sign3A_13 = arith.cmpi sgt, %neg3A_12, %sign3A : i32
    %sign3A_14 = arith.extui %sign3A_13 : i1 to i32
    %sign3A_15 = arith.constant 0 : i32
    %sign3A_16 = arith.cmpi slt, %neg3A_12, %sign3A_15 : i32
    %sign3A_17 = arith.extui %sign3A_16 : i1 to i32
    %sign3A_18 = arith.subi %sign3A_14, %sign3A_17 : i32
    %sign3A_19 = arith.constant 0 : i32
    %sign3A_20 = arith.cmpi sgt, %jit3A, %sign3A_19 : i32
    %sign3A_21 = arith.extui %sign3A_20 : i1 to i32
    %sign3A_22 = arith.constant 0 : i32
    %sign3A_23 = arith.cmpi slt, %jit3A, %sign3A_22 : i32
    %sign3A_24 = arith.extui %sign3A_23 : i1 to i32
    %sign3A_25 = arith.subi %sign3A_21, %sign3A_24 : i32
    %ne3A = arith.cmpi ne, %sign3A_18, %sign3A_25 : i32
    %rem3A = arith.remsi %neg3A_12, %jit3A : i32
    %ne3A_26 = arith.constant 0 : i32
    %ne3A_27 = arith.cmpi ne, %rem3A, %ne3A_26 : i32
    %and3A = arith.andi %ne3A, %ne3A_27 : i1
    %sub3A_28 = arith.constant 1 : i32
    %sub3A_29 = arith.subi %div3A, %sub3A_28 : i32
    %select_n3A = arith.select %and3A, %sub3A_29, %div3A : i32
    %neg3A_30 = arith.constant 0 : i32
    %neg3A_31 = arith.subi %neg3A_30, %select_n3A : i32
    %iota3A = tpu.iota {dimensions = array<i32: 0>} : vector<16xi32>
    %gt3A = arith.constant 0 : i32
    %gt3A_32 = arith.cmpi sgt, %neg3A_31, %gt3A : i32
    %convert_element_type3A = arith.extui %gt3A_32 : i1 to i32
    %cond3A = arith.constant 0 : i32
    %cond3A_33 = arith.cmpi ne, %convert_element_type3A, %cond3A : i32
    scf.if %cond3A_33 {
      %add3A_154 = arith.constant 0 : i32
      %add3A_155 = arith.addi %mul3A_2, %add3A_154 : i32
      %mul3A_156 = arith.constant 128 : i32
      %mul3A_157 = arith.muli %add3A_155, %mul3A_156 : i32
      %min3A_158 = arith.constant 999552 : i32
      %min3A_159 = arith.minsi %mul3A_157, %min3A_158 : i32
      %multiple_of3A = tpu.assume_multiple %min3A_159, 128 : i32
      %dma_start3A = arith.constant 0 : i32
      %dma_start3A_160 = tpu.memref_slice %arg2[%dma_start3A, %multiple_of3A] : memref<64x1000000xf32, #tpu.memory_space<hbm>> -> memref<64x384xf32, #tpu.memory_space<hbm>>
      %dma_start3A_161 = arith.constant 0 : i32
      %dma_start3A_162 = tpu.memref_slice %arg2[%dma_start3A_161, %multiple_of3A] : memref<64x1000000xf32, #tpu.memory_space<hbm>> -> memref<64x384xf32, #tpu.memory_space<hbm>>
      tpu.enqueue_dma source(%dma_start3A_162 : memref<64x384xf32, #tpu.memory_space<hbm>>) target(%arg8 : memref<64x384xf32, #tpu.memory_space<vmem>>) target_semaphore(%arg14 : memref<!tpu.dma_semaphore, #tpu.memory_space<semaphore_mem>>)
    } else {
    }
    %gt3A_34 = arith.constant 1 : i32
    %gt3A_35 = arith.cmpi sgt, %neg3A_31, %gt3A_34 : i32
    %convert_element_type3A_36 = arith.extui %gt3A_35 : i1 to i32
    %cond3A_37 = arith.constant 0 : i32
    %cond3A_38 = arith.cmpi ne, %convert_element_type3A_36, %cond3A_37 : i32
    scf.if %cond3A_38 {
      %add3A_154 = arith.constant 3 : i32
      %add3A_155 = arith.addi %mul3A_2, %add3A_154 : i32
      %mul3A_156 = arith.constant 128 : i32
      %mul3A_157 = arith.muli %add3A_155, %mul3A_156 : i32
      %min3A_158 = arith.constant 999552 : i32
      %min3A_159 = arith.minsi %mul3A_157, %min3A_158 : i32
      %multiple_of3A = tpu.assume_multiple %min3A_159, 128 : i32
      %dma_start3A = arith.constant 0 : i32
      %dma_start3A_160 = tpu.memref_slice %arg2[%dma_start3A, %multiple_of3A] : memref<64x1000000xf32, #tpu.memory_space<hbm>> -> memref<64x384xf32, #tpu.memory_space<hbm>>
      %dma_start3A_161 = arith.constant 0 : i32
      %dma_start3A_162 = tpu.memref_slice %arg2[%dma_start3A_161, %multiple_of3A] : memref<64x1000000xf32, #tpu.memory_space<hbm>> -> memref<64x384xf32, #tpu.memory_space<hbm>>
      tpu.enqueue_dma source(%dma_start3A_162 : memref<64x384xf32, #tpu.memory_space<hbm>>) target(%arg9 : memref<64x384xf32, #tpu.memory_space<vmem>>) target_semaphore(%arg15 : memref<!tpu.dma_semaphore, #tpu.memory_space<semaphore_mem>>)
    } else {
    }
    "tpu.region"() ({
      %run_scoped3A = tpu.sem_alloc : memref<!tpu.dma_semaphore, #tpu.memory_space<semaphore_mem>>
      %dma_start3A = arith.constant 0 : i32
      %dma_start3A_154 = tpu.memref_slice %arg7[%dma_start3A] : memref<16400xi32, #tpu.memory_space<vmem>> -> memref<16384xi32, #tpu.memory_space<vmem>>
      %dma_start3A_155 = arith.constant 0 : i32
      %dma_start3A_156 = tpu.memref_slice %arg7[%dma_start3A_155] : memref<16400xi32, #tpu.memory_space<vmem>> -> memref<16384xi32, #tpu.memory_space<vmem>>
      tpu.enqueue_dma source(%arg3 : memref<16384xi32, #tpu.memory_space<hbm>>) target(%dma_start3A_156 : memref<16384xi32, #tpu.memory_space<vmem>>) target_semaphore(%run_scoped3A : memref<!tpu.dma_semaphore, #tpu.memory_space<semaphore_mem>>)
      %dma_wait3A = arith.constant 0 : i32
      %dma_wait3A_157 = tpu.memref_slice %arg7[%dma_wait3A] : memref<16400xi32, #tpu.memory_space<vmem>> -> memref<16384xi32, #tpu.memory_space<vmem>>
      %dma_wait3A_158 = arith.constant 0 : i32
      %dma_wait3A_159 = tpu.memref_slice %arg7[%dma_wait3A_158] : memref<16400xi32, #tpu.memory_space<vmem>> -> memref<16384xi32, #tpu.memory_space<vmem>>
      tpu.wait_dma2 semaphore(%run_scoped3A : memref<!tpu.dma_semaphore, #tpu.memory_space<semaphore_mem>>) src(%arg3 : memref<16384xi32, #tpu.memory_space<hbm>>) dst(%dma_wait3A_159 : memref<16384xi32, #tpu.memory_space<vmem>>)
      tpu.yield
    }) : () -> ()
    "tpu.region"() ({
      %run_scoped3A = tpu.sem_alloc : memref<!tpu.dma_semaphore, #tpu.memory_space<semaphore_mem>>
      tpu.enqueue_dma source(%arg4 : memref<64x64xf32, #tpu.memory_space<hbm>>) target(%arg10 : memref<64x64xf32, #tpu.memory_space<vmem>>) target_semaphore(%run_scoped3A : memref<!tpu.dma_semaphore, #tpu.memory_space<semaphore_mem>>)
      tpu.wait_dma2 semaphore(%run_scoped3A : memref<!tpu.dma_semaphore, #tpu.memory_space<semaphore_mem>>) src(%arg4 : memref<64x64xf32, #tpu.memory_space<hbm>>) dst(%arg10 : memref<64x64xf32, #tpu.memory_space<vmem>>)
      tpu.yield
    }) : () -> ()
    %scan3A = arith.constant 0 : i32
    %scan3A_39 = arith.constant 0 : i32
    %scan3A_40 = arith.constant 1024 : i32
    %scan3A_41 = arith.addi %scan3A_39, %scan3A_40 : i32
    %scan3A_42 = arith.constant 1 : i32
    %scan3A_43 = scf.for %scan3A_154 = %scan3A_39 to %scan3A_41 step %scan3A_42 iter_args(%scan3A_155 = %scan3A) -> (i32)  : i32 {
      %mul3A_156 = arith.constant 16 : i32
      %mul3A_157 = arith.muli %scan3A_154, %mul3A_156 : i32
      %get3A = arith.index_cast %mul3A_157 : i32 to index
      %get3A_158 = tpu.vector_load %arg7[%get3A] {strides = array<i32>} : memref<16400xi32, #tpu.memory_space<vmem>>, vector<16xi32>,
      %ge3A = vector.broadcast %mul3A_7 : i32 to vector<16xi32>
      %ge3A_159 = arith.cmpi sge, %get3A_158, %ge3A : vector<16xi32>
      %lt3A = vector.broadcast %min3A_11 : i32 to vector<16xi32>
      %lt3A_160 = arith.cmpi slt, %get3A_158, %lt3A : vector<16xi32>
      %and3A_161 = arith.andi %ge3A_159, %lt3A_160 : vector<16xi1>
      %convert_element_type3A_162 = arith.extui %and3A_161 : vector<16xi1> to vector<16xi32>
      %reduce_sum3A = arith.constant true
      %reduce_sum3A_163 = vector.broadcast %reduce_sum3A : i1 to vector<16xi1>
      %reduce_sum3A_164 = tpu.scan <sum>, %convert_element_type3A_162 masked %reduce_sum3A_163 : vector<16xi32>, vector<16xi1> -> vector<16xi32>
      %reduce_sum3A_165 = vector.extract %reduce_sum3A_164[15] : i32 from vector<16xi32>
      %gt3A_166 = arith.constant 0 : i32
      %gt3A_167 = arith.cmpi sgt, %reduce_sum3A_165, %gt3A_166 : i32
      %convert_element_type3A_168 = arith.extui %gt3A_167 : i1 to i32
      %cond3A_169 = arith.constant 0 : i32
      %cond3A_170 = arith.cmpi ne, %convert_element_type3A_168, %cond3A_169 : i32
      %cond3A_171 = scf.if %cond3A_170 -> (i32) {
        %broadcast_in_dim3A = arith.constant true
        %broadcast_in_dim3A_172 = vector.broadcast %broadcast_in_dim3A : i1 to vector<16xi1>
        %masked_cumsum3A = tpu.scan <sum>, %convert_element_type3A_162 masked %broadcast_in_dim3A_172 : vector<16xi32>, vector<16xi1> -> vector<16xi32>
        %sub3A_173 = arith.subi %masked_cumsum3A, %convert_element_type3A_162 : vector<16xi32>
        %add3A_174 = vector.broadcast %scan3A_155 : i32 to vector<16xi32>
        %add3A_175 = arith.addi %add3A_174, %sub3A_173 : vector<16xi32>
        %mul3A_176 = arith.muli %convert_element_type3A_162, %add3A_175 : vector<16xi32>
        %sub3A_177 = arith.constant 1 : i32
        %sub3A_178 = vector.broadcast %sub3A_177 : i32 to vector<16xi32>
        %sub3A_179 = arith.subi %sub3A_178, %convert_element_type3A_162 : vector<16xi32>
        %add3A_180 = arith.constant 16384 : i32
        %add3A_181 = vector.broadcast %add3A_180 : i32 to vector<16xi32>
        %add3A_182 = arith.addi %add3A_181, %iota3A : vector<16xi32>
        %mul3A_183 = arith.muli %sub3A_179, %add3A_182 : vector<16xi32>
        %add3A_184 = arith.addi %mul3A_176, %mul3A_183 : vector<16xi32>
        %sub3A_185 = vector.broadcast %mul3A_7 : i32 to vector<16xi32>
        %sub3A_186 = arith.subi %get3A_158, %sub3A_185 : vector<16xi32>
        %shift_left3A_187 = arith.constant 14 : i32
        %shift_left3A_188 = vector.broadcast %shift_left3A_187 : i32 to vector<16xi32>
        %shift_left3A_189 = arith.shli %sub3A_186, %shift_left3A_188 : vector<16xi32>
        %mul3A_190 = arith.constant 16 : i32
        %mul3A_191 = arith.muli %scan3A_154, %mul3A_190 : i32
        %add3A_192 = vector.broadcast %mul3A_191 : i32 to vector<16xi32>
        %add3A_193 = arith.addi %iota3A, %add3A_192 : vector<16xi32>
        %add3A_194 = arith.addi %shift_left3A_189, %add3A_193 : vector<16xi32>
        tpu.vector_store_idx %arg6[%add3A_184], %add3A_194 : memref<16400xi32, #tpu.memory_space<vmem>>[vector<16xi32>], vector<16xi32>,
        %add3A_195 = arith.addi %scan3A_155, %reduce_sum3A_165 : i32
        scf.yield %add3A_195 : i32
      } else {
        scf.yield %scan3A_155 : i32
      }
      scf.yield %cond3A_171 : i32
    }
    %scan3A_44 = arith.constant 1024 : i32
    %neg3A_45 = arith.constant 0 : i32
    %neg3A_46 = arith.subi %neg3A_45, %scan3A_43 : i32
    %jit3A_47 = arith.constant 16 : i32
    %div3A_48 = arith.divsi %neg3A_46, %jit3A_47 : i32
    %sign3A_49 = arith.constant 0 : i32
    %sign3A_50 = arith.cmpi sgt, %neg3A_46, %sign3A_49 : i32
    %sign3A_51 = arith.extui %sign3A_50 : i1 to i32
    %sign3A_52 = arith.constant 0 : i32
    %sign3A_53 = arith.cmpi slt, %neg3A_46, %sign3A_52 : i32
    %sign3A_54 = arith.extui %sign3A_53 : i1 to i32
    %sign3A_55 = arith.subi %sign3A_51, %sign3A_54 : i32
    %sign3A_56 = arith.constant 0 : i32
    %sign3A_57 = arith.cmpi sgt, %jit3A_47, %sign3A_56 : i32
    %sign3A_58 = arith.extui %sign3A_57 : i1 to i32
    %sign3A_59 = arith.constant 0 : i32
    %sign3A_60 = arith.cmpi slt, %jit3A_47, %sign3A_59 : i32
    %sign3A_61 = arith.extui %sign3A_60 : i1 to i32
    %sign3A_62 = arith.subi %sign3A_58, %sign3A_61 : i32
    %ne3A_63 = arith.cmpi ne, %sign3A_55, %sign3A_62 : i32
    %rem3A_64 = arith.remsi %neg3A_46, %jit3A_47 : i32
    %ne3A_65 = arith.constant 0 : i32
    %ne3A_66 = arith.cmpi ne, %rem3A_64, %ne3A_65 : i32
    %and3A_67 = arith.andi %ne3A_63, %ne3A_66 : i1
    %sub3A_68 = arith.constant 1 : i32
    %sub3A_69 = arith.subi %div3A_48, %sub3A_68 : i32
    %select_n3A_70 = arith.select %and3A_67, %sub3A_69, %div3A_48 : i32
    %neg3A_71 = arith.constant 0 : i32
    %neg3A_72 = arith.subi %neg3A_71, %select_n3A_70 : i32
    %scan3A_73 = arith.constant 0 : i32
    %scan3A_74 = arith.constant 0 : i32
    %scan3A_75 = arith.constant 41 : i32
    %scan3A_76 = arith.addi %scan3A_74, %scan3A_75 : i32
    %scan3A_77 = arith.constant 1 : i32
    %scan3A_78 = scf.for %scan3A_154 = %scan3A_74 to %scan3A_76 step %scan3A_77 iter_args(%scan3A_155 = %scan3A_73) -> (i32)  : i32 {
      %mul3A_156 = arith.constant 2 : i32
      %mul3A_157 = arith.muli %mul3A_156, %scan3A_154 : i32
      %mul3A_158 = arith.constant 2 : i32
      %mul3A_159 = arith.muli %mul3A_158, %scan3A_154 : i32
      %add3A_160 = arith.constant 1 : i32
      %add3A_161 = arith.addi %mul3A_159, %add3A_160 : i32
      %lt3A = arith.cmpi slt, %mul3A_157, %neg3A_31 : i32
      %convert_element_type3A_162 = arith.extui %lt3A : i1 to i32
      %cond3A_163 = arith.constant 0 : i32
      %cond3A_164 = arith.cmpi ne, %convert_element_type3A_162, %cond3A_163 : i32
      scf.if %cond3A_164 {
        %dma_wait3A = arith.constant 0 : i32
        %dma_wait3A_191 = arith.constant 0 : i32
        %dma_wait3A_192 = tpu.memref_slice %arg2[%dma_wait3A, %dma_wait3A_191] : memref<64x1000000xf32, #tpu.memory_space<hbm>> -> memref<64x384xf32, #tpu.memory_space<hbm>>
        %dma_wait3A_193 = arith.constant 0 : i32
        %dma_wait3A_194 = arith.constant 0 : i32
        %dma_wait3A_195 = tpu.memref_slice %arg2[%dma_wait3A_193, %dma_wait3A_194] : memref<64x1000000xf32, #tpu.memory_space<hbm>> -> memref<64x384xf32, #tpu.memory_space<hbm>>
        tpu.wait_dma2 semaphore(%arg14 : memref<!tpu.dma_semaphore, #tpu.memory_space<semaphore_mem>>) src(%dma_wait3A_195 : memref<64x384xf32, #tpu.memory_space<hbm>>) dst(%arg8 : memref<64x384xf32, #tpu.memory_space<vmem>>)
      } else {
      }
      %lt3A_165 = arith.cmpi slt, %mul3A_157, %neg3A_31 : i32
      %convert_element_type3A_166 = arith.extui %lt3A_165 : i1 to i32
      %cond3A_167 = arith.constant 0 : i32
      %cond3A_168 = arith.cmpi ne, %convert_element_type3A_166, %cond3A_167 : i32
      %cond3A_169 = scf.if %cond3A_168 -> (i32) {
        %mul3A_191 = arith.constant 384 : i32
        %mul3A_192 = arith.muli %mul3A_157, %mul3A_191 : i32
        %add3A_193 = arith.constant 384 : i32
        %add3A_194 = arith.addi %mul3A_192, %add3A_193 : i32
        %sub3A_195 = arith.constant 999936 : i32
        %sub3A_196 = arith.subi %sub3A_195, %mul3A_7 : i32
        %min3A_197 = arith.minsi %add3A_194, %sub3A_196 : i32
        %sub3A_198 = arith.subi %min3A_11, %mul3A_7 : i32
        %jit3A_199 = arith.constant 0 : i32
        %max3A_200 = arith.maxsi %jit3A_199, %min3A_197 : i32
        %min3A_201 = arith.minsi %sub3A_198, %max3A_200 : i32
        %mul3A_202 = arith.constant 3 : i32
        %mul3A_203 = arith.muli %mul3A_157, %mul3A_202 : i32
        %add3A_204 = arith.addi %mul3A_2, %mul3A_203 : i32
        %mul3A_205 = arith.constant 128 : i32
        %mul3A_206 = arith.muli %add3A_204, %mul3A_205 : i32
        %min3A_207 = arith.constant 999552 : i32
        %min3A_208 = arith.minsi %mul3A_206, %min3A_207 : i32
        %sub3A_209 = arith.subi %min3A_208, %mul3A_7 : i32
        %shift_left3A_210 = arith.constant 14 : i32
        %shift_left3A_211 = arith.shli %mul3A_192, %shift_left3A_210 : i32
        %shift_left3A_212 = arith.constant 14 : i32
        %shift_left3A_213 = arith.shli %min3A_201, %shift_left3A_212 : i32
        %while3A_214 = arith.constant 0 : i32
        %while3A_215 = arith.constant 0 : i32
        %while3A_216 = arith.subi %neg3A_72, %while3A_214 : i32
        %while3A_217 = arith.addi %while3A_214, %while3A_216 : i32
        %while3A_218 = arith.constant 1 : i32
        %while3A_219 = arith.divsi %while3A_216, %while3A_218 : i32
        %while3A_220 = arith.muli %while3A_219, %while3A_218 : i32
        %while3A_221 = arith.addi %while3A_214, %while3A_220 : i32
        %while3A_222 = arith.constant 1 : i32
        %while3A_223 = scf.for %while3A_232 = %while3A_214 to %while3A_221 step %while3A_222 iter_args(%while3A_233 = %while3A_215) -> (i32)  : i32 {
          %mul3A_234 = arith.constant 16 : i32
          %mul3A_235 = arith.muli %while3A_232, %mul3A_234 : i32
          %get3A = arith.index_cast %mul3A_235 : i32 to index
          %get3A_236 = tpu.vector_load %arg6[%get3A] {strides = array<i32>} : memref<16400xi32, #tpu.memory_space<vmem>>, vector<16xi32>,
          %ge3A = vector.broadcast %shift_left3A_211 : i32 to vector<16xi32>
          %ge3A_237 = arith.cmpi sge, %get3A_236, %ge3A : vector<16xi32>
          %lt3A_238 = vector.broadcast %shift_left3A_213 : i32 to vector<16xi32>
          %lt3A_239 = arith.cmpi slt, %get3A_236, %lt3A_238 : vector<16xi32>
          %and3A_240 = arith.andi %ge3A_237, %lt3A_239 : vector<16xi1>
          %mul3A_241 = arith.constant 16 : i32
          %mul3A_242 = arith.muli %while3A_232, %mul3A_241 : i32
          %sub3A_243 = arith.subi %scan3A_43, %mul3A_242 : i32
          %lt3A_244 = vector.broadcast %sub3A_243 : i32 to vector<16xi32>
          %lt3A_245 = arith.cmpi slt, %iota3A, %lt3A_244 : vector<16xi32>
          %and3A_246 = arith.andi %and3A_240, %lt3A_245 : vector<16xi1>
          %convert_element_type3A_247 = arith.extui %and3A_246 : vector<16xi1> to vector<16xi32>
          %reduce_sum3A = arith.constant true
          %reduce_sum3A_248 = vector.broadcast %reduce_sum3A : i1 to vector<16xi1>
          %reduce_sum3A_249 = tpu.scan <sum>, %convert_element_type3A_247 masked %reduce_sum3A_248 : vector<16xi32>, vector<16xi1> -> vector<16xi32>
          %reduce_sum3A_250 = vector.extract %reduce_sum3A_249[15] : i32 from vector<16xi32>
          %gt3A_251 = arith.constant 0 : i32
          %gt3A_252 = arith.cmpi sgt, %reduce_sum3A_250, %gt3A_251 : i32
          %convert_element_type3A_253 = arith.extui %gt3A_252 : i1 to i32
          %cond3A_254 = arith.constant 0 : i32
          %cond3A_255 = arith.cmpi ne, %convert_element_type3A_253, %cond3A_254 : i32
          %cond3A_256 = scf.if %cond3A_255 -> (i32) {
            %broadcast_in_dim3A = arith.constant true
            %broadcast_in_dim3A_257 = vector.broadcast %broadcast_in_dim3A : i1 to vector<16xi1>
            %masked_cumsum3A = tpu.scan <sum>, %convert_element_type3A_247 masked %broadcast_in_dim3A_257 : vector<16xi32>, vector<16xi1> -> vector<16xi32>
            %sub3A_258 = arith.subi %masked_cumsum3A, %convert_element_type3A_247 : vector<16xi32>
            %add3A_259 = vector.broadcast %while3A_233 : i32 to vector<16xi32>
            %add3A_260 = arith.addi %add3A_259, %sub3A_258 : vector<16xi32>
            %mul3A_261 = arith.muli %convert_element_type3A_247, %add3A_260 : vector<16xi32>
            %sub3A_262 = arith.constant 1 : i32
            %sub3A_263 = vector.broadcast %sub3A_262 : i32 to vector<16xi32>
            %sub3A_264 = arith.subi %sub3A_263, %convert_element_type3A_247 : vector<16xi32>
            %add3A_265 = arith.constant 16384 : i32
            %add3A_266 = vector.broadcast %add3A_265 : i32 to vector<16xi32>
            %add3A_267 = arith.addi %add3A_266, %iota3A : vector<16xi32>
            %mul3A_268 = arith.muli %sub3A_264, %add3A_267 : vector<16xi32>
            %add3A_269 = arith.addi %mul3A_261, %mul3A_268 : vector<16xi32>
            tpu.vector_store_idx %arg7[%add3A_269], %get3A_236 : memref<16400xi32, #tpu.memory_space<vmem>>[vector<16xi32>], vector<16xi32>,
            %add3A_270 = arith.addi %while3A_233, %reduce_sum3A_250 : i32
            scf.yield %add3A_270 : i32
          } else {
            scf.yield %while3A_233 : i32
          }
          scf.yield %cond3A_256 : i32
        }
        %while3A_224 = arith.constant 1 : i32
        %while3A_225 = scf.for %while3A_232 = %while3A_221 to %while3A_217 step %while3A_224 iter_args(%while3A_233 = %while3A_223) -> (i32)  : i32 {
          %mul3A_234 = arith.constant 16 : i32
          %mul3A_235 = arith.muli %while3A_232, %mul3A_234 : i32
          %get3A = arith.index_cast %mul3A_235 : i32 to index
          %get3A_236 = tpu.vector_load %arg6[%get3A] {strides = array<i32>} : memref<16400xi32, #tpu.memory_space<vmem>>, vector<16xi32>,
          %ge3A = vector.broadcast %shift_left3A_211 : i32 to vector<16xi32>
          %ge3A_237 = arith.cmpi sge, %get3A_236, %ge3A : vector<16xi32>
          %lt3A_238 = vector.broadcast %shift_left3A_213 : i32 to vector<16xi32>
          %lt3A_239 = arith.cmpi slt, %get3A_236, %lt3A_238 : vector<16xi32>
          %and3A_240 = arith.andi %ge3A_237, %lt3A_239 : vector<16xi1>
          %mul3A_241 = arith.constant 16 : i32
          %mul3A_242 = arith.muli %while3A_232, %mul3A_241 : i32
          %sub3A_243 = arith.subi %scan3A_43, %mul3A_242 : i32
          %lt3A_244 = vector.broadcast %sub3A_243 : i32 to vector<16xi32>
          %lt3A_245 = arith.cmpi slt, %iota3A, %lt3A_244 : vector<16xi32>
          %and3A_246 = arith.andi %and3A_240, %lt3A_245 : vector<16xi1>
          %convert_element_type3A_247 = arith.extui %and3A_246 : vector<16xi1> to vector<16xi32>
          %reduce_sum3A = arith.constant true
          %reduce_sum3A_248 = vector.broadcast %reduce_sum3A : i1 to vector<16xi1>
          %reduce_sum3A_249 = tpu.scan <sum>, %convert_element_type3A_247 masked %reduce_sum3A_248 : vector<16xi32>, vector<16xi1> -> vector<16xi32>
          %reduce_sum3A_250 = vector.extract %reduce_sum3A_249[15] : i32 from vector<16xi32>
          %gt3A_251 = arith.constant 0 : i32
          %gt3A_252 = arith.cmpi sgt, %reduce_sum3A_250, %gt3A_251 : i32
          %convert_element_type3A_253 = arith.extui %gt3A_252 : i1 to i32
          %cond3A_254 = arith.constant 0 : i32
          %cond3A_255 = arith.cmpi ne, %convert_element_type3A_253, %cond3A_254 : i32
          %cond3A_256 = scf.if %cond3A_255 -> (i32) {
            %broadcast_in_dim3A = arith.constant true
            %broadcast_in_dim3A_257 = vector.broadcast %broadcast_in_dim3A : i1 to vector<16xi1>
            %masked_cumsum3A = tpu.scan <sum>, %convert_element_type3A_247 masked %broadcast_in_dim3A_257 : vector<16xi32>, vector<16xi1> -> vector<16xi32>
            %sub3A_258 = arith.subi %masked_cumsum3A, %convert_element_type3A_247 : vector<16xi32>
            %add3A_259 = vector.broadcast %while3A_233 : i32 to vector<16xi32>
            %add3A_260 = arith.addi %add3A_259, %sub3A_258 : vector<16xi32>
            %mul3A_261 = arith.muli %convert_element_type3A_247, %add3A_260 : vector<16xi32>
            %sub3A_262 = arith.constant 1 : i32
            %sub3A_263 = vector.broadcast %sub3A_262 : i32 to vector<16xi32>
            %sub3A_264 = arith.subi %sub3A_263, %convert_element_type3A_247 : vector<16xi32>
            %add3A_265 = arith.constant 16384 : i32
            %add3A_266 = vector.broadcast %add3A_265 : i32 to vector<16xi32>
            %add3A_267 = arith.addi %add3A_266, %iota3A : vector<16xi32>
            %mul3A_268 = arith.muli %sub3A_264, %add3A_267 : vector<16xi32>
            %add3A_269 = arith.addi %mul3A_261, %mul3A_268 : vector<16xi32>
            tpu.vector_store_idx %arg7[%add3A_269], %get3A_236 : memref<16400xi32, #tpu.memory_space<vmem>>[vector<16xi32>], vector<16xi32>,
            %add3A_270 = arith.addi %while3A_233, %reduce_sum3A_250 : i32
            scf.yield %add3A_270 : i32
          } else {
            scf.yield %while3A_233 : i32
          }
          scf.yield %cond3A_256 : i32
        }
        %gt3A_226 = arith.constant 0 : i32
        %gt3A_227 = arith.cmpi sgt, %while3A_225, %gt3A_226 : i32
        %convert_element_type3A_228 = arith.extui %gt3A_227 : i1 to i32
        %cond3A_229 = arith.constant 0 : i32
        %cond3A_230 = arith.cmpi ne, %convert_element_type3A_228, %cond3A_229 : i32
        %cond3A_231 = scf.if %cond3A_230 -> (i32) {
          %neg3A_232 = arith.constant 0 : i32
          %neg3A_233 = arith.subi %neg3A_232, %while3A_225 : i32
          %jit3A_234 = arith.constant 16 : i32
          %div3A_235 = arith.divsi %neg3A_233, %jit3A_234 : i32
          %sign3A_236 = arith.constant 0 : i32
          %sign3A_237 = arith.cmpi sgt, %neg3A_233, %sign3A_236 : i32
          %sign3A_238 = arith.extui %sign3A_237 : i1 to i32
          %sign3A_239 = arith.constant 0 : i32
          %sign3A_240 = arith.cmpi slt, %neg3A_233, %sign3A_239 : i32
          %sign3A_241 = arith.extui %sign3A_240 : i1 to i32
          %sign3A_242 = arith.subi %sign3A_238, %sign3A_241 : i32
          %sign3A_243 = arith.constant 0 : i32
          %sign3A_244 = arith.cmpi sgt, %jit3A_234, %sign3A_243 : i32
          %sign3A_245 = arith.extui %sign3A_244 : i1 to i32
          %sign3A_246 = arith.constant 0 : i32
          %sign3A_247 = arith.cmpi slt, %jit3A_234, %sign3A_246 : i32
          %sign3A_248 = arith.extui %sign3A_247 : i1 to i32
          %sign3A_249 = arith.subi %sign3A_245, %sign3A_248 : i32
          %ne3A_250 = arith.cmpi ne, %sign3A_242, %sign3A_249 : i32
          %rem3A_251 = arith.remsi %neg3A_233, %jit3A_234 : i32
          %ne3A_252 = arith.constant 0 : i32
          %ne3A_253 = arith.cmpi ne, %rem3A_251, %ne3A_252 : i32
          %and3A_254 = arith.andi %ne3A_250, %ne3A_253 : i1
          %sub3A_255 = arith.constant 1 : i32
          %sub3A_256 = arith.subi %div3A_235, %sub3A_255 : i32
          %select_n3A_257 = arith.select %and3A_254, %sub3A_256, %div3A_235 : i32
          %neg3A_258 = arith.constant 0 : i32
          %neg3A_259 = arith.subi %neg3A_258, %select_n3A_257 : i32
          %while3A_260 = arith.constant 0 : i32
          %while3A_261 = arith.subi %neg3A_259, %while3A_260 : i32
          %while3A_262 = arith.addi %while3A_260, %while3A_261 : i32
          %while3A_263 = arith.constant 1 : i32
          %while3A_264 = arith.divsi %while3A_261, %while3A_263 : i32
          %while3A_265 = arith.muli %while3A_264, %while3A_263 : i32
          %while3A_266 = arith.addi %while3A_260, %while3A_265 : i32
          %while3A_267 = arith.constant 1 : i32
          %while3A_268 = scf.for %while3A_271 = %while3A_260 to %while3A_266 step %while3A_267 iter_args(%while3A_272 = %scan3A_155) -> (i32)  : i32 {
            %mul3A_273 = arith.constant 16 : i32
            %mul3A_274 = arith.muli %while3A_271, %mul3A_273 : i32
            %get3A = arith.index_cast %mul3A_274 : i32 to index
            %get3A_275 = tpu.vector_load %arg7[%get3A] {strides = array<i32>} : memref<16400xi32, #tpu.memory_space<vmem>>, vector<16xi32>,
            %mul3A_276 = arith.constant 16 : i32
            %mul3A_277 = arith.muli %while3A_271, %mul3A_276 : i32
            %sub3A_278 = arith.subi %while3A_225, %mul3A_277 : i32
            %lt3A_279 = vector.broadcast %sub3A_278 : i32 to vector<16xi32>
            %lt3A_280 = arith.cmpi slt, %iota3A, %lt3A_279 : vector<16xi32>
            %convert_element_type3A_281 = arith.extui %lt3A_280 : vector<16xi1> to vector<16xi32>
            %rem3A_282 = arith.constant 8 : i32
            %rem3A_283 = arith.remsi %while3A_272, %rem3A_282 : i32
            %div3A_284 = arith.constant 8 : i32
            %div3A_285 = arith.divsi %while3A_272, %div3A_284 : i32
            %rem3A_286 = arith.constant 2 : i32
            %rem3A_287 = arith.remsi %div3A_285, %rem3A_286 : i32
            %eq3A_288 = arith.constant 0 : i32
            %eq3A_289 = arith.cmpi eq, %rem3A_283, %eq3A_288 : i32
            %ge3A = arith.constant 16 : i32
            %ge3A_290 = arith.cmpi sge, %while3A_272, %ge3A : i32
            %and3A_291 = arith.andi %eq3A_289, %ge3A_290 : i1
            %eq3A_292 = arith.constant 0 : i32
            %eq3A_293 = arith.cmpi eq, %rem3A_287, %eq3A_292 : i32
            %and3A_294 = arith.andi %and3A_291, %eq3A_293 : i1
            %convert_element_type3A_295 = arith.extui %and3A_294 : i1 to i32
            %cond3A_296 = arith.constant 0 : i32
            %cond3A_297 = arith.cmpi ne, %convert_element_type3A_295, %cond3A_296 : i32
            scf.if %cond3A_297 {
              %dma_wait3A = arith.constant 0 : i32
              %dma_wait3A_685 = arith.constant 0 : i32
              %dma_wait3A_686 = tpu.memref_slice %arg11[%dma_wait3A, %dma_wait3A_685] : memref<256x128xf32, #tpu.memory_space<vmem>> -> memref<128x128xf32, #tpu.memory_space<vmem>>
              %dma_wait3A_687 = arith.constant 0 : i32
              %dma_wait3A_688 = arith.constant 0 : i32
              %dma_wait3A_689 = tpu.memref_slice %arg5[%dma_wait3A_687, %dma_wait3A_688] : memref<16512x128xf32, #tpu.memory_space<hbm>> -> memref<128x128xf32, #tpu.memory_space<hbm>>
              %dma_wait3A_690 = arith.constant 0 : i32
              %dma_wait3A_691 = arith.constant 0 : i32
              %dma_wait3A_692 = tpu.memref_slice %arg11[%dma_wait3A_690, %dma_wait3A_691] : memref<256x128xf32, #tpu.memory_space<vmem>> -> memref<128x128xf32, #tpu.memory_space<vmem>>
              %dma_wait3A_693 = arith.constant 0 : i32
              %dma_wait3A_694 = arith.constant 0 : i32
              %dma_wait3A_695 = tpu.memref_slice %arg5[%dma_wait3A_693, %dma_wait3A_694] : memref<16512x128xf32, #tpu.memory_space<hbm>> -> memref<128x128xf32, #tpu.memory_space<hbm>>
              tpu.wait_dma2 semaphore(%arg16 : memref<!tpu.dma_semaphore, #tpu.memory_space<semaphore_mem>>) src(%dma_wait3A_695 : memref<128x128xf32, #tpu.memory_space<hbm>>) dst(%dma_wait3A_692 : memref<128x128xf32, #tpu.memory_space<vmem>>)
            } else {
            }
            %eq3A_298 = arith.constant 0 : i32
            %eq3A_299 = arith.cmpi eq, %rem3A_283, %eq3A_298 : i32
            %ge3A_300 = arith.constant 16 : i32
            %ge3A_301 = arith.cmpi sge, %while3A_272, %ge3A_300 : i32
            %and3A_302 = arith.andi %eq3A_299, %ge3A_301 : i1
            %eq3A_303 = arith.constant 1 : i32
            %eq3A_304 = arith.cmpi eq, %rem3A_287, %eq3A_303 : i32
            %and3A_305 = arith.andi %and3A_302, %eq3A_304 : i1
            %convert_element_type3A_306 = arith.extui %and3A_305 : i1 to i32
            %cond3A_307 = arith.constant 0 : i32
            %cond3A_308 = arith.cmpi ne, %convert_element_type3A_306, %cond3A_307 : i32
            scf.if %cond3A_308 {
              %dma_wait3A = arith.constant 0 : i32
              %dma_wait3A_685 = arith.constant 0 : i32
              %dma_wait3A_686 = tpu.memref_slice %arg11[%dma_wait3A, %dma_wait3A_685] : memref<256x128xf32, #tpu.memory_space<vmem>> -> memref<128x128xf32, #tpu.memory_space<vmem>>
              %dma_wait3A_687 = arith.constant 0 : i32
              %dma_wait3A_688 = arith.constant 0 : i32
              %dma_wait3A_689 = tpu.memref_slice %arg5[%dma_wait3A_687, %dma_wait3A_688] : memref<16512x128xf32, #tpu.memory_space<hbm>> -> memref<128x128xf32, #tpu.memory_space<hbm>>
              %dma_wait3A_690 = arith.constant 0 : i32
              %dma_wait3A_691 = arith.constant 0 : i32
              %dma_wait3A_692 = tpu.memref_slice %arg11[%dma_wait3A_690, %dma_wait3A_691] : memref<256x128xf32, #tpu.memory_space<vmem>> -> memref<128x128xf32, #tpu.memory_space<vmem>>
              %dma_wait3A_693 = arith.constant 0 : i32
              %dma_wait3A_694 = arith.constant 0 : i32
              %dma_wait3A_695 = tpu.memref_slice %arg5[%dma_wait3A_693, %dma_wait3A_694] : memref<16512x128xf32, #tpu.memory_space<hbm>> -> memref<128x128xf32, #tpu.memory_space<hbm>>
              tpu.wait_dma2 semaphore(%arg17 : memref<!tpu.dma_semaphore, #tpu.memory_space<semaphore_mem>>) src(%dma_wait3A_695 : memref<128x128xf32, #tpu.memory_space<hbm>>) dst(%dma_wait3A_692 : memref<128x128xf32, #tpu.memory_space<vmem>>)
            } else {
            }
            %shift_right_logical3A = arith.constant 14 : i32
            %shift_right_logical3A_309 = vector.broadcast %shift_right_logical3A : i32 to vector<16xi32>
            %shift_right_logical3A_310 = arith.shrui %get3A_275, %shift_right_logical3A_309 : vector<16xi32>
            %and3A_311 = arith.constant 16383 : i32
            %and3A_312 = vector.broadcast %and3A_311 : i32 to vector<16xi32>
            %and3A_313 = arith.andi %get3A_275, %and3A_312 : vector<16xi32>
            %sub3A_314 = vector.broadcast %sub3A_209 : i32 to vector<16xi32>
            %sub3A_315 = arith.subi %shift_right_logical3A_310, %sub3A_314 : vector<16xi32>
            %jit3A_316 = arith.constant 0 : i32
            %jit3A_317 = arith.constant 383 : i32
            %max3A_318 = vector.broadcast %jit3A_316 : i32 to vector<16xi32>
            %max3A_319 = arith.maxsi %max3A_318, %sub3A_315 : vector<16xi32>
            %min3A_320 = vector.broadcast %jit3A_317 : i32 to vector<16xi32>
            %min3A_321 = arith.minsi %min3A_320, %max3A_319 : vector<16xi32>
            %mul3A_322 = arith.constant 8 : i32
            %mul3A_323 = arith.muli %rem3A_287, %mul3A_322 : i32
            %add3A_324 = arith.addi %mul3A_323, %rem3A_283 : i32
            %mul3A_325 = arith.constant 16 : i32
            %mul3A_326 = arith.muli %add3A_324, %mul3A_325 : i32
            %multiple_of3A = tpu.assume_multiple %mul3A_326, 16 : i32
            %broadcast_in_dim3A = arith.constant 0 : i32
            %broadcast_in_dim3A_327 = vector.broadcast %broadcast_in_dim3A : i32 to vector<16xi32>
            %gather3A = tpu.vector_load_idx %arg8[%broadcast_in_dim3A_327, %min3A_321] : memref<64x384xf32, #tpu.memory_space<vmem>>[vector<16xi32>, vector<16xi32>], vector<16xf32>,
            %add3A_328 = vector.broadcast %multiple_of3A : i32 to vector<16xi32>
            %add3A_329 = arith.addi %add3A_328, %iota3A : vector<16xi32>
            tpu.vector_store_idx %arg11[%add3A_329, %broadcast_in_dim3A_327], %gather3A : memref<256x128xf32, #tpu.memory_space<vmem>>[vector<16xi32>, vector<16xi32>], vector<16xf32>,
            %broadcast_in_dim3A_330 = arith.constant 1 : i32
            %broadcast_in_dim3A_331 = vector.broadcast %broadcast_in_dim3A_330 : i32 to vector<16xi32>
            %gather3A_332 = tpu.vector_load_idx %arg8[%broadcast_in_dim3A_331, %min3A_321] : memref<64x384xf32, #tpu.memory_space<vmem>>[vector<16xi32>, vector<16xi32>], vector<16xf32>,
            %add3A_333 = vector.broadcast %multiple_of3A : i32 to vector<16xi32>
            %add3A_334 = arith.addi %add3A_333, %iota3A : vector<16xi32>
            tpu.vector_store_idx %arg11[%add3A_334, %broadcast_in_dim3A_331], %gather3A_332 : memref<256x128xf32, #tpu.memory_space<vmem>>[vector<16xi32>, vector<16xi32>], vector<16xf32>,
            %broadcast_in_dim3A_335 = arith.constant 2 : i32
            %broadcast_in_dim3A_336 = vector.broadcast %broadcast_in_dim3A_335 : i32 to vector<16xi32>
            %gather3A_337 = tpu.vector_load_idx %arg8[%broadcast_in_dim3A_336, %min3A_321] : memref<64x384xf32, #tpu.memory_space<vmem>>[vector<16xi32>, vector<16xi32>], vector<16xf32>,
            %add3A_338 = vector.broadcast %multiple_of3A : i32 to vector<16xi32>
            %add3A_339 = arith.addi %add3A_338, %iota3A : vector<16xi32>
            tpu.vector_store_idx %arg11[%add3A_339, %broadcast_in_dim3A_336], %gather3A_337 : memref<256x128xf32, #tpu.memory_space<vmem>>[vector<16xi32>, vector<16xi32>], vector<16xf32>,
            %broadcast_in_dim3A_340 = arith.constant 3 : i32
            %broadcast_in_dim3A_341 = vector.broadcast %broadcast_in_dim3A_340 : i32 to vector<16xi32>
            %gather3A_342 = tpu.vector_load_idx %arg8[%broadcast_in_dim3A_341, %min3A_321] : memref<64x384xf32, #tpu.memory_space<vmem>>[vector<16xi32>, vector<16xi32>], vector<16xf32>,
            %add3A_343 = vector.broadcast %multiple_of3A : i32 to vector<16xi32>
            %add3A_344 = arith.addi %add3A_343, %iota3A : vector<16xi32>
            tpu.vector_store_idx %arg11[%add3A_344, %broadcast_in_dim3A_341], %gather3A_342 : memref<256x128xf32, #tpu.memory_space<vmem>>[vector<16xi32>, vector<16xi32>], vector<16xf32>,
            %broadcast_in_dim3A_345 = arith.constant 4 : i32
            %broadcast_in_dim3A_346 = vector.broadcast %broadcast_in_dim3A_345 : i32 to vector<16xi32>
            %gather3A_347 = tpu.vector_load_idx %arg8[%broadcast_in_dim3A_346, %min3A_321] : memref<64x384xf32, #tpu.memory_space<vmem>>[vector<16xi32>, vector<16xi32>], vector<16xf32>,
            %add3A_348 = vector.broadcast %multiple_of3A : i32 to vector<16xi32>
            %add3A_349 = arith.addi %add3A_348, %iota3A : vector<16xi32>
            tpu.vector_store_idx %arg11[%add3A_349, %broadcast_in_dim3A_346], %gather3A_347 : memref<256x128xf32, #tpu.memory_space<vmem>>[vector<16xi32>, vector<16xi32>], vector<16xf32>,
            %broadcast_in_dim3A_350 = arith.constant 5 : i32
            %broadcast_in_dim3A_351 = vector.broadcast %broadcast_in_dim3A_350 : i32 to vector<16xi32>
            %gather3A_352 = tpu.vector_load_idx %arg8[%broadcast_in_dim3A_351, %min3A_321] : memref<64x384xf32, #tpu.memory_space<vmem>>[vector<16xi32>, vector<16xi32>], vector<16xf32>,
            %add3A_353 = vector.broadcast %multiple_of3A : i32 to vector<16xi32>
            %add3A_354 = arith.addi %add3A_353, %iota3A : vector<16xi32>
            tpu.vector_store_idx %arg11[%add3A_354, %broadcast_in_dim3A_351], %gather3A_352 : memref<256x128xf32, #tpu.memory_space<vmem>>[vector<16xi32>, vector<16xi32>], vector<16xf32>,
            %broadcast_in_dim3A_355 = arith.constant 6 : i32
            %broadcast_in_dim3A_356 = vector.broadcast %broadcast_in_dim3A_355 : i32 to vector<16xi32>
            %gather3A_357 = tpu.vector_load_idx %arg8[%broadcast_in_dim3A_356, %min3A_321] : memref<64x384xf32, #tpu.memory_space<vmem>>[vector<16xi32>, vector<16xi32>], vector<16xf32>,
            %add3A_358 = vector.broadcast %multiple_of3A : i32 to vector<16xi32>
            %add3A_359 = arith.addi %add3A_358, %iota3A : vector<16xi32>
            tpu.vector_store_idx %arg11[%add3A_359, %broadcast_in_dim3A_356], %gather3A_357 : memref<256x128xf32, #tpu.memory_space<vmem>>[vector<16xi32>, vector<16xi32>], vector<16xf32>,
            %broadcast_in_dim3A_360 = arith.constant 7 : i32
            %broadcast_in_dim3A_361 = vector.broadcast %broadcast_in_dim3A_360 : i32 to vector<16xi32>
            %gather3A_362 = tpu.vector_load_idx %arg8[%broadcast_in_dim3A_361, %min3A_321] : memref<64x384xf32, #tpu.memory_space<vmem>>[vector<16xi32>, vector<16xi32>], vector<16xf32>,
            %add3A_363 = vector.broadcast %multiple_of3A : i32 to vector<16xi32>
            %add3A_364 = arith.addi %add3A_363, %iota3A : vector<16xi32>
            tpu.vector_store_idx %arg11[%add3A_364, %broadcast_in_dim3A_361], %gather3A_362 : memref<256x128xf32, #tpu.memory_space<vmem>>[vector<16xi32>, vector<16xi32>], vector<16xf32>,
            %broadcast_in_dim3A_365 = arith.constant 8 : i32
            %broadcast_in_dim3A_366 = vector.broadcast %broadcast_in_dim3A_365 : i32 to vector<16xi32>
            %gather3A_367 = tpu.vector_load_idx %arg8[%broadcast_in_dim3A_366, %min3A_321] : memref<64x384xf32, #tpu.memory_space<vmem>>[vector<16xi32>, vector<16xi32>], vector<16xf32>,
            %add3A_368 = vector.broadcast %multiple_of3A : i32 to vector<16xi32>
            %add3A_369 = arith.addi %add3A_368, %iota3A : vector<16xi32>
            tpu.vector_store_idx %arg11[%add3A_369, %broadcast_in_dim3A_366], %gather3A_367 : memref<256x128xf32, #tpu.memory_space<vmem>>[vector<16xi32>, vector<16xi32>], vector<16xf32>,
            %broadcast_in_dim3A_370 = arith.constant 9 : i32
            %broadcast_in_dim3A_371 = vector.broadcast %broadcast_in_dim3A_370 : i32 to vector<16xi32>
            %gather3A_372 = tpu.vector_load_idx %arg8[%broadcast_in_dim3A_371, %min3A_321] : memref<64x384xf32, #tpu.memory_space<vmem>>[vector<16xi32>, vector<16xi32>], vector<16xf32>,
            %add3A_373 = vector.broadcast %multiple_of3A : i32 to vector<16xi32>
            %add3A_374 = arith.addi %add3A_373, %iota3A : vector<16xi32>
            tpu.vector_store_idx %arg11[%add3A_374, %broadcast_in_dim3A_371], %gather3A_372 : memref<256x128xf32, #tpu.memory_space<vmem>>[vector<16xi32>, vector<16xi32>], vector<16xf32>,
            %broadcast_in_dim3A_375 = arith.constant 10 : i32
            %broadcast_in_dim3A_376 = vector.broadcast %broadcast_in_dim3A_375 : i32 to vector<16xi32>
            %gather3A_377 = tpu.vector_load_idx %arg8[%broadcast_in_dim3A_376, %min3A_321] : memref<64x384xf32, #tpu.memory_space<vmem>>[vector<16xi32>, vector<16xi32>], vector<16xf32>,
            %add3A_378 = vector.broadcast %multiple_of3A : i32 to vector<16xi32>
            %add3A_379 = arith.addi %add3A_378, %iota3A : vector<16xi32>
            tpu.vector_store_idx %arg11[%add3A_379, %broadcast_in_dim3A_376], %gather3A_377 : memref<256x128xf32, #tpu.memory_space<vmem>>[vector<16xi32>, vector<16xi32>], vector<16xf32>,
            %broadcast_in_dim3A_380 = arith.constant 11 : i32
            %broadcast_in_dim3A_381 = vector.broadcast %broadcast_in_dim3A_380 : i32 to vector<16xi32>
            %gather3A_382 = tpu.vector_load_idx %arg8[%broadcast_in_dim3A_381, %min3A_321] : memref<64x384xf32, #tpu.memory_space<vmem>>[vector<16xi32>, vector<16xi32>], vector<16xf32>,
            %add3A_383 = vector.broadcast %multiple_of3A : i32 to vector<16xi32>
            %add3A_384 = arith.addi %add3A_383, %iota3A : vector<16xi32>
            tpu.vector_store_idx %arg11[%add3A_384, %broadcast_in_dim3A_381], %gather3A_382 : memref<256x128xf32, #tpu.memory_space<vmem>>[vector<16xi32>, vector<16xi32>], vector<16xf32>,
            %broadcast_in_dim3A_385 = arith.constant 12 : i32
            %broadcast_in_dim3A_386 = vector.broadcast %broadcast_in_dim3A_385 : i32 to vector<16xi32>
            %gather3A_387 = tpu.vector_load_idx %arg8[%broadcast_in_dim3A_386, %min3A_321] : memref<64x384xf32, #tpu.memory_space<vmem>>[vector<16xi32>, vector<16xi32>], vector<16xf32>,
            %add3A_388 = vector.broadcast %multiple_of3A : i32 to vector<16xi32>
            %add3A_389 = arith.addi %add3A_388, %iota3A : vector<16xi32>
            tpu.vector_store_idx %arg11[%add3A_389, %broadcast_in_dim3A_386], %gather3A_387 : memref<256x128xf32, #tpu.memory_space<vmem>>[vector<16xi32>, vector<16xi32>], vector<16xf32>,
            %broadcast_in_dim3A_390 = arith.constant 13 : i32
            %broadcast_in_dim3A_391 = vector.broadcast %broadcast_in_dim3A_390 : i32 to vector<16xi32>
            %gather3A_392 = tpu.vector_load_idx %arg8[%broadcast_in_dim3A_391, %min3A_321] : memref<64x384xf32, #tpu.memory_space<vmem>>[vector<16xi32>, vector<16xi32>], vector<16xf32>,
            %add3A_393 = vector.broadcast %multiple_of3A : i32 to vector<16xi32>
            %add3A_394 = arith.addi %add3A_393, %iota3A : vector<16xi32>
            tpu.vector_store_idx %arg11[%add3A_394, %broadcast_in_dim3A_391], %gather3A_392 : memref<256x128xf32, #tpu.memory_space<vmem>>[vector<16xi32>, vector<16xi32>], vector<16xf32>,
            %broadcast_in_dim3A_395 = arith.constant 14 : i32
            %broadcast_in_dim3A_396 = vector.broadcast %broadcast_in_dim3A_395 : i32 to vector<16xi32>
            %gather3A_397 = tpu.vector_load_idx %arg8[%broadcast_in_dim3A_396, %min3A_321] : memref<64x384xf32, #tpu.memory_space<vmem>>[vector<16xi32>, vector<16xi32>], vector<16xf32>,
            %add3A_398 = vector.broadcast %multiple_of3A : i32 to vector<16xi32>
            %add3A_399 = arith.addi %add3A_398, %iota3A : vector<16xi32>
            tpu.vector_store_idx %arg11[%add3A_399, %broadcast_in_dim3A_396], %gather3A_397 : memref<256x128xf32, #tpu.memory_space<vmem>>[vector<16xi32>, vector<16xi32>], vector<16xf32>,
            %broadcast_in_dim3A_400 = arith.constant 15 : i32
            %broadcast_in_dim3A_401 = vector.broadcast %broadcast_in_dim3A_400 : i32 to vector<16xi32>
            %gather3A_402 = tpu.vector_load_idx %arg8[%broadcast_in_dim3A_401, %min3A_321] : memref<64x384xf32, #tpu.memory_space<vmem>>[vector<16xi32>, vector<16xi32>], vector<16xf32>,
            %add3A_403 = vector.broadcast %multiple_of3A : i32 to vector<16xi32>
            %add3A_404 = arith.addi %add3A_403, %iota3A : vector<16xi32>
            tpu.vector_store_idx %arg11[%add3A_404, %broadcast_in_dim3A_401], %gather3A_402 : memref<256x128xf32, #tpu.memory_space<vmem>>[vector<16xi32>, vector<16xi32>], vector<16xf32>,
            %broadcast_in_dim3A_405 = arith.constant 16 : i32
            %broadcast_in_dim3A_406 = vector.broadcast %broadcast_in_dim3A_405 : i32 to vector<16xi32>
            %gather3A_407 = tpu.vector_load_idx %arg8[%broadcast_in_dim3A_406, %min3A_321] : memref<64x384xf32, #tpu.memory_space<vmem>>[vector<16xi32>, vector<16xi32>], vector<16xf32>,
            %add3A_408 = vector.broadcast %multiple_of3A : i32 to vector<16xi32>
            %add3A_409 = arith.addi %add3A_408, %iota3A : vector<16xi32>
            tpu.vector_store_idx %arg11[%add3A_409, %broadcast_in_dim3A_406], %gather3A_407 : memref<256x128xf32, #tpu.memory_space<vmem>>[vector<16xi32>, vector<16xi32>], vector<16xf32>,
            %broadcast_in_dim3A_410 = arith.constant 17 : i32
            %broadcast_in_dim3A_411 = vector.broadcast %broadcast_in_dim3A_410 : i32 to vector<16xi32>
            %gather3A_412 = tpu.vector_load_idx %arg8[%broadcast_in_dim3A_411, %min3A_321] : memref<64x384xf32, #tpu.memory_space<vmem>>[vector<16xi32>, vector<16xi32>], vector<16xf32>,
            %add3A_413 = vector.broadcast %multiple_of3A : i32 to vector<16xi32>
            %add3A_414 = arith.addi %add3A_413, %iota3A : vector<16xi32>
            tpu.vector_store_idx %arg11[%add3A_414, %broadcast_in_dim3A_411], %gather3A_412 : memref<256x128xf32, #tpu.memory_space<vmem>>[vector<16xi32>, vector<16xi32>], vector<16xf32>,
            %broadcast_in_dim3A_415 = arith.constant 18 : i32
            %broadcast_in_dim3A_416 = vector.broadcast %broadcast_in_dim3A_415 : i32 to vector<16xi32>
            %gather3A_417 = tpu.vector_load_idx %arg8[%broadcast_in_dim3A_416, %min3A_321] : memref<64x384xf32, #tpu.memory_space<vmem>>[vector<16xi32>, vector<16xi32>], vector<16xf32>,
            %add3A_418 = vector.broadcast %multiple_of3A : i32 to vector<16xi32>
            %add3A_419 = arith.addi %add3A_418, %iota3A : vector<16xi32>
            tpu.vector_store_idx %arg11[%add3A_419, %broadcast_in_dim3A_416], %gather3A_417 : memref<256x128xf32, #tpu.memory_space<vmem>>[vector<16xi32>, vector<16xi32>], vector<16xf32>,
            %broadcast_in_dim3A_420 = arith.constant 19 : i32
            %broadcast_in_dim3A_421 = vector.broadcast %broadcast_in_dim3A_420 : i32 to vector<16xi32>
            %gather3A_422 = tpu.vector_load_idx %arg8[%broadcast_in_dim3A_421, %min3A_321] : memref<64x384xf32, #tpu.memory_space<vmem>>[vector<16xi32>, vector<16xi32>], vector<16xf32>,
            %add3A_423 = vector.broadcast %multiple_of3A : i32 to vector<16xi32>
            %add3A_424 = arith.addi %add3A_423, %iota3A : vector<16xi32>
            tpu.vector_store_idx %arg11[%add3A_424, %broadcast_in_dim3A_421], %gather3A_422 : memref<256x128xf32, #tpu.memory_space<vmem>>[vector<16xi32>, vector<16xi32>], vector<16xf32>,
            %broadcast_in_dim3A_425 = arith.constant 20 : i32
            %broadcast_in_dim3A_426 = vector.broadcast %broadcast_in_dim3A_425 : i32 to vector<16xi32>
            %gather3A_427 = tpu.vector_load_idx %arg8[%broadcast_in_dim3A_426, %min3A_321] : memref<64x384xf32, #tpu.memory_space<vmem>>[vector<16xi32>, vector<16xi32>], vector<16xf32>,
            %add3A_428 = vector.broadcast %multiple_of3A : i32 to vector<16xi32>
            %add3A_429 = arith.addi %add3A_428, %iota3A : vector<16xi32>
            tpu.vector_store_idx %arg11[%add3A_429, %broadcast_in_dim3A_426], %gather3A_427 : memref<256x128xf32, #tpu.memory_space<vmem>>[vector<16xi32>, vector<16xi32>], vector<16xf32>,
            %broadcast_in_dim3A_430 = arith.constant 21 : i32
            %broadcast_in_dim3A_431 = vector.broadcast %broadcast_in_dim3A_430 : i32 to vector<16xi32>
            %gather3A_432 = tpu.vector_load_idx %arg8[%broadcast_in_dim3A_431, %min3A_321] : memref<64x384xf32, #tpu.memory_space<vmem>>[vector<16xi32>, vector<16xi32>], vector<16xf32>,
            %add3A_433 = vector.broadcast %multiple_of3A : i32 to vector<16xi32>
            %add3A_434 = arith.addi %add3A_433, %iota3A : vector<16xi32>
            tpu.vector_store_idx %arg11[%add3A_434, %broadcast_in_dim3A_431], %gather3A_432 : memref<256x128xf32, #tpu.memory_space<vmem>>[vector<16xi32>, vector<16xi32>], vector<16xf32>,
            %broadcast_in_dim3A_435 = arith.constant 22 : i32
            %broadcast_in_dim3A_436 = vector.broadcast %broadcast_in_dim3A_435 : i32 to vector<16xi32>
            %gather3A_437 = tpu.vector_load_idx %arg8[%broadcast_in_dim3A_436, %min3A_321] : memref<64x384xf32, #tpu.memory_space<vmem>>[vector<16xi32>, vector<16xi32>], vector<16xf32>,
            %add3A_438 = vector.broadcast %multiple_of3A : i32 to vector<16xi32>
            %add3A_439 = arith.addi %add3A_438, %iota3A : vector<16xi32>
            tpu.vector_store_idx %arg11[%add3A_439, %broadcast_in_dim3A_436], %gather3A_437 : memref<256x128xf32, #tpu.memory_space<vmem>>[vector<16xi32>, vector<16xi32>], vector<16xf32>,
            %broadcast_in_dim3A_440 = arith.constant 23 : i32
            %broadcast_in_dim3A_441 = vector.broadcast %broadcast_in_dim3A_440 : i32 to vector<16xi32>
            %gather3A_442 = tpu.vector_load_idx %arg8[%broadcast_in_dim3A_441, %min3A_321] : memref<64x384xf32, #tpu.memory_space<vmem>>[vector<16xi32>, vector<16xi32>], vector<16xf32>,
            %add3A_443 = vector.broadcast %multiple_of3A : i32 to vector<16xi32>
            %add3A_444 = arith.addi %add3A_443, %iota3A : vector<16xi32>
            tpu.vector_store_idx %arg11[%add3A_444, %broadcast_in_dim3A_441], %gather3A_442 : memref<256x128xf32, #tpu.memory_space<vmem>>[vector<16xi32>, vector<16xi32>], vector<16xf32>,
            %broadcast_in_dim3A_445 = arith.constant 24 : i32
            %broadcast_in_dim3A_446 = vector.broadcast %broadcast_in_dim3A_445 : i32 to vector<16xi32>
            %gather3A_447 = tpu.vector_load_idx %arg8[%broadcast_in_dim3A_446, %min3A_321] : memref<64x384xf32, #tpu.memory_space<vmem>>[vector<16xi32>, vector<16xi32>], vector<16xf32>,
            %add3A_448 = vector.broadcast %multiple_of3A : i32 to vector<16xi32>
            %add3A_449 = arith.addi %add3A_448, %iota3A : vector<16xi32>
            tpu.vector_store_idx %arg11[%add3A_449, %broadcast_in_dim3A_446], %gather3A_447 : memref<256x128xf32, #tpu.memory_space<vmem>>[vector<16xi32>, vector<16xi32>], vector<16xf32>,
            %broadcast_in_dim3A_450 = arith.constant 25 : i32
            %broadcast_in_dim3A_451 = vector.broadcast %broadcast_in_dim3A_450 : i32 to vector<16xi32>
            %gather3A_452 = tpu.vector_load_idx %arg8[%broadcast_in_dim3A_451, %min3A_321] : memref<64x384xf32, #tpu.memory_space<vmem>>[vector<16xi32>, vector<16xi32>], vector<16xf32>,
            %add3A_453 = vector.broadcast %multiple_of3A : i32 to vector<16xi32>
            %add3A_454 = arith.addi %add3A_453, %iota3A : vector<16xi32>
            tpu.vector_store_idx %arg11[%add3A_454, %broadcast_in_dim3A_451], %gather3A_452 : memref<256x128xf32, #tpu.memory_space<vmem>>[vector<16xi32>, vector<16xi32>], vector<16xf32>,
            %broadcast_in_dim3A_455 = arith.constant 26 : i32
            %broadcast_in_dim3A_456 = vector.broadcast %broadcast_in_dim3A_455 : i32 to vector<16xi32>
            %gather3A_457 = tpu.vector_load_idx %arg8[%broadcast_in_dim3A_456, %min3A_321] : memref<64x384xf32, #tpu.memory_space<vmem>>[vector<16xi32>, vector<16xi32>], vector<16xf32>,
            %add3A_458 = vector.broadcast %multiple_of3A : i32 to vector<16xi32>
            %add3A_459 = arith.addi %add3A_458, %iota3A : vector<16xi32>
            tpu.vector_store_idx %arg11[%add3A_459, %broadcast_in_dim3A_456], %gather3A_457 : memref<256x128xf32, #tpu.memory_space<vmem>>[vector<16xi32>, vector<16xi32>], vector<16xf32>,
            %broadcast_in_dim3A_460 = arith.constant 27 : i32
            %broadcast_in_dim3A_461 = vector.broadcast %broadcast_in_dim3A_460 : i32 to vector<16xi32>
            %gather3A_462 = tpu.vector_load_idx %arg8[%broadcast_in_dim3A_461, %min3A_321] : memref<64x384xf32, #tpu.memory_space<vmem>>[vector<16xi32>, vector<16xi32>], vector<16xf32>,
            %add3A_463 = vector.broadcast %multiple_of3A : i32 to vector<16xi32>
            %add3A_464 = arith.addi %add3A_463, %iota3A : vector<16xi32>
            tpu.vector_store_idx %arg11[%add3A_464, %broadcast_in_dim3A_461], %gather3A_462 : memref<256x128xf32, #tpu.memory_space<vmem>>[vector<16xi32>, vector<16xi32>], vector<16xf32>,
            %broadcast_in_dim3A_465 = arith.constant 28 : i32
            %broadcast_in_dim3A_466 = vector.broadcast %broadcast_in_dim3A_465 : i32 to vector<16xi32>
            %gather3A_467 = tpu.vector_load_idx %arg8[%broadcast_in_dim3A_466, %min3A_321] : memref<64x384xf32, #tpu.memory_space<vmem>>[vector<16xi32>, vector<16xi32>], vector<16xf32>,
            %add3A_468 = vector.broadcast %multiple_of3A : i32 to vector<16xi32>
            %add3A_469 = arith.addi %add3A_468, %iota3A : vector<16xi32>
            tpu.vector_store_idx %arg11[%add3A_469, %broadcast_in_dim3A_466], %gather3A_467 : memref<256x128xf32, #tpu.memory_space<vmem>>[vector<16xi32>, vector<16xi32>], vector<16xf32>,
            %broadcast_in_dim3A_470 = arith.constant 29 : i32
            %broadcast_in_dim3A_471 = vector.broadcast %broadcast_in_dim3A_470 : i32 to vector<16xi32>
            %gather3A_472 = tpu.vector_load_idx %arg8[%broadcast_in_dim3A_471, %min3A_321] : memref<64x384xf32, #tpu.memory_space<vmem>>[vector<16xi32>, vector<16xi32>], vector<16xf32>,
            %add3A_473 = vector.broadcast %multiple_of3A : i32 to vector<16xi32>
            %add3A_474 = arith.addi %add3A_473, %iota3A : vector<16xi32>
            tpu.vector_store_idx %arg11[%add3A_474, %broadcast_in_dim3A_471], %gather3A_472 : memref<256x128xf32, #tpu.memory_space<vmem>>[vector<16xi32>, vector<16xi32>], vector<16xf32>,
            %broadcast_in_dim3A_475 = arith.constant 30 : i32
            %broadcast_in_dim3A_476 = vector.broadcast %broadcast_in_dim3A_475 : i32 to vector<16xi32>
            %gather3A_477 = tpu.vector_load_idx %arg8[%broadcast_in_dim3A_476, %min3A_321] : memref<64x384xf32, #tpu.memory_space<vmem>>[vector<16xi32>, vector<16xi32>], vector<16xf32>,
            %add3A_478 = vector.broadcast %multiple_of3A : i32 to vector<16xi32>
            %add3A_479 = arith.addi %add3A_478, %iota3A : vector<16xi32>
            tpu.vector_store_idx %arg11[%add3A_479, %broadcast_in_dim3A_476], %gather3A_477 : memref<256x128xf32, #tpu.memory_space<vmem>>[vector<16xi32>, vector<16xi32>], vector<16xf32>,
            %broadcast_in_dim3A_480 = arith.constant 31 : i32
            %broadcast_in_dim3A_481 = vector.broadcast %broadcast_in_dim3A_480 : i32 to vector<16xi32>
            %gather3A_482 = tpu.vector_load_idx %arg8[%broadcast_in_dim3A_481, %min3A_321] : memref<64x384xf32, #tpu.memory_space<vmem>>[vector<16xi32>, vector<16xi32>], vector<16xf32>,
            %add3A_483 = vector.broadcast %multiple_of3A : i32 to vector<16xi32>
            %add3A_484 = arith.addi %add3A_483, %iota3A : vector<16xi32>
            tpu.vector_store_idx %arg11[%add3A_484, %broadcast_in_dim3A_481], %gather3A_482 : memref<256x128xf32, #tpu.memory_space<vmem>>[vector<16xi32>, vector<16xi32>], vector<16xf32>,
            %broadcast_in_dim3A_485 = arith.constant 32 : i32
            %broadcast_in_dim3A_486 = vector.broadcast %broadcast_in_dim3A_485 : i32 to vector<16xi32>
            %gather3A_487 = tpu.vector_load_idx %arg8[%broadcast_in_dim3A_486, %min3A_321] : memref<64x384xf32, #tpu.memory_space<vmem>>[vector<16xi32>, vector<16xi32>], vector<16xf32>,
            %add3A_488 = vector.broadcast %multiple_of3A : i32 to vector<16xi32>
            %add3A_489 = arith.addi %add3A_488, %iota3A : vector<16xi32>
            tpu.vector_store_idx %arg11[%add3A_489, %broadcast_in_dim3A_486], %gather3A_487 : memref<256x128xf32, #tpu.memory_space<vmem>>[vector<16xi32>, vector<16xi32>], vector<16xf32>,
            %broadcast_in_dim3A_490 = arith.constant 33 : i32
            %broadcast_in_dim3A_491 = vector.broadcast %broadcast_in_dim3A_490 : i32 to vector<16xi32>
            %gather3A_492 = tpu.vector_load_idx %arg8[%broadcast_in_dim3A_491, %min3A_321] : memref<64x384xf32, #tpu.memory_space<vmem>>[vector<16xi32>, vector<16xi32>], vector<16xf32>,
            %add3A_493 = vector.broadcast %multiple_of3A : i32 to vector<16xi32>
            %add3A_494 = arith.addi %add3A_493, %iota3A : vector<16xi32>
            tpu.vector_store_idx %arg11[%add3A_494, %broadcast_in_dim3A_491], %gather3A_492 : memref<256x128xf32, #tpu.memory_space<vmem>>[vector<16xi32>, vector<16xi32>], vector<16xf32>,
            %broadcast_in_dim3A_495 = arith.constant 34 : i32
            %broadcast_in_dim3A_496 = vector.broadcast %broadcast_in_dim3A_495 : i32 to vector<16xi32>
            %gather3A_497 = tpu.vector_load_idx %arg8[%broadcast_in_dim3A_496, %min3A_321] : memref<64x384xf32, #tpu.memory_space<vmem>>[vector<16xi32>, vector<16xi32>], vector<16xf32>,
            %add3A_498 = vector.broadcast %multiple_of3A : i32 to vector<16xi32>
            %add3A_499 = arith.addi %add3A_498, %iota3A : vector<16xi32>
            tpu.vector_store_idx %arg11[%add3A_499, %broadcast_in_dim3A_496], %gather3A_497 : memref<256x128xf32, #tpu.memory_space<vmem>>[vector<16xi32>, vector<16xi32>], vector<16xf32>,
            %broadcast_in_dim3A_500 = arith.constant 35 : i32
            %broadcast_in_dim3A_501 = vector.broadcast %broadcast_in_dim3A_500 : i32 to vector<16xi32>
            %gather3A_502 = tpu.vector_load_idx %arg8[%broadcast_in_dim3A_501, %min3A_321] : memref<64x384xf32, #tpu.memory_space<vmem>>[vector<16xi32>, vector<16xi32>], vector<16xf32>,
            %add3A_503 = vector.broadcast %multiple_of3A : i32 to vector<16xi32>
            %add3A_504 = arith.addi %add3A_503, %iota3A : vector<16xi32>
            tpu.vector_store_idx %arg11[%add3A_504, %broadcast_in_dim3A_501], %gather3A_502 : memref<256x128xf32, #tpu.memory_space<vmem>>[vector<16xi32>, vector<16xi32>], vector<16xf32>,
            %broadcast_in_dim3A_505 = arith.constant 36 : i32
            %broadcast_in_dim3A_506 = vector.broadcast %broadcast_in_dim3A_505 : i32 to vector<16xi32>
            %gather3A_507 = tpu.vector_load_idx %arg8[%broadcast_in_dim3A_506, %min3A_321] : memref<64x384xf32, #tpu.memory_space<vmem>>[vector<16xi32>, vector<16xi32>], vector<16xf32>,
            %add3A_508 = vector.broadcast %multiple_of3A : i32 to vector<16xi32>
            %add3A_509 = arith.addi %add3A_508, %iota3A : vector<16xi32>
            tpu.vector_store_idx %arg11[%add3A_509, %broadcast_in_dim3A_506], %gather3A_507 : memref<256x128xf32, #tpu.memory_space<vmem>>[vector<16xi32>, vector<16xi32>], vector<16xf32>,
            %broadcast_in_dim3A_510 = arith.constant 37 : i32
            %broadcast_in_dim3A_511 = vector.broadcast %broadcast_in_dim3A_510 : i32 to vector<16xi32>
            %gather3A_512 = tpu.vector_load_idx %arg8[%broadcast_in_dim3A_511, %min3A_321] : memref<64x384xf32, #tpu.memory_space<vmem>>[vector<16xi32>, vector<16xi32>], vector<16xf32>,
            %add3A_513 = vector.broadcast %multiple_of3A : i32 to vector<16xi32>
            %add3A_514 = arith.addi %add3A_513, %iota3A : vector<16xi32>
            tpu.vector_store_idx %arg11[%add3A_514, %broadcast_in_dim3A_511], %gather3A_512 : memref<256x128xf32, #tpu.memory_space<vmem>>[vector<16xi32>, vector<16xi32>], vector<16xf32>,
            %broadcast_in_dim3A_515 = arith.constant 38 : i32
            %broadcast_in_dim3A_516 = vector.broadcast %broadcast_in_dim3A_515 : i32 to vector<16xi32>
            %gather3A_517 = tpu.vector_load_idx %arg8[%broadcast_in_dim3A_516, %min3A_321] : memref<64x384xf32, #tpu.memory_space<vmem>>[vector<16xi32>, vector<16xi32>], vector<16xf32>,
            %add3A_518 = vector.broadcast %multiple_of3A : i32 to vector<16xi32>
            %add3A_519 = arith.addi %add3A_518, %iota3A : vector<16xi32>
            tpu.vector_store_idx %arg11[%add3A_519, %broadcast_in_dim3A_516], %gather3A_517 : memref<256x128xf32, #tpu.memory_space<vmem>>[vector<16xi32>, vector<16xi32>], vector<16xf32>,
            %broadcast_in_dim3A_520 = arith.constant 39 : i32
            %broadcast_in_dim3A_521 = vector.broadcast %broadcast_in_dim3A_520 : i32 to vector<16xi32>
            %gather3A_522 = tpu.vector_load_idx %arg8[%broadcast_in_dim3A_521, %min3A_321] : memref<64x384xf32, #tpu.memory_space<vmem>>[vector<16xi32>, vector<16xi32>], vector<16xf32>,
            %add3A_523 = vector.broadcast %multiple_of3A : i32 to vector<16xi32>
            %add3A_524 = arith.addi %add3A_523, %iota3A : vector<16xi32>
            tpu.vector_store_idx %arg11[%add3A_524, %broadcast_in_dim3A_521], %gather3A_522 : memref<256x128xf32, #tpu.memory_space<vmem>>[vector<16xi32>, vector<16xi32>], vector<16xf32>,
            %broadcast_in_dim3A_525 = arith.constant 40 : i32
            %broadcast_in_dim3A_526 = vector.broadcast %broadcast_in_dim3A_525 : i32 to vector<16xi32>
            %gather3A_527 = tpu.vector_load_idx %arg8[%broadcast_in_dim3A_526, %min3A_321] : memref<64x384xf32, #tpu.memory_space<vmem>>[vector<16xi32>, vector<16xi32>], vector<16xf32>,
            %add3A_528 = vector.broadcast %multiple_of3A : i32 to vector<16xi32>
            %add3A_529 = arith.addi %add3A_528, %iota3A : vector<16xi32>
            tpu.vector_store_idx %arg11[%add3A_529, %broadcast_in_dim3A_526], %gather3A_527 : memref<256x128xf32, #tpu.memory_space<vmem>>[vector<16xi32>, vector<16xi32>], vector<16xf32>,
            %broadcast_in_dim3A_530 = arith.constant 41 : i32
            %broadcast_in_dim3A_531 = vector.broadcast %broadcast_in_dim3A_530 : i32 to vector<16xi32>
            %gather3A_532 = tpu.vector_load_idx %arg8[%broadcast_in_dim3A_531, %min3A_321] : memref<64x384xf32, #tpu.memory_space<vmem>>[vector<16xi32>, vector<16xi32>], vector<16xf32>,
            %add3A_533 = vector.broadcast %multiple_of3A : i32 to vector<16xi32>
            %add3A_534 = arith.addi %add3A_533, %iota3A : vector<16xi32>
            tpu.vector_store_idx %arg11[%add3A_534, %broadcast_in_dim3A_531], %gather3A_532 : memref<256x128xf32, #tpu.memory_space<vmem>>[vector<16xi32>, vector<16xi32>], vector<16xf32>,
            %broadcast_in_dim3A_535 = arith.constant 42 : i32
            %broadcast_in_dim3A_536 = vector.broadcast %broadcast_in_dim3A_535 : i32 to vector<16xi32>
            %gather3A_537 = tpu.vector_load_idx %arg8[%broadcast_in_dim3A_536, %min3A_321] : memref<64x384xf32, #tpu.memory_space<vmem>>[vector<16xi32>, vector<16xi32>], vector<16xf32>,
            %add3A_538 = vector.broadcast %multiple_of3A : i32 to vector<16xi32>
            %add3A_539 = arith.addi %add3A_538, %iota3A : vector<16xi32>
            tpu.vector_store_idx %arg11[%add3A_539, %broadcast_in_dim3A_536], %gather3A_537 : memref<256x128xf32, #tpu.memory_space<vmem>>[vector<16xi32>, vector<16xi32>], vector<16xf32>,
            %broadcast_in_dim3A_540 = arith.constant 43 : i32
            %broadcast_in_dim3A_541 = vector.broadcast %broadcast_in_dim3A_540 : i32 to vector<16xi32>
            %gather3A_542 = tpu.vector_load_idx %arg8[%broadcast_in_dim3A_541, %min3A_321] : memref<64x384xf32, #tpu.memory_space<vmem>>[vector<16xi32>, vector<16xi32>], vector<16xf32>,
            %add3A_543 = vector.broadcast %multiple_of3A : i32 to vector<16xi32>
            %add3A_544 = arith.addi %add3A_543, %iota3A : vector<16xi32>
            tpu.vector_store_idx %arg11[%add3A_544, %broadcast_in_dim3A_541], %gather3A_542 : memref<256x128xf32, #tpu.memory_space<vmem>>[vector<16xi32>, vector<16xi32>], vector<16xf32>,
            %broadcast_in_dim3A_545 = arith.constant 44 : i32
            %broadcast_in_dim3A_546 = vector.broadcast %broadcast_in_dim3A_545 : i32 to vector<16xi32>
            %gather3A_547 = tpu.vector_load_idx %arg8[%broadcast_in_dim3A_546, %min3A_321] : memref<64x384xf32, #tpu.memory_space<vmem>>[vector<16xi32>, vector<16xi32>], vector<16xf32>,
            %add3A_548 = vector.broadcast %multiple_of3A : i32 to vector<16xi32>
            %add3A_549 = arith.addi %add3A_548, %iota3A : vector<16xi32>
            tpu.vector_store_idx %arg11[%add3A_549, %broadcast_in_dim3A_546], %gather3A_547 : memref<256x128xf32, #tpu.memory_space<vmem>>[vector<16xi32>, vector<16xi32>], vector<16xf32>,
            %broadcast_in_dim3A_550 = arith.constant 45 : i32
            %broadcast_in_dim3A_551 = vector.broadcast %broadcast_in_dim3A_550 : i32 to vector<16xi32>
            %gather3A_552 = tpu.vector_load_idx %arg8[%broadcast_in_dim3A_551, %min3A_321] : memref<64x384xf32, #tpu.memory_space<vmem>>[vector<16xi32>, vector<16xi32>], vector<16xf32>,
            %add3A_553 = vector.broadcast %multiple_of3A : i32 to vector<16xi32>
            %add3A_554 = arith.addi %add3A_553, %iota3A : vector<16xi32>
            tpu.vector_store_idx %arg11[%add3A_554, %broadcast_in_dim3A_551], %gather3A_552 : memref<256x128xf32, #tpu.memory_space<vmem>>[vector<16xi32>, vector<16xi32>], vector<16xf32>,
            %broadcast_in_dim3A_555 = arith.constant 46 : i32
            %broadcast_in_dim3A_556 = vector.broadcast %broadcast_in_dim3A_555 : i32 to vector<16xi32>
            %gather3A_557 = tpu.vector_load_idx %arg8[%broadcast_in_dim3A_556, %min3A_321] : memref<64x384xf32, #tpu.memory_space<vmem>>[vector<16xi32>, vector<16xi32>], vector<16xf32>,
            %add3A_558 = vector.broadcast %multiple_of3A : i32 to vector<16xi32>
            %add3A_559 = arith.addi %add3A_558, %iota3A : vector<16xi32>
            tpu.vector_store_idx %arg11[%add3A_559, %broadcast_in_dim3A_556], %gather3A_557 : memref<256x128xf32, #tpu.memory_space<vmem>>[vector<16xi32>, vector<16xi32>], vector<16xf32>,
            %broadcast_in_dim3A_560 = arith.constant 47 : i32
            %broadcast_in_dim3A_561 = vector.broadcast %broadcast_in_dim3A_560 : i32 to vector<16xi32>
            %gather3A_562 = tpu.vector_load_idx %arg8[%broadcast_in_dim3A_561, %min3A_321] : memref<64x384xf32, #tpu.memory_space<vmem>>[vector<16xi32>, vector<16xi32>], vector<16xf32>,
            %add3A_563 = vector.broadcast %multiple_of3A : i32 to vector<16xi32>
            %add3A_564 = arith.addi %add3A_563, %iota3A : vector<16xi32>
            tpu.vector_store_idx %arg11[%add3A_564, %broadcast_in_dim3A_561], %gather3A_562 : memref<256x128xf32, #tpu.memory_space<vmem>>[vector<16xi32>, vector<16xi32>], vector<16xf32>,
            %broadcast_in_dim3A_565 = arith.constant 48 : i32
            %broadcast_in_dim3A_566 = vector.broadcast %broadcast_in_dim3A_565 : i32 to vector<16xi32>
            %gather3A_567 = tpu.vector_load_idx %arg8[%broadcast_in_dim3A_566, %min3A_321] : memref<64x384xf32, #tpu.memory_space<vmem>>[vector<16xi32>, vector<16xi32>], vector<16xf32>,
            %add3A_568 = vector.broadcast %multiple_of3A : i32 to vector<16xi32>
            %add3A_569 = arith.addi %add3A_568, %iota3A : vector<16xi32>
            tpu.vector_store_idx %arg11[%add3A_569, %broadcast_in_dim3A_566], %gather3A_567 : memref<256x128xf32, #tpu.memory_space<vmem>>[vector<16xi32>, vector<16xi32>], vector<16xf32>,
            %broadcast_in_dim3A_570 = arith.constant 49 : i32
            %broadcast_in_dim3A_571 = vector.broadcast %broadcast_in_dim3A_570 : i32 to vector<16xi32>
            %gather3A_572 = tpu.vector_load_idx %arg8[%broadcast_in_dim3A_571, %min3A_321] : memref<64x384xf32, #tpu.memory_space<vmem>>[vector<16xi32>, vector<16xi32>], vector<16xf32>,
            %add3A_573 = vector.broadcast %multiple_of3A : i32 to vector<16xi32>
            %add3A_574 = arith.addi %add3A_573, %iota3A : vector<16xi32>
            tpu.vector_store_idx %arg11[%add3A_574, %broadcast_in_dim3A_571], %gather3A_572 : memref<256x128xf32, #tpu.memory_space<vmem>>[vector<16xi32>, vector<16xi32>], vector<16xf32>,
            %broadcast_in_dim3A_575 = arith.constant 50 : i32
            %broadcast_in_dim3A_576 = vector.broadcast %broadcast_in_dim3A_575 : i32 to vector<16xi32>
            %gather3A_577 = tpu.vector_load_idx %arg8[%broadcast_in_dim3A_576, %min3A_321] : memref<64x384xf32, #tpu.memory_space<vmem>>[vector<16xi32>, vector<16xi32>], vector<16xf32>,
            %add3A_578 = vector.broadcast %multiple_of3A : i32 to vector<16xi32>
            %add3A_579 = arith.addi %add3A_578, %iota3A : vector<16xi32>
            tpu.vector_store_idx %arg11[%add3A_579, %broadcast_in_dim3A_576], %gather3A_577 : memref<256x128xf32, #tpu.memory_space<vmem>>[vector<16xi32>, vector<16xi32>], vector<16xf32>,
            %broadcast_in_dim3A_580 = arith.constant 51 : i32
            %broadcast_in_dim3A_581 = vector.broadcast %broadcast_in_dim3A_580 : i32 to vector<16xi32>
            %gather3A_582 = tpu.vector_load_idx %arg8[%broadcast_in_dim3A_581, %min3A_321] : memref<64x384xf32, #tpu.memory_space<vmem>>[vector<16xi32>, vector<16xi32>], vector<16xf32>,
            %add3A_583 = vector.broadcast %multiple_of3A : i32 to vector<16xi32>
            %add3A_584 = arith.addi %add3A_583, %iota3A : vector<16xi32>
            tpu.vector_store_idx %arg11[%add3A_584, %broadcast_in_dim3A_581], %gather3A_582 : memref<256x128xf32, #tpu.memory_space<vmem>>[vector<16xi32>, vector<16xi32>], vector<16xf32>,
            %broadcast_in_dim3A_585 = arith.constant 52 : i32
            %broadcast_in_dim3A_586 = vector.broadcast %broadcast_in_dim3A_585 : i32 to vector<16xi32>
            %gather3A_587 = tpu.vector_load_idx %arg8[%broadcast_in_dim3A_586, %min3A_321] : memref<64x384xf32, #tpu.memory_space<vmem>>[vector<16xi32>, vector<16xi32>], vector<16xf32>,
            %add3A_588 = vector.broadcast %multiple_of3A : i32 to vector<16xi32>
            %add3A_589 = arith.addi %add3A_588, %iota3A : vector<16xi32>
            tpu.vector_store_idx %arg11[%add3A_589, %broadcast_in_dim3A_586], %gather3A_587 : memref<256x128xf32, #tpu.memory_space<vmem>>[vector<16xi32>, vector<16xi32>], vector<16xf32>,
            %broadcast_in_dim3A_590 = arith.constant 53 : i32
            %broadcast_in_dim3A_591 = vector.broadcast %broadcast_in_dim3A_590 : i32 to vector<16xi32>
            %gather3A_592 = tpu.vector_load_idx %arg8[%broadcast_in_dim3A_591, %min3A_321] : memref<64x384xf32, #tpu.memory_space<vmem>>[vector<16xi32>, vector<16xi32>], vector<16xf32>,
            %add3A_593 = vector.broadcast %multiple_of3A : i32 to vector<16xi32>
            %add3A_594 = arith.addi %add3A_593, %iota3A : vector<16xi32>
            tpu.vector_store_idx %arg11[%add3A_594, %broadcast_in_dim3A_591], %gather3A_592 : memref<256x128xf32, #tpu.memory_space<vmem>>[vector<16xi32>, vector<16xi32>], vector<16xf32>,
            %broadcast_in_dim3A_595 = arith.constant 54 : i32
            %broadcast_in_dim3A_596 = vector.broadcast %broadcast_in_dim3A_595 : i32 to vector<16xi32>
            %gather3A_597 = tpu.vector_load_idx %arg8[%broadcast_in_dim3A_596, %min3A_321] : memref<64x384xf32, #tpu.memory_space<vmem>>[vector<16xi32>, vector<16xi32>], vector<16xf32>,
            %add3A_598 = vector.broadcast %multiple_of3A : i32 to vector<16xi32>
            %add3A_599 = arith.addi %add3A_598, %iota3A : vector<16xi32>
            tpu.vector_store_idx %arg11[%add3A_599, %broadcast_in_dim3A_596], %gather3A_597 : memref<256x128xf32, #tpu.memory_space<vmem>>[vector<16xi32>, vector<16xi32>], vector<16xf32>,
            %broadcast_in_dim3A_600 = arith.constant 55 : i32
            %broadcast_in_dim3A_601 = vector.broadcast %broadcast_in_dim3A_600 : i32 to vector<16xi32>
            %gather3A_602 = tpu.vector_load_idx %arg8[%broadcast_in_dim3A_601, %min3A_321] : memref<64x384xf32, #tpu.memory_space<vmem>>[vector<16xi32>, vector<16xi32>], vector<16xf32>,
            %add3A_603 = vector.broadcast %multiple_of3A : i32 to vector<16xi32>
            %add3A_604 = arith.addi %add3A_603, %iota3A : vector<16xi32>
            tpu.vector_store_idx %arg11[%add3A_604, %broadcast_in_dim3A_601], %gather3A_602 : memref<256x128xf32, #tpu.memory_space<vmem>>[vector<16xi32>, vector<16xi32>], vector<16xf32>,
            %broadcast_in_dim3A_605 = arith.constant 56 : i32
            %broadcast_in_dim3A_606 = vector.broadcast %broadcast_in_dim3A_605 : i32 to vector<16xi32>
            %gather3A_607 = tpu.vector_load_idx %arg8[%broadcast_in_dim3A_606, %min3A_321] : memref<64x384xf32, #tpu.memory_space<vmem>>[vector<16xi32>, vector<16xi32>], vector<16xf32>,
            %add3A_608 = vector.broadcast %multiple_of3A : i32 to vector<16xi32>
            %add3A_609 = arith.addi %add3A_608, %iota3A : vector<16xi32>
            tpu.vector_store_idx %arg11[%add3A_609, %broadcast_in_dim3A_606], %gather3A_607 : memref<256x128xf32, #tpu.memory_space<vmem>>[vector<16xi32>, vector<16xi32>], vector<16xf32>,
            %broadcast_in_dim3A_610 = arith.constant 57 : i32
            %broadcast_in_dim3A_611 = vector.broadcast %broadcast_in_dim3A_610 : i32 to vector<16xi32>
            %gather3A_612 = tpu.vector_load_idx %arg8[%broadcast_in_dim3A_611, %min3A_321] : memref<64x384xf32, #tpu.memory_space<vmem>>[vector<16xi32>, vector<16xi32>], vector<16xf32>,
            %add3A_613 = vector.broadcast %multiple_of3A : i32 to vector<16xi32>
            %add3A_614 = arith.addi %add3A_613, %iota3A : vector<16xi32>
            tpu.vector_store_idx %arg11[%add3A_614, %broadcast_in_dim3A_611], %gather3A_612 : memref<256x128xf32, #tpu.memory_space<vmem>>[vector<16xi32>, vector<16xi32>], vector<16xf32>,
            %broadcast_in_dim3A_615 = arith.constant 58 : i32
            %broadcast_in_dim3A_616 = vector.broadcast %broadcast_in_dim3A_615 : i32 to vector<16xi32>
            %gather3A_617 = tpu.vector_load_idx %arg8[%broadcast_in_dim3A_616, %min3A_321] : memref<64x384xf32, #tpu.memory_space<vmem>>[vector<16xi32>, vector<16xi32>], vector<16xf32>,
            %add3A_618 = vector.broadcast %multiple_of3A : i32 to vector<16xi32>
            %add3A_619 = arith.addi %add3A_618, %iota3A : vector<16xi32>
            tpu.vector_store_idx %arg11[%add3A_619, %broadcast_in_dim3A_616], %gather3A_617 : memref<256x128xf32, #tpu.memory_space<vmem>>[vector<16xi32>, vector<16xi32>], vector<16xf32>,
            %broadcast_in_dim3A_620 = arith.constant 59 : i32
            %broadcast_in_dim3A_621 = vector.broadcast %broadcast_in_dim3A_620 : i32 to vector<16xi32>
            %gather3A_622 = tpu.vector_load_idx %arg8[%broadcast_in_dim3A_621, %min3A_321] : memref<64x384xf32, #tpu.memory_space<vmem>>[vector<16xi32>, vector<16xi32>], vector<16xf32>,
            %add3A_623 = vector.broadcast %multiple_of3A : i32 to vector<16xi32>
            %add3A_624 = arith.addi %add3A_623, %iota3A : vector<16xi32>
            tpu.vector_store_idx %arg11[%add3A_624, %broadcast_in_dim3A_621], %gather3A_622 : memref<256x128xf32, #tpu.memory_space<vmem>>[vector<16xi32>, vector<16xi32>], vector<16xf32>,
            %broadcast_in_dim3A_625 = arith.constant 60 : i32
            %broadcast_in_dim3A_626 = vector.broadcast %broadcast_in_dim3A_625 : i32 to vector<16xi32>
            %gather3A_627 = tpu.vector_load_idx %arg8[%broadcast_in_dim3A_626, %min3A_321] : memref<64x384xf32, #tpu.memory_space<vmem>>[vector<16xi32>, vector<16xi32>], vector<16xf32>,
            %add3A_628 = vector.broadcast %multiple_of3A : i32 to vector<16xi32>
            %add3A_629 = arith.addi %add3A_628, %iota3A : vector<16xi32>
            tpu.vector_store_idx %arg11[%add3A_629, %broadcast_in_dim3A_626], %gather3A_627 : memref<256x128xf32, #tpu.memory_space<vmem>>[vector<16xi32>, vector<16xi32>], vector<16xf32>,
            %broadcast_in_dim3A_630 = arith.constant 61 : i32
            %broadcast_in_dim3A_631 = vector.broadcast %broadcast_in_dim3A_630 : i32 to vector<16xi32>
            %gather3A_632 = tpu.vector_load_idx %arg8[%broadcast_in_dim3A_631, %min3A_321] : memref<64x384xf32, #tpu.memory_space<vmem>>[vector<16xi32>, vector<16xi32>], vector<16xf32>,
            %add3A_633 = vector.broadcast %multiple_of3A : i32 to vector<16xi32>
            %add3A_634 = arith.addi %add3A_633, %iota3A : vector<16xi32>
            tpu.vector_store_idx %arg11[%add3A_634, %broadcast_in_dim3A_631], %gather3A_632 : memref<256x128xf32, #tpu.memory_space<vmem>>[vector<16xi32>, vector<16xi32>], vector<16xf32>,
            %broadcast_in_dim3A_635 = arith.constant 62 : i32
            %broadcast_in_dim3A_636 = vector.broadcast %broadcast_in_dim3A_635 : i32 to vector<16xi32>
            %gather3A_637 = tpu.vector_load_idx %arg8[%broadcast_in_dim3A_636, %min3A_321] : memref<64x384xf32, #tpu.memory_space<vmem>>[vector<16xi32>, vector<16xi32>], vector<16xf32>,
            %add3A_638 = vector.broadcast %multiple_of3A : i32 to vector<16xi32>
            %add3A_639 = arith.addi %add3A_638, %iota3A : vector<16xi32>
            tpu.vector_store_idx %arg11[%add3A_639, %broadcast_in_dim3A_636], %gather3A_637 : memref<256x128xf32, #tpu.memory_space<vmem>>[vector<16xi32>, vector<16xi32>], vector<16xf32>,
            %broadcast_in_dim3A_640 = arith.constant 63 : i32
            %broadcast_in_dim3A_641 = vector.broadcast %broadcast_in_dim3A_640 : i32 to vector<16xi32>
            %gather3A_642 = tpu.vector_load_idx %arg8[%broadcast_in_dim3A_641, %min3A_321] : memref<64x384xf32, #tpu.memory_space<vmem>>[vector<16xi32>, vector<16xi32>], vector<16xf32>,
            %add3A_643 = vector.broadcast %multiple_of3A : i32 to vector<16xi32>
            %add3A_644 = arith.addi %add3A_643, %iota3A : vector<16xi32>
            tpu.vector_store_idx %arg11[%add3A_644, %broadcast_in_dim3A_641], %gather3A_642 : memref<256x128xf32, #tpu.memory_space<vmem>>[vector<16xi32>, vector<16xi32>], vector<16xf32>,
            %mul3A_645 = arith.muli %convert_element_type3A_281, %and3A_313 : vector<16xi32>
            %sub3A_646 = arith.constant 1 : i32
            %sub3A_647 = vector.broadcast %sub3A_646 : i32 to vector<16xi32>
            %sub3A_648 = arith.subi %sub3A_647, %convert_element_type3A_281 : vector<16xi32>
            %mul3A_649 = arith.constant 16 : i32
            %mul3A_650 = arith.muli %rem3A_283, %mul3A_649 : i32
            %add3A_651 = arith.constant 16384 : i32
            %add3A_652 = arith.addi %add3A_651, %mul3A_650 : i32
            %add3A_653 = vector.broadcast %add3A_652 : i32 to vector<16xi32>
            %add3A_654 = arith.addi %add3A_653, %iota3A : vector<16xi32>
            %mul3A_655 = arith.muli %sub3A_648, %add3A_654 : vector<16xi32>
            %add3A_656 = arith.addi %mul3A_645, %mul3A_655 : vector<16xi32>
            %eq3A_657 = arith.constant 0 : i32
            %eq3A_658 = arith.cmpi eq, %rem3A_287, %eq3A_657 : i32
            %convert_element_type3A_659 = arith.extui %eq3A_658 : i1 to i32
            %cond3A_660 = arith.constant 0 : i32
            %cond3A_661 = arith.cmpi ne, %convert_element_type3A_659, %cond3A_660 : i32
            scf.if %cond3A_661 {
              %mul3A_685 = arith.constant 16 : i32
              %mul3A_686 = arith.muli %rem3A_283, %mul3A_685 : i32
              %multiple_of3A_687 = tpu.assume_multiple %mul3A_686, 16 : i32
              %swap3A = arith.index_cast %multiple_of3A_687 : i32 to index
              %swap3A_688 = tpu.vector_load %arg12[%swap3A] {strides = array<i32>} : memref<128xi32, #tpu.memory_space<vmem>>, vector<16xi32>,
              tpu.vector_store %arg12[%swap3A], %add3A_656 {strides = array<i32>} : memref<128xi32, #tpu.memory_space<vmem>>, vector<16xi32>,
            } else {
            }
            %eq3A_662 = arith.constant 1 : i32
            %eq3A_663 = arith.cmpi eq, %rem3A_287, %eq3A_662 : i32
            %convert_element_type3A_664 = arith.extui %eq3A_663 : i1 to i32
            %cond3A_665 = arith.constant 0 : i32
            %cond3A_666 = arith.cmpi ne, %convert_element_type3A_664, %cond3A_665 : i32
            scf.if %cond3A_666 {
              %mul3A_685 = arith.constant 16 : i32
              %mul3A_686 = arith.muli %rem3A_283, %mul3A_685 : i32
              %multiple_of3A_687 = tpu.assume_multiple %mul3A_686, 16 : i32
              %swap3A = arith.index_cast %multiple_of3A_687 : i32 to index
              %swap3A_688 = tpu.vector_load %arg13[%swap3A] {strides = array<i32>} : memref<128xi32, #tpu.memory_space<vmem>>, vector<16xi32>,
              tpu.vector_store %arg13[%swap3A], %add3A_656 {strides = array<i32>} : memref<128xi32, #tpu.memory_space<vmem>>, vector<16xi32>,
            } else {
            }
            %eq3A_667 = arith.constant 7 : i32
            %eq3A_668 = arith.cmpi eq, %rem3A_283, %eq3A_667 : i32
            %eq3A_669 = arith.constant 0 : i32
            %eq3A_670 = arith.cmpi eq, %rem3A_287, %eq3A_669 : i32
            %and3A_671 = arith.andi %eq3A_668, %eq3A_670 : i1
            %convert_element_type3A_672 = arith.extui %and3A_671 : i1 to i32
            %cond3A_673 = arith.constant 0 : i32
            %cond3A_674 = arith.cmpi ne, %convert_element_type3A_672, %cond3A_673 : i32
            scf.if %cond3A_674 {
              %dma_start3A = arith.constant 0 : i32
              %dma_start3A_685 = arith.constant 0 : i32
              %dma_start3A_686 = tpu.memref_slice %arg11[%dma_start3A, %dma_start3A_685] : memref<256x128xf32, #tpu.memory_space<vmem>> -> memref<128x128xf32, #tpu.memory_space<vmem>>
              %dma_start3A_687 = arith.constant 0 : i32
              %dma_start3A_688 = arith.constant 0 : i32
              %dma_start3A_689 = tpu.memref_slice %arg5[%dma_start3A_687, %dma_start3A_688] : memref<16512x128xf32, #tpu.memory_space<hbm>> -> memref<16512x128xf32, #tpu.memory_space<hbm>>
              tpu.enqueue_indirect_dma source(%dma_start3A_686 : memref<128x128xf32, #tpu.memory_space<vmem>>) target(%dma_start3A_689 : memref<16512x128xf32, #tpu.memory_space<hbm>>) offsets(%arg12 : memref<128xi32, #tpu.memory_space<vmem>>) semaphore(%arg16 : memref<!tpu.dma_semaphore, #tpu.memory_space<semaphore_mem>>)
            } else {
            }
            %eq3A_675 = arith.constant 7 : i32
            %eq3A_676 = arith.cmpi eq, %rem3A_283, %eq3A_675 : i32
            %eq3A_677 = arith.constant 1 : i32
            %eq3A_678 = arith.cmpi eq, %rem3A_287, %eq3A_677 : i32
            %and3A_679 = arith.andi %eq3A_676, %eq3A_678 : i1
            %convert_element_type3A_680 = arith.extui %and3A_679 : i1 to i32
            %cond3A_681 = arith.constant 0 : i32
            %cond3A_682 = arith.cmpi ne, %convert_element_type3A_680, %cond3A_681 : i32
            scf.if %cond3A_682 {
              %dma_start3A = arith.constant 128 : i32
              %dma_start3A_685 = arith.constant 0 : i32
              %dma_start3A_686 = tpu.memref_slice %arg11[%dma_start3A, %dma_start3A_685] : memref<256x128xf32, #tpu.memory_space<vmem>> -> memref<128x128xf32, #tpu.memory_space<vmem>>
              %dma_start3A_687 = arith.constant 0 : i32
              %dma_start3A_688 = arith.constant 0 : i32
              %dma_start3A_689 = tpu.memref_slice %arg5[%dma_start3A_687, %dma_start3A_688] : memref<16512x128xf32, #tpu.memory_space<hbm>> -> memref<16512x128xf32, #tpu.memory_space<hbm>>
              tpu.enqueue_indirect_dma source(%dma_start3A_686 : memref<128x128xf32, #tpu.memory_space<vmem>>) target(%dma_start3A_689 : memref<16512x128xf32, #tpu.memory_space<hbm>>) offsets(%arg13 : memref<128xi32, #tpu.memory_space<vmem>>) semaphore(%arg17 : memref<!tpu.dma_semaphore, #tpu.memory_space<semaphore_mem>>)
            } else {
            }
            %add3A_683 = arith.constant 1 : i32
            %add3A_684 = arith.addi %while3A_272, %add3A_683 : i32
            scf.yield %add3A_684 : i32
          }
          %while3A_269 = arith.constant 1 : i32
          %while3A_270 = scf.for %while3A_271 = %while3A_266 to %while3A_262 step %while3A_269 iter_args(%while3A_272 = %while3A_268) -> (i32)  : i32 {
            %mul3A_273 = arith.constant 16 : i32
            %mul3A_274 = arith.muli %while3A_271, %mul3A_273 : i32
            %get3A = arith.index_cast %mul3A_274 : i32 to index
            %get3A_275 = tpu.vector_load %arg7[%get3A] {strides = array<i32>} : memref<16400xi32, #tpu.memory_space<vmem>>, vector<16xi32>,
            %mul3A_276 = arith.constant 16 : i32
            %mul3A_277 = arith.muli %while3A_271, %mul3A_276 : i32
            %sub3A_278 = arith.subi %while3A_225, %mul3A_277 : i32
            %lt3A_279 = vector.broadcast %sub3A_278 : i32 to vector<16xi32>
            %lt3A_280 = arith.cmpi slt, %iota3A, %lt3A_279 : vector<16xi32>
            %convert_element_type3A_281 = arith.extui %lt3A_280 : vector<16xi1> to vector<16xi32>
            %rem3A_282 = arith.constant 8 : i32
            %rem3A_283 = arith.remsi %while3A_272, %rem3A_282 : i32
            %div3A_284 = arith.constant 8 : i32
            %div3A_285 = arith.divsi %while3A_272, %div3A_284 : i32
            %rem3A_286 = arith.constant 2 : i32
            %rem3A_287 = arith.remsi %div3A_285, %rem3A_286 : i32
            %eq3A_288 = arith.constant 0 : i32
            %eq3A_289 = arith.cmpi eq, %rem3A_283, %eq3A_288 : i32
            %ge3A = arith.constant 16 : i32
            %ge3A_290 = arith.cmpi sge, %while3A_272, %ge3A : i32
            %and3A_291 = arith.andi %eq3A_289, %ge3A_290 : i1
            %eq3A_292 = arith.constant 0 : i32
            %eq3A_293 = arith.cmpi eq, %rem3A_287, %eq3A_292 : i32
            %and3A_294 = arith.andi %and3A_291, %eq3A_293 : i1
            %convert_element_type3A_295 = arith.extui %and3A_294 : i1 to i32
            %cond3A_296 = arith.constant 0 : i32
            %cond3A_297 = arith.cmpi ne, %convert_element_type3A_295, %cond3A_296 : i32
            scf.if %cond3A_297 {
              %dma_wait3A = arith.constant 0 : i32
              %dma_wait3A_685 = arith.constant 0 : i32
              %dma_wait3A_686 = tpu.memref_slice %arg11[%dma_wait3A, %dma_wait3A_685] : memref<256x128xf32, #tpu.memory_space<vmem>> -> memref<128x128xf32, #tpu.memory_space<vmem>>
              %dma_wait3A_687 = arith.constant 0 : i32
              %dma_wait3A_688 = arith.constant 0 : i32
              %dma_wait3A_689 = tpu.memref_slice %arg5[%dma_wait3A_687, %dma_wait3A_688] : memref<16512x128xf32, #tpu.memory_space<hbm>> -> memref<128x128xf32, #tpu.memory_space<hbm>>
              %dma_wait3A_690 = arith.constant 0 : i32
              %dma_wait3A_691 = arith.constant 0 : i32
              %dma_wait3A_692 = tpu.memref_slice %arg11[%dma_wait3A_690, %dma_wait3A_691] : memref<256x128xf32, #tpu.memory_space<vmem>> -> memref<128x128xf32, #tpu.memory_space<vmem>>
              %dma_wait3A_693 = arith.constant 0 : i32
              %dma_wait3A_694 = arith.constant 0 : i32
              %dma_wait3A_695 = tpu.memref_slice %arg5[%dma_wait3A_693, %dma_wait3A_694] : memref<16512x128xf32, #tpu.memory_space<hbm>> -> memref<128x128xf32, #tpu.memory_space<hbm>>
              tpu.wait_dma2 semaphore(%arg16 : memref<!tpu.dma_semaphore, #tpu.memory_space<semaphore_mem>>) src(%dma_wait3A_695 : memref<128x128xf32, #tpu.memory_space<hbm>>) dst(%dma_wait3A_692 : memref<128x128xf32, #tpu.memory_space<vmem>>)
            } else {
            }
            %eq3A_298 = arith.constant 0 : i32
            %eq3A_299 = arith.cmpi eq, %rem3A_283, %eq3A_298 : i32
            %ge3A_300 = arith.constant 16 : i32
            %ge3A_301 = arith.cmpi sge, %while3A_272, %ge3A_300 : i32
            %and3A_302 = arith.andi %eq3A_299, %ge3A_301 : i1
            %eq3A_303 = arith.constant 1 : i32
            %eq3A_304 = arith.cmpi eq, %rem3A_287, %eq3A_303 : i32
            %and3A_305 = arith.andi %and3A_302, %eq3A_304 : i1
            %convert_element_type3A_306 = arith.extui %and3A_305 : i1 to i32
            %cond3A_307 = arith.constant 0 : i32
            %cond3A_308 = arith.cmpi ne, %convert_element_type3A_306, %cond3A_307 : i32
            scf.if %cond3A_308 {
              %dma_wait3A = arith.constant 0 : i32
              %dma_wait3A_685 = arith.constant 0 : i32
              %dma_wait3A_686 = tpu.memref_slice %arg11[%dma_wait3A, %dma_wait3A_685] : memref<256x128xf32, #tpu.memory_space<vmem>> -> memref<128x128xf32, #tpu.memory_space<vmem>>
              %dma_wait3A_687 = arith.constant 0 : i32
              %dma_wait3A_688 = arith.constant 0 : i32
              %dma_wait3A_689 = tpu.memref_slice %arg5[%dma_wait3A_687, %dma_wait3A_688] : memref<16512x128xf32, #tpu.memory_space<hbm>> -> memref<128x128xf32, #tpu.memory_space<hbm>>
              %dma_wait3A_690 = arith.constant 0 : i32
              %dma_wait3A_691 = arith.constant 0 : i32
              %dma_wait3A_692 = tpu.memref_slice %arg11[%dma_wait3A_690, %dma_wait3A_691] : memref<256x128xf32, #tpu.memory_space<vmem>> -> memref<128x128xf32, #tpu.memory_space<vmem>>
              %dma_wait3A_693 = arith.constant 0 : i32
              %dma_wait3A_694 = arith.constant 0 : i32
              %dma_wait3A_695 = tpu.memref_slice %arg5[%dma_wait3A_693, %dma_wait3A_694] : memref<16512x128xf32, #tpu.memory_space<hbm>> -> memref<128x128xf32, #tpu.memory_space<hbm>>
              tpu.wait_dma2 semaphore(%arg17 : memref<!tpu.dma_semaphore, #tpu.memory_space<semaphore_mem>>) src(%dma_wait3A_695 : memref<128x128xf32, #tpu.memory_space<hbm>>) dst(%dma_wait3A_692 : memref<128x128xf32, #tpu.memory_space<vmem>>)
            } else {
            }
            %shift_right_logical3A = arith.constant 14 : i32
            %shift_right_logical3A_309 = vector.broadcast %shift_right_logical3A : i32 to vector<16xi32>
            %shift_right_logical3A_310 = arith.shrui %get3A_275, %shift_right_logical3A_309 : vector<16xi32>
            %and3A_311 = arith.constant 16383 : i32
            %and3A_312 = vector.broadcast %and3A_311 : i32 to vector<16xi32>
            %and3A_313 = arith.andi %get3A_275, %and3A_312 : vector<16xi32>
            %sub3A_314 = vector.broadcast %sub3A_209 : i32 to vector<16xi32>
            %sub3A_315 = arith.subi %shift_right_logical3A_310, %sub3A_314 : vector<16xi32>
            %jit3A_316 = arith.constant 0 : i32
            %jit3A_317 = arith.constant 383 : i32
            %max3A_318 = vector.broadcast %jit3A_316 : i32 to vector<16xi32>
            %max3A_319 = arith.maxsi %max3A_318, %sub3A_315 : vector<16xi32>
            %min3A_320 = vector.broadcast %jit3A_317 : i32 to vector<16xi32>
            %min3A_321 = arith.minsi %min3A_320, %max3A_319 : vector<16xi32>
            %mul3A_322 = arith.constant 8 : i32
            %mul3A_323 = arith.muli %rem3A_287, %mul3A_322 : i32
            %add3A_324 = arith.addi %mul3A_323, %rem3A_283 : i32
            %mul3A_325 = arith.constant 16 : i32
            %mul3A_326 = arith.muli %add3A_324, %mul3A_325 : i32
            %multiple_of3A = tpu.assume_multiple %mul3A_326, 16 : i32
            %broadcast_in_dim3A = arith.constant 0 : i32
            %broadcast_in_dim3A_327 = vector.broadcast %broadcast_in_dim3A : i32 to vector<16xi32>
            %gather3A = tpu.vector_load_idx %arg8[%broadcast_in_dim3A_327, %min3A_321] : memref<64x384xf32, #tpu.memory_space<vmem>>[vector<16xi32>, vector<16xi32>], vector<16xf32>,
            %add3A_328 = vector.broadcast %multiple_of3A : i32 to vector<16xi32>
            %add3A_329 = arith.addi %add3A_328, %iota3A : vector<16xi32>
            tpu.vector_store_idx %arg11[%add3A_329, %broadcast_in_dim3A_327], %gather3A : memref<256x128xf32, #tpu.memory_space<vmem>>[vector<16xi32>, vector<16xi32>], vector<16xf32>,
            %broadcast_in_dim3A_330 = arith.constant 1 : i32
            %broadcast_in_dim3A_331 = vector.broadcast %broadcast_in_dim3A_330 : i32 to vector<16xi32>
            %gather3A_332 = tpu.vector_load_idx %arg8[%broadcast_in_dim3A_331, %min3A_321] : memref<64x384xf32, #tpu.memory_space<vmem>>[vector<16xi32>, vector<16xi32>], vector<16xf32>,
            %add3A_333 = vector.broadcast %multiple_of3A : i32 to vector<16xi32>
            %add3A_334 = arith.addi %add3A_333, %iota3A : vector<16xi32>
            tpu.vector_store_idx %arg11[%add3A_334, %broadcast_in_dim3A_331], %gather3A_332 : memref<256x128xf32, #tpu.memory_space<vmem>>[vector<16xi32>, vector<16xi32>], vector<16xf32>,
            %broadcast_in_dim3A_335 = arith.constant 2 : i32
            %broadcast_in_dim3A_336 = vector.broadcast %broadcast_in_dim3A_335 : i32 to vector<16xi32>
            %gather3A_337 = tpu.vector_load_idx %arg8[%broadcast_in_dim3A_336, %min3A_321] : memref<64x384xf32, #tpu.memory_space<vmem>>[vector<16xi32>, vector<16xi32>], vector<16xf32>,
            %add3A_338 = vector.broadcast %multiple_of3A : i32 to vector<16xi32>
            %add3A_339 = arith.addi %add3A_338, %iota3A : vector<16xi32>
            tpu.vector_store_idx %arg11[%add3A_339, %broadcast_in_dim3A_336], %gather3A_337 : memref<256x128xf32, #tpu.memory_space<vmem>>[vector<16xi32>, vector<16xi32>], vector<16xf32>,
            %broadcast_in_dim3A_340 = arith.constant 3 : i32
            %broadcast_in_dim3A_341 = vector.broadcast %broadcast_in_dim3A_340 : i32 to vector<16xi32>
            %gather3A_342 = tpu.vector_load_idx %arg8[%broadcast_in_dim3A_341, %min3A_321] : memref<64x384xf32, #tpu.memory_space<vmem>>[vector<16xi32>, vector<16xi32>], vector<16xf32>,
            %add3A_343 = vector.broadcast %multiple_of3A : i32 to vector<16xi32>
            %add3A_344 = arith.addi %add3A_343, %iota3A : vector<16xi32>
            tpu.vector_store_idx %arg11[%add3A_344, %broadcast_in_dim3A_341], %gather3A_342 : memref<256x128xf32, #tpu.memory_space<vmem>>[vector<16xi32>, vector<16xi32>], vector<16xf32>,
            %broadcast_in_dim3A_345 = arith.constant 4 : i32
            %broadcast_in_dim3A_346 = vector.broadcast %broadcast_in_dim3A_345 : i32 to vector<16xi32>
            %gather3A_347 = tpu.vector_load_idx %arg8[%broadcast_in_dim3A_346, %min3A_321] : memref<64x384xf32, #tpu.memory_space<vmem>>[vector<16xi32>, vector<16xi32>], vector<16xf32>,
            %add3A_348 = vector.broadcast %multiple_of3A : i32 to vector<16xi32>
            %add3A_349 = arith.addi %add3A_348, %iota3A : vector<16xi32>
            tpu.vector_store_idx %arg11[%add3A_349, %broadcast_in_dim3A_346], %gather3A_347 : memref<256x128xf32, #tpu.memory_space<vmem>>[vector<16xi32>, vector<16xi32>], vector<16xf32>,
            %broadcast_in_dim3A_350 = arith.constant 5 : i32
            %broadcast_in_dim3A_351 = vector.broadcast %broadcast_in_dim3A_350 : i32 to vector<16xi32>
            %gather3A_352 = tpu.vector_load_idx %arg8[%broadcast_in_dim3A_351, %min3A_321] : memref<64x384xf32, #tpu.memory_space<vmem>>[vector<16xi32>, vector<16xi32>], vector<16xf32>,
            %add3A_353 = vector.broadcast %multiple_of3A : i32 to vector<16xi32>
            %add3A_354 = arith.addi %add3A_353, %iota3A : vector<16xi32>
            tpu.vector_store_idx %arg11[%add3A_354, %broadcast_in_dim3A_351], %gather3A_352 : memref<256x128xf32, #tpu.memory_space<vmem>>[vector<16xi32>, vector<16xi32>], vector<16xf32>,
            %broadcast_in_dim3A_355 = arith.constant 6 : i32
            %broadcast_in_dim3A_356 = vector.broadcast %broadcast_in_dim3A_355 : i32 to vector<16xi32>
            %gather3A_357 = tpu.vector_load_idx %arg8[%broadcast_in_dim3A_356, %min3A_321] : memref<64x384xf32, #tpu.memory_space<vmem>>[vector<16xi32>, vector<16xi32>], vector<16xf32>,
            %add3A_358 = vector.broadcast %multiple_of3A : i32 to vector<16xi32>
            %add3A_359 = arith.addi %add3A_358, %iota3A : vector<16xi32>
            tpu.vector_store_idx %arg11[%add3A_359, %broadcast_in_dim3A_356], %gather3A_357 : memref<256x128xf32, #tpu.memory_space<vmem>>[vector<16xi32>, vector<16xi32>], vector<16xf32>,
            %broadcast_in_dim3A_360 = arith.constant 7 : i32
            %broadcast_in_dim3A_361 = vector.broadcast %broadcast_in_dim3A_360 : i32 to vector<16xi32>
            %gather3A_362 = tpu.vector_load_idx %arg8[%broadcast_in_dim3A_361, %min3A_321] : memref<64x384xf32, #tpu.memory_space<vmem>>[vector<16xi32>, vector<16xi32>], vector<16xf32>,
            %add3A_363 = vector.broadcast %multiple_of3A : i32 to vector<16xi32>
            %add3A_364 = arith.addi %add3A_363, %iota3A : vector<16xi32>
            tpu.vector_store_idx %arg11[%add3A_364, %broadcast_in_dim3A_361], %gather3A_362 : memref<256x128xf32, #tpu.memory_space<vmem>>[vector<16xi32>, vector<16xi32>], vector<16xf32>,
            %broadcast_in_dim3A_365 = arith.constant 8 : i32
            %broadcast_in_dim3A_366 = vector.broadcast %broadcast_in_dim3A_365 : i32 to vector<16xi32>
            %gather3A_367 = tpu.vector_load_idx %arg8[%broadcast_in_dim3A_366, %min3A_321] : memref<64x384xf32, #tpu.memory_space<vmem>>[vector<16xi32>, vector<16xi32>], vector<16xf32>,
            %add3A_368 = vector.broadcast %multiple_of3A : i32 to vector<16xi32>
            %add3A_369 = arith.addi %add3A_368, %iota3A : vector<16xi32>
            tpu.vector_store_idx %arg11[%add3A_369, %broadcast_in_dim3A_366], %gather3A_367 : memref<256x128xf32, #tpu.memory_space<vmem>>[vector<16xi32>, vector<16xi32>], vector<16xf32>,
            %broadcast_in_dim3A_370 = arith.constant 9 : i32
            %broadcast_in_dim3A_371 = vector.broadcast %broadcast_in_dim3A_370 : i32 to vector<16xi32>
            %gather3A_372 = tpu.vector_load_idx %arg8[%broadcast_in_dim3A_371, %min3A_321] : memref<64x384xf32, #tpu.memory_space<vmem>>[vector<16xi32>, vector<16xi32>], vector<16xf32>,
            %add3A_373 = vector.broadcast %multiple_of3A : i32 to vector<16xi32>
            %add3A_374 = arith.addi %add3A_373, %iota3A : vector<16xi32>
            tpu.vector_store_idx %arg11[%add3A_374, %broadcast_in_dim3A_371], %gather3A_372 : memref<256x128xf32, #tpu.memory_space<vmem>>[vector<16xi32>, vector<16xi32>], vector<16xf32>,
            %broadcast_in_dim3A_375 = arith.constant 10 : i32
            %broadcast_in_dim3A_376 = vector.broadcast %broadcast_in_dim3A_375 : i32 to vector<16xi32>
            %gather3A_377 = tpu.vector_load_idx %arg8[%broadcast_in_dim3A_376, %min3A_321] : memref<64x384xf32, #tpu.memory_space<vmem>>[vector<16xi32>, vector<16xi32>], vector<16xf32>,
            %add3A_378 = vector.broadcast %multiple_of3A : i32 to vector<16xi32>
            %add3A_379 = arith.addi %add3A_378, %iota3A : vector<16xi32>
            tpu.vector_store_idx %arg11[%add3A_379, %broadcast_in_dim3A_376], %gather3A_377 : memref<256x128xf32, #tpu.memory_space<vmem>>[vector<16xi32>, vector<16xi32>], vector<16xf32>,
            %broadcast_in_dim3A_380 = arith.constant 11 : i32
            %broadcast_in_dim3A_381 = vector.broadcast %broadcast_in_dim3A_380 : i32 to vector<16xi32>
            %gather3A_382 = tpu.vector_load_idx %arg8[%broadcast_in_dim3A_381, %min3A_321] : memref<64x384xf32, #tpu.memory_space<vmem>>[vector<16xi32>, vector<16xi32>], vector<16xf32>,
            %add3A_383 = vector.broadcast %multiple_of3A : i32 to vector<16xi32>
            %add3A_384 = arith.addi %add3A_383, %iota3A : vector<16xi32>
            tpu.vector_store_idx %arg11[%add3A_384, %broadcast_in_dim3A_381], %gather3A_382 : memref<256x128xf32, #tpu.memory_space<vmem>>[vector<16xi32>, vector<16xi32>], vector<16xf32>,
            %broadcast_in_dim3A_385 = arith.constant 12 : i32
            %broadcast_in_dim3A_386 = vector.broadcast %broadcast_in_dim3A_385 : i32 to vector<16xi32>
            %gather3A_387 = tpu.vector_load_idx %arg8[%broadcast_in_dim3A_386, %min3A_321] : memref<64x384xf32, #tpu.memory_space<vmem>>[vector<16xi32>, vector<16xi32>], vector<16xf32>,
            %add3A_388 = vector.broadcast %multiple_of3A : i32 to vector<16xi32>
            %add3A_389 = arith.addi %add3A_388, %iota3A : vector<16xi32>
            tpu.vector_store_idx %arg11[%add3A_389, %broadcast_in_dim3A_386], %gather3A_387 : memref<256x128xf32, #tpu.memory_space<vmem>>[vector<16xi32>, vector<16xi32>], vector<16xf32>,
            %broadcast_in_dim3A_390 = arith.constant 13 : i32
            %broadcast_in_dim3A_391 = vector.broadcast %broadcast_in_dim3A_390 : i32 to vector<16xi32>
            %gather3A_392 = tpu.vector_load_idx %arg8[%broadcast_in_dim3A_391, %min3A_321] : memref<64x384xf32, #tpu.memory_space<vmem>>[vector<16xi32>, vector<16xi32>], vector<16xf32>,
            %add3A_393 = vector.broadcast %multiple_of3A : i32 to vector<16xi32>
            %add3A_394 = arith.addi %add3A_393, %iota3A : vector<16xi32>
            tpu.vector_store_idx %arg11[%add3A_394, %broadcast_in_dim3A_391], %gather3A_392 : memref<256x128xf32, #tpu.memory_space<vmem>>[vector<16xi32>, vector<16xi32>], vector<16xf32>,
            %broadcast_in_dim3A_395 = arith.constant 14 : i32
            %broadcast_in_dim3A_396 = vector.broadcast %broadcast_in_dim3A_395 : i32 to vector<16xi32>
            %gather3A_397 = tpu.vector_load_idx %arg8[%broadcast_in_dim3A_396, %min3A_321] : memref<64x384xf32, #tpu.memory_space<vmem>>[vector<16xi32>, vector<16xi32>], vector<16xf32>,
            %add3A_398 = vector.broadcast %multiple_of3A : i32 to vector<16xi32>
            %add3A_399 = arith.addi %add3A_398, %iota3A : vector<16xi32>
            tpu.vector_store_idx %arg11[%add3A_399, %broadcast_in_dim3A_396], %gather3A_397 : memref<256x128xf32, #tpu.memory_space<vmem>>[vector<16xi32>, vector<16xi32>], vector<16xf32>,
            %broadcast_in_dim3A_400 = arith.constant 15 : i32
            %broadcast_in_dim3A_401 = vector.broadcast %broadcast_in_dim3A_400 : i32 to vector<16xi32>
            %gather3A_402 = tpu.vector_load_idx %arg8[%broadcast_in_dim3A_401, %min3A_321] : memref<64x384xf32, #tpu.memory_space<vmem>>[vector<16xi32>, vector<16xi32>], vector<16xf32>,
            %add3A_403 = vector.broadcast %multiple_of3A : i32 to vector<16xi32>
            %add3A_404 = arith.addi %add3A_403, %iota3A : vector<16xi32>
            tpu.vector_store_idx %arg11[%add3A_404, %broadcast_in_dim3A_401], %gather3A_402 : memref<256x128xf32, #tpu.memory_space<vmem>>[vector<16xi32>, vector<16xi32>], vector<16xf32>,
            %broadcast_in_dim3A_405 = arith.constant 16 : i32
            %broadcast_in_dim3A_406 = vector.broadcast %broadcast_in_dim3A_405 : i32 to vector<16xi32>
            %gather3A_407 = tpu.vector_load_idx %arg8[%broadcast_in_dim3A_406, %min3A_321] : memref<64x384xf32, #tpu.memory_space<vmem>>[vector<16xi32>, vector<16xi32>], vector<16xf32>,
            %add3A_408 = vector.broadcast %multiple_of3A : i32 to vector<16xi32>
            %add3A_409 = arith.addi %add3A_408, %iota3A : vector<16xi32>
            tpu.vector_store_idx %arg11[%add3A_409, %broadcast_in_dim3A_406], %gather3A_407 : memref<256x128xf32, #tpu.memory_space<vmem>>[vector<16xi32>, vector<16xi32>], vector<16xf32>,
            %broadcast_in_dim3A_410 = arith.constant 17 : i32
            %broadcast_in_dim3A_411 = vector.broadcast %broadcast_in_dim3A_410 : i32 to vector<16xi32>
            %gather3A_412 = tpu.vector_load_idx %arg8[%broadcast_in_dim3A_411, %min3A_321] : memref<64x384xf32, #tpu.memory_space<vmem>>[vector<16xi32>, vector<16xi32>], vector<16xf32>,
            %add3A_413 = vector.broadcast %multiple_of3A : i32 to vector<16xi32>
            %add3A_414 = arith.addi %add3A_413, %iota3A : vector<16xi32>
            tpu.vector_store_idx %arg11[%add3A_414, %broadcast_in_dim3A_411], %gather3A_412 : memref<256x128xf32, #tpu.memory_space<vmem>>[vector<16xi32>, vector<16xi32>], vector<16xf32>,
            %broadcast_in_dim3A_415 = arith.constant 18 : i32
            %broadcast_in_dim3A_416 = vector.broadcast %broadcast_in_dim3A_415 : i32 to vector<16xi32>
            %gather3A_417 = tpu.vector_load_idx %arg8[%broadcast_in_dim3A_416, %min3A_321] : memref<64x384xf32, #tpu.memory_space<vmem>>[vector<16xi32>, vector<16xi32>], vector<16xf32>,
            %add3A_418 = vector.broadcast %multiple_of3A : i32 to vector<16xi32>
            %add3A_419 = arith.addi %add3A_418, %iota3A : vector<16xi32>
            tpu.vector_store_idx %arg11[%add3A_419, %broadcast_in_dim3A_416], %gather3A_417 : memref<256x128xf32, #tpu.memory_space<vmem>>[vector<16xi32>, vector<16xi32>], vector<16xf32>,
            %broadcast_in_dim3A_420 = arith.constant 19 : i32
            %broadcast_in_dim3A_421 = vector.broadcast %broadcast_in_dim3A_420 : i32 to vector<16xi32>
            %gather3A_422 = tpu.vector_load_idx %arg8[%broadcast_in_dim3A_421, %min3A_321] : memref<64x384xf32, #tpu.memory_space<vmem>>[vector<16xi32>, vector<16xi32>], vector<16xf32>,
            %add3A_423 = vector.broadcast %multiple_of3A : i32 to vector<16xi32>
            %add3A_424 = arith.addi %add3A_423, %iota3A : vector<16xi32>
            tpu.vector_store_idx %arg11[%add3A_424, %broadcast_in_dim3A_421], %gather3A_422 : memref<256x128xf32, #tpu.memory_space<vmem>>[vector<16xi32>, vector<16xi32>], vector<16xf32>,
            %broadcast_in_dim3A_425 = arith.constant 20 : i32
            %broadcast_in_dim3A_426 = vector.broadcast %broadcast_in_dim3A_425 : i32 to vector<16xi32>
            %gather3A_427 = tpu.vector_load_idx %arg8[%broadcast_in_dim3A_426, %min3A_321] : memref<64x384xf32, #tpu.memory_space<vmem>>[vector<16xi32>, vector<16xi32>], vector<16xf32>,
            %add3A_428 = vector.broadcast %multiple_of3A : i32 to vector<16xi32>
            %add3A_429 = arith.addi %add3A_428, %iota3A : vector<16xi32>
            tpu.vector_store_idx %arg11[%add3A_429, %broadcast_in_dim3A_426], %gather3A_427 : memref<256x128xf32, #tpu.memory_space<vmem>>[vector<16xi32>, vector<16xi32>], vector<16xf32>,
            %broadcast_in_dim3A_430 = arith.constant 21 : i32
            %broadcast_in_dim3A_431 = vector.broadcast %broadcast_in_dim3A_430 : i32 to vector<16xi32>
            %gather3A_432 = tpu.vector_load_idx %arg8[%broadcast_in_dim3A_431, %min3A_321] : memref<64x384xf32, #tpu.memory_space<vmem>>[vector<16xi32>, vector<16xi32>], vector<16xf32>,
            %add3A_433 = vector.broadcast %multiple_of3A : i32 to vector<16xi32>
            %add3A_434 = arith.addi %add3A_433, %iota3A : vector<16xi32>
            tpu.vector_store_idx %arg11[%add3A_434, %broadcast_in_dim3A_431], %gather3A_432 : memref<256x128xf32, #tpu.memory_space<vmem>>[vector<16xi32>, vector<16xi32>], vector<16xf32>,
            %broadcast_in_dim3A_435 = arith.constant 22 : i32
            %broadcast_in_dim3A_436 = vector.broadcast %broadcast_in_dim3A_435 : i32 to vector<16xi32>
            %gather3A_437 = tpu.vector_load_idx %arg8[%broadcast_in_dim3A_436, %min3A_321] : memref<64x384xf32, #tpu.memory_space<vmem>>[vector<16xi32>, vector<16xi32>], vector<16xf32>,
            %add3A_438 = vector.broadcast %multiple_of3A : i32 to vector<16xi32>
            %add3A_439 = arith.addi %add3A_438, %iota3A : vector<16xi32>
            tpu.vector_store_idx %arg11[%add3A_439, %broadcast_in_dim3A_436], %gather3A_437 : memref<256x128xf32, #tpu.memory_space<vmem>>[vector<16xi32>, vector<16xi32>], vector<16xf32>,
            %broadcast_in_dim3A_440 = arith.constant 23 : i32
            %broadcast_in_dim3A_441 = vector.broadcast %broadcast_in_dim3A_440 : i32 to vector<16xi32>
            %gather3A_442 = tpu.vector_load_idx %arg8[%broadcast_in_dim3A_441, %min3A_321] : memref<64x384xf32, #tpu.memory_space<vmem>>[vector<16xi32>, vector<16xi32>], vector<16xf32>,
            %add3A_443 = vector.broadcast %multiple_of3A : i32 to vector<16xi32>
            %add3A_444 = arith.addi %add3A_443, %iota3A : vector<16xi32>
            tpu.vector_store_idx %arg11[%add3A_444, %broadcast_in_dim3A_441], %gather3A_442 : memref<256x128xf32, #tpu.memory_space<vmem>>[vector<16xi32>, vector<16xi32>], vector<16xf32>,
            %broadcast_in_dim3A_445 = arith.constant 24 : i32
            %broadcast_in_dim3A_446 = vector.broadcast %broadcast_in_dim3A_445 : i32 to vector<16xi32>
            %gather3A_447 = tpu.vector_load_idx %arg8[%broadcast_in_dim3A_446, %min3A_321] : memref<64x384xf32, #tpu.memory_space<vmem>>[vector<16xi32>, vector<16xi32>], vector<16xf32>,
            %add3A_448 = vector.broadcast %multiple_of3A : i32 to vector<16xi32>
            %add3A_449 = arith.addi %add3A_448, %iota3A : vector<16xi32>
            tpu.vector_store_idx %arg11[%add3A_449, %broadcast_in_dim3A_446], %gather3A_447 : memref<256x128xf32, #tpu.memory_space<vmem>>[vector<16xi32>, vector<16xi32>], vector<16xf32>,
            %broadcast_in_dim3A_450 = arith.constant 25 : i32
            %broadcast_in_dim3A_451 = vector.broadcast %broadcast_in_dim3A_450 : i32 to vector<16xi32>
            %gather3A_452 = tpu.vector_load_idx %arg8[%broadcast_in_dim3A_451, %min3A_321] : memref<64x384xf32, #tpu.memory_space<vmem>>[vector<16xi32>, vector<16xi32>], vector<16xf32>,
            %add3A_453 = vector.broadcast %multiple_of3A : i32 to vector<16xi32>
            %add3A_454 = arith.addi %add3A_453, %iota3A : vector<16xi32>
            tpu.vector_store_idx %arg11[%add3A_454, %broadcast_in_dim3A_451], %gather3A_452 : memref<256x128xf32, #tpu.memory_space<vmem>>[vector<16xi32>, vector<16xi32>], vector<16xf32>,
            %broadcast_in_dim3A_455 = arith.constant 26 : i32
            %broadcast_in_dim3A_456 = vector.broadcast %broadcast_in_dim3A_455 : i32 to vector<16xi32>
            %gather3A_457 = tpu.vector_load_idx %arg8[%broadcast_in_dim3A_456, %min3A_321] : memref<64x384xf32, #tpu.memory_space<vmem>>[vector<16xi32>, vector<16xi32>], vector<16xf32>,
            %add3A_458 = vector.broadcast %multiple_of3A : i32 to vector<16xi32>
            %add3A_459 = arith.addi %add3A_458, %iota3A : vector<16xi32>
            tpu.vector_store_idx %arg11[%add3A_459, %broadcast_in_dim3A_456], %gather3A_457 : memref<256x128xf32, #tpu.memory_space<vmem>>[vector<16xi32>, vector<16xi32>], vector<16xf32>,
            %broadcast_in_dim3A_460 = arith.constant 27 : i32
            %broadcast_in_dim3A_461 = vector.broadcast %broadcast_in_dim3A_460 : i32 to vector<16xi32>
            %gather3A_462 = tpu.vector_load_idx %arg8[%broadcast_in_dim3A_461, %min3A_321] : memref<64x384xf32, #tpu.memory_space<vmem>>[vector<16xi32>, vector<16xi32>], vector<16xf32>,
            %add3A_463 = vector.broadcast %multiple_of3A : i32 to vector<16xi32>
            %add3A_464 = arith.addi %add3A_463, %iota3A : vector<16xi32>
            tpu.vector_store_idx %arg11[%add3A_464, %broadcast_in_dim3A_461], %gather3A_462 : memref<256x128xf32, #tpu.memory_space<vmem>>[vector<16xi32>, vector<16xi32>], vector<16xf32>,
            %broadcast_in_dim3A_465 = arith.constant 28 : i32
            %broadcast_in_dim3A_466 = vector.broadcast %broadcast_in_dim3A_465 : i32 to vector<16xi32>
            %gather3A_467 = tpu.vector_load_idx %arg8[%broadcast_in_dim3A_466, %min3A_321] : memref<64x384xf32, #tpu.memory_space<vmem>>[vector<16xi32>, vector<16xi32>], vector<16xf32>,
            %add3A_468 = vector.broadcast %multiple_of3A : i32 to vector<16xi32>
            %add3A_469 = arith.addi %add3A_468, %iota3A : vector<16xi32>
            tpu.vector_store_idx %arg11[%add3A_469, %broadcast_in_dim3A_466], %gather3A_467 : memref<256x128xf32, #tpu.memory_space<vmem>>[vector<16xi32>, vector<16xi32>], vector<16xf32>,
            %broadcast_in_dim3A_470 = arith.constant 29 : i32
            %broadcast_in_dim3A_471 = vector.broadcast %broadcast_in_dim3A_470 : i32 to vector<16xi32>
            %gather3A_472 = tpu.vector_load_idx %arg8[%broadcast_in_dim3A_471, %min3A_321] : memref<64x384xf32, #tpu.memory_space<vmem>>[vector<16xi32>, vector<16xi32>], vector<16xf32>,
            %add3A_473 = vector.broadcast %multiple_of3A : i32 to vector<16xi32>
            %add3A_474 = arith.addi %add3A_473, %iota3A : vector<16xi32>
            tpu.vector_store_idx %arg11[%add3A_474, %broadcast_in_dim3A_471], %gather3A_472 : memref<256x128xf32, #tpu.memory_space<vmem>>[vector<16xi32>, vector<16xi32>], vector<16xf32>,
            %broadcast_in_dim3A_475 = arith.constant 30 : i32
            %broadcast_in_dim3A_476 = vector.broadcast %broadcast_in_dim3A_475 : i32 to vector<16xi32>
            %gather3A_477 = tpu.vector_load_idx %arg8[%broadcast_in_dim3A_476, %min3A_321] : memref<64x384xf32, #tpu.memory_space<vmem>>[vector<16xi32>, vector<16xi32>], vector<16xf32>,
            %add3A_478 = vector.broadcast %multiple_of3A : i32 to vector<16xi32>
            %add3A_479 = arith.addi %add3A_478, %iota3A : vector<16xi32>
            tpu.vector_store_idx %arg11[%add3A_479, %broadcast_in_dim3A_476], %gather3A_477 : memref<256x128xf32, #tpu.memory_space<vmem>>[vector<16xi32>, vector<16xi32>], vector<16xf32>,
            %broadcast_in_dim3A_480 = arith.constant 31 : i32
            %broadcast_in_dim3A_481 = vector.broadcast %broadcast_in_dim3A_480 : i32 to vector<16xi32>
            %gather3A_482 = tpu.vector_load_idx %arg8[%broadcast_in_dim3A_481, %min3A_321] : memref<64x384xf32, #tpu.memory_space<vmem>>[vector<16xi32>, vector<16xi32>], vector<16xf32>,
            %add3A_483 = vector.broadcast %multiple_of3A : i32 to vector<16xi32>
            %add3A_484 = arith.addi %add3A_483, %iota3A : vector<16xi32>
            tpu.vector_store_idx %arg11[%add3A_484, %broadcast_in_dim3A_481], %gather3A_482 : memref<256x128xf32, #tpu.memory_space<vmem>>[vector<16xi32>, vector<16xi32>], vector<16xf32>,
            %broadcast_in_dim3A_485 = arith.constant 32 : i32
            %broadcast_in_dim3A_486 = vector.broadcast %broadcast_in_dim3A_485 : i32 to vector<16xi32>
            %gather3A_487 = tpu.vector_load_idx %arg8[%broadcast_in_dim3A_486, %min3A_321] : memref<64x384xf32, #tpu.memory_space<vmem>>[vector<16xi32>, vector<16xi32>], vector<16xf32>,
            %add3A_488 = vector.broadcast %multiple_of3A : i32 to vector<16xi32>
            %add3A_489 = arith.addi %add3A_488, %iota3A : vector<16xi32>
            tpu.vector_store_idx %arg11[%add3A_489, %broadcast_in_dim3A_486], %gather3A_487 : memref<256x128xf32, #tpu.memory_space<vmem>>[vector<16xi32>, vector<16xi32>], vector<16xf32>,
            %broadcast_in_dim3A_490 = arith.constant 33 : i32
            %broadcast_in_dim3A_491 = vector.broadcast %broadcast_in_dim3A_490 : i32 to vector<16xi32>
            %gather3A_492 = tpu.vector_load_idx %arg8[%broadcast_in_dim3A_491, %min3A_321] : memref<64x384xf32, #tpu.memory_space<vmem>>[vector<16xi32>, vector<16xi32>], vector<16xf32>,
            %add3A_493 = vector.broadcast %multiple_of3A : i32 to vector<16xi32>
            %add3A_494 = arith.addi %add3A_493, %iota3A : vector<16xi32>
            tpu.vector_store_idx %arg11[%add3A_494, %broadcast_in_dim3A_491], %gather3A_492 : memref<256x128xf32, #tpu.memory_space<vmem>>[vector<16xi32>, vector<16xi32>], vector<16xf32>,
            %broadcast_in_dim3A_495 = arith.constant 34 : i32
            %broadcast_in_dim3A_496 = vector.broadcast %broadcast_in_dim3A_495 : i32 to vector<16xi32>
            %gather3A_497 = tpu.vector_load_idx %arg8[%broadcast_in_dim3A_496, %min3A_321] : memref<64x384xf32, #tpu.memory_space<vmem>>[vector<16xi32>, vector<16xi32>], vector<16xf32>,
            %add3A_498 = vector.broadcast %multiple_of3A : i32 to vector<16xi32>
            %add3A_499 = arith.addi %add3A_498, %iota3A : vector<16xi32>
            tpu.vector_store_idx %arg11[%add3A_499, %broadcast_in_dim3A_496], %gather3A_497 : memref<256x128xf32, #tpu.memory_space<vmem>>[vector<16xi32>, vector<16xi32>], vector<16xf32>,
            %broadcast_in_dim3A_500 = arith.constant 35 : i32
            %broadcast_in_dim3A_501 = vector.broadcast %broadcast_in_dim3A_500 : i32 to vector<16xi32>
            %gather3A_502 = tpu.vector_load_idx %arg8[%broadcast_in_dim3A_501, %min3A_321] : memref<64x384xf32, #tpu.memory_space<vmem>>[vector<16xi32>, vector<16xi32>], vector<16xf32>,
            %add3A_503 = vector.broadcast %multiple_of3A : i32 to vector<16xi32>
            %add3A_504 = arith.addi %add3A_503, %iota3A : vector<16xi32>
            tpu.vector_store_idx %arg11[%add3A_504, %broadcast_in_dim3A_501], %gather3A_502 : memref<256x128xf32, #tpu.memory_space<vmem>>[vector<16xi32>, vector<16xi32>], vector<16xf32>,
            %broadcast_in_dim3A_505 = arith.constant 36 : i32
            %broadcast_in_dim3A_506 = vector.broadcast %broadcast_in_dim3A_505 : i32 to vector<16xi32>
            %gather3A_507 = tpu.vector_load_idx %arg8[%broadcast_in_dim3A_506, %min3A_321] : memref<64x384xf32, #tpu.memory_space<vmem>>[vector<16xi32>, vector<16xi32>], vector<16xf32>,
            %add3A_508 = vector.broadcast %multiple_of3A : i32 to vector<16xi32>
            %add3A_509 = arith.addi %add3A_508, %iota3A : vector<16xi32>
            tpu.vector_store_idx %arg11[%add3A_509, %broadcast_in_dim3A_506], %gather3A_507 : memref<256x128xf32, #tpu.memory_space<vmem>>[vector<16xi32>, vector<16xi32>], vector<16xf32>,
            %broadcast_in_dim3A_510 = arith.constant 37 : i32
            %broadcast_in_dim3A_511 = vector.broadcast %broadcast_in_dim3A_510 : i32 to vector<16xi32>
            %gather3A_512 = tpu.vector_load_idx %arg8[%broadcast_in_dim3A_511, %min3A_321] : memref<64x384xf32, #tpu.memory_space<vmem>>[vector<16xi32>, vector<16xi32>], vector<16xf32>,
            %add3A_513 = vector.broadcast %multiple_of3A : i32 to vector<16xi32>
            %add3A_514 = arith.addi %add3A_513, %iota3A : vector<16xi32>
            tpu.vector_store_idx %arg11[%add3A_514, %broadcast_in_dim3A_511], %gather3A_512 : memref<256x128xf32, #tpu.memory_space<vmem>>[vector<16xi32>, vector<16xi32>], vector<16xf32>,
            %broadcast_in_dim3A_515 = arith.constant 38 : i32
            %broadcast_in_dim3A_516 = vector.broadcast %broadcast_in_dim3A_515 : i32 to vector<16xi32>
            %gather3A_517 = tpu.vector_load_idx %arg8[%broadcast_in_dim3A_516, %min3A_321] : memref<64x384xf32, #tpu.memory_space<vmem>>[vector<16xi32>, vector<16xi32>], vector<16xf32>,
            %add3A_518 = vector.broadcast %multiple_of3A : i32 to vector<16xi32>
            %add3A_519 = arith.addi %add3A_518, %iota3A : vector<16xi32>
            tpu.vector_store_idx %arg11[%add3A_519, %broadcast_in_dim3A_516], %gather3A_517 : memref<256x128xf32, #tpu.memory_space<vmem>>[vector<16xi32>, vector<16xi32>], vector<16xf32>,
            %broadcast_in_dim3A_520 = arith.constant 39 : i32
            %broadcast_in_dim3A_521 = vector.broadcast %broadcast_in_dim3A_520 : i32 to vector<16xi32>
            %gather3A_522 = tpu.vector_load_idx %arg8[%broadcast_in_dim3A_521, %min3A_321] : memref<64x384xf32, #tpu.memory_space<vmem>>[vector<16xi32>, vector<16xi32>], vector<16xf32>,
            %add3A_523 = vector.broadcast %multiple_of3A : i32 to vector<16xi32>
            %add3A_524 = arith.addi %add3A_523, %iota3A : vector<16xi32>
            tpu.vector_store_idx %arg11[%add3A_524, %broadcast_in_dim3A_521], %gather3A_522 : memref<256x128xf32, #tpu.memory_space<vmem>>[vector<16xi32>, vector<16xi32>], vector<16xf32>,
            %broadcast_in_dim3A_525 = arith.constant 40 : i32
            %broadcast_in_dim3A_526 = vector.broadcast %broadcast_in_dim3A_525 : i32 to vector<16xi32>
            %gather3A_527 = tpu.vector_load_idx %arg8[%broadcast_in_dim3A_526, %min3A_321] : memref<64x384xf32, #tpu.memory_space<vmem>>[vector<16xi32>, vector<16xi32>], vector<16xf32>,
            %add3A_528 = vector.broadcast %multiple_of3A : i32 to vector<16xi32>
            %add3A_529 = arith.addi %add3A_528, %iota3A : vector<16xi32>
            tpu.vector_store_idx %arg11[%add3A_529, %broadcast_in_dim3A_526], %gather3A_527 : memref<256x128xf32, #tpu.memory_space<vmem>>[vector<16xi32>, vector<16xi32>], vector<16xf32>,
            %broadcast_in_dim3A_530 = arith.constant 41 : i32
            %broadcast_in_dim3A_531 = vector.broadcast %broadcast_in_dim3A_530 : i32 to vector<16xi32>
            %gather3A_532 = tpu.vector_load_idx %arg8[%broadcast_in_dim3A_531, %min3A_321] : memref<64x384xf32, #tpu.memory_space<vmem>>[vector<16xi32>, vector<16xi32>], vector<16xf32>,
            %add3A_533 = vector.broadcast %multiple_of3A : i32 to vector<16xi32>
            %add3A_534 = arith.addi %add3A_533, %iota3A : vector<16xi32>
            tpu.vector_store_idx %arg11[%add3A_534, %broadcast_in_dim3A_531], %gather3A_532 : memref<256x128xf32, #tpu.memory_space<vmem>>[vector<16xi32>, vector<16xi32>], vector<16xf32>,
            %broadcast_in_dim3A_535 = arith.constant 42 : i32
            %broadcast_in_dim3A_536 = vector.broadcast %broadcast_in_dim3A_535 : i32 to vector<16xi32>
            %gather3A_537 = tpu.vector_load_idx %arg8[%broadcast_in_dim3A_536, %min3A_321] : memref<64x384xf32, #tpu.memory_space<vmem>>[vector<16xi32>, vector<16xi32>], vector<16xf32>,
            %add3A_538 = vector.broadcast %multiple_of3A : i32 to vector<16xi32>
            %add3A_539 = arith.addi %add3A_538, %iota3A : vector<16xi32>
            tpu.vector_store_idx %arg11[%add3A_539, %broadcast_in_dim3A_536], %gather3A_537 : memref<256x128xf32, #tpu.memory_space<vmem>>[vector<16xi32>, vector<16xi32>], vector<16xf32>,
            %broadcast_in_dim3A_540 = arith.constant 43 : i32
            %broadcast_in_dim3A_541 = vector.broadcast %broadcast_in_dim3A_540 : i32 to vector<16xi32>
            %gather3A_542 = tpu.vector_load_idx %arg8[%broadcast_in_dim3A_541, %min3A_321] : memref<64x384xf32, #tpu.memory_space<vmem>>[vector<16xi32>, vector<16xi32>], vector<16xf32>,
            %add3A_543 = vector.broadcast %multiple_of3A : i32 to vector<16xi32>
            %add3A_544 = arith.addi %add3A_543, %iota3A : vector<16xi32>
            tpu.vector_store_idx %arg11[%add3A_544, %broadcast_in_dim3A_541], %gather3A_542 : memref<256x128xf32, #tpu.memory_space<vmem>>[vector<16xi32>, vector<16xi32>], vector<16xf32>,
            %broadcast_in_dim3A_545 = arith.constant 44 : i32
            %broadcast_in_dim3A_546 = vector.broadcast %broadcast_in_dim3A_545 : i32 to vector<16xi32>
            %gather3A_547 = tpu.vector_load_idx %arg8[%broadcast_in_dim3A_546, %min3A_321] : memref<64x384xf32, #tpu.memory_space<vmem>>[vector<16xi32>, vector<16xi32>], vector<16xf32>,
            %add3A_548 = vector.broadcast %multiple_of3A : i32 to vector<16xi32>
            %add3A_549 = arith.addi %add3A_548, %iota3A : vector<16xi32>
            tpu.vector_store_idx %arg11[%add3A_549, %broadcast_in_dim3A_546], %gather3A_547 : memref<256x128xf32, #tpu.memory_space<vmem>>[vector<16xi32>, vector<16xi32>], vector<16xf32>,
            %broadcast_in_dim3A_550 = arith.constant 45 : i32
            %broadcast_in_dim3A_551 = vector.broadcast %broadcast_in_dim3A_550 : i32 to vector<16xi32>
            %gather3A_552 = tpu.vector_load_idx %arg8[%broadcast_in_dim3A_551, %min3A_321] : memref<64x384xf32, #tpu.memory_space<vmem>>[vector<16xi32>, vector<16xi32>], vector<16xf32>,
            %add3A_553 = vector.broadcast %multiple_of3A : i32 to vector<16xi32>
            %add3A_554 = arith.addi %add3A_553, %iota3A : vector<16xi32>
            tpu.vector_store_idx %arg11[%add3A_554, %broadcast_in_dim3A_551], %gather3A_552 : memref<256x128xf32, #tpu.memory_space<vmem>>[vector<16xi32>, vector<16xi32>], vector<16xf32>,
            %broadcast_in_dim3A_555 = arith.constant 46 : i32
            %broadcast_in_dim3A_556 = vector.broadcast %broadcast_in_dim3A_555 : i32 to vector<16xi32>
            %gather3A_557 = tpu.vector_load_idx %arg8[%broadcast_in_dim3A_556, %min3A_321] : memref<64x384xf32, #tpu.memory_space<vmem>>[vector<16xi32>, vector<16xi32>], vector<16xf32>,
            %add3A_558 = vector.broadcast %multiple_of3A : i32 to vector<16xi32>
            %add3A_559 = arith.addi %add3A_558, %iota3A : vector<16xi32>
            tpu.vector_store_idx %arg11[%add3A_559, %broadcast_in_dim3A_556], %gather3A_557 : memref<256x128xf32, #tpu.memory_space<vmem>>[vector<16xi32>, vector<16xi32>], vector<16xf32>,
            %broadcast_in_dim3A_560 = arith.constant 47 : i32
            %broadcast_in_dim3A_561 = vector.broadcast %broadcast_in_dim3A_560 : i32 to vector<16xi32>
            %gather3A_562 = tpu.vector_load_idx %arg8[%broadcast_in_dim3A_561, %min3A_321] : memref<64x384xf32, #tpu.memory_space<vmem>>[vector<16xi32>, vector<16xi32>], vector<16xf32>,
            %add3A_563 = vector.broadcast %multiple_of3A : i32 to vector<16xi32>
            %add3A_564 = arith.addi %add3A_563, %iota3A : vector<16xi32>
            tpu.vector_store_idx %arg11[%add3A_564, %broadcast_in_dim3A_561], %gather3A_562 : memref<256x128xf32, #tpu.memory_space<vmem>>[vector<16xi32>, vector<16xi32>], vector<16xf32>,
            %broadcast_in_dim3A_565 = arith.constant 48 : i32
            %broadcast_in_dim3A_566 = vector.broadcast %broadcast_in_dim3A_565 : i32 to vector<16xi32>
            %gather3A_567 = tpu.vector_load_idx %arg8[%broadcast_in_dim3A_566, %min3A_321] : memref<64x384xf32, #tpu.memory_space<vmem>>[vector<16xi32>, vector<16xi32>], vector<16xf32>,
            %add3A_568 = vector.broadcast %multiple_of3A : i32 to vector<16xi32>
            %add3A_569 = arith.addi %add3A_568, %iota3A : vector<16xi32>
            tpu.vector_store_idx %arg11[%add3A_569, %broadcast_in_dim3A_566], %gather3A_567 : memref<256x128xf32, #tpu.memory_space<vmem>>[vector<16xi32>, vector<16xi32>], vector<16xf32>,
            %broadcast_in_dim3A_570 = arith.constant 49 : i32
            %broadcast_in_dim3A_571 = vector.broadcast %broadcast_in_dim3A_570 : i32 to vector<16xi32>
            %gather3A_572 = tpu.vector_load_idx %arg8[%broadcast_in_dim3A_571, %min3A_321] : memref<64x384xf32, #tpu.memory_space<vmem>>[vector<16xi32>, vector<16xi32>], vector<16xf32>,
            %add3A_573 = vector.broadcast %multiple_of3A : i32 to vector<16xi32>
            %add3A_574 = arith.addi %add3A_573, %iota3A : vector<16xi32>
            tpu.vector_store_idx %arg11[%add3A_574, %broadcast_in_dim3A_571], %gather3A_572 : memref<256x128xf32, #tpu.memory_space<vmem>>[vector<16xi32>, vector<16xi32>], vector<16xf32>,
            %broadcast_in_dim3A_575 = arith.constant 50 : i32
            %broadcast_in_dim3A_576 = vector.broadcast %broadcast_in_dim3A_575 : i32 to vector<16xi32>
            %gather3A_577 = tpu.vector_load_idx %arg8[%broadcast_in_dim3A_576, %min3A_321] : memref<64x384xf32, #tpu.memory_space<vmem>>[vector<16xi32>, vector<16xi32>], vector<16xf32>,
            %add3A_578 = vector.broadcast %multiple_of3A : i32 to vector<16xi32>
            %add3A_579 = arith.addi %add3A_578, %iota3A : vector<16xi32>
            tpu.vector_store_idx %arg11[%add3A_579, %broadcast_in_dim3A_576], %gather3A_577 : memref<256x128xf32, #tpu.memory_space<vmem>>[vector<16xi32>, vector<16xi32>], vector<16xf32>,
            %broadcast_in_dim3A_580 = arith.constant 51 : i32
            %broadcast_in_dim3A_581 = vector.broadcast %broadcast_in_dim3A_580 : i32 to vector<16xi32>
            %gather3A_582 = tpu.vector_load_idx %arg8[%broadcast_in_dim3A_581, %min3A_321] : memref<64x384xf32, #tpu.memory_space<vmem>>[vector<16xi32>, vector<16xi32>], vector<16xf32>,
            %add3A_583 = vector.broadcast %multiple_of3A : i32 to vector<16xi32>
            %add3A_584 = arith.addi %add3A_583, %iota3A : vector<16xi32>
            tpu.vector_store_idx %arg11[%add3A_584, %broadcast_in_dim3A_581], %gather3A_582 : memref<256x128xf32, #tpu.memory_space<vmem>>[vector<16xi32>, vector<16xi32>], vector<16xf32>,
            %broadcast_in_dim3A_585 = arith.constant 52 : i32
            %broadcast_in_dim3A_586 = vector.broadcast %broadcast_in_dim3A_585 : i32 to vector<16xi32>
            %gather3A_587 = tpu.vector_load_idx %arg8[%broadcast_in_dim3A_586, %min3A_321] : memref<64x384xf32, #tpu.memory_space<vmem>>[vector<16xi32>, vector<16xi32>], vector<16xf32>,
            %add3A_588 = vector.broadcast %multiple_of3A : i32 to vector<16xi32>
            %add3A_589 = arith.addi %add3A_588, %iota3A : vector<16xi32>
            tpu.vector_store_idx %arg11[%add3A_589, %broadcast_in_dim3A_586], %gather3A_587 : memref<256x128xf32, #tpu.memory_space<vmem>>[vector<16xi32>, vector<16xi32>], vector<16xf32>,
            %broadcast_in_dim3A_590 = arith.constant 53 : i32
            %broadcast_in_dim3A_591 = vector.broadcast %broadcast_in_dim3A_590 : i32 to vector<16xi32>
            %gather3A_592 = tpu.vector_load_idx %arg8[%broadcast_in_dim3A_591, %min3A_321] : memref<64x384xf32, #tpu.memory_space<vmem>>[vector<16xi32>, vector<16xi32>], vector<16xf32>,
            %add3A_593 = vector.broadcast %multiple_of3A : i32 to vector<16xi32>
            %add3A_594 = arith.addi %add3A_593, %iota3A : vector<16xi32>
            tpu.vector_store_idx %arg11[%add3A_594, %broadcast_in_dim3A_591], %gather3A_592 : memref<256x128xf32, #tpu.memory_space<vmem>>[vector<16xi32>, vector<16xi32>], vector<16xf32>,
            %broadcast_in_dim3A_595 = arith.constant 54 : i32
            %broadcast_in_dim3A_596 = vector.broadcast %broadcast_in_dim3A_595 : i32 to vector<16xi32>
            %gather3A_597 = tpu.vector_load_idx %arg8[%broadcast_in_dim3A_596, %min3A_321] : memref<64x384xf32, #tpu.memory_space<vmem>>[vector<16xi32>, vector<16xi32>], vector<16xf32>,
            %add3A_598 = vector.broadcast %multiple_of3A : i32 to vector<16xi32>
            %add3A_599 = arith.addi %add3A_598, %iota3A : vector<16xi32>
            tpu.vector_store_idx %arg11[%add3A_599, %broadcast_in_dim3A_596], %gather3A_597 : memref<256x128xf32, #tpu.memory_space<vmem>>[vector<16xi32>, vector<16xi32>], vector<16xf32>,
            %broadcast_in_dim3A_600 = arith.constant 55 : i32
            %broadcast_in_dim3A_601 = vector.broadcast %broadcast_in_dim3A_600 : i32 to vector<16xi32>
            %gather3A_602 = tpu.vector_load_idx %arg8[%broadcast_in_dim3A_601, %min3A_321] : memref<64x384xf32, #tpu.memory_space<vmem>>[vector<16xi32>, vector<16xi32>], vector<16xf32>,
            %add3A_603 = vector.broadcast %multiple_of3A : i32 to vector<16xi32>
            %add3A_604 = arith.addi %add3A_603, %iota3A : vector<16xi32>
            tpu.vector_store_idx %arg11[%add3A_604, %broadcast_in_dim3A_601], %gather3A_602 : memref<256x128xf32, #tpu.memory_space<vmem>>[vector<16xi32>, vector<16xi32>], vector<16xf32>,
            %broadcast_in_dim3A_605 = arith.constant 56 : i32
            %broadcast_in_dim3A_606 = vector.broadcast %broadcast_in_dim3A_605 : i32 to vector<16xi32>
            %gather3A_607 = tpu.vector_load_idx %arg8[%broadcast_in_dim3A_606, %min3A_321] : memref<64x384xf32, #tpu.memory_space<vmem>>[vector<16xi32>, vector<16xi32>], vector<16xf32>,
            %add3A_608 = vector.broadcast %multiple_of3A : i32 to vector<16xi32>
            %add3A_609 = arith.addi %add3A_608, %iota3A : vector<16xi32>
            tpu.vector_store_idx %arg11[%add3A_609, %broadcast_in_dim3A_606], %gather3A_607 : memref<256x128xf32, #tpu.memory_space<vmem>>[vector<16xi32>, vector<16xi32>], vector<16xf32>,
            %broadcast_in_dim3A_610 = arith.constant 57 : i32
            %broadcast_in_dim3A_611 = vector.broadcast %broadcast_in_dim3A_610 : i32 to vector<16xi32>
            %gather3A_612 = tpu.vector_load_idx %arg8[%broadcast_in_dim3A_611, %min3A_321] : memref<64x384xf32, #tpu.memory_space<vmem>>[vector<16xi32>, vector<16xi32>], vector<16xf32>,
            %add3A_613 = vector.broadcast %multiple_of3A : i32 to vector<16xi32>
            %add3A_614 = arith.addi %add3A_613, %iota3A : vector<16xi32>
            tpu.vector_store_idx %arg11[%add3A_614, %broadcast_in_dim3A_611], %gather3A_612 : memref<256x128xf32, #tpu.memory_space<vmem>>[vector<16xi32>, vector<16xi32>], vector<16xf32>,
            %broadcast_in_dim3A_615 = arith.constant 58 : i32
            %broadcast_in_dim3A_616 = vector.broadcast %broadcast_in_dim3A_615 : i32 to vector<16xi32>
            %gather3A_617 = tpu.vector_load_idx %arg8[%broadcast_in_dim3A_616, %min3A_321] : memref<64x384xf32, #tpu.memory_space<vmem>>[vector<16xi32>, vector<16xi32>], vector<16xf32>,
            %add3A_618 = vector.broadcast %multiple_of3A : i32 to vector<16xi32>
            %add3A_619 = arith.addi %add3A_618, %iota3A : vector<16xi32>
            tpu.vector_store_idx %arg11[%add3A_619, %broadcast_in_dim3A_616], %gather3A_617 : memref<256x128xf32, #tpu.memory_space<vmem>>[vector<16xi32>, vector<16xi32>], vector<16xf32>,
            %broadcast_in_dim3A_620 = arith.constant 59 : i32
            %broadcast_in_dim3A_621 = vector.broadcast %broadcast_in_dim3A_620 : i32 to vector<16xi32>
            %gather3A_622 = tpu.vector_load_idx %arg8[%broadcast_in_dim3A_621, %min3A_321] : memref<64x384xf32, #tpu.memory_space<vmem>>[vector<16xi32>, vector<16xi32>], vector<16xf32>,
            %add3A_623 = vector.broadcast %multiple_of3A : i32 to vector<16xi32>
            %add3A_624 = arith.addi %add3A_623, %iota3A : vector<16xi32>
            tpu.vector_store_idx %arg11[%add3A_624, %broadcast_in_dim3A_621], %gather3A_622 : memref<256x128xf32, #tpu.memory_space<vmem>>[vector<16xi32>, vector<16xi32>], vector<16xf32>,
            %broadcast_in_dim3A_625 = arith.constant 60 : i32
            %broadcast_in_dim3A_626 = vector.broadcast %broadcast_in_dim3A_625 : i32 to vector<16xi32>
            %gather3A_627 = tpu.vector_load_idx %arg8[%broadcast_in_dim3A_626, %min3A_321] : memref<64x384xf32, #tpu.memory_space<vmem>>[vector<16xi32>, vector<16xi32>], vector<16xf32>,
            %add3A_628 = vector.broadcast %multiple_of3A : i32 to vector<16xi32>
            %add3A_629 = arith.addi %add3A_628, %iota3A : vector<16xi32>
            tpu.vector_store_idx %arg11[%add3A_629, %broadcast_in_dim3A_626], %gather3A_627 : memref<256x128xf32, #tpu.memory_space<vmem>>[vector<16xi32>, vector<16xi32>], vector<16xf32>,
            %broadcast_in_dim3A_630 = arith.constant 61 : i32
            %broadcast_in_dim3A_631 = vector.broadcast %broadcast_in_dim3A_630 : i32 to vector<16xi32>
            %gather3A_632 = tpu.vector_load_idx %arg8[%broadcast_in_dim3A_631, %min3A_321] : memref<64x384xf32, #tpu.memory_space<vmem>>[vector<16xi32>, vector<16xi32>], vector<16xf32>,
            %add3A_633 = vector.broadcast %multiple_of3A : i32 to vector<16xi32>
            %add3A_634 = arith.addi %add3A_633, %iota3A : vector<16xi32>
            tpu.vector_store_idx %arg11[%add3A_634, %broadcast_in_dim3A_631], %gather3A_632 : memref<256x128xf32, #tpu.memory_space<vmem>>[vector<16xi32>, vector<16xi32>], vector<16xf32>,
            %broadcast_in_dim3A_635 = arith.constant 62 : i32
            %broadcast_in_dim3A_636 = vector.broadcast %broadcast_in_dim3A_635 : i32 to vector<16xi32>
            %gather3A_637 = tpu.vector_load_idx %arg8[%broadcast_in_dim3A_636, %min3A_321] : memref<64x384xf32, #tpu.memory_space<vmem>>[vector<16xi32>, vector<16xi32>], vector<16xf32>,
            %add3A_638 = vector.broadcast %multiple_of3A : i32 to vector<16xi32>
            %add3A_639 = arith.addi %add3A_638, %iota3A : vector<16xi32>
            tpu.vector_store_idx %arg11[%add3A_639, %broadcast_in_dim3A_636], %gather3A_637 : memref<256x128xf32, #tpu.memory_space<vmem>>[vector<16xi32>, vector<16xi32>], vector<16xf32>,
            %broadcast_in_dim3A_640 = arith.constant 63 : i32
            %broadcast_in_dim3A_641 = vector.broadcast %broadcast_in_dim3A_640 : i32 to vector<16xi32>
            %gather3A_642 = tpu.vector_load_idx %arg8[%broadcast_in_dim3A_641, %min3A_321] : memref<64x384xf32, #tpu.memory_space<vmem>>[vector<16xi32>, vector<16xi32>], vector<16xf32>,
            %add3A_643 = vector.broadcast %multiple_of3A : i32 to vector<16xi32>
            %add3A_644 = arith.addi %add3A_643, %iota3A : vector<16xi32>
            tpu.vector_store_idx %arg11[%add3A_644, %broadcast_in_dim3A_641], %gather3A_642 : memref<256x128xf32, #tpu.memory_space<vmem>>[vector<16xi32>, vector<16xi32>], vector<16xf32>,
            %mul3A_645 = arith.muli %convert_element_type3A_281, %and3A_313 : vector<16xi32>
            %sub3A_646 = arith.constant 1 : i32
            %sub3A_647 = vector.broadcast %sub3A_646 : i32 to vector<16xi32>
            %sub3A_648 = arith.subi %sub3A_647, %convert_element_type3A_281 : vector<16xi32>
            %mul3A_649 = arith.constant 16 : i32
            %mul3A_650 = arith.muli %rem3A_283, %mul3A_649 : i32
            %add3A_651 = arith.constant 16384 : i32
            %add3A_652 = arith.addi %add3A_651, %mul3A_650 : i32
            %add3A_653 = vector.broadcast %add3A_652 : i32 to vector<16xi32>
            %add3A_654 = arith.addi %add3A_653, %iota3A : vector<16xi32>
            %mul3A_655 = arith.muli %sub3A_648, %add3A_654 : vector<16xi32>
            %add3A_656 = arith.addi %mul3A_645, %mul3A_655 : vector<16xi32>
            %eq3A_657 = arith.constant 0 : i32
            %eq3A_658 = arith.cmpi eq, %rem3A_287, %eq3A_657 : i32
            %convert_element_type3A_659 = arith.extui %eq3A_658 : i1 to i32
            %cond3A_660 = arith.constant 0 : i32
            %cond3A_661 = arith.cmpi ne, %convert_element_type3A_659, %cond3A_660 : i32
            scf.if %cond3A_661 {
              %mul3A_685 = arith.constant 16 : i32
              %mul3A_686 = arith.muli %rem3A_283, %mul3A_685 : i32
              %multiple_of3A_687 = tpu.assume_multiple %mul3A_686, 16 : i32
              %swap3A = arith.index_cast %multiple_of3A_687 : i32 to index
              %swap3A_688 = tpu.vector_load %arg12[%swap3A] {strides = array<i32>} : memref<128xi32, #tpu.memory_space<vmem>>, vector<16xi32>,
              tpu.vector_store %arg12[%swap3A], %add3A_656 {strides = array<i32>} : memref<128xi32, #tpu.memory_space<vmem>>, vector<16xi32>,
            } else {
            }
            %eq3A_662 = arith.constant 1 : i32
            %eq3A_663 = arith.cmpi eq, %rem3A_287, %eq3A_662 : i32
            %convert_element_type3A_664 = arith.extui %eq3A_663 : i1 to i32
            %cond3A_665 = arith.constant 0 : i32
            %cond3A_666 = arith.cmpi ne, %convert_element_type3A_664, %cond3A_665 : i32
            scf.if %cond3A_666 {
              %mul3A_685 = arith.constant 16 : i32
              %mul3A_686 = arith.muli %rem3A_283, %mul3A_685 : i32
              %multiple_of3A_687 = tpu.assume_multiple %mul3A_686, 16 : i32
              %swap3A = arith.index_cast %multiple_of3A_687 : i32 to index
              %swap3A_688 = tpu.vector_load %arg13[%swap3A] {strides = array<i32>} : memref<128xi32, #tpu.memory_space<vmem>>, vector<16xi32>,
              tpu.vector_store %arg13[%swap3A], %add3A_656 {strides = array<i32>} : memref<128xi32, #tpu.memory_space<vmem>>, vector<16xi32>,
            } else {
            }
            %eq3A_667 = arith.constant 7 : i32
            %eq3A_668 = arith.cmpi eq, %rem3A_283, %eq3A_667 : i32
            %eq3A_669 = arith.constant 0 : i32
            %eq3A_670 = arith.cmpi eq, %rem3A_287, %eq3A_669 : i32
            %and3A_671 = arith.andi %eq3A_668, %eq3A_670 : i1
            %convert_element_type3A_672 = arith.extui %and3A_671 : i1 to i32
            %cond3A_673 = arith.constant 0 : i32
            %cond3A_674 = arith.cmpi ne, %convert_element_type3A_672, %cond3A_673 : i32
            scf.if %cond3A_674 {
              %dma_start3A = arith.constant 0 : i32
              %dma_start3A_685 = arith.constant 0 : i32
              %dma_start3A_686 = tpu.memref_slice %arg11[%dma_start3A, %dma_start3A_685] : memref<256x128xf32, #tpu.memory_space<vmem>> -> memref<128x128xf32, #tpu.memory_space<vmem>>
              %dma_start3A_687 = arith.constant 0 : i32
              %dma_start3A_688 = arith.constant 0 : i32
              %dma_start3A_689 = tpu.memref_slice %arg5[%dma_start3A_687, %dma_start3A_688] : memref<16512x128xf32, #tpu.memory_space<hbm>> -> memref<16512x128xf32, #tpu.memory_space<hbm>>
              tpu.enqueue_indirect_dma source(%dma_start3A_686 : memref<128x128xf32, #tpu.memory_space<vmem>>) target(%dma_start3A_689 : memref<16512x128xf32, #tpu.memory_space<hbm>>) offsets(%arg12 : memref<128xi32, #tpu.memory_space<vmem>>) semaphore(%arg16 : memref<!tpu.dma_semaphore, #tpu.memory_space<semaphore_mem>>)
            } else {
            }
            %eq3A_675 = arith.constant 7 : i32
            %eq3A_676 = arith.cmpi eq, %rem3A_283, %eq3A_675 : i32
            %eq3A_677 = arith.constant 1 : i32
            %eq3A_678 = arith.cmpi eq, %rem3A_287, %eq3A_677 : i32
            %and3A_679 = arith.andi %eq3A_676, %eq3A_678 : i1
            %convert_element_type3A_680 = arith.extui %and3A_679 : i1 to i32
            %cond3A_681 = arith.constant 0 : i32
            %cond3A_682 = arith.cmpi ne, %convert_element_type3A_680, %cond3A_681 : i32
            scf.if %cond3A_682 {
              %dma_start3A = arith.constant 128 : i32
              %dma_start3A_685 = arith.constant 0 : i32
              %dma_start3A_686 = tpu.memref_slice %arg11[%dma_start3A, %dma_start3A_685] : memref<256x128xf32, #tpu.memory_space<vmem>> -> memref<128x128xf32, #tpu.memory_space<vmem>>
              %dma_start3A_687 = arith.constant 0 : i32
              %dma_start3A_688 = arith.constant 0 : i32
              %dma_start3A_689 = tpu.memref_slice %arg5[%dma_start3A_687, %dma_start3A_688] : memref<16512x128xf32, #tpu.memory_space<hbm>> -> memref<16512x128xf32, #tpu.memory_space<hbm>>
              tpu.enqueue_indirect_dma source(%dma_start3A_686 : memref<128x128xf32, #tpu.memory_space<vmem>>) target(%dma_start3A_689 : memref<16512x128xf32, #tpu.memory_space<hbm>>) offsets(%arg13 : memref<128xi32, #tpu.memory_space<vmem>>) semaphore(%arg17 : memref<!tpu.dma_semaphore, #tpu.memory_space<semaphore_mem>>)
            } else {
            }
            %add3A_683 = arith.constant 1 : i32
            %add3A_684 = arith.addi %while3A_272, %add3A_683 : i32
            scf.yield %add3A_684 : i32
          }
          scf.yield %while3A_270 : i32
        } else {
          scf.yield %scan3A_155 : i32
        }
        scf.yield %cond3A_231 : i32
      } else {
        scf.yield %scan3A_155 : i32
      }
      %add3A_170 = arith.constant 2 : i32
      %add3A_171 = arith.addi %mul3A_157, %add3A_170 : i32
      %lt3A_172 = arith.cmpi slt, %add3A_171, %neg3A_31 : i32
      %convert_element_type3A_173 = arith.extui %lt3A_172 : i1 to i32
      %cond3A_174 = arith.constant 0 : i32
      %cond3A_175 = arith.cmpi ne, %convert_element_type3A_173, %cond3A_174 : i32
      scf.if %cond3A_175 {
        %mul3A_191 = arith.constant 3 : i32
        %mul3A_192 = arith.muli %add3A_171, %mul3A_191 : i32
        %add3A_193 = arith.addi %mul3A_2, %mul3A_192 : i32
        %mul3A_194 = arith.constant 128 : i32
        %mul3A_195 = arith.muli %add3A_193, %mul3A_194 : i32
        %min3A_196 = arith.constant 999552 : i32
        %min3A_197 = arith.minsi %mul3A_195, %min3A_196 : i32
        %multiple_of3A = tpu.assume_multiple %min3A_197, 128 : i32
        %dma_start3A = arith.constant 0 : i32
        %dma_start3A_198 = tpu.memref_slice %arg2[%dma_start3A, %multiple_of3A] : memref<64x1000000xf32, #tpu.memory_space<hbm>> -> memref<64x384xf32, #tpu.memory_space<hbm>>
        %dma_start3A_199 = arith.constant 0 : i32
        %dma_start3A_200 = tpu.memref_slice %arg2[%dma_start3A_199, %multiple_of3A] : memref<64x1000000xf32, #tpu.memory_space<hbm>> -> memref<64x384xf32, #tpu.memory_space<hbm>>
        tpu.enqueue_dma source(%dma_start3A_200 : memref<64x384xf32, #tpu.memory_space<hbm>>) target(%arg8 : memref<64x384xf32, #tpu.memory_space<vmem>>) target_semaphore(%arg14 : memref<!tpu.dma_semaphore, #tpu.memory_space<semaphore_mem>>)
      } else {
      }
      %lt3A_176 = arith.cmpi slt, %add3A_161, %neg3A_31 : i32
      %convert_element_type3A_177 = arith.extui %lt3A_176 : i1 to i32
      %cond3A_178 = arith.constant 0 : i32
      %cond3A_179 = arith.cmpi ne, %convert_element_type3A_177, %cond3A_178 : i32
      scf.if %cond3A_179 {
        %dma_wait3A = arith.constant 0 : i32
        %dma_wait3A_191 = arith.constant 0 : i32
        %dma_wait3A_192 = tpu.memref_slice %arg2[%dma_wait3A, %dma_wait3A_191] : memref<64x1000000xf32, #tpu.memory_space<hbm>> -> memref<64x384xf32, #tpu.memory_space<hbm>>
        %dma_wait3A_193 = arith.constant 0 : i32
        %dma_wait3A_194 = arith.constant 0 : i32
        %dma_wait3A_195 = tpu.memref_slice %arg2[%dma_wait3A_193, %dma_wait3A_194] : memref<64x1000000xf32, #tpu.memory_space<hbm>> -> memref<64x384xf32, #tpu.memory_space<hbm>>
        tpu.wait_dma2 semaphore(%arg15 : memref<!tpu.dma_semaphore, #tpu.memory_space<semaphore_mem>>) src(%dma_wait3A_195 : memref<64x384xf32, #tpu.memory_space<hbm>>) dst(%arg9 : memref<64x384xf32, #tpu.memory_space<vmem>>)
      } else {
      }
      %lt3A_180 = arith.cmpi slt, %add3A_161, %neg3A_31 : i32
      %convert_element_type3A_181 = arith.extui %lt3A_180 : i1 to i32
      %cond3A_182 = arith.constant 0 : i32
      %cond3A_183 = arith.cmpi ne, %convert_element_type3A_181, %cond3A_182 : i32
      %cond3A_184 = scf.if %cond3A_183 -> (i32) {
        %mul3A_191 = arith.constant 384 : i32
        %mul3A_192 = arith.muli %add3A_161, %mul3A_191 : i32
        %add3A_193 = arith.constant 384 : i32
        %add3A_194 = arith.addi %mul3A_192, %add3A_193 : i32
        %sub3A_195 = arith.constant 999936 : i32
        %sub3A_196 = arith.subi %sub3A_195, %mul3A_7 : i32
        %min3A_197 = arith.minsi %add3A_194, %sub3A_196 : i32
        %sub3A_198 = arith.subi %min3A_11, %mul3A_7 : i32
        %jit3A_199 = arith.constant 0 : i32
        %max3A_200 = arith.maxsi %jit3A_199, %min3A_197 : i32
        %min3A_201 = arith.minsi %sub3A_198, %max3A_200 : i32
        %mul3A_202 = arith.constant 3 : i32
        %mul3A_203 = arith.muli %add3A_161, %mul3A_202 : i32
        %add3A_204 = arith.addi %mul3A_2, %mul3A_203 : i32
        %mul3A_205 = arith.constant 128 : i32
        %mul3A_206 = arith.muli %add3A_204, %mul3A_205 : i32
        %min3A_207 = arith.constant 999552 : i32
        %min3A_208 = arith.minsi %mul3A_206, %min3A_207 : i32
        %sub3A_209 = arith.subi %min3A_208, %mul3A_7 : i32
        %shift_left3A_210 = arith.constant 14 : i32
        %shift_left3A_211 = arith.shli %mul3A_192, %shift_left3A_210 : i32
        %shift_left3A_212 = arith.constant 14 : i32
        %shift_left3A_213 = arith.shli %min3A_201, %shift_left3A_212 : i32
        %while3A_214 = arith.constant 0 : i32
        %while3A_215 = arith.constant 0 : i32
        %while3A_216 = arith.subi %neg3A_72, %while3A_214 : i32
        %while3A_217 = arith.addi %while3A_214, %while3A_216 : i32
        %while3A_218 = arith.constant 1 : i32
        %while3A_219 = arith.divsi %while3A_216, %while3A_218 : i32
        %while3A_220 = arith.muli %while3A_219, %while3A_218 : i32
        %while3A_221 = arith.addi %while3A_214, %while3A_220 : i32
        %while3A_222 = arith.constant 1 : i32
        %while3A_223 = scf.for %while3A_232 = %while3A_214 to %while3A_221 step %while3A_222 iter_args(%while3A_233 = %while3A_215) -> (i32)  : i32 {
          %mul3A_234 = arith.constant 16 : i32
          %mul3A_235 = arith.muli %while3A_232, %mul3A_234 : i32
          %get3A = arith.index_cast %mul3A_235 : i32 to index
          %get3A_236 = tpu.vector_load %arg6[%get3A] {strides = array<i32>} : memref<16400xi32, #tpu.memory_space<vmem>>, vector<16xi32>,
          %ge3A = vector.broadcast %shift_left3A_211 : i32 to vector<16xi32>
          %ge3A_237 = arith.cmpi sge, %get3A_236, %ge3A : vector<16xi32>
          %lt3A_238 = vector.broadcast %shift_left3A_213 : i32 to vector<16xi32>
          %lt3A_239 = arith.cmpi slt, %get3A_236, %lt3A_238 : vector<16xi32>
          %and3A_240 = arith.andi %ge3A_237, %lt3A_239 : vector<16xi1>
          %mul3A_241 = arith.constant 16 : i32
          %mul3A_242 = arith.muli %while3A_232, %mul3A_241 : i32
          %sub3A_243 = arith.subi %scan3A_43, %mul3A_242 : i32
          %lt3A_244 = vector.broadcast %sub3A_243 : i32 to vector<16xi32>
          %lt3A_245 = arith.cmpi slt, %iota3A, %lt3A_244 : vector<16xi32>
          %and3A_246 = arith.andi %and3A_240, %lt3A_245 : vector<16xi1>
          %convert_element_type3A_247 = arith.extui %and3A_246 : vector<16xi1> to vector<16xi32>
          %reduce_sum3A = arith.constant true
          %reduce_sum3A_248 = vector.broadcast %reduce_sum3A : i1 to vector<16xi1>
          %reduce_sum3A_249 = tpu.scan <sum>, %convert_element_type3A_247 masked %reduce_sum3A_248 : vector<16xi32>, vector<16xi1> -> vector<16xi32>
          %reduce_sum3A_250 = vector.extract %reduce_sum3A_249[15] : i32 from vector<16xi32>
          %gt3A_251 = arith.constant 0 : i32
          %gt3A_252 = arith.cmpi sgt, %reduce_sum3A_250, %gt3A_251 : i32
          %convert_element_type3A_253 = arith.extui %gt3A_252 : i1 to i32
          %cond3A_254 = arith.constant 0 : i32
          %cond3A_255 = arith.cmpi ne, %convert_element_type3A_253, %cond3A_254 : i32
          %cond3A_256 = scf.if %cond3A_255 -> (i32) {
            %broadcast_in_dim3A = arith.constant true
            %broadcast_in_dim3A_257 = vector.broadcast %broadcast_in_dim3A : i1 to vector<16xi1>
            %masked_cumsum3A = tpu.scan <sum>, %convert_element_type3A_247 masked %broadcast_in_dim3A_257 : vector<16xi32>, vector<16xi1> -> vector<16xi32>
            %sub3A_258 = arith.subi %masked_cumsum3A, %convert_element_type3A_247 : vector<16xi32>
            %add3A_259 = vector.broadcast %while3A_233 : i32 to vector<16xi32>
            %add3A_260 = arith.addi %add3A_259, %sub3A_258 : vector<16xi32>
            %mul3A_261 = arith.muli %convert_element_type3A_247, %add3A_260 : vector<16xi32>
            %sub3A_262 = arith.constant 1 : i32
            %sub3A_263 = vector.broadcast %sub3A_262 : i32 to vector<16xi32>
            %sub3A_264 = arith.subi %sub3A_263, %convert_element_type3A_247 : vector<16xi32>
            %add3A_265 = arith.constant 16384 : i32
            %add3A_266 = vector.broadcast %add3A_265 : i32 to vector<16xi32>
            %add3A_267 = arith.addi %add3A_266, %iota3A : vector<16xi32>
            %mul3A_268 = arith.muli %sub3A_264, %add3A_267 : vector<16xi32>
            %add3A_269 = arith.addi %mul3A_261, %mul3A_268 : vector<16xi32>
            tpu.vector_store_idx %arg7[%add3A_269], %get3A_236 : memref<16400xi32, #tpu.memory_space<vmem>>[vector<16xi32>], vector<16xi32>,
            %add3A_270 = arith.addi %while3A_233, %reduce_sum3A_250 : i32
            scf.yield %add3A_270 : i32
          } else {
            scf.yield %while3A_233 : i32
          }
          scf.yield %cond3A_256 : i32
        }
        %while3A_224 = arith.constant 1 : i32
        %while3A_225 = scf.for %while3A_232 = %while3A_221 to %while3A_217 step %while3A_224 iter_args(%while3A_233 = %while3A_223) -> (i32)  : i32 {
          %mul3A_234 = arith.constant 16 : i32
          %mul3A_235 = arith.muli %while3A_232, %mul3A_234 : i32
          %get3A = arith.index_cast %mul3A_235 : i32 to index
          %get3A_236 = tpu.vector_load %arg6[%get3A] {strides = array<i32>} : memref<16400xi32, #tpu.memory_space<vmem>>, vector<16xi32>,
          %ge3A = vector.broadcast %shift_left3A_211 : i32 to vector<16xi32>
          %ge3A_237 = arith.cmpi sge, %get3A_236, %ge3A : vector<16xi32>
          %lt3A_238 = vector.broadcast %shift_left3A_213 : i32 to vector<16xi32>
          %lt3A_239 = arith.cmpi slt, %get3A_236, %lt3A_238 : vector<16xi32>
          %and3A_240 = arith.andi %ge3A_237, %lt3A_239 : vector<16xi1>
          %mul3A_241 = arith.constant 16 : i32
          %mul3A_242 = arith.muli %while3A_232, %mul3A_241 : i32
          %sub3A_243 = arith.subi %scan3A_43, %mul3A_242 : i32
          %lt3A_244 = vector.broadcast %sub3A_243 : i32 to vector<16xi32>
          %lt3A_245 = arith.cmpi slt, %iota3A, %lt3A_244 : vector<16xi32>
          %and3A_246 = arith.andi %and3A_240, %lt3A_245 : vector<16xi1>
          %convert_element_type3A_247 = arith.extui %and3A_246 : vector<16xi1> to vector<16xi32>
          %reduce_sum3A = arith.constant true
          %reduce_sum3A_248 = vector.broadcast %reduce_sum3A : i1 to vector<16xi1>
          %reduce_sum3A_249 = tpu.scan <sum>, %convert_element_type3A_247 masked %reduce_sum3A_248 : vector<16xi32>, vector<16xi1> -> vector<16xi32>
          %reduce_sum3A_250 = vector.extract %reduce_sum3A_249[15] : i32 from vector<16xi32>
          %gt3A_251 = arith.constant 0 : i32
          %gt3A_252 = arith.cmpi sgt, %reduce_sum3A_250, %gt3A_251 : i32
          %convert_element_type3A_253 = arith.extui %gt3A_252 : i1 to i32
          %cond3A_254 = arith.constant 0 : i32
          %cond3A_255 = arith.cmpi ne, %convert_element_type3A_253, %cond3A_254 : i32
          %cond3A_256 = scf.if %cond3A_255 -> (i32) {
            %broadcast_in_dim3A = arith.constant true
            %broadcast_in_dim3A_257 = vector.broadcast %broadcast_in_dim3A : i1 to vector<16xi1>
            %masked_cumsum3A = tpu.scan <sum>, %convert_element_type3A_247 masked %broadcast_in_dim3A_257 : vector<16xi32>, vector<16xi1> -> vector<16xi32>
            %sub3A_258 = arith.subi %masked_cumsum3A, %convert_element_type3A_247 : vector<16xi32>
            %add3A_259 = vector.broadcast %while3A_233 : i32 to vector<16xi32>
            %add3A_260 = arith.addi %add3A_259, %sub3A_258 : vector<16xi32>
            %mul3A_261 = arith.muli %convert_element_type3A_247, %add3A_260 : vector<16xi32>
            %sub3A_262 = arith.constant 1 : i32
            %sub3A_263 = vector.broadcast %sub3A_262 : i32 to vector<16xi32>
            %sub3A_264 = arith.subi %sub3A_263, %convert_element_type3A_247 : vector<16xi32>
            %add3A_265 = arith.constant 16384 : i32
            %add3A_266 = vector.broadcast %add3A_265 : i32 to vector<16xi32>
            %add3A_267 = arith.addi %add3A_266, %iota3A : vector<16xi32>
            %mul3A_268 = arith.muli %sub3A_264, %add3A_267 : vector<16xi32>
            %add3A_269 = arith.addi %mul3A_261, %mul3A_268 : vector<16xi32>
            tpu.vector_store_idx %arg7[%add3A_269], %get3A_236 : memref<16400xi32, #tpu.memory_space<vmem>>[vector<16xi32>], vector<16xi32>,
            %add3A_270 = arith.addi %while3A_233, %reduce_sum3A_250 : i32
            scf.yield %add3A_270 : i32
          } else {
            scf.yield %while3A_233 : i32
          }
          scf.yield %cond3A_256 : i32
        }
        %gt3A_226 = arith.constant 0 : i32
        %gt3A_227 = arith.cmpi sgt, %while3A_225, %gt3A_226 : i32
        %convert_element_type3A_228 = arith.extui %gt3A_227 : i1 to i32
        %cond3A_229 = arith.constant 0 : i32
        %cond3A_230 = arith.cmpi ne, %convert_element_type3A_228, %cond3A_229 : i32
        %cond3A_231 = scf.if %cond3A_230 -> (i32) {
          %neg3A_232 = arith.constant 0 : i32
          %neg3A_233 = arith.subi %neg3A_232, %while3A_225 : i32
          %jit3A_234 = arith.constant 16 : i32
          %div3A_235 = arith.divsi %neg3A_233, %jit3A_234 : i32
          %sign3A_236 = arith.constant 0 : i32
          %sign3A_237 = arith.cmpi sgt, %neg3A_233, %sign3A_236 : i32
          %sign3A_238 = arith.extui %sign3A_237 : i1 to i32
          %sign3A_239 = arith.constant 0 : i32
          %sign3A_240 = arith.cmpi slt, %neg3A_233, %sign3A_239 : i32
          %sign3A_241 = arith.extui %sign3A_240 : i1 to i32
          %sign3A_242 = arith.subi %sign3A_238, %sign3A_241 : i32
          %sign3A_243 = arith.constant 0 : i32
          %sign3A_244 = arith.cmpi sgt, %jit3A_234, %sign3A_243 : i32
          %sign3A_245 = arith.extui %sign3A_244 : i1 to i32
          %sign3A_246 = arith.constant 0 : i32
          %sign3A_247 = arith.cmpi slt, %jit3A_234, %sign3A_246 : i32
          %sign3A_248 = arith.extui %sign3A_247 : i1 to i32
          %sign3A_249 = arith.subi %sign3A_245, %sign3A_248 : i32
          %ne3A_250 = arith.cmpi ne, %sign3A_242, %sign3A_249 : i32
          %rem3A_251 = arith.remsi %neg3A_233, %jit3A_234 : i32
          %ne3A_252 = arith.constant 0 : i32
          %ne3A_253 = arith.cmpi ne, %rem3A_251, %ne3A_252 : i32
          %and3A_254 = arith.andi %ne3A_250, %ne3A_253 : i1
          %sub3A_255 = arith.constant 1 : i32
          %sub3A_256 = arith.subi %div3A_235, %sub3A_255 : i32
          %select_n3A_257 = arith.select %and3A_254, %sub3A_256, %div3A_235 : i32
          %neg3A_258 = arith.constant 0 : i32
          %neg3A_259 = arith.subi %neg3A_258, %select_n3A_257 : i32
          %while3A_260 = arith.constant 0 : i32
          %while3A_261 = arith.subi %neg3A_259, %while3A_260 : i32
          %while3A_262 = arith.addi %while3A_260, %while3A_261 : i32
          %while3A_263 = arith.constant 1 : i32
          %while3A_264 = arith.divsi %while3A_261, %while3A_263 : i32
          %while3A_265 = arith.muli %while3A_264, %while3A_263 : i32
          %while3A_266 = arith.addi %while3A_260, %while3A_265 : i32
          %while3A_267 = arith.constant 1 : i32
          %while3A_268 = scf.for %while3A_271 = %while3A_260 to %while3A_266 step %while3A_267 iter_args(%while3A_272 = %cond3A_169) -> (i32)  : i32 {
            %mul3A_273 = arith.constant 16 : i32
            %mul3A_274 = arith.muli %while3A_271, %mul3A_273 : i32
            %get3A = arith.index_cast %mul3A_274 : i32 to index
            %get3A_275 = tpu.vector_load %arg7[%get3A] {strides = array<i32>} : memref<16400xi32, #tpu.memory_space<vmem>>, vector<16xi32>,
            %mul3A_276 = arith.constant 16 : i32
            %mul3A_277 = arith.muli %while3A_271, %mul3A_276 : i32
            %sub3A_278 = arith.subi %while3A_225, %mul3A_277 : i32
            %lt3A_279 = vector.broadcast %sub3A_278 : i32 to vector<16xi32>
            %lt3A_280 = arith.cmpi slt, %iota3A, %lt3A_279 : vector<16xi32>
            %convert_element_type3A_281 = arith.extui %lt3A_280 : vector<16xi1> to vector<16xi32>
            %rem3A_282 = arith.constant 8 : i32
            %rem3A_283 = arith.remsi %while3A_272, %rem3A_282 : i32
            %div3A_284 = arith.constant 8 : i32
            %div3A_285 = arith.divsi %while3A_272, %div3A_284 : i32
            %rem3A_286 = arith.constant 2 : i32
            %rem3A_287 = arith.remsi %div3A_285, %rem3A_286 : i32
            %eq3A_288 = arith.constant 0 : i32
            %eq3A_289 = arith.cmpi eq, %rem3A_283, %eq3A_288 : i32
            %ge3A = arith.constant 16 : i32
            %ge3A_290 = arith.cmpi sge, %while3A_272, %ge3A : i32
            %and3A_291 = arith.andi %eq3A_289, %ge3A_290 : i1
            %eq3A_292 = arith.constant 0 : i32
            %eq3A_293 = arith.cmpi eq, %rem3A_287, %eq3A_292 : i32
            %and3A_294 = arith.andi %and3A_291, %eq3A_293 : i1
            %convert_element_type3A_295 = arith.extui %and3A_294 : i1 to i32
            %cond3A_296 = arith.constant 0 : i32
            %cond3A_297 = arith.cmpi ne, %convert_element_type3A_295, %cond3A_296 : i32
            scf.if %cond3A_297 {
              %dma_wait3A = arith.constant 0 : i32
              %dma_wait3A_685 = arith.constant 0 : i32
              %dma_wait3A_686 = tpu.memref_slice %arg11[%dma_wait3A, %dma_wait3A_685] : memref<256x128xf32, #tpu.memory_space<vmem>> -> memref<128x128xf32, #tpu.memory_space<vmem>>
              %dma_wait3A_687 = arith.constant 0 : i32
              %dma_wait3A_688 = arith.constant 0 : i32
              %dma_wait3A_689 = tpu.memref_slice %arg5[%dma_wait3A_687, %dma_wait3A_688] : memref<16512x128xf32, #tpu.memory_space<hbm>> -> memref<128x128xf32, #tpu.memory_space<hbm>>
              %dma_wait3A_690 = arith.constant 0 : i32
              %dma_wait3A_691 = arith.constant 0 : i32
              %dma_wait3A_692 = tpu.memref_slice %arg11[%dma_wait3A_690, %dma_wait3A_691] : memref<256x128xf32, #tpu.memory_space<vmem>> -> memref<128x128xf32, #tpu.memory_space<vmem>>
              %dma_wait3A_693 = arith.constant 0 : i32
              %dma_wait3A_694 = arith.constant 0 : i32
              %dma_wait3A_695 = tpu.memref_slice %arg5[%dma_wait3A_693, %dma_wait3A_694] : memref<16512x128xf32, #tpu.memory_space<hbm>> -> memref<128x128xf32, #tpu.memory_space<hbm>>
              tpu.wait_dma2 semaphore(%arg16 : memref<!tpu.dma_semaphore, #tpu.memory_space<semaphore_mem>>) src(%dma_wait3A_695 : memref<128x128xf32, #tpu.memory_space<hbm>>) dst(%dma_wait3A_692 : memref<128x128xf32, #tpu.memory_space<vmem>>)
            } else {
            }
            %eq3A_298 = arith.constant 0 : i32
            %eq3A_299 = arith.cmpi eq, %rem3A_283, %eq3A_298 : i32
            %ge3A_300 = arith.constant 16 : i32
            %ge3A_301 = arith.cmpi sge, %while3A_272, %ge3A_300 : i32
            %and3A_302 = arith.andi %eq3A_299, %ge3A_301 : i1
            %eq3A_303 = arith.constant 1 : i32
            %eq3A_304 = arith.cmpi eq, %rem3A_287, %eq3A_303 : i32
            %and3A_305 = arith.andi %and3A_302, %eq3A_304 : i1
            %convert_element_type3A_306 = arith.extui %and3A_305 : i1 to i32
            %cond3A_307 = arith.constant 0 : i32
            %cond3A_308 = arith.cmpi ne, %convert_element_type3A_306, %cond3A_307 : i32
            scf.if %cond3A_308 {
              %dma_wait3A = arith.constant 0 : i32
              %dma_wait3A_685 = arith.constant 0 : i32
              %dma_wait3A_686 = tpu.memref_slice %arg11[%dma_wait3A, %dma_wait3A_685] : memref<256x128xf32, #tpu.memory_space<vmem>> -> memref<128x128xf32, #tpu.memory_space<vmem>>
              %dma_wait3A_687 = arith.constant 0 : i32
              %dma_wait3A_688 = arith.constant 0 : i32
              %dma_wait3A_689 = tpu.memref_slice %arg5[%dma_wait3A_687, %dma_wait3A_688] : memref<16512x128xf32, #tpu.memory_space<hbm>> -> memref<128x128xf32, #tpu.memory_space<hbm>>
              %dma_wait3A_690 = arith.constant 0 : i32
              %dma_wait3A_691 = arith.constant 0 : i32
              %dma_wait3A_692 = tpu.memref_slice %arg11[%dma_wait3A_690, %dma_wait3A_691] : memref<256x128xf32, #tpu.memory_space<vmem>> -> memref<128x128xf32, #tpu.memory_space<vmem>>
              %dma_wait3A_693 = arith.constant 0 : i32
              %dma_wait3A_694 = arith.constant 0 : i32
              %dma_wait3A_695 = tpu.memref_slice %arg5[%dma_wait3A_693, %dma_wait3A_694] : memref<16512x128xf32, #tpu.memory_space<hbm>> -> memref<128x128xf32, #tpu.memory_space<hbm>>
              tpu.wait_dma2 semaphore(%arg17 : memref<!tpu.dma_semaphore, #tpu.memory_space<semaphore_mem>>) src(%dma_wait3A_695 : memref<128x128xf32, #tpu.memory_space<hbm>>) dst(%dma_wait3A_692 : memref<128x128xf32, #tpu.memory_space<vmem>>)
            } else {
            }
            %shift_right_logical3A = arith.constant 14 : i32
            %shift_right_logical3A_309 = vector.broadcast %shift_right_logical3A : i32 to vector<16xi32>
            %shift_right_logical3A_310 = arith.shrui %get3A_275, %shift_right_logical3A_309 : vector<16xi32>
            %and3A_311 = arith.constant 16383 : i32
            %and3A_312 = vector.broadcast %and3A_311 : i32 to vector<16xi32>
            %and3A_313 = arith.andi %get3A_275, %and3A_312 : vector<16xi32>
            %sub3A_314 = vector.broadcast %sub3A_209 : i32 to vector<16xi32>
            %sub3A_315 = arith.subi %shift_right_logical3A_310, %sub3A_314 : vector<16xi32>
            %jit3A_316 = arith.constant 0 : i32
            %jit3A_317 = arith.constant 383 : i32
            %max3A_318 = vector.broadcast %jit3A_316 : i32 to vector<16xi32>
            %max3A_319 = arith.maxsi %max3A_318, %sub3A_315 : vector<16xi32>
            %min3A_320 = vector.broadcast %jit3A_317 : i32 to vector<16xi32>
            %min3A_321 = arith.minsi %min3A_320, %max3A_319 : vector<16xi32>
            %mul3A_322 = arith.constant 8 : i32
            %mul3A_323 = arith.muli %rem3A_287, %mul3A_322 : i32
            %add3A_324 = arith.addi %mul3A_323, %rem3A_283 : i32
            %mul3A_325 = arith.constant 16 : i32
            %mul3A_326 = arith.muli %add3A_324, %mul3A_325 : i32
            %multiple_of3A = tpu.assume_multiple %mul3A_326, 16 : i32
            %broadcast_in_dim3A = arith.constant 0 : i32
            %broadcast_in_dim3A_327 = vector.broadcast %broadcast_in_dim3A : i32 to vector<16xi32>
            %gather3A = tpu.vector_load_idx %arg9[%broadcast_in_dim3A_327, %min3A_321] : memref<64x384xf32, #tpu.memory_space<vmem>>[vector<16xi32>, vector<16xi32>], vector<16xf32>,
            %add3A_328 = vector.broadcast %multiple_of3A : i32 to vector<16xi32>
            %add3A_329 = arith.addi %add3A_328, %iota3A : vector<16xi32>
            tpu.vector_store_idx %arg11[%add3A_329, %broadcast_in_dim3A_327], %gather3A : memref<256x128xf32, #tpu.memory_space<vmem>>[vector<16xi32>, vector<16xi32>], vector<16xf32>,
            %broadcast_in_dim3A_330 = arith.constant 1 : i32
            %broadcast_in_dim3A_331 = vector.broadcast %broadcast_in_dim3A_330 : i32 to vector<16xi32>
            %gather3A_332 = tpu.vector_load_idx %arg9[%broadcast_in_dim3A_331, %min3A_321] : memref<64x384xf32, #tpu.memory_space<vmem>>[vector<16xi32>, vector<16xi32>], vector<16xf32>,
            %add3A_333 = vector.broadcast %multiple_of3A : i32 to vector<16xi32>
            %add3A_334 = arith.addi %add3A_333, %iota3A : vector<16xi32>
            tpu.vector_store_idx %arg11[%add3A_334, %broadcast_in_dim3A_331], %gather3A_332 : memref<256x128xf32, #tpu.memory_space<vmem>>[vector<16xi32>, vector<16xi32>], vector<16xf32>,
            %broadcast_in_dim3A_335 = arith.constant 2 : i32
            %broadcast_in_dim3A_336 = vector.broadcast %broadcast_in_dim3A_335 : i32 to vector<16xi32>
            %gather3A_337 = tpu.vector_load_idx %arg9[%broadcast_in_dim3A_336, %min3A_321] : memref<64x384xf32, #tpu.memory_space<vmem>>[vector<16xi32>, vector<16xi32>], vector<16xf32>,
            %add3A_338 = vector.broadcast %multiple_of3A : i32 to vector<16xi32>
            %add3A_339 = arith.addi %add3A_338, %iota3A : vector<16xi32>
            tpu.vector_store_idx %arg11[%add3A_339, %broadcast_in_dim3A_336], %gather3A_337 : memref<256x128xf32, #tpu.memory_space<vmem>>[vector<16xi32>, vector<16xi32>], vector<16xf32>,
            %broadcast_in_dim3A_340 = arith.constant 3 : i32
            %broadcast_in_dim3A_341 = vector.broadcast %broadcast_in_dim3A_340 : i32 to vector<16xi32>
            %gather3A_342 = tpu.vector_load_idx %arg9[%broadcast_in_dim3A_341, %min3A_321] : memref<64x384xf32, #tpu.memory_space<vmem>>[vector<16xi32>, vector<16xi32>], vector<16xf32>,
            %add3A_343 = vector.broadcast %multiple_of3A : i32 to vector<16xi32>
            %add3A_344 = arith.addi %add3A_343, %iota3A : vector<16xi32>
            tpu.vector_store_idx %arg11[%add3A_344, %broadcast_in_dim3A_341], %gather3A_342 : memref<256x128xf32, #tpu.memory_space<vmem>>[vector<16xi32>, vector<16xi32>], vector<16xf32>,
            %broadcast_in_dim3A_345 = arith.constant 4 : i32
            %broadcast_in_dim3A_346 = vector.broadcast %broadcast_in_dim3A_345 : i32 to vector<16xi32>
            %gather3A_347 = tpu.vector_load_idx %arg9[%broadcast_in_dim3A_346, %min3A_321] : memref<64x384xf32, #tpu.memory_space<vmem>>[vector<16xi32>, vector<16xi32>], vector<16xf32>,
            %add3A_348 = vector.broadcast %multiple_of3A : i32 to vector<16xi32>
            %add3A_349 = arith.addi %add3A_348, %iota3A : vector<16xi32>
            tpu.vector_store_idx %arg11[%add3A_349, %broadcast_in_dim3A_346], %gather3A_347 : memref<256x128xf32, #tpu.memory_space<vmem>>[vector<16xi32>, vector<16xi32>], vector<16xf32>,
            %broadcast_in_dim3A_350 = arith.constant 5 : i32
            %broadcast_in_dim3A_351 = vector.broadcast %broadcast_in_dim3A_350 : i32 to vector<16xi32>
            %gather3A_352 = tpu.vector_load_idx %arg9[%broadcast_in_dim3A_351, %min3A_321] : memref<64x384xf32, #tpu.memory_space<vmem>>[vector<16xi32>, vector<16xi32>], vector<16xf32>,
            %add3A_353 = vector.broadcast %multiple_of3A : i32 to vector<16xi32>
            %add3A_354 = arith.addi %add3A_353, %iota3A : vector<16xi32>
            tpu.vector_store_idx %arg11[%add3A_354, %broadcast_in_dim3A_351], %gather3A_352 : memref<256x128xf32, #tpu.memory_space<vmem>>[vector<16xi32>, vector<16xi32>], vector<16xf32>,
            %broadcast_in_dim3A_355 = arith.constant 6 : i32
            %broadcast_in_dim3A_356 = vector.broadcast %broadcast_in_dim3A_355 : i32 to vector<16xi32>
            %gather3A_357 = tpu.vector_load_idx %arg9[%broadcast_in_dim3A_356, %min3A_321] : memref<64x384xf32, #tpu.memory_space<vmem>>[vector<16xi32>, vector<16xi32>], vector<16xf32>,
            %add3A_358 = vector.broadcast %multiple_of3A : i32 to vector<16xi32>
            %add3A_359 = arith.addi %add3A_358, %iota3A : vector<16xi32>
            tpu.vector_store_idx %arg11[%add3A_359, %broadcast_in_dim3A_356], %gather3A_357 : memref<256x128xf32, #tpu.memory_space<vmem>>[vector<16xi32>, vector<16xi32>], vector<16xf32>,
            %broadcast_in_dim3A_360 = arith.constant 7 : i32
            %broadcast_in_dim3A_361 = vector.broadcast %broadcast_in_dim3A_360 : i32 to vector<16xi32>
            %gather3A_362 = tpu.vector_load_idx %arg9[%broadcast_in_dim3A_361, %min3A_321] : memref<64x384xf32, #tpu.memory_space<vmem>>[vector<16xi32>, vector<16xi32>], vector<16xf32>,
            %add3A_363 = vector.broadcast %multiple_of3A : i32 to vector<16xi32>
            %add3A_364 = arith.addi %add3A_363, %iota3A : vector<16xi32>
            tpu.vector_store_idx %arg11[%add3A_364, %broadcast_in_dim3A_361], %gather3A_362 : memref<256x128xf32, #tpu.memory_space<vmem>>[vector<16xi32>, vector<16xi32>], vector<16xf32>,
            %broadcast_in_dim3A_365 = arith.constant 8 : i32
            %broadcast_in_dim3A_366 = vector.broadcast %broadcast_in_dim3A_365 : i32 to vector<16xi32>
            %gather3A_367 = tpu.vector_load_idx %arg9[%broadcast_in_dim3A_366, %min3A_321] : memref<64x384xf32, #tpu.memory_space<vmem>>[vector<16xi32>, vector<16xi32>], vector<16xf32>,
            %add3A_368 = vector.broadcast %multiple_of3A : i32 to vector<16xi32>
            %add3A_369 = arith.addi %add3A_368, %iota3A : vector<16xi32>
            tpu.vector_store_idx %arg11[%add3A_369, %broadcast_in_dim3A_366], %gather3A_367 : memref<256x128xf32, #tpu.memory_space<vmem>>[vector<16xi32>, vector<16xi32>], vector<16xf32>,
            %broadcast_in_dim3A_370 = arith.constant 9 : i32
            %broadcast_in_dim3A_371 = vector.broadcast %broadcast_in_dim3A_370 : i32 to vector<16xi32>
            %gather3A_372 = tpu.vector_load_idx %arg9[%broadcast_in_dim3A_371, %min3A_321] : memref<64x384xf32, #tpu.memory_space<vmem>>[vector<16xi32>, vector<16xi32>], vector<16xf32>,
            %add3A_373 = vector.broadcast %multiple_of3A : i32 to vector<16xi32>
            %add3A_374 = arith.addi %add3A_373, %iota3A : vector<16xi32>
            tpu.vector_store_idx %arg11[%add3A_374, %broadcast_in_dim3A_371], %gather3A_372 : memref<256x128xf32, #tpu.memory_space<vmem>>[vector<16xi32>, vector<16xi32>], vector<16xf32>,
            %broadcast_in_dim3A_375 = arith.constant 10 : i32
            %broadcast_in_dim3A_376 = vector.broadcast %broadcast_in_dim3A_375 : i32 to vector<16xi32>
            %gather3A_377 = tpu.vector_load_idx %arg9[%broadcast_in_dim3A_376, %min3A_321] : memref<64x384xf32, #tpu.memory_space<vmem>>[vector<16xi32>, vector<16xi32>], vector<16xf32>,
            %add3A_378 = vector.broadcast %multiple_of3A : i32 to vector<16xi32>
            %add3A_379 = arith.addi %add3A_378, %iota3A : vector<16xi32>
            tpu.vector_store_idx %arg11[%add3A_379, %broadcast_in_dim3A_376], %gather3A_377 : memref<256x128xf32, #tpu.memory_space<vmem>>[vector<16xi32>, vector<16xi32>], vector<16xf32>,
            %broadcast_in_dim3A_380 = arith.constant 11 : i32
            %broadcast_in_dim3A_381 = vector.broadcast %broadcast_in_dim3A_380 : i32 to vector<16xi32>
            %gather3A_382 = tpu.vector_load_idx %arg9[%broadcast_in_dim3A_381, %min3A_321] : memref<64x384xf32, #tpu.memory_space<vmem>>[vector<16xi32>, vector<16xi32>], vector<16xf32>,
            %add3A_383 = vector.broadcast %multiple_of3A : i32 to vector<16xi32>
            %add3A_384 = arith.addi %add3A_383, %iota3A : vector<16xi32>
            tpu.vector_store_idx %arg11[%add3A_384, %broadcast_in_dim3A_381], %gather3A_382 : memref<256x128xf32, #tpu.memory_space<vmem>>[vector<16xi32>, vector<16xi32>], vector<16xf32>,
            %broadcast_in_dim3A_385 = arith.constant 12 : i32
            %broadcast_in_dim3A_386 = vector.broadcast %broadcast_in_dim3A_385 : i32 to vector<16xi32>
            %gather3A_387 = tpu.vector_load_idx %arg9[%broadcast_in_dim3A_386, %min3A_321] : memref<64x384xf32, #tpu.memory_space<vmem>>[vector<16xi32>, vector<16xi32>], vector<16xf32>,
            %add3A_388 = vector.broadcast %multiple_of3A : i32 to vector<16xi32>
            %add3A_389 = arith.addi %add3A_388, %iota3A : vector<16xi32>
            tpu.vector_store_idx %arg11[%add3A_389, %broadcast_in_dim3A_386], %gather3A_387 : memref<256x128xf32, #tpu.memory_space<vmem>>[vector<16xi32>, vector<16xi32>], vector<16xf32>,
            %broadcast_in_dim3A_390 = arith.constant 13 : i32
            %broadcast_in_dim3A_391 = vector.broadcast %broadcast_in_dim3A_390 : i32 to vector<16xi32>
            %gather3A_392 = tpu.vector_load_idx %arg9[%broadcast_in_dim3A_391, %min3A_321] : memref<64x384xf32, #tpu.memory_space<vmem>>[vector<16xi32>, vector<16xi32>], vector<16xf32>,
            %add3A_393 = vector.broadcast %multiple_of3A : i32 to vector<16xi32>
            %add3A_394 = arith.addi %add3A_393, %iota3A : vector<16xi32>
            tpu.vector_store_idx %arg11[%add3A_394, %broadcast_in_dim3A_391], %gather3A_392 : memref<256x128xf32, #tpu.memory_space<vmem>>[vector<16xi32>, vector<16xi32>], vector<16xf32>,
            %broadcast_in_dim3A_395 = arith.constant 14 : i32
            %broadcast_in_dim3A_396 = vector.broadcast %broadcast_in_dim3A_395 : i32 to vector<16xi32>
            %gather3A_397 = tpu.vector_load_idx %arg9[%broadcast_in_dim3A_396, %min3A_321] : memref<64x384xf32, #tpu.memory_space<vmem>>[vector<16xi32>, vector<16xi32>], vector<16xf32>,
            %add3A_398 = vector.broadcast %multiple_of3A : i32 to vector<16xi32>
            %add3A_399 = arith.addi %add3A_398, %iota3A : vector<16xi32>
            tpu.vector_store_idx %arg11[%add3A_399, %broadcast_in_dim3A_396], %gather3A_397 : memref<256x128xf32, #tpu.memory_space<vmem>>[vector<16xi32>, vector<16xi32>], vector<16xf32>,
            %broadcast_in_dim3A_400 = arith.constant 15 : i32
            %broadcast_in_dim3A_401 = vector.broadcast %broadcast_in_dim3A_400 : i32 to vector<16xi32>
            %gather3A_402 = tpu.vector_load_idx %arg9[%broadcast_in_dim3A_401, %min3A_321] : memref<64x384xf32, #tpu.memory_space<vmem>>[vector<16xi32>, vector<16xi32>], vector<16xf32>,
            %add3A_403 = vector.broadcast %multiple_of3A : i32 to vector<16xi32>
            %add3A_404 = arith.addi %add3A_403, %iota3A : vector<16xi32>
            tpu.vector_store_idx %arg11[%add3A_404, %broadcast_in_dim3A_401], %gather3A_402 : memref<256x128xf32, #tpu.memory_space<vmem>>[vector<16xi32>, vector<16xi32>], vector<16xf32>,
            %broadcast_in_dim3A_405 = arith.constant 16 : i32
            %broadcast_in_dim3A_406 = vector.broadcast %broadcast_in_dim3A_405 : i32 to vector<16xi32>
            %gather3A_407 = tpu.vector_load_idx %arg9[%broadcast_in_dim3A_406, %min3A_321] : memref<64x384xf32, #tpu.memory_space<vmem>>[vector<16xi32>, vector<16xi32>], vector<16xf32>,
            %add3A_408 = vector.broadcast %multiple_of3A : i32 to vector<16xi32>
            %add3A_409 = arith.addi %add3A_408, %iota3A : vector<16xi32>
            tpu.vector_store_idx %arg11[%add3A_409, %broadcast_in_dim3A_406], %gather3A_407 : memref<256x128xf32, #tpu.memory_space<vmem>>[vector<16xi32>, vector<16xi32>], vector<16xf32>,
            %broadcast_in_dim3A_410 = arith.constant 17 : i32
            %broadcast_in_dim3A_411 = vector.broadcast %broadcast_in_dim3A_410 : i32 to vector<16xi32>
            %gather3A_412 = tpu.vector_load_idx %arg9[%broadcast_in_dim3A_411, %min3A_321] : memref<64x384xf32, #tpu.memory_space<vmem>>[vector<16xi32>, vector<16xi32>], vector<16xf32>,
            %add3A_413 = vector.broadcast %multiple_of3A : i32 to vector<16xi32>
            %add3A_414 = arith.addi %add3A_413, %iota3A : vector<16xi32>
            tpu.vector_store_idx %arg11[%add3A_414, %broadcast_in_dim3A_411], %gather3A_412 : memref<256x128xf32, #tpu.memory_space<vmem>>[vector<16xi32>, vector<16xi32>], vector<16xf32>,
            %broadcast_in_dim3A_415 = arith.constant 18 : i32
            %broadcast_in_dim3A_416 = vector.broadcast %broadcast_in_dim3A_415 : i32 to vector<16xi32>
            %gather3A_417 = tpu.vector_load_idx %arg9[%broadcast_in_dim3A_416, %min3A_321] : memref<64x384xf32, #tpu.memory_space<vmem>>[vector<16xi32>, vector<16xi32>], vector<16xf32>,
            %add3A_418 = vector.broadcast %multiple_of3A : i32 to vector<16xi32>
            %add3A_419 = arith.addi %add3A_418, %iota3A : vector<16xi32>
            tpu.vector_store_idx %arg11[%add3A_419, %broadcast_in_dim3A_416], %gather3A_417 : memref<256x128xf32, #tpu.memory_space<vmem>>[vector<16xi32>, vector<16xi32>], vector<16xf32>,
            %broadcast_in_dim3A_420 = arith.constant 19 : i32
            %broadcast_in_dim3A_421 = vector.broadcast %broadcast_in_dim3A_420 : i32 to vector<16xi32>
            %gather3A_422 = tpu.vector_load_idx %arg9[%broadcast_in_dim3A_421, %min3A_321] : memref<64x384xf32, #tpu.memory_space<vmem>>[vector<16xi32>, vector<16xi32>], vector<16xf32>,
            %add3A_423 = vector.broadcast %multiple_of3A : i32 to vector<16xi32>
            %add3A_424 = arith.addi %add3A_423, %iota3A : vector<16xi32>
            tpu.vector_store_idx %arg11[%add3A_424, %broadcast_in_dim3A_421], %gather3A_422 : memref<256x128xf32, #tpu.memory_space<vmem>>[vector<16xi32>, vector<16xi32>], vector<16xf32>,
            %broadcast_in_dim3A_425 = arith.constant 20 : i32
            %broadcast_in_dim3A_426 = vector.broadcast %broadcast_in_dim3A_425 : i32 to vector<16xi32>
            %gather3A_427 = tpu.vector_load_idx %arg9[%broadcast_in_dim3A_426, %min3A_321] : memref<64x384xf32, #tpu.memory_space<vmem>>[vector<16xi32>, vector<16xi32>], vector<16xf32>,
            %add3A_428 = vector.broadcast %multiple_of3A : i32 to vector<16xi32>
            %add3A_429 = arith.addi %add3A_428, %iota3A : vector<16xi32>
            tpu.vector_store_idx %arg11[%add3A_429, %broadcast_in_dim3A_426], %gather3A_427 : memref<256x128xf32, #tpu.memory_space<vmem>>[vector<16xi32>, vector<16xi32>], vector<16xf32>,
            %broadcast_in_dim3A_430 = arith.constant 21 : i32
            %broadcast_in_dim3A_431 = vector.broadcast %broadcast_in_dim3A_430 : i32 to vector<16xi32>
            %gather3A_432 = tpu.vector_load_idx %arg9[%broadcast_in_dim3A_431, %min3A_321] : memref<64x384xf32, #tpu.memory_space<vmem>>[vector<16xi32>, vector<16xi32>], vector<16xf32>,
            %add3A_433 = vector.broadcast %multiple_of3A : i32 to vector<16xi32>
            %add3A_434 = arith.addi %add3A_433, %iota3A : vector<16xi32>
            tpu.vector_store_idx %arg11[%add3A_434, %broadcast_in_dim3A_431], %gather3A_432 : memref<256x128xf32, #tpu.memory_space<vmem>>[vector<16xi32>, vector<16xi32>], vector<16xf32>,
            %broadcast_in_dim3A_435 = arith.constant 22 : i32
            %broadcast_in_dim3A_436 = vector.broadcast %broadcast_in_dim3A_435 : i32 to vector<16xi32>
            %gather3A_437 = tpu.vector_load_idx %arg9[%broadcast_in_dim3A_436, %min3A_321] : memref<64x384xf32, #tpu.memory_space<vmem>>[vector<16xi32>, vector<16xi32>], vector<16xf32>,
            %add3A_438 = vector.broadcast %multiple_of3A : i32 to vector<16xi32>
            %add3A_439 = arith.addi %add3A_438, %iota3A : vector<16xi32>
            tpu.vector_store_idx %arg11[%add3A_439, %broadcast_in_dim3A_436], %gather3A_437 : memref<256x128xf32, #tpu.memory_space<vmem>>[vector<16xi32>, vector<16xi32>], vector<16xf32>,
            %broadcast_in_dim3A_440 = arith.constant 23 : i32
            %broadcast_in_dim3A_441 = vector.broadcast %broadcast_in_dim3A_440 : i32 to vector<16xi32>
            %gather3A_442 = tpu.vector_load_idx %arg9[%broadcast_in_dim3A_441, %min3A_321] : memref<64x384xf32, #tpu.memory_space<vmem>>[vector<16xi32>, vector<16xi32>], vector<16xf32>,
            %add3A_443 = vector.broadcast %multiple_of3A : i32 to vector<16xi32>
            %add3A_444 = arith.addi %add3A_443, %iota3A : vector<16xi32>
            tpu.vector_store_idx %arg11[%add3A_444, %broadcast_in_dim3A_441], %gather3A_442 : memref<256x128xf32, #tpu.memory_space<vmem>>[vector<16xi32>, vector<16xi32>], vector<16xf32>,
            %broadcast_in_dim3A_445 = arith.constant 24 : i32
            %broadcast_in_dim3A_446 = vector.broadcast %broadcast_in_dim3A_445 : i32 to vector<16xi32>
            %gather3A_447 = tpu.vector_load_idx %arg9[%broadcast_in_dim3A_446, %min3A_321] : memref<64x384xf32, #tpu.memory_space<vmem>>[vector<16xi32>, vector<16xi32>], vector<16xf32>,
            %add3A_448 = vector.broadcast %multiple_of3A : i32 to vector<16xi32>
            %add3A_449 = arith.addi %add3A_448, %iota3A : vector<16xi32>
            tpu.vector_store_idx %arg11[%add3A_449, %broadcast_in_dim3A_446], %gather3A_447 : memref<256x128xf32, #tpu.memory_space<vmem>>[vector<16xi32>, vector<16xi32>], vector<16xf32>,
            %broadcast_in_dim3A_450 = arith.constant 25 : i32
            %broadcast_in_dim3A_451 = vector.broadcast %broadcast_in_dim3A_450 : i32 to vector<16xi32>
            %gather3A_452 = tpu.vector_load_idx %arg9[%broadcast_in_dim3A_451, %min3A_321] : memref<64x384xf32, #tpu.memory_space<vmem>>[vector<16xi32>, vector<16xi32>], vector<16xf32>,
            %add3A_453 = vector.broadcast %multiple_of3A : i32 to vector<16xi32>
            %add3A_454 = arith.addi %add3A_453, %iota3A : vector<16xi32>
            tpu.vector_store_idx %arg11[%add3A_454, %broadcast_in_dim3A_451], %gather3A_452 : memref<256x128xf32, #tpu.memory_space<vmem>>[vector<16xi32>, vector<16xi32>], vector<16xf32>,
            %broadcast_in_dim3A_455 = arith.constant 26 : i32
            %broadcast_in_dim3A_456 = vector.broadcast %broadcast_in_dim3A_455 : i32 to vector<16xi32>
            %gather3A_457 = tpu.vector_load_idx %arg9[%broadcast_in_dim3A_456, %min3A_321] : memref<64x384xf32, #tpu.memory_space<vmem>>[vector<16xi32>, vector<16xi32>], vector<16xf32>,
            %add3A_458 = vector.broadcast %multiple_of3A : i32 to vector<16xi32>
            %add3A_459 = arith.addi %add3A_458, %iota3A : vector<16xi32>
            tpu.vector_store_idx %arg11[%add3A_459, %broadcast_in_dim3A_456], %gather3A_457 : memref<256x128xf32, #tpu.memory_space<vmem>>[vector<16xi32>, vector<16xi32>], vector<16xf32>,
            %broadcast_in_dim3A_460 = arith.constant 27 : i32
            %broadcast_in_dim3A_461 = vector.broadcast %broadcast_in_dim3A_460 : i32 to vector<16xi32>
            %gather3A_462 = tpu.vector_load_idx %arg9[%broadcast_in_dim3A_461, %min3A_321] : memref<64x384xf32, #tpu.memory_space<vmem>>[vector<16xi32>, vector<16xi32>], vector<16xf32>,
            %add3A_463 = vector.broadcast %multiple_of3A : i32 to vector<16xi32>
            %add3A_464 = arith.addi %add3A_463, %iota3A : vector<16xi32>
            tpu.vector_store_idx %arg11[%add3A_464, %broadcast_in_dim3A_461], %gather3A_462 : memref<256x128xf32, #tpu.memory_space<vmem>>[vector<16xi32>, vector<16xi32>], vector<16xf32>,
            %broadcast_in_dim3A_465 = arith.constant 28 : i32
            %broadcast_in_dim3A_466 = vector.broadcast %broadcast_in_dim3A_465 : i32 to vector<16xi32>
            %gather3A_467 = tpu.vector_load_idx %arg9[%broadcast_in_dim3A_466, %min3A_321] : memref<64x384xf32, #tpu.memory_space<vmem>>[vector<16xi32>, vector<16xi32>], vector<16xf32>,
            %add3A_468 = vector.broadcast %multiple_of3A : i32 to vector<16xi32>
            %add3A_469 = arith.addi %add3A_468, %iota3A : vector<16xi32>
            tpu.vector_store_idx %arg11[%add3A_469, %broadcast_in_dim3A_466], %gather3A_467 : memref<256x128xf32, #tpu.memory_space<vmem>>[vector<16xi32>, vector<16xi32>], vector<16xf32>,
            %broadcast_in_dim3A_470 = arith.constant 29 : i32
            %broadcast_in_dim3A_471 = vector.broadcast %broadcast_in_dim3A_470 : i32 to vector<16xi32>
            %gather3A_472 = tpu.vector_load_idx %arg9[%broadcast_in_dim3A_471, %min3A_321] : memref<64x384xf32, #tpu.memory_space<vmem>>[vector<16xi32>, vector<16xi32>], vector<16xf32>,
            %add3A_473 = vector.broadcast %multiple_of3A : i32 to vector<16xi32>
            %add3A_474 = arith.addi %add3A_473, %iota3A : vector<16xi32>
            tpu.vector_store_idx %arg11[%add3A_474, %broadcast_in_dim3A_471], %gather3A_472 : memref<256x128xf32, #tpu.memory_space<vmem>>[vector<16xi32>, vector<16xi32>], vector<16xf32>,
            %broadcast_in_dim3A_475 = arith.constant 30 : i32
            %broadcast_in_dim3A_476 = vector.broadcast %broadcast_in_dim3A_475 : i32 to vector<16xi32>
            %gather3A_477 = tpu.vector_load_idx %arg9[%broadcast_in_dim3A_476, %min3A_321] : memref<64x384xf32, #tpu.memory_space<vmem>>[vector<16xi32>, vector<16xi32>], vector<16xf32>,
            %add3A_478 = vector.broadcast %multiple_of3A : i32 to vector<16xi32>
            %add3A_479 = arith.addi %add3A_478, %iota3A : vector<16xi32>
            tpu.vector_store_idx %arg11[%add3A_479, %broadcast_in_dim3A_476], %gather3A_477 : memref<256x128xf32, #tpu.memory_space<vmem>>[vector<16xi32>, vector<16xi32>], vector<16xf32>,
            %broadcast_in_dim3A_480 = arith.constant 31 : i32
            %broadcast_in_dim3A_481 = vector.broadcast %broadcast_in_dim3A_480 : i32 to vector<16xi32>
            %gather3A_482 = tpu.vector_load_idx %arg9[%broadcast_in_dim3A_481, %min3A_321] : memref<64x384xf32, #tpu.memory_space<vmem>>[vector<16xi32>, vector<16xi32>], vector<16xf32>,
            %add3A_483 = vector.broadcast %multiple_of3A : i32 to vector<16xi32>
            %add3A_484 = arith.addi %add3A_483, %iota3A : vector<16xi32>
            tpu.vector_store_idx %arg11[%add3A_484, %broadcast_in_dim3A_481], %gather3A_482 : memref<256x128xf32, #tpu.memory_space<vmem>>[vector<16xi32>, vector<16xi32>], vector<16xf32>,
            %broadcast_in_dim3A_485 = arith.constant 32 : i32
            %broadcast_in_dim3A_486 = vector.broadcast %broadcast_in_dim3A_485 : i32 to vector<16xi32>
            %gather3A_487 = tpu.vector_load_idx %arg9[%broadcast_in_dim3A_486, %min3A_321] : memref<64x384xf32, #tpu.memory_space<vmem>>[vector<16xi32>, vector<16xi32>], vector<16xf32>,
            %add3A_488 = vector.broadcast %multiple_of3A : i32 to vector<16xi32>
            %add3A_489 = arith.addi %add3A_488, %iota3A : vector<16xi32>
            tpu.vector_store_idx %arg11[%add3A_489, %broadcast_in_dim3A_486], %gather3A_487 : memref<256x128xf32, #tpu.memory_space<vmem>>[vector<16xi32>, vector<16xi32>], vector<16xf32>,
            %broadcast_in_dim3A_490 = arith.constant 33 : i32
            %broadcast_in_dim3A_491 = vector.broadcast %broadcast_in_dim3A_490 : i32 to vector<16xi32>
            %gather3A_492 = tpu.vector_load_idx %arg9[%broadcast_in_dim3A_491, %min3A_321] : memref<64x384xf32, #tpu.memory_space<vmem>>[vector<16xi32>, vector<16xi32>], vector<16xf32>,
            %add3A_493 = vector.broadcast %multiple_of3A : i32 to vector<16xi32>
            %add3A_494 = arith.addi %add3A_493, %iota3A : vector<16xi32>
            tpu.vector_store_idx %arg11[%add3A_494, %broadcast_in_dim3A_491], %gather3A_492 : memref<256x128xf32, #tpu.memory_space<vmem>>[vector<16xi32>, vector<16xi32>], vector<16xf32>,
            %broadcast_in_dim3A_495 = arith.constant 34 : i32
            %broadcast_in_dim3A_496 = vector.broadcast %broadcast_in_dim3A_495 : i32 to vector<16xi32>
            %gather3A_497 = tpu.vector_load_idx %arg9[%broadcast_in_dim3A_496, %min3A_321] : memref<64x384xf32, #tpu.memory_space<vmem>>[vector<16xi32>, vector<16xi32>], vector<16xf32>,
            %add3A_498 = vector.broadcast %multiple_of3A : i32 to vector<16xi32>
            %add3A_499 = arith.addi %add3A_498, %iota3A : vector<16xi32>
            tpu.vector_store_idx %arg11[%add3A_499, %broadcast_in_dim3A_496], %gather3A_497 : memref<256x128xf32, #tpu.memory_space<vmem>>[vector<16xi32>, vector<16xi32>], vector<16xf32>,
            %broadcast_in_dim3A_500 = arith.constant 35 : i32
            %broadcast_in_dim3A_501 = vector.broadcast %broadcast_in_dim3A_500 : i32 to vector<16xi32>
            %gather3A_502 = tpu.vector_load_idx %arg9[%broadcast_in_dim3A_501, %min3A_321] : memref<64x384xf32, #tpu.memory_space<vmem>>[vector<16xi32>, vector<16xi32>], vector<16xf32>,
            %add3A_503 = vector.broadcast %multiple_of3A : i32 to vector<16xi32>
            %add3A_504 = arith.addi %add3A_503, %iota3A : vector<16xi32>
            tpu.vector_store_idx %arg11[%add3A_504, %broadcast_in_dim3A_501], %gather3A_502 : memref<256x128xf32, #tpu.memory_space<vmem>>[vector<16xi32>, vector<16xi32>], vector<16xf32>,
            %broadcast_in_dim3A_505 = arith.constant 36 : i32
            %broadcast_in_dim3A_506 = vector.broadcast %broadcast_in_dim3A_505 : i32 to vector<16xi32>
            %gather3A_507 = tpu.vector_load_idx %arg9[%broadcast_in_dim3A_506, %min3A_321] : memref<64x384xf32, #tpu.memory_space<vmem>>[vector<16xi32>, vector<16xi32>], vector<16xf32>,
            %add3A_508 = vector.broadcast %multiple_of3A : i32 to vector<16xi32>
            %add3A_509 = arith.addi %add3A_508, %iota3A : vector<16xi32>
            tpu.vector_store_idx %arg11[%add3A_509, %broadcast_in_dim3A_506], %gather3A_507 : memref<256x128xf32, #tpu.memory_space<vmem>>[vector<16xi32>, vector<16xi32>], vector<16xf32>,
            %broadcast_in_dim3A_510 = arith.constant 37 : i32
            %broadcast_in_dim3A_511 = vector.broadcast %broadcast_in_dim3A_510 : i32 to vector<16xi32>
            %gather3A_512 = tpu.vector_load_idx %arg9[%broadcast_in_dim3A_511, %min3A_321] : memref<64x384xf32, #tpu.memory_space<vmem>>[vector<16xi32>, vector<16xi32>], vector<16xf32>,
            %add3A_513 = vector.broadcast %multiple_of3A : i32 to vector<16xi32>
            %add3A_514 = arith.addi %add3A_513, %iota3A : vector<16xi32>
            tpu.vector_store_idx %arg11[%add3A_514, %broadcast_in_dim3A_511], %gather3A_512 : memref<256x128xf32, #tpu.memory_space<vmem>>[vector<16xi32>, vector<16xi32>], vector<16xf32>,
            %broadcast_in_dim3A_515 = arith.constant 38 : i32
            %broadcast_in_dim3A_516 = vector.broadcast %broadcast_in_dim3A_515 : i32 to vector<16xi32>
            %gather3A_517 = tpu.vector_load_idx %arg9[%broadcast_in_dim3A_516, %min3A_321] : memref<64x384xf32, #tpu.memory_space<vmem>>[vector<16xi32>, vector<16xi32>], vector<16xf32>,
            %add3A_518 = vector.broadcast %multiple_of3A : i32 to vector<16xi32>
            %add3A_519 = arith.addi %add3A_518, %iota3A : vector<16xi32>
            tpu.vector_store_idx %arg11[%add3A_519, %broadcast_in_dim3A_516], %gather3A_517 : memref<256x128xf32, #tpu.memory_space<vmem>>[vector<16xi32>, vector<16xi32>], vector<16xf32>,
            %broadcast_in_dim3A_520 = arith.constant 39 : i32
            %broadcast_in_dim3A_521 = vector.broadcast %broadcast_in_dim3A_520 : i32 to vector<16xi32>
            %gather3A_522 = tpu.vector_load_idx %arg9[%broadcast_in_dim3A_521, %min3A_321] : memref<64x384xf32, #tpu.memory_space<vmem>>[vector<16xi32>, vector<16xi32>], vector<16xf32>,
            %add3A_523 = vector.broadcast %multiple_of3A : i32 to vector<16xi32>
            %add3A_524 = arith.addi %add3A_523, %iota3A : vector<16xi32>
            tpu.vector_store_idx %arg11[%add3A_524, %broadcast_in_dim3A_521], %gather3A_522 : memref<256x128xf32, #tpu.memory_space<vmem>>[vector<16xi32>, vector<16xi32>], vector<16xf32>,
            %broadcast_in_dim3A_525 = arith.constant 40 : i32
            %broadcast_in_dim3A_526 = vector.broadcast %broadcast_in_dim3A_525 : i32 to vector<16xi32>
            %gather3A_527 = tpu.vector_load_idx %arg9[%broadcast_in_dim3A_526, %min3A_321] : memref<64x384xf32, #tpu.memory_space<vmem>>[vector<16xi32>, vector<16xi32>], vector<16xf32>,
            %add3A_528 = vector.broadcast %multiple_of3A : i32 to vector<16xi32>
            %add3A_529 = arith.addi %add3A_528, %iota3A : vector<16xi32>
            tpu.vector_store_idx %arg11[%add3A_529, %broadcast_in_dim3A_526], %gather3A_527 : memref<256x128xf32, #tpu.memory_space<vmem>>[vector<16xi32>, vector<16xi32>], vector<16xf32>,
            %broadcast_in_dim3A_530 = arith.constant 41 : i32
            %broadcast_in_dim3A_531 = vector.broadcast %broadcast_in_dim3A_530 : i32 to vector<16xi32>
            %gather3A_532 = tpu.vector_load_idx %arg9[%broadcast_in_dim3A_531, %min3A_321] : memref<64x384xf32, #tpu.memory_space<vmem>>[vector<16xi32>, vector<16xi32>], vector<16xf32>,
            %add3A_533 = vector.broadcast %multiple_of3A : i32 to vector<16xi32>
            %add3A_534 = arith.addi %add3A_533, %iota3A : vector<16xi32>
            tpu.vector_store_idx %arg11[%add3A_534, %broadcast_in_dim3A_531], %gather3A_532 : memref<256x128xf32, #tpu.memory_space<vmem>>[vector<16xi32>, vector<16xi32>], vector<16xf32>,
            %broadcast_in_dim3A_535 = arith.constant 42 : i32
            %broadcast_in_dim3A_536 = vector.broadcast %broadcast_in_dim3A_535 : i32 to vector<16xi32>
            %gather3A_537 = tpu.vector_load_idx %arg9[%broadcast_in_dim3A_536, %min3A_321] : memref<64x384xf32, #tpu.memory_space<vmem>>[vector<16xi32>, vector<16xi32>], vector<16xf32>,
            %add3A_538 = vector.broadcast %multiple_of3A : i32 to vector<16xi32>
            %add3A_539 = arith.addi %add3A_538, %iota3A : vector<16xi32>
            tpu.vector_store_idx %arg11[%add3A_539, %broadcast_in_dim3A_536], %gather3A_537 : memref<256x128xf32, #tpu.memory_space<vmem>>[vector<16xi32>, vector<16xi32>], vector<16xf32>,
            %broadcast_in_dim3A_540 = arith.constant 43 : i32
            %broadcast_in_dim3A_541 = vector.broadcast %broadcast_in_dim3A_540 : i32 to vector<16xi32>
            %gather3A_542 = tpu.vector_load_idx %arg9[%broadcast_in_dim3A_541, %min3A_321] : memref<64x384xf32, #tpu.memory_space<vmem>>[vector<16xi32>, vector<16xi32>], vector<16xf32>,
            %add3A_543 = vector.broadcast %multiple_of3A : i32 to vector<16xi32>
            %add3A_544 = arith.addi %add3A_543, %iota3A : vector<16xi32>
            tpu.vector_store_idx %arg11[%add3A_544, %broadcast_in_dim3A_541], %gather3A_542 : memref<256x128xf32, #tpu.memory_space<vmem>>[vector<16xi32>, vector<16xi32>], vector<16xf32>,
            %broadcast_in_dim3A_545 = arith.constant 44 : i32
            %broadcast_in_dim3A_546 = vector.broadcast %broadcast_in_dim3A_545 : i32 to vector<16xi32>
            %gather3A_547 = tpu.vector_load_idx %arg9[%broadcast_in_dim3A_546, %min3A_321] : memref<64x384xf32, #tpu.memory_space<vmem>>[vector<16xi32>, vector<16xi32>], vector<16xf32>,
            %add3A_548 = vector.broadcast %multiple_of3A : i32 to vector<16xi32>
            %add3A_549 = arith.addi %add3A_548, %iota3A : vector<16xi32>
            tpu.vector_store_idx %arg11[%add3A_549, %broadcast_in_dim3A_546], %gather3A_547 : memref<256x128xf32, #tpu.memory_space<vmem>>[vector<16xi32>, vector<16xi32>], vector<16xf32>,
            %broadcast_in_dim3A_550 = arith.constant 45 : i32
            %broadcast_in_dim3A_551 = vector.broadcast %broadcast_in_dim3A_550 : i32 to vector<16xi32>
            %gather3A_552 = tpu.vector_load_idx %arg9[%broadcast_in_dim3A_551, %min3A_321] : memref<64x384xf32, #tpu.memory_space<vmem>>[vector<16xi32>, vector<16xi32>], vector<16xf32>,
            %add3A_553 = vector.broadcast %multiple_of3A : i32 to vector<16xi32>
            %add3A_554 = arith.addi %add3A_553, %iota3A : vector<16xi32>
            tpu.vector_store_idx %arg11[%add3A_554, %broadcast_in_dim3A_551], %gather3A_552 : memref<256x128xf32, #tpu.memory_space<vmem>>[vector<16xi32>, vector<16xi32>], vector<16xf32>,
            %broadcast_in_dim3A_555 = arith.constant 46 : i32
            %broadcast_in_dim3A_556 = vector.broadcast %broadcast_in_dim3A_555 : i32 to vector<16xi32>
            %gather3A_557 = tpu.vector_load_idx %arg9[%broadcast_in_dim3A_556, %min3A_321] : memref<64x384xf32, #tpu.memory_space<vmem>>[vector<16xi32>, vector<16xi32>], vector<16xf32>,
            %add3A_558 = vector.broadcast %multiple_of3A : i32 to vector<16xi32>
            %add3A_559 = arith.addi %add3A_558, %iota3A : vector<16xi32>
            tpu.vector_store_idx %arg11[%add3A_559, %broadcast_in_dim3A_556], %gather3A_557 : memref<256x128xf32, #tpu.memory_space<vmem>>[vector<16xi32>, vector<16xi32>], vector<16xf32>,
            %broadcast_in_dim3A_560 = arith.constant 47 : i32
            %broadcast_in_dim3A_561 = vector.broadcast %broadcast_in_dim3A_560 : i32 to vector<16xi32>
            %gather3A_562 = tpu.vector_load_idx %arg9[%broadcast_in_dim3A_561, %min3A_321] : memref<64x384xf32, #tpu.memory_space<vmem>>[vector<16xi32>, vector<16xi32>], vector<16xf32>,
            %add3A_563 = vector.broadcast %multiple_of3A : i32 to vector<16xi32>
            %add3A_564 = arith.addi %add3A_563, %iota3A : vector<16xi32>
            tpu.vector_store_idx %arg11[%add3A_564, %broadcast_in_dim3A_561], %gather3A_562 : memref<256x128xf32, #tpu.memory_space<vmem>>[vector<16xi32>, vector<16xi32>], vector<16xf32>,
            %broadcast_in_dim3A_565 = arith.constant 48 : i32
            %broadcast_in_dim3A_566 = vector.broadcast %broadcast_in_dim3A_565 : i32 to vector<16xi32>
            %gather3A_567 = tpu.vector_load_idx %arg9[%broadcast_in_dim3A_566, %min3A_321] : memref<64x384xf32, #tpu.memory_space<vmem>>[vector<16xi32>, vector<16xi32>], vector<16xf32>,
            %add3A_568 = vector.broadcast %multiple_of3A : i32 to vector<16xi32>
            %add3A_569 = arith.addi %add3A_568, %iota3A : vector<16xi32>
            tpu.vector_store_idx %arg11[%add3A_569, %broadcast_in_dim3A_566], %gather3A_567 : memref<256x128xf32, #tpu.memory_space<vmem>>[vector<16xi32>, vector<16xi32>], vector<16xf32>,
            %broadcast_in_dim3A_570 = arith.constant 49 : i32
            %broadcast_in_dim3A_571 = vector.broadcast %broadcast_in_dim3A_570 : i32 to vector<16xi32>
            %gather3A_572 = tpu.vector_load_idx %arg9[%broadcast_in_dim3A_571, %min3A_321] : memref<64x384xf32, #tpu.memory_space<vmem>>[vector<16xi32>, vector<16xi32>], vector<16xf32>,
            %add3A_573 = vector.broadcast %multiple_of3A : i32 to vector<16xi32>
            %add3A_574 = arith.addi %add3A_573, %iota3A : vector<16xi32>
            tpu.vector_store_idx %arg11[%add3A_574, %broadcast_in_dim3A_571], %gather3A_572 : memref<256x128xf32, #tpu.memory_space<vmem>>[vector<16xi32>, vector<16xi32>], vector<16xf32>,
            %broadcast_in_dim3A_575 = arith.constant 50 : i32
            %broadcast_in_dim3A_576 = vector.broadcast %broadcast_in_dim3A_575 : i32 to vector<16xi32>
            %gather3A_577 = tpu.vector_load_idx %arg9[%broadcast_in_dim3A_576, %min3A_321] : memref<64x384xf32, #tpu.memory_space<vmem>>[vector<16xi32>, vector<16xi32>], vector<16xf32>,
            %add3A_578 = vector.broadcast %multiple_of3A : i32 to vector<16xi32>
            %add3A_579 = arith.addi %add3A_578, %iota3A : vector<16xi32>
            tpu.vector_store_idx %arg11[%add3A_579, %broadcast_in_dim3A_576], %gather3A_577 : memref<256x128xf32, #tpu.memory_space<vmem>>[vector<16xi32>, vector<16xi32>], vector<16xf32>,
            %broadcast_in_dim3A_580 = arith.constant 51 : i32
            %broadcast_in_dim3A_581 = vector.broadcast %broadcast_in_dim3A_580 : i32 to vector<16xi32>
            %gather3A_582 = tpu.vector_load_idx %arg9[%broadcast_in_dim3A_581, %min3A_321] : memref<64x384xf32, #tpu.memory_space<vmem>>[vector<16xi32>, vector<16xi32>], vector<16xf32>,
            %add3A_583 = vector.broadcast %multiple_of3A : i32 to vector<16xi32>
            %add3A_584 = arith.addi %add3A_583, %iota3A : vector<16xi32>
            tpu.vector_store_idx %arg11[%add3A_584, %broadcast_in_dim3A_581], %gather3A_582 : memref<256x128xf32, #tpu.memory_space<vmem>>[vector<16xi32>, vector<16xi32>], vector<16xf32>,
            %broadcast_in_dim3A_585 = arith.constant 52 : i32
            %broadcast_in_dim3A_586 = vector.broadcast %broadcast_in_dim3A_585 : i32 to vector<16xi32>
            %gather3A_587 = tpu.vector_load_idx %arg9[%broadcast_in_dim3A_586, %min3A_321] : memref<64x384xf32, #tpu.memory_space<vmem>>[vector<16xi32>, vector<16xi32>], vector<16xf32>,
            %add3A_588 = vector.broadcast %multiple_of3A : i32 to vector<16xi32>
            %add3A_589 = arith.addi %add3A_588, %iota3A : vector<16xi32>
            tpu.vector_store_idx %arg11[%add3A_589, %broadcast_in_dim3A_586], %gather3A_587 : memref<256x128xf32, #tpu.memory_space<vmem>>[vector<16xi32>, vector<16xi32>], vector<16xf32>,
            %broadcast_in_dim3A_590 = arith.constant 53 : i32
            %broadcast_in_dim3A_591 = vector.broadcast %broadcast_in_dim3A_590 : i32 to vector<16xi32>
            %gather3A_592 = tpu.vector_load_idx %arg9[%broadcast_in_dim3A_591, %min3A_321] : memref<64x384xf32, #tpu.memory_space<vmem>>[vector<16xi32>, vector<16xi32>], vector<16xf32>,
            %add3A_593 = vector.broadcast %multiple_of3A : i32 to vector<16xi32>
            %add3A_594 = arith.addi %add3A_593, %iota3A : vector<16xi32>
            tpu.vector_store_idx %arg11[%add3A_594, %broadcast_in_dim3A_591], %gather3A_592 : memref<256x128xf32, #tpu.memory_space<vmem>>[vector<16xi32>, vector<16xi32>], vector<16xf32>,
            %broadcast_in_dim3A_595 = arith.constant 54 : i32
            %broadcast_in_dim3A_596 = vector.broadcast %broadcast_in_dim3A_595 : i32 to vector<16xi32>
            %gather3A_597 = tpu.vector_load_idx %arg9[%broadcast_in_dim3A_596, %min3A_321] : memref<64x384xf32, #tpu.memory_space<vmem>>[vector<16xi32>, vector<16xi32>], vector<16xf32>,
            %add3A_598 = vector.broadcast %multiple_of3A : i32 to vector<16xi32>
            %add3A_599 = arith.addi %add3A_598, %iota3A : vector<16xi32>
            tpu.vector_store_idx %arg11[%add3A_599, %broadcast_in_dim3A_596], %gather3A_597 : memref<256x128xf32, #tpu.memory_space<vmem>>[vector<16xi32>, vector<16xi32>], vector<16xf32>,
            %broadcast_in_dim3A_600 = arith.constant 55 : i32
            %broadcast_in_dim3A_601 = vector.broadcast %broadcast_in_dim3A_600 : i32 to vector<16xi32>
            %gather3A_602 = tpu.vector_load_idx %arg9[%broadcast_in_dim3A_601, %min3A_321] : memref<64x384xf32, #tpu.memory_space<vmem>>[vector<16xi32>, vector<16xi32>], vector<16xf32>,
            %add3A_603 = vector.broadcast %multiple_of3A : i32 to vector<16xi32>
            %add3A_604 = arith.addi %add3A_603, %iota3A : vector<16xi32>
            tpu.vector_store_idx %arg11[%add3A_604, %broadcast_in_dim3A_601], %gather3A_602 : memref<256x128xf32, #tpu.memory_space<vmem>>[vector<16xi32>, vector<16xi32>], vector<16xf32>,
            %broadcast_in_dim3A_605 = arith.constant 56 : i32
            %broadcast_in_dim3A_606 = vector.broadcast %broadcast_in_dim3A_605 : i32 to vector<16xi32>
            %gather3A_607 = tpu.vector_load_idx %arg9[%broadcast_in_dim3A_606, %min3A_321] : memref<64x384xf32, #tpu.memory_space<vmem>>[vector<16xi32>, vector<16xi32>], vector<16xf32>,
            %add3A_608 = vector.broadcast %multiple_of3A : i32 to vector<16xi32>
            %add3A_609 = arith.addi %add3A_608, %iota3A : vector<16xi32>
            tpu.vector_store_idx %arg11[%add3A_609, %broadcast_in_dim3A_606], %gather3A_607 : memref<256x128xf32, #tpu.memory_space<vmem>>[vector<16xi32>, vector<16xi32>], vector<16xf32>,
            %broadcast_in_dim3A_610 = arith.constant 57 : i32
            %broadcast_in_dim3A_611 = vector.broadcast %broadcast_in_dim3A_610 : i32 to vector<16xi32>
            %gather3A_612 = tpu.vector_load_idx %arg9[%broadcast_in_dim3A_611, %min3A_321] : memref<64x384xf32, #tpu.memory_space<vmem>>[vector<16xi32>, vector<16xi32>], vector<16xf32>,
            %add3A_613 = vector.broadcast %multiple_of3A : i32 to vector<16xi32>
            %add3A_614 = arith.addi %add3A_613, %iota3A : vector<16xi32>
            tpu.vector_store_idx %arg11[%add3A_614, %broadcast_in_dim3A_611], %gather3A_612 : memref<256x128xf32, #tpu.memory_space<vmem>>[vector<16xi32>, vector<16xi32>], vector<16xf32>,
            %broadcast_in_dim3A_615 = arith.constant 58 : i32
            %broadcast_in_dim3A_616 = vector.broadcast %broadcast_in_dim3A_615 : i32 to vector<16xi32>
            %gather3A_617 = tpu.vector_load_idx %arg9[%broadcast_in_dim3A_616, %min3A_321] : memref<64x384xf32, #tpu.memory_space<vmem>>[vector<16xi32>, vector<16xi32>], vector<16xf32>,
            %add3A_618 = vector.broadcast %multiple_of3A : i32 to vector<16xi32>
            %add3A_619 = arith.addi %add3A_618, %iota3A : vector<16xi32>
            tpu.vector_store_idx %arg11[%add3A_619, %broadcast_in_dim3A_616], %gather3A_617 : memref<256x128xf32, #tpu.memory_space<vmem>>[vector<16xi32>, vector<16xi32>], vector<16xf32>,
            %broadcast_in_dim3A_620 = arith.constant 59 : i32
            %broadcast_in_dim3A_621 = vector.broadcast %broadcast_in_dim3A_620 : i32 to vector<16xi32>
            %gather3A_622 = tpu.vector_load_idx %arg9[%broadcast_in_dim3A_621, %min3A_321] : memref<64x384xf32, #tpu.memory_space<vmem>>[vector<16xi32>, vector<16xi32>], vector<16xf32>,
            %add3A_623 = vector.broadcast %multiple_of3A : i32 to vector<16xi32>
            %add3A_624 = arith.addi %add3A_623, %iota3A : vector<16xi32>
            tpu.vector_store_idx %arg11[%add3A_624, %broadcast_in_dim3A_621], %gather3A_622 : memref<256x128xf32, #tpu.memory_space<vmem>>[vector<16xi32>, vector<16xi32>], vector<16xf32>,
            %broadcast_in_dim3A_625 = arith.constant 60 : i32
            %broadcast_in_dim3A_626 = vector.broadcast %broadcast_in_dim3A_625 : i32 to vector<16xi32>
            %gather3A_627 = tpu.vector_load_idx %arg9[%broadcast_in_dim3A_626, %min3A_321] : memref<64x384xf32, #tpu.memory_space<vmem>>[vector<16xi32>, vector<16xi32>], vector<16xf32>,
            %add3A_628 = vector.broadcast %multiple_of3A : i32 to vector<16xi32>
            %add3A_629 = arith.addi %add3A_628, %iota3A : vector<16xi32>
            tpu.vector_store_idx %arg11[%add3A_629, %broadcast_in_dim3A_626], %gather3A_627 : memref<256x128xf32, #tpu.memory_space<vmem>>[vector<16xi32>, vector<16xi32>], vector<16xf32>,
            %broadcast_in_dim3A_630 = arith.constant 61 : i32
            %broadcast_in_dim3A_631 = vector.broadcast %broadcast_in_dim3A_630 : i32 to vector<16xi32>
            %gather3A_632 = tpu.vector_load_idx %arg9[%broadcast_in_dim3A_631, %min3A_321] : memref<64x384xf32, #tpu.memory_space<vmem>>[vector<16xi32>, vector<16xi32>], vector<16xf32>,
            %add3A_633 = vector.broadcast %multiple_of3A : i32 to vector<16xi32>
            %add3A_634 = arith.addi %add3A_633, %iota3A : vector<16xi32>
            tpu.vector_store_idx %arg11[%add3A_634, %broadcast_in_dim3A_631], %gather3A_632 : memref<256x128xf32, #tpu.memory_space<vmem>>[vector<16xi32>, vector<16xi32>], vector<16xf32>,
            %broadcast_in_dim3A_635 = arith.constant 62 : i32
            %broadcast_in_dim3A_636 = vector.broadcast %broadcast_in_dim3A_635 : i32 to vector<16xi32>
            %gather3A_637 = tpu.vector_load_idx %arg9[%broadcast_in_dim3A_636, %min3A_321] : memref<64x384xf32, #tpu.memory_space<vmem>>[vector<16xi32>, vector<16xi32>], vector<16xf32>,
            %add3A_638 = vector.broadcast %multiple_of3A : i32 to vector<16xi32>
            %add3A_639 = arith.addi %add3A_638, %iota3A : vector<16xi32>
            tpu.vector_store_idx %arg11[%add3A_639, %broadcast_in_dim3A_636], %gather3A_637 : memref<256x128xf32, #tpu.memory_space<vmem>>[vector<16xi32>, vector<16xi32>], vector<16xf32>,
            %broadcast_in_dim3A_640 = arith.constant 63 : i32
            %broadcast_in_dim3A_641 = vector.broadcast %broadcast_in_dim3A_640 : i32 to vector<16xi32>
            %gather3A_642 = tpu.vector_load_idx %arg9[%broadcast_in_dim3A_641, %min3A_321] : memref<64x384xf32, #tpu.memory_space<vmem>>[vector<16xi32>, vector<16xi32>], vector<16xf32>,
            %add3A_643 = vector.broadcast %multiple_of3A : i32 to vector<16xi32>
            %add3A_644 = arith.addi %add3A_643, %iota3A : vector<16xi32>
            tpu.vector_store_idx %arg11[%add3A_644, %broadcast_in_dim3A_641], %gather3A_642 : memref<256x128xf32, #tpu.memory_space<vmem>>[vector<16xi32>, vector<16xi32>], vector<16xf32>,
            %mul3A_645 = arith.muli %convert_element_type3A_281, %and3A_313 : vector<16xi32>
            %sub3A_646 = arith.constant 1 : i32
            %sub3A_647 = vector.broadcast %sub3A_646 : i32 to vector<16xi32>
            %sub3A_648 = arith.subi %sub3A_647, %convert_element_type3A_281 : vector<16xi32>
            %mul3A_649 = arith.constant 16 : i32
            %mul3A_650 = arith.muli %rem3A_283, %mul3A_649 : i32
            %add3A_651 = arith.constant 16384 : i32
            %add3A_652 = arith.addi %add3A_651, %mul3A_650 : i32
            %add3A_653 = vector.broadcast %add3A_652 : i32 to vector<16xi32>
            %add3A_654 = arith.addi %add3A_653, %iota3A : vector<16xi32>
            %mul3A_655 = arith.muli %sub3A_648, %add3A_654 : vector<16xi32>
            %add3A_656 = arith.addi %mul3A_645, %mul3A_655 : vector<16xi32>
            %eq3A_657 = arith.constant 0 : i32
            %eq3A_658 = arith.cmpi eq, %rem3A_287, %eq3A_657 : i32
            %convert_element_type3A_659 = arith.extui %eq3A_658 : i1 to i32
            %cond3A_660 = arith.constant 0 : i32
            %cond3A_661 = arith.cmpi ne, %convert_element_type3A_659, %cond3A_660 : i32
            scf.if %cond3A_661 {
              %mul3A_685 = arith.constant 16 : i32
              %mul3A_686 = arith.muli %rem3A_283, %mul3A_685 : i32
              %multiple_of3A_687 = tpu.assume_multiple %mul3A_686, 16 : i32
              %swap3A = arith.index_cast %multiple_of3A_687 : i32 to index
              %swap3A_688 = tpu.vector_load %arg12[%swap3A] {strides = array<i32>} : memref<128xi32, #tpu.memory_space<vmem>>, vector<16xi32>,
              tpu.vector_store %arg12[%swap3A], %add3A_656 {strides = array<i32>} : memref<128xi32, #tpu.memory_space<vmem>>, vector<16xi32>,
            } else {
            }
            %eq3A_662 = arith.constant 1 : i32
            %eq3A_663 = arith.cmpi eq, %rem3A_287, %eq3A_662 : i32
            %convert_element_type3A_664 = arith.extui %eq3A_663 : i1 to i32
            %cond3A_665 = arith.constant 0 : i32
            %cond3A_666 = arith.cmpi ne, %convert_element_type3A_664, %cond3A_665 : i32
            scf.if %cond3A_666 {
              %mul3A_685 = arith.constant 16 : i32
              %mul3A_686 = arith.muli %rem3A_283, %mul3A_685 : i32
              %multiple_of3A_687 = tpu.assume_multiple %mul3A_686, 16 : i32
              %swap3A = arith.index_cast %multiple_of3A_687 : i32 to index
              %swap3A_688 = tpu.vector_load %arg13[%swap3A] {strides = array<i32>} : memref<128xi32, #tpu.memory_space<vmem>>, vector<16xi32>,
              tpu.vector_store %arg13[%swap3A], %add3A_656 {strides = array<i32>} : memref<128xi32, #tpu.memory_space<vmem>>, vector<16xi32>,
            } else {
            }
            %eq3A_667 = arith.constant 7 : i32
            %eq3A_668 = arith.cmpi eq, %rem3A_283, %eq3A_667 : i32
            %eq3A_669 = arith.constant 0 : i32
            %eq3A_670 = arith.cmpi eq, %rem3A_287, %eq3A_669 : i32
            %and3A_671 = arith.andi %eq3A_668, %eq3A_670 : i1
            %convert_element_type3A_672 = arith.extui %and3A_671 : i1 to i32
            %cond3A_673 = arith.constant 0 : i32
            %cond3A_674 = arith.cmpi ne, %convert_element_type3A_672, %cond3A_673 : i32
            scf.if %cond3A_674 {
              %dma_start3A = arith.constant 0 : i32
              %dma_start3A_685 = arith.constant 0 : i32
              %dma_start3A_686 = tpu.memref_slice %arg11[%dma_start3A, %dma_start3A_685] : memref<256x128xf32, #tpu.memory_space<vmem>> -> memref<128x128xf32, #tpu.memory_space<vmem>>
              %dma_start3A_687 = arith.constant 0 : i32
              %dma_start3A_688 = arith.constant 0 : i32
              %dma_start3A_689 = tpu.memref_slice %arg5[%dma_start3A_687, %dma_start3A_688] : memref<16512x128xf32, #tpu.memory_space<hbm>> -> memref<16512x128xf32, #tpu.memory_space<hbm>>
              tpu.enqueue_indirect_dma source(%dma_start3A_686 : memref<128x128xf32, #tpu.memory_space<vmem>>) target(%dma_start3A_689 : memref<16512x128xf32, #tpu.memory_space<hbm>>) offsets(%arg12 : memref<128xi32, #tpu.memory_space<vmem>>) semaphore(%arg16 : memref<!tpu.dma_semaphore, #tpu.memory_space<semaphore_mem>>)
            } else {
            }
            %eq3A_675 = arith.constant 7 : i32
            %eq3A_676 = arith.cmpi eq, %rem3A_283, %eq3A_675 : i32
            %eq3A_677 = arith.constant 1 : i32
            %eq3A_678 = arith.cmpi eq, %rem3A_287, %eq3A_677 : i32
            %and3A_679 = arith.andi %eq3A_676, %eq3A_678 : i1
            %convert_element_type3A_680 = arith.extui %and3A_679 : i1 to i32
            %cond3A_681 = arith.constant 0 : i32
            %cond3A_682 = arith.cmpi ne, %convert_element_type3A_680, %cond3A_681 : i32
            scf.if %cond3A_682 {
              %dma_start3A = arith.constant 128 : i32
              %dma_start3A_685 = arith.constant 0 : i32
              %dma_start3A_686 = tpu.memref_slice %arg11[%dma_start3A, %dma_start3A_685] : memref<256x128xf32, #tpu.memory_space<vmem>> -> memref<128x128xf32, #tpu.memory_space<vmem>>
              %dma_start3A_687 = arith.constant 0 : i32
              %dma_start3A_688 = arith.constant 0 : i32
              %dma_start3A_689 = tpu.memref_slice %arg5[%dma_start3A_687, %dma_start3A_688] : memref<16512x128xf32, #tpu.memory_space<hbm>> -> memref<16512x128xf32, #tpu.memory_space<hbm>>
              tpu.enqueue_indirect_dma source(%dma_start3A_686 : memref<128x128xf32, #tpu.memory_space<vmem>>) target(%dma_start3A_689 : memref<16512x128xf32, #tpu.memory_space<hbm>>) offsets(%arg13 : memref<128xi32, #tpu.memory_space<vmem>>) semaphore(%arg17 : memref<!tpu.dma_semaphore, #tpu.memory_space<semaphore_mem>>)
            } else {
            }
            %add3A_683 = arith.constant 1 : i32
            %add3A_684 = arith.addi %while3A_272, %add3A_683 : i32
            scf.yield %add3A_684 : i32
          }
          %while3A_269 = arith.constant 1 : i32
          %while3A_270 = scf.for %while3A_271 = %while3A_266 to %while3A_262 step %while3A_269 iter_args(%while3A_272 = %while3A_268) -> (i32)  : i32 {
            %mul3A_273 = arith.constant 16 : i32
            %mul3A_274 = arith.muli %while3A_271, %mul3A_273 : i32
            %get3A = arith.index_cast %mul3A_274 : i32 to index
            %get3A_275 = tpu.vector_load %arg7[%get3A] {strides = array<i32>} : memref<16400xi32, #tpu.memory_space<vmem>>, vector<16xi32>,
            %mul3A_276 = arith.constant 16 : i32
            %mul3A_277 = arith.muli %while3A_271, %mul3A_276 : i32
            %sub3A_278 = arith.subi %while3A_225, %mul3A_277 : i32
            %lt3A_279 = vector.broadcast %sub3A_278 : i32 to vector<16xi32>
            %lt3A_280 = arith.cmpi slt, %iota3A, %lt3A_279 : vector<16xi32>
            %convert_element_type3A_281 = arith.extui %lt3A_280 : vector<16xi1> to vector<16xi32>
            %rem3A_282 = arith.constant 8 : i32
            %rem3A_283 = arith.remsi %while3A_272, %rem3A_282 : i32
            %div3A_284 = arith.constant 8 : i32
            %div3A_285 = arith.divsi %while3A_272, %div3A_284 : i32
            %rem3A_286 = arith.constant 2 : i32
            %rem3A_287 = arith.remsi %div3A_285, %rem3A_286 : i32
            %eq3A_288 = arith.constant 0 : i32
            %eq3A_289 = arith.cmpi eq, %rem3A_283, %eq3A_288 : i32
            %ge3A = arith.constant 16 : i32
            %ge3A_290 = arith.cmpi sge, %while3A_272, %ge3A : i32
            %and3A_291 = arith.andi %eq3A_289, %ge3A_290 : i1
            %eq3A_292 = arith.constant 0 : i32
            %eq3A_293 = arith.cmpi eq, %rem3A_287, %eq3A_292 : i32
            %and3A_294 = arith.andi %and3A_291, %eq3A_293 : i1
            %convert_element_type3A_295 = arith.extui %and3A_294 : i1 to i32
            %cond3A_296 = arith.constant 0 : i32
            %cond3A_297 = arith.cmpi ne, %convert_element_type3A_295, %cond3A_296 : i32
            scf.if %cond3A_297 {
              %dma_wait3A = arith.constant 0 : i32
              %dma_wait3A_685 = arith.constant 0 : i32
              %dma_wait3A_686 = tpu.memref_slice %arg11[%dma_wait3A, %dma_wait3A_685] : memref<256x128xf32, #tpu.memory_space<vmem>> -> memref<128x128xf32, #tpu.memory_space<vmem>>
              %dma_wait3A_687 = arith.constant 0 : i32
              %dma_wait3A_688 = arith.constant 0 : i32
              %dma_wait3A_689 = tpu.memref_slice %arg5[%dma_wait3A_687, %dma_wait3A_688] : memref<16512x128xf32, #tpu.memory_space<hbm>> -> memref<128x128xf32, #tpu.memory_space<hbm>>
              %dma_wait3A_690 = arith.constant 0 : i32
              %dma_wait3A_691 = arith.constant 0 : i32
              %dma_wait3A_692 = tpu.memref_slice %arg11[%dma_wait3A_690, %dma_wait3A_691] : memref<256x128xf32, #tpu.memory_space<vmem>> -> memref<128x128xf32, #tpu.memory_space<vmem>>
              %dma_wait3A_693 = arith.constant 0 : i32
              %dma_wait3A_694 = arith.constant 0 : i32
              %dma_wait3A_695 = tpu.memref_slice %arg5[%dma_wait3A_693, %dma_wait3A_694] : memref<16512x128xf32, #tpu.memory_space<hbm>> -> memref<128x128xf32, #tpu.memory_space<hbm>>
              tpu.wait_dma2 semaphore(%arg16 : memref<!tpu.dma_semaphore, #tpu.memory_space<semaphore_mem>>) src(%dma_wait3A_695 : memref<128x128xf32, #tpu.memory_space<hbm>>) dst(%dma_wait3A_692 : memref<128x128xf32, #tpu.memory_space<vmem>>)
            } else {
            }
            %eq3A_298 = arith.constant 0 : i32
            %eq3A_299 = arith.cmpi eq, %rem3A_283, %eq3A_298 : i32
            %ge3A_300 = arith.constant 16 : i32
            %ge3A_301 = arith.cmpi sge, %while3A_272, %ge3A_300 : i32
            %and3A_302 = arith.andi %eq3A_299, %ge3A_301 : i1
            %eq3A_303 = arith.constant 1 : i32
            %eq3A_304 = arith.cmpi eq, %rem3A_287, %eq3A_303 : i32
            %and3A_305 = arith.andi %and3A_302, %eq3A_304 : i1
            %convert_element_type3A_306 = arith.extui %and3A_305 : i1 to i32
            %cond3A_307 = arith.constant 0 : i32
            %cond3A_308 = arith.cmpi ne, %convert_element_type3A_306, %cond3A_307 : i32
            scf.if %cond3A_308 {
              %dma_wait3A = arith.constant 0 : i32
              %dma_wait3A_685 = arith.constant 0 : i32
              %dma_wait3A_686 = tpu.memref_slice %arg11[%dma_wait3A, %dma_wait3A_685] : memref<256x128xf32, #tpu.memory_space<vmem>> -> memref<128x128xf32, #tpu.memory_space<vmem>>
              %dma_wait3A_687 = arith.constant 0 : i32
              %dma_wait3A_688 = arith.constant 0 : i32
              %dma_wait3A_689 = tpu.memref_slice %arg5[%dma_wait3A_687, %dma_wait3A_688] : memref<16512x128xf32, #tpu.memory_space<hbm>> -> memref<128x128xf32, #tpu.memory_space<hbm>>
              %dma_wait3A_690 = arith.constant 0 : i32
              %dma_wait3A_691 = arith.constant 0 : i32
              %dma_wait3A_692 = tpu.memref_slice %arg11[%dma_wait3A_690, %dma_wait3A_691] : memref<256x128xf32, #tpu.memory_space<vmem>> -> memref<128x128xf32, #tpu.memory_space<vmem>>
              %dma_wait3A_693 = arith.constant 0 : i32
              %dma_wait3A_694 = arith.constant 0 : i32
              %dma_wait3A_695 = tpu.memref_slice %arg5[%dma_wait3A_693, %dma_wait3A_694] : memref<16512x128xf32, #tpu.memory_space<hbm>> -> memref<128x128xf32, #tpu.memory_space<hbm>>
              tpu.wait_dma2 semaphore(%arg17 : memref<!tpu.dma_semaphore, #tpu.memory_space<semaphore_mem>>) src(%dma_wait3A_695 : memref<128x128xf32, #tpu.memory_space<hbm>>) dst(%dma_wait3A_692 : memref<128x128xf32, #tpu.memory_space<vmem>>)
            } else {
            }
            %shift_right_logical3A = arith.constant 14 : i32
            %shift_right_logical3A_309 = vector.broadcast %shift_right_logical3A : i32 to vector<16xi32>
            %shift_right_logical3A_310 = arith.shrui %get3A_275, %shift_right_logical3A_309 : vector<16xi32>
            %and3A_311 = arith.constant 16383 : i32
            %and3A_312 = vector.broadcast %and3A_311 : i32 to vector<16xi32>
            %and3A_313 = arith.andi %get3A_275, %and3A_312 : vector<16xi32>
            %sub3A_314 = vector.broadcast %sub3A_209 : i32 to vector<16xi32>
            %sub3A_315 = arith.subi %shift_right_logical3A_310, %sub3A_314 : vector<16xi32>
            %jit3A_316 = arith.constant 0 : i32
            %jit3A_317 = arith.constant 383 : i32
            %max3A_318 = vector.broadcast %jit3A_316 : i32 to vector<16xi32>
            %max3A_319 = arith.maxsi %max3A_318, %sub3A_315 : vector<16xi32>
            %min3A_320 = vector.broadcast %jit3A_317 : i32 to vector<16xi32>
            %min3A_321 = arith.minsi %min3A_320, %max3A_319 : vector<16xi32>
            %mul3A_322 = arith.constant 8 : i32
            %mul3A_323 = arith.muli %rem3A_287, %mul3A_322 : i32
            %add3A_324 = arith.addi %mul3A_323, %rem3A_283 : i32
            %mul3A_325 = arith.constant 16 : i32
            %mul3A_326 = arith.muli %add3A_324, %mul3A_325 : i32
            %multiple_of3A = tpu.assume_multiple %mul3A_326, 16 : i32
            %broadcast_in_dim3A = arith.constant 0 : i32
            %broadcast_in_dim3A_327 = vector.broadcast %broadcast_in_dim3A : i32 to vector<16xi32>
            %gather3A = tpu.vector_load_idx %arg9[%broadcast_in_dim3A_327, %min3A_321] : memref<64x384xf32, #tpu.memory_space<vmem>>[vector<16xi32>, vector<16xi32>], vector<16xf32>,
            %add3A_328 = vector.broadcast %multiple_of3A : i32 to vector<16xi32>
            %add3A_329 = arith.addi %add3A_328, %iota3A : vector<16xi32>
            tpu.vector_store_idx %arg11[%add3A_329, %broadcast_in_dim3A_327], %gather3A : memref<256x128xf32, #tpu.memory_space<vmem>>[vector<16xi32>, vector<16xi32>], vector<16xf32>,
            %broadcast_in_dim3A_330 = arith.constant 1 : i32
            %broadcast_in_dim3A_331 = vector.broadcast %broadcast_in_dim3A_330 : i32 to vector<16xi32>
            %gather3A_332 = tpu.vector_load_idx %arg9[%broadcast_in_dim3A_331, %min3A_321] : memref<64x384xf32, #tpu.memory_space<vmem>>[vector<16xi32>, vector<16xi32>], vector<16xf32>,
            %add3A_333 = vector.broadcast %multiple_of3A : i32 to vector<16xi32>
            %add3A_334 = arith.addi %add3A_333, %iota3A : vector<16xi32>
            tpu.vector_store_idx %arg11[%add3A_334, %broadcast_in_dim3A_331], %gather3A_332 : memref<256x128xf32, #tpu.memory_space<vmem>>[vector<16xi32>, vector<16xi32>], vector<16xf32>,
            %broadcast_in_dim3A_335 = arith.constant 2 : i32
            %broadcast_in_dim3A_336 = vector.broadcast %broadcast_in_dim3A_335 : i32 to vector<16xi32>
            %gather3A_337 = tpu.vector_load_idx %arg9[%broadcast_in_dim3A_336, %min3A_321] : memref<64x384xf32, #tpu.memory_space<vmem>>[vector<16xi32>, vector<16xi32>], vector<16xf32>,
            %add3A_338 = vector.broadcast %multiple_of3A : i32 to vector<16xi32>
            %add3A_339 = arith.addi %add3A_338, %iota3A : vector<16xi32>
            tpu.vector_store_idx %arg11[%add3A_339, %broadcast_in_dim3A_336], %gather3A_337 : memref<256x128xf32, #tpu.memory_space<vmem>>[vector<16xi32>, vector<16xi32>], vector<16xf32>,
            %broadcast_in_dim3A_340 = arith.constant 3 : i32
            %broadcast_in_dim3A_341 = vector.broadcast %broadcast_in_dim3A_340 : i32 to vector<16xi32>
            %gather3A_342 = tpu.vector_load_idx %arg9[%broadcast_in_dim3A_341, %min3A_321] : memref<64x384xf32, #tpu.memory_space<vmem>>[vector<16xi32>, vector<16xi32>], vector<16xf32>,
            %add3A_343 = vector.broadcast %multiple_of3A : i32 to vector<16xi32>
            %add3A_344 = arith.addi %add3A_343, %iota3A : vector<16xi32>
            tpu.vector_store_idx %arg11[%add3A_344, %broadcast_in_dim3A_341], %gather3A_342 : memref<256x128xf32, #tpu.memory_space<vmem>>[vector<16xi32>, vector<16xi32>], vector<16xf32>,
            %broadcast_in_dim3A_345 = arith.constant 4 : i32
            %broadcast_in_dim3A_346 = vector.broadcast %broadcast_in_dim3A_345 : i32 to vector<16xi32>
            %gather3A_347 = tpu.vector_load_idx %arg9[%broadcast_in_dim3A_346, %min3A_321] : memref<64x384xf32, #tpu.memory_space<vmem>>[vector<16xi32>, vector<16xi32>], vector<16xf32>,
            %add3A_348 = vector.broadcast %multiple_of3A : i32 to vector<16xi32>
            %add3A_349 = arith.addi %add3A_348, %iota3A : vector<16xi32>
            tpu.vector_store_idx %arg11[%add3A_349, %broadcast_in_dim3A_346], %gather3A_347 : memref<256x128xf32, #tpu.memory_space<vmem>>[vector<16xi32>, vector<16xi32>], vector<16xf32>,
            %broadcast_in_dim3A_350 = arith.constant 5 : i32
            %broadcast_in_dim3A_351 = vector.broadcast %broadcast_in_dim3A_350 : i32 to vector<16xi32>
            %gather3A_352 = tpu.vector_load_idx %arg9[%broadcast_in_dim3A_351, %min3A_321] : memref<64x384xf32, #tpu.memory_space<vmem>>[vector<16xi32>, vector<16xi32>], vector<16xf32>,
            %add3A_353 = vector.broadcast %multiple_of3A : i32 to vector<16xi32>
            %add3A_354 = arith.addi %add3A_353, %iota3A : vector<16xi32>
            tpu.vector_store_idx %arg11[%add3A_354, %broadcast_in_dim3A_351], %gather3A_352 : memref<256x128xf32, #tpu.memory_space<vmem>>[vector<16xi32>, vector<16xi32>], vector<16xf32>,
            %broadcast_in_dim3A_355 = arith.constant 6 : i32
            %broadcast_in_dim3A_356 = vector.broadcast %broadcast_in_dim3A_355 : i32 to vector<16xi32>
            %gather3A_357 = tpu.vector_load_idx %arg9[%broadcast_in_dim3A_356, %min3A_321] : memref<64x384xf32, #tpu.memory_space<vmem>>[vector<16xi32>, vector<16xi32>], vector<16xf32>,
            %add3A_358 = vector.broadcast %multiple_of3A : i32 to vector<16xi32>
            %add3A_359 = arith.addi %add3A_358, %iota3A : vector<16xi32>
            tpu.vector_store_idx %arg11[%add3A_359, %broadcast_in_dim3A_356], %gather3A_357 : memref<256x128xf32, #tpu.memory_space<vmem>>[vector<16xi32>, vector<16xi32>], vector<16xf32>,
            %broadcast_in_dim3A_360 = arith.constant 7 : i32
            %broadcast_in_dim3A_361 = vector.broadcast %broadcast_in_dim3A_360 : i32 to vector<16xi32>
            %gather3A_362 = tpu.vector_load_idx %arg9[%broadcast_in_dim3A_361, %min3A_321] : memref<64x384xf32, #tpu.memory_space<vmem>>[vector<16xi32>, vector<16xi32>], vector<16xf32>,
            %add3A_363 = vector.broadcast %multiple_of3A : i32 to vector<16xi32>
            %add3A_364 = arith.addi %add3A_363, %iota3A : vector<16xi32>
            tpu.vector_store_idx %arg11[%add3A_364, %broadcast_in_dim3A_361], %gather3A_362 : memref<256x128xf32, #tpu.memory_space<vmem>>[vector<16xi32>, vector<16xi32>], vector<16xf32>,
            %broadcast_in_dim3A_365 = arith.constant 8 : i32
            %broadcast_in_dim3A_366 = vector.broadcast %broadcast_in_dim3A_365 : i32 to vector<16xi32>
            %gather3A_367 = tpu.vector_load_idx %arg9[%broadcast_in_dim3A_366, %min3A_321] : memref<64x384xf32, #tpu.memory_space<vmem>>[vector<16xi32>, vector<16xi32>], vector<16xf32>,
            %add3A_368 = vector.broadcast %multiple_of3A : i32 to vector<16xi32>
            %add3A_369 = arith.addi %add3A_368, %iota3A : vector<16xi32>
            tpu.vector_store_idx %arg11[%add3A_369, %broadcast_in_dim3A_366], %gather3A_367 : memref<256x128xf32, #tpu.memory_space<vmem>>[vector<16xi32>, vector<16xi32>], vector<16xf32>,
            %broadcast_in_dim3A_370 = arith.constant 9 : i32
            %broadcast_in_dim3A_371 = vector.broadcast %broadcast_in_dim3A_370 : i32 to vector<16xi32>
            %gather3A_372 = tpu.vector_load_idx %arg9[%broadcast_in_dim3A_371, %min3A_321] : memref<64x384xf32, #tpu.memory_space<vmem>>[vector<16xi32>, vector<16xi32>], vector<16xf32>,
            %add3A_373 = vector.broadcast %multiple_of3A : i32 to vector<16xi32>
            %add3A_374 = arith.addi %add3A_373, %iota3A : vector<16xi32>
            tpu.vector_store_idx %arg11[%add3A_374, %broadcast_in_dim3A_371], %gather3A_372 : memref<256x128xf32, #tpu.memory_space<vmem>>[vector<16xi32>, vector<16xi32>], vector<16xf32>,
            %broadcast_in_dim3A_375 = arith.constant 10 : i32
            %broadcast_in_dim3A_376 = vector.broadcast %broadcast_in_dim3A_375 : i32 to vector<16xi32>
            %gather3A_377 = tpu.vector_load_idx %arg9[%broadcast_in_dim3A_376, %min3A_321] : memref<64x384xf32, #tpu.memory_space<vmem>>[vector<16xi32>, vector<16xi32>], vector<16xf32>,
            %add3A_378 = vector.broadcast %multiple_of3A : i32 to vector<16xi32>
            %add3A_379 = arith.addi %add3A_378, %iota3A : vector<16xi32>
            tpu.vector_store_idx %arg11[%add3A_379, %broadcast_in_dim3A_376], %gather3A_377 : memref<256x128xf32, #tpu.memory_space<vmem>>[vector<16xi32>, vector<16xi32>], vector<16xf32>,
            %broadcast_in_dim3A_380 = arith.constant 11 : i32
            %broadcast_in_dim3A_381 = vector.broadcast %broadcast_in_dim3A_380 : i32 to vector<16xi32>
            %gather3A_382 = tpu.vector_load_idx %arg9[%broadcast_in_dim3A_381, %min3A_321] : memref<64x384xf32, #tpu.memory_space<vmem>>[vector<16xi32>, vector<16xi32>], vector<16xf32>,
            %add3A_383 = vector.broadcast %multiple_of3A : i32 to vector<16xi32>
            %add3A_384 = arith.addi %add3A_383, %iota3A : vector<16xi32>
            tpu.vector_store_idx %arg11[%add3A_384, %broadcast_in_dim3A_381], %gather3A_382 : memref<256x128xf32, #tpu.memory_space<vmem>>[vector<16xi32>, vector<16xi32>], vector<16xf32>,
            %broadcast_in_dim3A_385 = arith.constant 12 : i32
            %broadcast_in_dim3A_386 = vector.broadcast %broadcast_in_dim3A_385 : i32 to vector<16xi32>
            %gather3A_387 = tpu.vector_load_idx %arg9[%broadcast_in_dim3A_386, %min3A_321] : memref<64x384xf32, #tpu.memory_space<vmem>>[vector<16xi32>, vector<16xi32>], vector<16xf32>,
            %add3A_388 = vector.broadcast %multiple_of3A : i32 to vector<16xi32>
            %add3A_389 = arith.addi %add3A_388, %iota3A : vector<16xi32>
            tpu.vector_store_idx %arg11[%add3A_389, %broadcast_in_dim3A_386], %gather3A_387 : memref<256x128xf32, #tpu.memory_space<vmem>>[vector<16xi32>, vector<16xi32>], vector<16xf32>,
            %broadcast_in_dim3A_390 = arith.constant 13 : i32
            %broadcast_in_dim3A_391 = vector.broadcast %broadcast_in_dim3A_390 : i32 to vector<16xi32>
            %gather3A_392 = tpu.vector_load_idx %arg9[%broadcast_in_dim3A_391, %min3A_321] : memref<64x384xf32, #tpu.memory_space<vmem>>[vector<16xi32>, vector<16xi32>], vector<16xf32>,
            %add3A_393 = vector.broadcast %multiple_of3A : i32 to vector<16xi32>
            %add3A_394 = arith.addi %add3A_393, %iota3A : vector<16xi32>
            tpu.vector_store_idx %arg11[%add3A_394, %broadcast_in_dim3A_391], %gather3A_392 : memref<256x128xf32, #tpu.memory_space<vmem>>[vector<16xi32>, vector<16xi32>], vector<16xf32>,
            %broadcast_in_dim3A_395 = arith.constant 14 : i32
            %broadcast_in_dim3A_396 = vector.broadcast %broadcast_in_dim3A_395 : i32 to vector<16xi32>
            %gather3A_397 = tpu.vector_load_idx %arg9[%broadcast_in_dim3A_396, %min3A_321] : memref<64x384xf32, #tpu.memory_space<vmem>>[vector<16xi32>, vector<16xi32>], vector<16xf32>,
            %add3A_398 = vector.broadcast %multiple_of3A : i32 to vector<16xi32>
            %add3A_399 = arith.addi %add3A_398, %iota3A : vector<16xi32>
            tpu.vector_store_idx %arg11[%add3A_399, %broadcast_in_dim3A_396], %gather3A_397 : memref<256x128xf32, #tpu.memory_space<vmem>>[vector<16xi32>, vector<16xi32>], vector<16xf32>,
            %broadcast_in_dim3A_400 = arith.constant 15 : i32
            %broadcast_in_dim3A_401 = vector.broadcast %broadcast_in_dim3A_400 : i32 to vector<16xi32>
            %gather3A_402 = tpu.vector_load_idx %arg9[%broadcast_in_dim3A_401, %min3A_321] : memref<64x384xf32, #tpu.memory_space<vmem>>[vector<16xi32>, vector<16xi32>], vector<16xf32>,
            %add3A_403 = vector.broadcast %multiple_of3A : i32 to vector<16xi32>
            %add3A_404 = arith.addi %add3A_403, %iota3A : vector<16xi32>
            tpu.vector_store_idx %arg11[%add3A_404, %broadcast_in_dim3A_401], %gather3A_402 : memref<256x128xf32, #tpu.memory_space<vmem>>[vector<16xi32>, vector<16xi32>], vector<16xf32>,
            %broadcast_in_dim3A_405 = arith.constant 16 : i32
            %broadcast_in_dim3A_406 = vector.broadcast %broadcast_in_dim3A_405 : i32 to vector<16xi32>
            %gather3A_407 = tpu.vector_load_idx %arg9[%broadcast_in_dim3A_406, %min3A_321] : memref<64x384xf32, #tpu.memory_space<vmem>>[vector<16xi32>, vector<16xi32>], vector<16xf32>,
            %add3A_408 = vector.broadcast %multiple_of3A : i32 to vector<16xi32>
            %add3A_409 = arith.addi %add3A_408, %iota3A : vector<16xi32>
            tpu.vector_store_idx %arg11[%add3A_409, %broadcast_in_dim3A_406], %gather3A_407 : memref<256x128xf32, #tpu.memory_space<vmem>>[vector<16xi32>, vector<16xi32>], vector<16xf32>,
            %broadcast_in_dim3A_410 = arith.constant 17 : i32
            %broadcast_in_dim3A_411 = vector.broadcast %broadcast_in_dim3A_410 : i32 to vector<16xi32>
            %gather3A_412 = tpu.vector_load_idx %arg9[%broadcast_in_dim3A_411, %min3A_321] : memref<64x384xf32, #tpu.memory_space<vmem>>[vector<16xi32>, vector<16xi32>], vector<16xf32>,
            %add3A_413 = vector.broadcast %multiple_of3A : i32 to vector<16xi32>
            %add3A_414 = arith.addi %add3A_413, %iota3A : vector<16xi32>
            tpu.vector_store_idx %arg11[%add3A_414, %broadcast_in_dim3A_411], %gather3A_412 : memref<256x128xf32, #tpu.memory_space<vmem>>[vector<16xi32>, vector<16xi32>], vector<16xf32>,
            %broadcast_in_dim3A_415 = arith.constant 18 : i32
            %broadcast_in_dim3A_416 = vector.broadcast %broadcast_in_dim3A_415 : i32 to vector<16xi32>
            %gather3A_417 = tpu.vector_load_idx %arg9[%broadcast_in_dim3A_416, %min3A_321] : memref<64x384xf32, #tpu.memory_space<vmem>>[vector<16xi32>, vector<16xi32>], vector<16xf32>,
            %add3A_418 = vector.broadcast %multiple_of3A : i32 to vector<16xi32>
            %add3A_419 = arith.addi %add3A_418, %iota3A : vector<16xi32>
            tpu.vector_store_idx %arg11[%add3A_419, %broadcast_in_dim3A_416], %gather3A_417 : memref<256x128xf32, #tpu.memory_space<vmem>>[vector<16xi32>, vector<16xi32>], vector<16xf32>,
            %broadcast_in_dim3A_420 = arith.constant 19 : i32
            %broadcast_in_dim3A_421 = vector.broadcast %broadcast_in_dim3A_420 : i32 to vector<16xi32>
            %gather3A_422 = tpu.vector_load_idx %arg9[%broadcast_in_dim3A_421, %min3A_321] : memref<64x384xf32, #tpu.memory_space<vmem>>[vector<16xi32>, vector<16xi32>], vector<16xf32>,
            %add3A_423 = vector.broadcast %multiple_of3A : i32 to vector<16xi32>
            %add3A_424 = arith.addi %add3A_423, %iota3A : vector<16xi32>
            tpu.vector_store_idx %arg11[%add3A_424, %broadcast_in_dim3A_421], %gather3A_422 : memref<256x128xf32, #tpu.memory_space<vmem>>[vector<16xi32>, vector<16xi32>], vector<16xf32>,
            %broadcast_in_dim3A_425 = arith.constant 20 : i32
            %broadcast_in_dim3A_426 = vector.broadcast %broadcast_in_dim3A_425 : i32 to vector<16xi32>
            %gather3A_427 = tpu.vector_load_idx %arg9[%broadcast_in_dim3A_426, %min3A_321] : memref<64x384xf32, #tpu.memory_space<vmem>>[vector<16xi32>, vector<16xi32>], vector<16xf32>,
            %add3A_428 = vector.broadcast %multiple_of3A : i32 to vector<16xi32>
            %add3A_429 = arith.addi %add3A_428, %iota3A : vector<16xi32>
            tpu.vector_store_idx %arg11[%add3A_429, %broadcast_in_dim3A_426], %gather3A_427 : memref<256x128xf32, #tpu.memory_space<vmem>>[vector<16xi32>, vector<16xi32>], vector<16xf32>,
            %broadcast_in_dim3A_430 = arith.constant 21 : i32
            %broadcast_in_dim3A_431 = vector.broadcast %broadcast_in_dim3A_430 : i32 to vector<16xi32>
            %gather3A_432 = tpu.vector_load_idx %arg9[%broadcast_in_dim3A_431, %min3A_321] : memref<64x384xf32, #tpu.memory_space<vmem>>[vector<16xi32>, vector<16xi32>], vector<16xf32>,
            %add3A_433 = vector.broadcast %multiple_of3A : i32 to vector<16xi32>
            %add3A_434 = arith.addi %add3A_433, %iota3A : vector<16xi32>
            tpu.vector_store_idx %arg11[%add3A_434, %broadcast_in_dim3A_431], %gather3A_432 : memref<256x128xf32, #tpu.memory_space<vmem>>[vector<16xi32>, vector<16xi32>], vector<16xf32>,
            %broadcast_in_dim3A_435 = arith.constant 22 : i32
            %broadcast_in_dim3A_436 = vector.broadcast %broadcast_in_dim3A_435 : i32 to vector<16xi32>
            %gather3A_437 = tpu.vector_load_idx %arg9[%broadcast_in_dim3A_436, %min3A_321] : memref<64x384xf32, #tpu.memory_space<vmem>>[vector<16xi32>, vector<16xi32>], vector<16xf32>,
            %add3A_438 = vector.broadcast %multiple_of3A : i32 to vector<16xi32>
            %add3A_439 = arith.addi %add3A_438, %iota3A : vector<16xi32>
            tpu.vector_store_idx %arg11[%add3A_439, %broadcast_in_dim3A_436], %gather3A_437 : memref<256x128xf32, #tpu.memory_space<vmem>>[vector<16xi32>, vector<16xi32>], vector<16xf32>,
            %broadcast_in_dim3A_440 = arith.constant 23 : i32
            %broadcast_in_dim3A_441 = vector.broadcast %broadcast_in_dim3A_440 : i32 to vector<16xi32>
            %gather3A_442 = tpu.vector_load_idx %arg9[%broadcast_in_dim3A_441, %min3A_321] : memref<64x384xf32, #tpu.memory_space<vmem>>[vector<16xi32>, vector<16xi32>], vector<16xf32>,
            %add3A_443 = vector.broadcast %multiple_of3A : i32 to vector<16xi32>
            %add3A_444 = arith.addi %add3A_443, %iota3A : vector<16xi32>
            tpu.vector_store_idx %arg11[%add3A_444, %broadcast_in_dim3A_441], %gather3A_442 : memref<256x128xf32, #tpu.memory_space<vmem>>[vector<16xi32>, vector<16xi32>], vector<16xf32>,
            %broadcast_in_dim3A_445 = arith.constant 24 : i32
            %broadcast_in_dim3A_446 = vector.broadcast %broadcast_in_dim3A_445 : i32 to vector<16xi32>
            %gather3A_447 = tpu.vector_load_idx %arg9[%broadcast_in_dim3A_446, %min3A_321] : memref<64x384xf32, #tpu.memory_space<vmem>>[vector<16xi32>, vector<16xi32>], vector<16xf32>,
            %add3A_448 = vector.broadcast %multiple_of3A : i32 to vector<16xi32>
            %add3A_449 = arith.addi %add3A_448, %iota3A : vector<16xi32>
            tpu.vector_store_idx %arg11[%add3A_449, %broadcast_in_dim3A_446], %gather3A_447 : memref<256x128xf32, #tpu.memory_space<vmem>>[vector<16xi32>, vector<16xi32>], vector<16xf32>,
            %broadcast_in_dim3A_450 = arith.constant 25 : i32
            %broadcast_in_dim3A_451 = vector.broadcast %broadcast_in_dim3A_450 : i32 to vector<16xi32>
            %gather3A_452 = tpu.vector_load_idx %arg9[%broadcast_in_dim3A_451, %min3A_321] : memref<64x384xf32, #tpu.memory_space<vmem>>[vector<16xi32>, vector<16xi32>], vector<16xf32>,
            %add3A_453 = vector.broadcast %multiple_of3A : i32 to vector<16xi32>
            %add3A_454 = arith.addi %add3A_453, %iota3A : vector<16xi32>
            tpu.vector_store_idx %arg11[%add3A_454, %broadcast_in_dim3A_451], %gather3A_452 : memref<256x128xf32, #tpu.memory_space<vmem>>[vector<16xi32>, vector<16xi32>], vector<16xf32>,
            %broadcast_in_dim3A_455 = arith.constant 26 : i32
            %broadcast_in_dim3A_456 = vector.broadcast %broadcast_in_dim3A_455 : i32 to vector<16xi32>
            %gather3A_457 = tpu.vector_load_idx %arg9[%broadcast_in_dim3A_456, %min3A_321] : memref<64x384xf32, #tpu.memory_space<vmem>>[vector<16xi32>, vector<16xi32>], vector<16xf32>,
            %add3A_458 = vector.broadcast %multiple_of3A : i32 to vector<16xi32>
            %add3A_459 = arith.addi %add3A_458, %iota3A : vector<16xi32>
            tpu.vector_store_idx %arg11[%add3A_459, %broadcast_in_dim3A_456], %gather3A_457 : memref<256x128xf32, #tpu.memory_space<vmem>>[vector<16xi32>, vector<16xi32>], vector<16xf32>,
            %broadcast_in_dim3A_460 = arith.constant 27 : i32
            %broadcast_in_dim3A_461 = vector.broadcast %broadcast_in_dim3A_460 : i32 to vector<16xi32>
            %gather3A_462 = tpu.vector_load_idx %arg9[%broadcast_in_dim3A_461, %min3A_321] : memref<64x384xf32, #tpu.memory_space<vmem>>[vector<16xi32>, vector<16xi32>], vector<16xf32>,
            %add3A_463 = vector.broadcast %multiple_of3A : i32 to vector<16xi32>
            %add3A_464 = arith.addi %add3A_463, %iota3A : vector<16xi32>
            tpu.vector_store_idx %arg11[%add3A_464, %broadcast_in_dim3A_461], %gather3A_462 : memref<256x128xf32, #tpu.memory_space<vmem>>[vector<16xi32>, vector<16xi32>], vector<16xf32>,
            %broadcast_in_dim3A_465 = arith.constant 28 : i32
            %broadcast_in_dim3A_466 = vector.broadcast %broadcast_in_dim3A_465 : i32 to vector<16xi32>
            %gather3A_467 = tpu.vector_load_idx %arg9[%broadcast_in_dim3A_466, %min3A_321] : memref<64x384xf32, #tpu.memory_space<vmem>>[vector<16xi32>, vector<16xi32>], vector<16xf32>,
            %add3A_468 = vector.broadcast %multiple_of3A : i32 to vector<16xi32>
            %add3A_469 = arith.addi %add3A_468, %iota3A : vector<16xi32>
            tpu.vector_store_idx %arg11[%add3A_469, %broadcast_in_dim3A_466], %gather3A_467 : memref<256x128xf32, #tpu.memory_space<vmem>>[vector<16xi32>, vector<16xi32>], vector<16xf32>,
            %broadcast_in_dim3A_470 = arith.constant 29 : i32
            %broadcast_in_dim3A_471 = vector.broadcast %broadcast_in_dim3A_470 : i32 to vector<16xi32>
            %gather3A_472 = tpu.vector_load_idx %arg9[%broadcast_in_dim3A_471, %min3A_321] : memref<64x384xf32, #tpu.memory_space<vmem>>[vector<16xi32>, vector<16xi32>], vector<16xf32>,
            %add3A_473 = vector.broadcast %multiple_of3A : i32 to vector<16xi32>
            %add3A_474 = arith.addi %add3A_473, %iota3A : vector<16xi32>
            tpu.vector_store_idx %arg11[%add3A_474, %broadcast_in_dim3A_471], %gather3A_472 : memref<256x128xf32, #tpu.memory_space<vmem>>[vector<16xi32>, vector<16xi32>], vector<16xf32>,
            %broadcast_in_dim3A_475 = arith.constant 30 : i32
            %broadcast_in_dim3A_476 = vector.broadcast %broadcast_in_dim3A_475 : i32 to vector<16xi32>
            %gather3A_477 = tpu.vector_load_idx %arg9[%broadcast_in_dim3A_476, %min3A_321] : memref<64x384xf32, #tpu.memory_space<vmem>>[vector<16xi32>, vector<16xi32>], vector<16xf32>,
            %add3A_478 = vector.broadcast %multiple_of3A : i32 to vector<16xi32>
            %add3A_479 = arith.addi %add3A_478, %iota3A : vector<16xi32>
            tpu.vector_store_idx %arg11[%add3A_479, %broadcast_in_dim3A_476], %gather3A_477 : memref<256x128xf32, #tpu.memory_space<vmem>>[vector<16xi32>, vector<16xi32>], vector<16xf32>,
            %broadcast_in_dim3A_480 = arith.constant 31 : i32
            %broadcast_in_dim3A_481 = vector.broadcast %broadcast_in_dim3A_480 : i32 to vector<16xi32>
            %gather3A_482 = tpu.vector_load_idx %arg9[%broadcast_in_dim3A_481, %min3A_321] : memref<64x384xf32, #tpu.memory_space<vmem>>[vector<16xi32>, vector<16xi32>], vector<16xf32>,
            %add3A_483 = vector.broadcast %multiple_of3A : i32 to vector<16xi32>
            %add3A_484 = arith.addi %add3A_483, %iota3A : vector<16xi32>
            tpu.vector_store_idx %arg11[%add3A_484, %broadcast_in_dim3A_481], %gather3A_482 : memref<256x128xf32, #tpu.memory_space<vmem>>[vector<16xi32>, vector<16xi32>], vector<16xf32>,
            %broadcast_in_dim3A_485 = arith.constant 32 : i32
            %broadcast_in_dim3A_486 = vector.broadcast %broadcast_in_dim3A_485 : i32 to vector<16xi32>
            %gather3A_487 = tpu.vector_load_idx %arg9[%broadcast_in_dim3A_486, %min3A_321] : memref<64x384xf32, #tpu.memory_space<vmem>>[vector<16xi32>, vector<16xi32>], vector<16xf32>,
            %add3A_488 = vector.broadcast %multiple_of3A : i32 to vector<16xi32>
            %add3A_489 = arith.addi %add3A_488, %iota3A : vector<16xi32>
            tpu.vector_store_idx %arg11[%add3A_489, %broadcast_in_dim3A_486], %gather3A_487 : memref<256x128xf32, #tpu.memory_space<vmem>>[vector<16xi32>, vector<16xi32>], vector<16xf32>,
            %broadcast_in_dim3A_490 = arith.constant 33 : i32
            %broadcast_in_dim3A_491 = vector.broadcast %broadcast_in_dim3A_490 : i32 to vector<16xi32>
            %gather3A_492 = tpu.vector_load_idx %arg9[%broadcast_in_dim3A_491, %min3A_321] : memref<64x384xf32, #tpu.memory_space<vmem>>[vector<16xi32>, vector<16xi32>], vector<16xf32>,
            %add3A_493 = vector.broadcast %multiple_of3A : i32 to vector<16xi32>
            %add3A_494 = arith.addi %add3A_493, %iota3A : vector<16xi32>
            tpu.vector_store_idx %arg11[%add3A_494, %broadcast_in_dim3A_491], %gather3A_492 : memref<256x128xf32, #tpu.memory_space<vmem>>[vector<16xi32>, vector<16xi32>], vector<16xf32>,
            %broadcast_in_dim3A_495 = arith.constant 34 : i32
            %broadcast_in_dim3A_496 = vector.broadcast %broadcast_in_dim3A_495 : i32 to vector<16xi32>
            %gather3A_497 = tpu.vector_load_idx %arg9[%broadcast_in_dim3A_496, %min3A_321] : memref<64x384xf32, #tpu.memory_space<vmem>>[vector<16xi32>, vector<16xi32>], vector<16xf32>,
            %add3A_498 = vector.broadcast %multiple_of3A : i32 to vector<16xi32>
            %add3A_499 = arith.addi %add3A_498, %iota3A : vector<16xi32>
            tpu.vector_store_idx %arg11[%add3A_499, %broadcast_in_dim3A_496], %gather3A_497 : memref<256x128xf32, #tpu.memory_space<vmem>>[vector<16xi32>, vector<16xi32>], vector<16xf32>,
            %broadcast_in_dim3A_500 = arith.constant 35 : i32
            %broadcast_in_dim3A_501 = vector.broadcast %broadcast_in_dim3A_500 : i32 to vector<16xi32>
            %gather3A_502 = tpu.vector_load_idx %arg9[%broadcast_in_dim3A_501, %min3A_321] : memref<64x384xf32, #tpu.memory_space<vmem>>[vector<16xi32>, vector<16xi32>], vector<16xf32>,
            %add3A_503 = vector.broadcast %multiple_of3A : i32 to vector<16xi32>
            %add3A_504 = arith.addi %add3A_503, %iota3A : vector<16xi32>
            tpu.vector_store_idx %arg11[%add3A_504, %broadcast_in_dim3A_501], %gather3A_502 : memref<256x128xf32, #tpu.memory_space<vmem>>[vector<16xi32>, vector<16xi32>], vector<16xf32>,
            %broadcast_in_dim3A_505 = arith.constant 36 : i32
            %broadcast_in_dim3A_506 = vector.broadcast %broadcast_in_dim3A_505 : i32 to vector<16xi32>
            %gather3A_507 = tpu.vector_load_idx %arg9[%broadcast_in_dim3A_506, %min3A_321] : memref<64x384xf32, #tpu.memory_space<vmem>>[vector<16xi32>, vector<16xi32>], vector<16xf32>,
            %add3A_508 = vector.broadcast %multiple_of3A : i32 to vector<16xi32>
            %add3A_509 = arith.addi %add3A_508, %iota3A : vector<16xi32>
            tpu.vector_store_idx %arg11[%add3A_509, %broadcast_in_dim3A_506], %gather3A_507 : memref<256x128xf32, #tpu.memory_space<vmem>>[vector<16xi32>, vector<16xi32>], vector<16xf32>,
            %broadcast_in_dim3A_510 = arith.constant 37 : i32
            %broadcast_in_dim3A_511 = vector.broadcast %broadcast_in_dim3A_510 : i32 to vector<16xi32>
            %gather3A_512 = tpu.vector_load_idx %arg9[%broadcast_in_dim3A_511, %min3A_321] : memref<64x384xf32, #tpu.memory_space<vmem>>[vector<16xi32>, vector<16xi32>], vector<16xf32>,
            %add3A_513 = vector.broadcast %multiple_of3A : i32 to vector<16xi32>
            %add3A_514 = arith.addi %add3A_513, %iota3A : vector<16xi32>
            tpu.vector_store_idx %arg11[%add3A_514, %broadcast_in_dim3A_511], %gather3A_512 : memref<256x128xf32, #tpu.memory_space<vmem>>[vector<16xi32>, vector<16xi32>], vector<16xf32>,
            %broadcast_in_dim3A_515 = arith.constant 38 : i32
            %broadcast_in_dim3A_516 = vector.broadcast %broadcast_in_dim3A_515 : i32 to vector<16xi32>
            %gather3A_517 = tpu.vector_load_idx %arg9[%broadcast_in_dim3A_516, %min3A_321] : memref<64x384xf32, #tpu.memory_space<vmem>>[vector<16xi32>, vector<16xi32>], vector<16xf32>,
            %add3A_518 = vector.broadcast %multiple_of3A : i32 to vector<16xi32>
            %add3A_519 = arith.addi %add3A_518, %iota3A : vector<16xi32>
            tpu.vector_store_idx %arg11[%add3A_519, %broadcast_in_dim3A_516], %gather3A_517 : memref<256x128xf32, #tpu.memory_space<vmem>>[vector<16xi32>, vector<16xi32>], vector<16xf32>,
            %broadcast_in_dim3A_520 = arith.constant 39 : i32
            %broadcast_in_dim3A_521 = vector.broadcast %broadcast_in_dim3A_520 : i32 to vector<16xi32>
            %gather3A_522 = tpu.vector_load_idx %arg9[%broadcast_in_dim3A_521, %min3A_321] : memref<64x384xf32, #tpu.memory_space<vmem>>[vector<16xi32>, vector<16xi32>], vector<16xf32>,
            %add3A_523 = vector.broadcast %multiple_of3A : i32 to vector<16xi32>
            %add3A_524 = arith.addi %add3A_523, %iota3A : vector<16xi32>
            tpu.vector_store_idx %arg11[%add3A_524, %broadcast_in_dim3A_521], %gather3A_522 : memref<256x128xf32, #tpu.memory_space<vmem>>[vector<16xi32>, vector<16xi32>], vector<16xf32>,
            %broadcast_in_dim3A_525 = arith.constant 40 : i32
            %broadcast_in_dim3A_526 = vector.broadcast %broadcast_in_dim3A_525 : i32 to vector<16xi32>
            %gather3A_527 = tpu.vector_load_idx %arg9[%broadcast_in_dim3A_526, %min3A_321] : memref<64x384xf32, #tpu.memory_space<vmem>>[vector<16xi32>, vector<16xi32>], vector<16xf32>,
            %add3A_528 = vector.broadcast %multiple_of3A : i32 to vector<16xi32>
            %add3A_529 = arith.addi %add3A_528, %iota3A : vector<16xi32>
            tpu.vector_store_idx %arg11[%add3A_529, %broadcast_in_dim3A_526], %gather3A_527 : memref<256x128xf32, #tpu.memory_space<vmem>>[vector<16xi32>, vector<16xi32>], vector<16xf32>,
            %broadcast_in_dim3A_530 = arith.constant 41 : i32
            %broadcast_in_dim3A_531 = vector.broadcast %broadcast_in_dim3A_530 : i32 to vector<16xi32>
            %gather3A_532 = tpu.vector_load_idx %arg9[%broadcast_in_dim3A_531, %min3A_321] : memref<64x384xf32, #tpu.memory_space<vmem>>[vector<16xi32>, vector<16xi32>], vector<16xf32>,
            %add3A_533 = vector.broadcast %multiple_of3A : i32 to vector<16xi32>
            %add3A_534 = arith.addi %add3A_533, %iota3A : vector<16xi32>
            tpu.vector_store_idx %arg11[%add3A_534, %broadcast_in_dim3A_531], %gather3A_532 : memref<256x128xf32, #tpu.memory_space<vmem>>[vector<16xi32>, vector<16xi32>], vector<16xf32>,
            %broadcast_in_dim3A_535 = arith.constant 42 : i32
            %broadcast_in_dim3A_536 = vector.broadcast %broadcast_in_dim3A_535 : i32 to vector<16xi32>
            %gather3A_537 = tpu.vector_load_idx %arg9[%broadcast_in_dim3A_536, %min3A_321] : memref<64x384xf32, #tpu.memory_space<vmem>>[vector<16xi32>, vector<16xi32>], vector<16xf32>,
            %add3A_538 = vector.broadcast %multiple_of3A : i32 to vector<16xi32>
            %add3A_539 = arith.addi %add3A_538, %iota3A : vector<16xi32>
            tpu.vector_store_idx %arg11[%add3A_539, %broadcast_in_dim3A_536], %gather3A_537 : memref<256x128xf32, #tpu.memory_space<vmem>>[vector<16xi32>, vector<16xi32>], vector<16xf32>,
            %broadcast_in_dim3A_540 = arith.constant 43 : i32
            %broadcast_in_dim3A_541 = vector.broadcast %broadcast_in_dim3A_540 : i32 to vector<16xi32>
            %gather3A_542 = tpu.vector_load_idx %arg9[%broadcast_in_dim3A_541, %min3A_321] : memref<64x384xf32, #tpu.memory_space<vmem>>[vector<16xi32>, vector<16xi32>], vector<16xf32>,
            %add3A_543 = vector.broadcast %multiple_of3A : i32 to vector<16xi32>
            %add3A_544 = arith.addi %add3A_543, %iota3A : vector<16xi32>
            tpu.vector_store_idx %arg11[%add3A_544, %broadcast_in_dim3A_541], %gather3A_542 : memref<256x128xf32, #tpu.memory_space<vmem>>[vector<16xi32>, vector<16xi32>], vector<16xf32>,
            %broadcast_in_dim3A_545 = arith.constant 44 : i32
            %broadcast_in_dim3A_546 = vector.broadcast %broadcast_in_dim3A_545 : i32 to vector<16xi32>
            %gather3A_547 = tpu.vector_load_idx %arg9[%broadcast_in_dim3A_546, %min3A_321] : memref<64x384xf32, #tpu.memory_space<vmem>>[vector<16xi32>, vector<16xi32>], vector<16xf32>,
            %add3A_548 = vector.broadcast %multiple_of3A : i32 to vector<16xi32>
            %add3A_549 = arith.addi %add3A_548, %iota3A : vector<16xi32>
            tpu.vector_store_idx %arg11[%add3A_549, %broadcast_in_dim3A_546], %gather3A_547 : memref<256x128xf32, #tpu.memory_space<vmem>>[vector<16xi32>, vector<16xi32>], vector<16xf32>,
            %broadcast_in_dim3A_550 = arith.constant 45 : i32
            %broadcast_in_dim3A_551 = vector.broadcast %broadcast_in_dim3A_550 : i32 to vector<16xi32>
            %gather3A_552 = tpu.vector_load_idx %arg9[%broadcast_in_dim3A_551, %min3A_321] : memref<64x384xf32, #tpu.memory_space<vmem>>[vector<16xi32>, vector<16xi32>], vector<16xf32>,
            %add3A_553 = vector.broadcast %multiple_of3A : i32 to vector<16xi32>
            %add3A_554 = arith.addi %add3A_553, %iota3A : vector<16xi32>
            tpu.vector_store_idx %arg11[%add3A_554, %broadcast_in_dim3A_551], %gather3A_552 : memref<256x128xf32, #tpu.memory_space<vmem>>[vector<16xi32>, vector<16xi32>], vector<16xf32>,
            %broadcast_in_dim3A_555 = arith.constant 46 : i32
            %broadcast_in_dim3A_556 = vector.broadcast %broadcast_in_dim3A_555 : i32 to vector<16xi32>
            %gather3A_557 = tpu.vector_load_idx %arg9[%broadcast_in_dim3A_556, %min3A_321] : memref<64x384xf32, #tpu.memory_space<vmem>>[vector<16xi32>, vector<16xi32>], vector<16xf32>,
            %add3A_558 = vector.broadcast %multiple_of3A : i32 to vector<16xi32>
            %add3A_559 = arith.addi %add3A_558, %iota3A : vector<16xi32>
            tpu.vector_store_idx %arg11[%add3A_559, %broadcast_in_dim3A_556], %gather3A_557 : memref<256x128xf32, #tpu.memory_space<vmem>>[vector<16xi32>, vector<16xi32>], vector<16xf32>,
            %broadcast_in_dim3A_560 = arith.constant 47 : i32
            %broadcast_in_dim3A_561 = vector.broadcast %broadcast_in_dim3A_560 : i32 to vector<16xi32>
            %gather3A_562 = tpu.vector_load_idx %arg9[%broadcast_in_dim3A_561, %min3A_321] : memref<64x384xf32, #tpu.memory_space<vmem>>[vector<16xi32>, vector<16xi32>], vector<16xf32>,
            %add3A_563 = vector.broadcast %multiple_of3A : i32 to vector<16xi32>
            %add3A_564 = arith.addi %add3A_563, %iota3A : vector<16xi32>
            tpu.vector_store_idx %arg11[%add3A_564, %broadcast_in_dim3A_561], %gather3A_562 : memref<256x128xf32, #tpu.memory_space<vmem>>[vector<16xi32>, vector<16xi32>], vector<16xf32>,
            %broadcast_in_dim3A_565 = arith.constant 48 : i32
            %broadcast_in_dim3A_566 = vector.broadcast %broadcast_in_dim3A_565 : i32 to vector<16xi32>
            %gather3A_567 = tpu.vector_load_idx %arg9[%broadcast_in_dim3A_566, %min3A_321] : memref<64x384xf32, #tpu.memory_space<vmem>>[vector<16xi32>, vector<16xi32>], vector<16xf32>,
            %add3A_568 = vector.broadcast %multiple_of3A : i32 to vector<16xi32>
            %add3A_569 = arith.addi %add3A_568, %iota3A : vector<16xi32>
            tpu.vector_store_idx %arg11[%add3A_569, %broadcast_in_dim3A_566], %gather3A_567 : memref<256x128xf32, #tpu.memory_space<vmem>>[vector<16xi32>, vector<16xi32>], vector<16xf32>,
            %broadcast_in_dim3A_570 = arith.constant 49 : i32
            %broadcast_in_dim3A_571 = vector.broadcast %broadcast_in_dim3A_570 : i32 to vector<16xi32>
            %gather3A_572 = tpu.vector_load_idx %arg9[%broadcast_in_dim3A_571, %min3A_321] : memref<64x384xf32, #tpu.memory_space<vmem>>[vector<16xi32>, vector<16xi32>], vector<16xf32>,
            %add3A_573 = vector.broadcast %multiple_of3A : i32 to vector<16xi32>
            %add3A_574 = arith.addi %add3A_573, %iota3A : vector<16xi32>
            tpu.vector_store_idx %arg11[%add3A_574, %broadcast_in_dim3A_571], %gather3A_572 : memref<256x128xf32, #tpu.memory_space<vmem>>[vector<16xi32>, vector<16xi32>], vector<16xf32>,
            %broadcast_in_dim3A_575 = arith.constant 50 : i32
            %broadcast_in_dim3A_576 = vector.broadcast %broadcast_in_dim3A_575 : i32 to vector<16xi32>
            %gather3A_577 = tpu.vector_load_idx %arg9[%broadcast_in_dim3A_576, %min3A_321] : memref<64x384xf32, #tpu.memory_space<vmem>>[vector<16xi32>, vector<16xi32>], vector<16xf32>,
            %add3A_578 = vector.broadcast %multiple_of3A : i32 to vector<16xi32>
            %add3A_579 = arith.addi %add3A_578, %iota3A : vector<16xi32>
            tpu.vector_store_idx %arg11[%add3A_579, %broadcast_in_dim3A_576], %gather3A_577 : memref<256x128xf32, #tpu.memory_space<vmem>>[vector<16xi32>, vector<16xi32>], vector<16xf32>,
            %broadcast_in_dim3A_580 = arith.constant 51 : i32
            %broadcast_in_dim3A_581 = vector.broadcast %broadcast_in_dim3A_580 : i32 to vector<16xi32>
            %gather3A_582 = tpu.vector_load_idx %arg9[%broadcast_in_dim3A_581, %min3A_321] : memref<64x384xf32, #tpu.memory_space<vmem>>[vector<16xi32>, vector<16xi32>], vector<16xf32>,
            %add3A_583 = vector.broadcast %multiple_of3A : i32 to vector<16xi32>
            %add3A_584 = arith.addi %add3A_583, %iota3A : vector<16xi32>
            tpu.vector_store_idx %arg11[%add3A_584, %broadcast_in_dim3A_581], %gather3A_582 : memref<256x128xf32, #tpu.memory_space<vmem>>[vector<16xi32>, vector<16xi32>], vector<16xf32>,
            %broadcast_in_dim3A_585 = arith.constant 52 : i32
            %broadcast_in_dim3A_586 = vector.broadcast %broadcast_in_dim3A_585 : i32 to vector<16xi32>
            %gather3A_587 = tpu.vector_load_idx %arg9[%broadcast_in_dim3A_586, %min3A_321] : memref<64x384xf32, #tpu.memory_space<vmem>>[vector<16xi32>, vector<16xi32>], vector<16xf32>,
            %add3A_588 = vector.broadcast %multiple_of3A : i32 to vector<16xi32>
            %add3A_589 = arith.addi %add3A_588, %iota3A : vector<16xi32>
            tpu.vector_store_idx %arg11[%add3A_589, %broadcast_in_dim3A_586], %gather3A_587 : memref<256x128xf32, #tpu.memory_space<vmem>>[vector<16xi32>, vector<16xi32>], vector<16xf32>,
            %broadcast_in_dim3A_590 = arith.constant 53 : i32
            %broadcast_in_dim3A_591 = vector.broadcast %broadcast_in_dim3A_590 : i32 to vector<16xi32>
            %gather3A_592 = tpu.vector_load_idx %arg9[%broadcast_in_dim3A_591, %min3A_321] : memref<64x384xf32, #tpu.memory_space<vmem>>[vector<16xi32>, vector<16xi32>], vector<16xf32>,
            %add3A_593 = vector.broadcast %multiple_of3A : i32 to vector<16xi32>
            %add3A_594 = arith.addi %add3A_593, %iota3A : vector<16xi32>
            tpu.vector_store_idx %arg11[%add3A_594, %broadcast_in_dim3A_591], %gather3A_592 : memref<256x128xf32, #tpu.memory_space<vmem>>[vector<16xi32>, vector<16xi32>], vector<16xf32>,
            %broadcast_in_dim3A_595 = arith.constant 54 : i32
            %broadcast_in_dim3A_596 = vector.broadcast %broadcast_in_dim3A_595 : i32 to vector<16xi32>
            %gather3A_597 = tpu.vector_load_idx %arg9[%broadcast_in_dim3A_596, %min3A_321] : memref<64x384xf32, #tpu.memory_space<vmem>>[vector<16xi32>, vector<16xi32>], vector<16xf32>,
            %add3A_598 = vector.broadcast %multiple_of3A : i32 to vector<16xi32>
            %add3A_599 = arith.addi %add3A_598, %iota3A : vector<16xi32>
            tpu.vector_store_idx %arg11[%add3A_599, %broadcast_in_dim3A_596], %gather3A_597 : memref<256x128xf32, #tpu.memory_space<vmem>>[vector<16xi32>, vector<16xi32>], vector<16xf32>,
            %broadcast_in_dim3A_600 = arith.constant 55 : i32
            %broadcast_in_dim3A_601 = vector.broadcast %broadcast_in_dim3A_600 : i32 to vector<16xi32>
            %gather3A_602 = tpu.vector_load_idx %arg9[%broadcast_in_dim3A_601, %min3A_321] : memref<64x384xf32, #tpu.memory_space<vmem>>[vector<16xi32>, vector<16xi32>], vector<16xf32>,
            %add3A_603 = vector.broadcast %multiple_of3A : i32 to vector<16xi32>
            %add3A_604 = arith.addi %add3A_603, %iota3A : vector<16xi32>
            tpu.vector_store_idx %arg11[%add3A_604, %broadcast_in_dim3A_601], %gather3A_602 : memref<256x128xf32, #tpu.memory_space<vmem>>[vector<16xi32>, vector<16xi32>], vector<16xf32>,
            %broadcast_in_dim3A_605 = arith.constant 56 : i32
            %broadcast_in_dim3A_606 = vector.broadcast %broadcast_in_dim3A_605 : i32 to vector<16xi32>
            %gather3A_607 = tpu.vector_load_idx %arg9[%broadcast_in_dim3A_606, %min3A_321] : memref<64x384xf32, #tpu.memory_space<vmem>>[vector<16xi32>, vector<16xi32>], vector<16xf32>,
            %add3A_608 = vector.broadcast %multiple_of3A : i32 to vector<16xi32>
            %add3A_609 = arith.addi %add3A_608, %iota3A : vector<16xi32>
            tpu.vector_store_idx %arg11[%add3A_609, %broadcast_in_dim3A_606], %gather3A_607 : memref<256x128xf32, #tpu.memory_space<vmem>>[vector<16xi32>, vector<16xi32>], vector<16xf32>,
            %broadcast_in_dim3A_610 = arith.constant 57 : i32
            %broadcast_in_dim3A_611 = vector.broadcast %broadcast_in_dim3A_610 : i32 to vector<16xi32>
            %gather3A_612 = tpu.vector_load_idx %arg9[%broadcast_in_dim3A_611, %min3A_321] : memref<64x384xf32, #tpu.memory_space<vmem>>[vector<16xi32>, vector<16xi32>], vector<16xf32>,
            %add3A_613 = vector.broadcast %multiple_of3A : i32 to vector<16xi32>
            %add3A_614 = arith.addi %add3A_613, %iota3A : vector<16xi32>
            tpu.vector_store_idx %arg11[%add3A_614, %broadcast_in_dim3A_611], %gather3A_612 : memref<256x128xf32, #tpu.memory_space<vmem>>[vector<16xi32>, vector<16xi32>], vector<16xf32>,
            %broadcast_in_dim3A_615 = arith.constant 58 : i32
            %broadcast_in_dim3A_616 = vector.broadcast %broadcast_in_dim3A_615 : i32 to vector<16xi32>
            %gather3A_617 = tpu.vector_load_idx %arg9[%broadcast_in_dim3A_616, %min3A_321] : memref<64x384xf32, #tpu.memory_space<vmem>>[vector<16xi32>, vector<16xi32>], vector<16xf32>,
            %add3A_618 = vector.broadcast %multiple_of3A : i32 to vector<16xi32>
            %add3A_619 = arith.addi %add3A_618, %iota3A : vector<16xi32>
            tpu.vector_store_idx %arg11[%add3A_619, %broadcast_in_dim3A_616], %gather3A_617 : memref<256x128xf32, #tpu.memory_space<vmem>>[vector<16xi32>, vector<16xi32>], vector<16xf32>,
            %broadcast_in_dim3A_620 = arith.constant 59 : i32
            %broadcast_in_dim3A_621 = vector.broadcast %broadcast_in_dim3A_620 : i32 to vector<16xi32>
            %gather3A_622 = tpu.vector_load_idx %arg9[%broadcast_in_dim3A_621, %min3A_321] : memref<64x384xf32, #tpu.memory_space<vmem>>[vector<16xi32>, vector<16xi32>], vector<16xf32>,
            %add3A_623 = vector.broadcast %multiple_of3A : i32 to vector<16xi32>
            %add3A_624 = arith.addi %add3A_623, %iota3A : vector<16xi32>
            tpu.vector_store_idx %arg11[%add3A_624, %broadcast_in_dim3A_621], %gather3A_622 : memref<256x128xf32, #tpu.memory_space<vmem>>[vector<16xi32>, vector<16xi32>], vector<16xf32>,
            %broadcast_in_dim3A_625 = arith.constant 60 : i32
            %broadcast_in_dim3A_626 = vector.broadcast %broadcast_in_dim3A_625 : i32 to vector<16xi32>
            %gather3A_627 = tpu.vector_load_idx %arg9[%broadcast_in_dim3A_626, %min3A_321] : memref<64x384xf32, #tpu.memory_space<vmem>>[vector<16xi32>, vector<16xi32>], vector<16xf32>,
            %add3A_628 = vector.broadcast %multiple_of3A : i32 to vector<16xi32>
            %add3A_629 = arith.addi %add3A_628, %iota3A : vector<16xi32>
            tpu.vector_store_idx %arg11[%add3A_629, %broadcast_in_dim3A_626], %gather3A_627 : memref<256x128xf32, #tpu.memory_space<vmem>>[vector<16xi32>, vector<16xi32>], vector<16xf32>,
            %broadcast_in_dim3A_630 = arith.constant 61 : i32
            %broadcast_in_dim3A_631 = vector.broadcast %broadcast_in_dim3A_630 : i32 to vector<16xi32>
            %gather3A_632 = tpu.vector_load_idx %arg9[%broadcast_in_dim3A_631, %min3A_321] : memref<64x384xf32, #tpu.memory_space<vmem>>[vector<16xi32>, vector<16xi32>], vector<16xf32>,
            %add3A_633 = vector.broadcast %multiple_of3A : i32 to vector<16xi32>
            %add3A_634 = arith.addi %add3A_633, %iota3A : vector<16xi32>
            tpu.vector_store_idx %arg11[%add3A_634, %broadcast_in_dim3A_631], %gather3A_632 : memref<256x128xf32, #tpu.memory_space<vmem>>[vector<16xi32>, vector<16xi32>], vector<16xf32>,
            %broadcast_in_dim3A_635 = arith.constant 62 : i32
            %broadcast_in_dim3A_636 = vector.broadcast %broadcast_in_dim3A_635 : i32 to vector<16xi32>
            %gather3A_637 = tpu.vector_load_idx %arg9[%broadcast_in_dim3A_636, %min3A_321] : memref<64x384xf32, #tpu.memory_space<vmem>>[vector<16xi32>, vector<16xi32>], vector<16xf32>,
            %add3A_638 = vector.broadcast %multiple_of3A : i32 to vector<16xi32>
            %add3A_639 = arith.addi %add3A_638, %iota3A : vector<16xi32>
            tpu.vector_store_idx %arg11[%add3A_639, %broadcast_in_dim3A_636], %gather3A_637 : memref<256x128xf32, #tpu.memory_space<vmem>>[vector<16xi32>, vector<16xi32>], vector<16xf32>,
            %broadcast_in_dim3A_640 = arith.constant 63 : i32
            %broadcast_in_dim3A_641 = vector.broadcast %broadcast_in_dim3A_640 : i32 to vector<16xi32>
            %gather3A_642 = tpu.vector_load_idx %arg9[%broadcast_in_dim3A_641, %min3A_321] : memref<64x384xf32, #tpu.memory_space<vmem>>[vector<16xi32>, vector<16xi32>], vector<16xf32>,
            %add3A_643 = vector.broadcast %multiple_of3A : i32 to vector<16xi32>
            %add3A_644 = arith.addi %add3A_643, %iota3A : vector<16xi32>
            tpu.vector_store_idx %arg11[%add3A_644, %broadcast_in_dim3A_641], %gather3A_642 : memref<256x128xf32, #tpu.memory_space<vmem>>[vector<16xi32>, vector<16xi32>], vector<16xf32>,
            %mul3A_645 = arith.muli %convert_element_type3A_281, %and3A_313 : vector<16xi32>
            %sub3A_646 = arith.constant 1 : i32
            %sub3A_647 = vector.broadcast %sub3A_646 : i32 to vector<16xi32>
            %sub3A_648 = arith.subi %sub3A_647, %convert_element_type3A_281 : vector<16xi32>
            %mul3A_649 = arith.constant 16 : i32
            %mul3A_650 = arith.muli %rem3A_283, %mul3A_649 : i32
            %add3A_651 = arith.constant 16384 : i32
            %add3A_652 = arith.addi %add3A_651, %mul3A_650 : i32
            %add3A_653 = vector.broadcast %add3A_652 : i32 to vector<16xi32>
            %add3A_654 = arith.addi %add3A_653, %iota3A : vector<16xi32>
            %mul3A_655 = arith.muli %sub3A_648, %add3A_654 : vector<16xi32>
            %add3A_656 = arith.addi %mul3A_645, %mul3A_655 : vector<16xi32>
            %eq3A_657 = arith.constant 0 : i32
            %eq3A_658 = arith.cmpi eq, %rem3A_287, %eq3A_657 : i32
            %convert_element_type3A_659 = arith.extui %eq3A_658 : i1 to i32
            %cond3A_660 = arith.constant 0 : i32
            %cond3A_661 = arith.cmpi ne, %convert_element_type3A_659, %cond3A_660 : i32
            scf.if %cond3A_661 {
              %mul3A_685 = arith.constant 16 : i32
              %mul3A_686 = arith.muli %rem3A_283, %mul3A_685 : i32
              %multiple_of3A_687 = tpu.assume_multiple %mul3A_686, 16 : i32
              %swap3A = arith.index_cast %multiple_of3A_687 : i32 to index
              %swap3A_688 = tpu.vector_load %arg12[%swap3A] {strides = array<i32>} : memref<128xi32, #tpu.memory_space<vmem>>, vector<16xi32>,
              tpu.vector_store %arg12[%swap3A], %add3A_656 {strides = array<i32>} : memref<128xi32, #tpu.memory_space<vmem>>, vector<16xi32>,
            } else {
            }
            %eq3A_662 = arith.constant 1 : i32
            %eq3A_663 = arith.cmpi eq, %rem3A_287, %eq3A_662 : i32
            %convert_element_type3A_664 = arith.extui %eq3A_663 : i1 to i32
            %cond3A_665 = arith.constant 0 : i32
            %cond3A_666 = arith.cmpi ne, %convert_element_type3A_664, %cond3A_665 : i32
            scf.if %cond3A_666 {
              %mul3A_685 = arith.constant 16 : i32
              %mul3A_686 = arith.muli %rem3A_283, %mul3A_685 : i32
              %multiple_of3A_687 = tpu.assume_multiple %mul3A_686, 16 : i32
              %swap3A = arith.index_cast %multiple_of3A_687 : i32 to index
              %swap3A_688 = tpu.vector_load %arg13[%swap3A] {strides = array<i32>} : memref<128xi32, #tpu.memory_space<vmem>>, vector<16xi32>,
              tpu.vector_store %arg13[%swap3A], %add3A_656 {strides = array<i32>} : memref<128xi32, #tpu.memory_space<vmem>>, vector<16xi32>,
            } else {
            }
            %eq3A_667 = arith.constant 7 : i32
            %eq3A_668 = arith.cmpi eq, %rem3A_283, %eq3A_667 : i32
            %eq3A_669 = arith.constant 0 : i32
            %eq3A_670 = arith.cmpi eq, %rem3A_287, %eq3A_669 : i32
            %and3A_671 = arith.andi %eq3A_668, %eq3A_670 : i1
            %convert_element_type3A_672 = arith.extui %and3A_671 : i1 to i32
            %cond3A_673 = arith.constant 0 : i32
            %cond3A_674 = arith.cmpi ne, %convert_element_type3A_672, %cond3A_673 : i32
            scf.if %cond3A_674 {
              %dma_start3A = arith.constant 0 : i32
              %dma_start3A_685 = arith.constant 0 : i32
              %dma_start3A_686 = tpu.memref_slice %arg11[%dma_start3A, %dma_start3A_685] : memref<256x128xf32, #tpu.memory_space<vmem>> -> memref<128x128xf32, #tpu.memory_space<vmem>>
              %dma_start3A_687 = arith.constant 0 : i32
              %dma_start3A_688 = arith.constant 0 : i32
              %dma_start3A_689 = tpu.memref_slice %arg5[%dma_start3A_687, %dma_start3A_688] : memref<16512x128xf32, #tpu.memory_space<hbm>> -> memref<16512x128xf32, #tpu.memory_space<hbm>>
              tpu.enqueue_indirect_dma source(%dma_start3A_686 : memref<128x128xf32, #tpu.memory_space<vmem>>) target(%dma_start3A_689 : memref<16512x128xf32, #tpu.memory_space<hbm>>) offsets(%arg12 : memref<128xi32, #tpu.memory_space<vmem>>) semaphore(%arg16 : memref<!tpu.dma_semaphore, #tpu.memory_space<semaphore_mem>>)
            } else {
            }
            %eq3A_675 = arith.constant 7 : i32
            %eq3A_676 = arith.cmpi eq, %rem3A_283, %eq3A_675 : i32
            %eq3A_677 = arith.constant 1 : i32
            %eq3A_678 = arith.cmpi eq, %rem3A_287, %eq3A_677 : i32
            %and3A_679 = arith.andi %eq3A_676, %eq3A_678 : i1
            %convert_element_type3A_680 = arith.extui %and3A_679 : i1 to i32
            %cond3A_681 = arith.constant 0 : i32
            %cond3A_682 = arith.cmpi ne, %convert_element_type3A_680, %cond3A_681 : i32
            scf.if %cond3A_682 {
              %dma_start3A = arith.constant 128 : i32
              %dma_start3A_685 = arith.constant 0 : i32
              %dma_start3A_686 = tpu.memref_slice %arg11[%dma_start3A, %dma_start3A_685] : memref<256x128xf32, #tpu.memory_space<vmem>> -> memref<128x128xf32, #tpu.memory_space<vmem>>
              %dma_start3A_687 = arith.constant 0 : i32
              %dma_start3A_688 = arith.constant 0 : i32
              %dma_start3A_689 = tpu.memref_slice %arg5[%dma_start3A_687, %dma_start3A_688] : memref<16512x128xf32, #tpu.memory_space<hbm>> -> memref<16512x128xf32, #tpu.memory_space<hbm>>
              tpu.enqueue_indirect_dma source(%dma_start3A_686 : memref<128x128xf32, #tpu.memory_space<vmem>>) target(%dma_start3A_689 : memref<16512x128xf32, #tpu.memory_space<hbm>>) offsets(%arg13 : memref<128xi32, #tpu.memory_space<vmem>>) semaphore(%arg17 : memref<!tpu.dma_semaphore, #tpu.memory_space<semaphore_mem>>)
            } else {
            }
            %add3A_683 = arith.constant 1 : i32
            %add3A_684 = arith.addi %while3A_272, %add3A_683 : i32
            scf.yield %add3A_684 : i32
          }
          scf.yield %while3A_270 : i32
        } else {
          scf.yield %cond3A_169 : i32
        }
        scf.yield %cond3A_231 : i32
      } else {
        scf.yield %cond3A_169 : i32
      }
      %add3A_185 = arith.constant 2 : i32
      %add3A_186 = arith.addi %add3A_161, %add3A_185 : i32
      %lt3A_187 = arith.cmpi slt, %add3A_186, %neg3A_31 : i32
      %convert_element_type3A_188 = arith.extui %lt3A_187 : i1 to i32
      %cond3A_189 = arith.constant 0 : i32
      %cond3A_190 = arith.cmpi ne, %convert_element_type3A_188, %cond3A_189 : i32
      scf.if %cond3A_190 {
        %mul3A_191 = arith.constant 3 : i32
        %mul3A_192 = arith.muli %add3A_186, %mul3A_191 : i32
        %add3A_193 = arith.addi %mul3A_2, %mul3A_192 : i32
        %mul3A_194 = arith.constant 128 : i32
        %mul3A_195 = arith.muli %add3A_193, %mul3A_194 : i32
        %min3A_196 = arith.constant 999552 : i32
        %min3A_197 = arith.minsi %mul3A_195, %min3A_196 : i32
        %multiple_of3A = tpu.assume_multiple %min3A_197, 128 : i32
        %dma_start3A = arith.constant 0 : i32
        %dma_start3A_198 = tpu.memref_slice %arg2[%dma_start3A, %multiple_of3A] : memref<64x1000000xf32, #tpu.memory_space<hbm>> -> memref<64x384xf32, #tpu.memory_space<hbm>>
        %dma_start3A_199 = arith.constant 0 : i32
        %dma_start3A_200 = tpu.memref_slice %arg2[%dma_start3A_199, %multiple_of3A] : memref<64x1000000xf32, #tpu.memory_space<hbm>> -> memref<64x384xf32, #tpu.memory_space<hbm>>
        tpu.enqueue_dma source(%dma_start3A_200 : memref<64x384xf32, #tpu.memory_space<hbm>>) target(%arg9 : memref<64x384xf32, #tpu.memory_space<vmem>>) target_semaphore(%arg15 : memref<!tpu.dma_semaphore, #tpu.memory_space<semaphore_mem>>)
      } else {
      }
      scf.yield %cond3A_184 : i32
    }
    %scan3A_79 = arith.constant 41 : i32
    %sub3A_80 = arith.constant 999936 : i32
    %sub3A_81 = arith.subi %sub3A_80, %mul3A_7 : i32
    %sub3A_82 = arith.subi %min3A_11, %mul3A_7 : i32
    %jit3A_83 = arith.constant 0 : i32
    %max3A = arith.maxsi %jit3A_83, %sub3A_81 : i32
    %min3A_84 = arith.minsi %sub3A_82, %max3A : i32
    %sub3A_85 = arith.subi %min3A_11, %mul3A_7 : i32
    %shift_left3A = arith.constant 14 : i32
    %shift_left3A_86 = arith.shli %min3A_84, %shift_left3A : i32
    %shift_left3A_87 = arith.constant 14 : i32
    %shift_left3A_88 = arith.shli %sub3A_85, %shift_left3A_87 : i32
    %while3A = arith.constant 0 : i32
    %while3A_89 = arith.constant 0 : i32
    %while3A_90 = arith.subi %neg3A_72, %while3A : i32
    %while3A_91 = arith.addi %while3A, %while3A_90 : i32
    %while3A_92 = arith.constant 1 : i32
    %while3A_93 = arith.divsi %while3A_90, %while3A_92 : i32
    %while3A_94 = arith.muli %while3A_93, %while3A_92 : i32
    %while3A_95 = arith.addi %while3A, %while3A_94 : i32
    %while3A_96 = arith.constant 1 : i32
    %while3A_97 = scf.for %while3A_154 = %while3A to %while3A_95 step %while3A_96 iter_args(%while3A_155 = %while3A_89) -> (i32)  : i32 {
      %mul3A_156 = arith.constant 16 : i32
      %mul3A_157 = arith.muli %while3A_154, %mul3A_156 : i32
      %get3A = arith.index_cast %mul3A_157 : i32 to index
      %get3A_158 = tpu.vector_load %arg6[%get3A] {strides = array<i32>} : memref<16400xi32, #tpu.memory_space<vmem>>, vector<16xi32>,
      %ge3A = vector.broadcast %shift_left3A_86 : i32 to vector<16xi32>
      %ge3A_159 = arith.cmpi sge, %get3A_158, %ge3A : vector<16xi32>
      %lt3A = vector.broadcast %shift_left3A_88 : i32 to vector<16xi32>
      %lt3A_160 = arith.cmpi slt, %get3A_158, %lt3A : vector<16xi32>
      %and3A_161 = arith.andi %ge3A_159, %lt3A_160 : vector<16xi1>
      %mul3A_162 = arith.constant 16 : i32
      %mul3A_163 = arith.muli %while3A_154, %mul3A_162 : i32
      %sub3A_164 = arith.subi %scan3A_43, %mul3A_163 : i32
      %lt3A_165 = vector.broadcast %sub3A_164 : i32 to vector<16xi32>
      %lt3A_166 = arith.cmpi slt, %iota3A, %lt3A_165 : vector<16xi32>
      %and3A_167 = arith.andi %and3A_161, %lt3A_166 : vector<16xi1>
      %convert_element_type3A_168 = arith.extui %and3A_167 : vector<16xi1> to vector<16xi32>
      %reduce_sum3A = arith.constant true
      %reduce_sum3A_169 = vector.broadcast %reduce_sum3A : i1 to vector<16xi1>
      %reduce_sum3A_170 = tpu.scan <sum>, %convert_element_type3A_168 masked %reduce_sum3A_169 : vector<16xi32>, vector<16xi1> -> vector<16xi32>
      %reduce_sum3A_171 = vector.extract %reduce_sum3A_170[15] : i32 from vector<16xi32>
      %gt3A_172 = arith.constant 0 : i32
      %gt3A_173 = arith.cmpi sgt, %reduce_sum3A_171, %gt3A_172 : i32
      %convert_element_type3A_174 = arith.extui %gt3A_173 : i1 to i32
      %cond3A_175 = arith.constant 0 : i32
      %cond3A_176 = arith.cmpi ne, %convert_element_type3A_174, %cond3A_175 : i32
      %cond3A_177 = scf.if %cond3A_176 -> (i32) {
        %broadcast_in_dim3A = arith.constant true
        %broadcast_in_dim3A_178 = vector.broadcast %broadcast_in_dim3A : i1 to vector<16xi1>
        %masked_cumsum3A = tpu.scan <sum>, %convert_element_type3A_168 masked %broadcast_in_dim3A_178 : vector<16xi32>, vector<16xi1> -> vector<16xi32>
        %sub3A_179 = arith.subi %masked_cumsum3A, %convert_element_type3A_168 : vector<16xi32>
        %add3A_180 = vector.broadcast %while3A_155 : i32 to vector<16xi32>
        %add3A_181 = arith.addi %add3A_180, %sub3A_179 : vector<16xi32>
        %mul3A_182 = arith.muli %convert_element_type3A_168, %add3A_181 : vector<16xi32>
        %sub3A_183 = arith.constant 1 : i32
        %sub3A_184 = vector.broadcast %sub3A_183 : i32 to vector<16xi32>
        %sub3A_185 = arith.subi %sub3A_184, %convert_element_type3A_168 : vector<16xi32>
        %add3A_186 = arith.constant 16384 : i32
        %add3A_187 = vector.broadcast %add3A_186 : i32 to vector<16xi32>
        %add3A_188 = arith.addi %add3A_187, %iota3A : vector<16xi32>
        %mul3A_189 = arith.muli %sub3A_185, %add3A_188 : vector<16xi32>
        %add3A_190 = arith.addi %mul3A_182, %mul3A_189 : vector<16xi32>
        tpu.vector_store_idx %arg7[%add3A_190], %get3A_158 : memref<16400xi32, #tpu.memory_space<vmem>>[vector<16xi32>], vector<16xi32>,
        %add3A_191 = arith.addi %while3A_155, %reduce_sum3A_171 : i32
        scf.yield %add3A_191 : i32
      } else {
        scf.yield %while3A_155 : i32
      }
      scf.yield %cond3A_177 : i32
    }
    %while3A_98 = arith.constant 1 : i32
    %while3A_99 = scf.for %while3A_154 = %while3A_95 to %while3A_91 step %while3A_98 iter_args(%while3A_155 = %while3A_97) -> (i32)  : i32 {
      %mul3A_156 = arith.constant 16 : i32
      %mul3A_157 = arith.muli %while3A_154, %mul3A_156 : i32
      %get3A = arith.index_cast %mul3A_157 : i32 to index
      %get3A_158 = tpu.vector_load %arg6[%get3A] {strides = array<i32>} : memref<16400xi32, #tpu.memory_space<vmem>>, vector<16xi32>,
      %ge3A = vector.broadcast %shift_left3A_86 : i32 to vector<16xi32>
      %ge3A_159 = arith.cmpi sge, %get3A_158, %ge3A : vector<16xi32>
      %lt3A = vector.broadcast %shift_left3A_88 : i32 to vector<16xi32>
      %lt3A_160 = arith.cmpi slt, %get3A_158, %lt3A : vector<16xi32>
      %and3A_161 = arith.andi %ge3A_159, %lt3A_160 : vector<16xi1>
      %mul3A_162 = arith.constant 16 : i32
      %mul3A_163 = arith.muli %while3A_154, %mul3A_162 : i32
      %sub3A_164 = arith.subi %scan3A_43, %mul3A_163 : i32
      %lt3A_165 = vector.broadcast %sub3A_164 : i32 to vector<16xi32>
      %lt3A_166 = arith.cmpi slt, %iota3A, %lt3A_165 : vector<16xi32>
      %and3A_167 = arith.andi %and3A_161, %lt3A_166 : vector<16xi1>
      %convert_element_type3A_168 = arith.extui %and3A_167 : vector<16xi1> to vector<16xi32>
      %reduce_sum3A = arith.constant true
      %reduce_sum3A_169 = vector.broadcast %reduce_sum3A : i1 to vector<16xi1>
      %reduce_sum3A_170 = tpu.scan <sum>, %convert_element_type3A_168 masked %reduce_sum3A_169 : vector<16xi32>, vector<16xi1> -> vector<16xi32>
      %reduce_sum3A_171 = vector.extract %reduce_sum3A_170[15] : i32 from vector<16xi32>
      %gt3A_172 = arith.constant 0 : i32
      %gt3A_173 = arith.cmpi sgt, %reduce_sum3A_171, %gt3A_172 : i32
      %convert_element_type3A_174 = arith.extui %gt3A_173 : i1 to i32
      %cond3A_175 = arith.constant 0 : i32
      %cond3A_176 = arith.cmpi ne, %convert_element_type3A_174, %cond3A_175 : i32
      %cond3A_177 = scf.if %cond3A_176 -> (i32) {
        %broadcast_in_dim3A = arith.constant true
        %broadcast_in_dim3A_178 = vector.broadcast %broadcast_in_dim3A : i1 to vector<16xi1>
        %masked_cumsum3A = tpu.scan <sum>, %convert_element_type3A_168 masked %broadcast_in_dim3A_178 : vector<16xi32>, vector<16xi1> -> vector<16xi32>
        %sub3A_179 = arith.subi %masked_cumsum3A, %convert_element_type3A_168 : vector<16xi32>
        %add3A_180 = vector.broadcast %while3A_155 : i32 to vector<16xi32>
        %add3A_181 = arith.addi %add3A_180, %sub3A_179 : vector<16xi32>
        %mul3A_182 = arith.muli %convert_element_type3A_168, %add3A_181 : vector<16xi32>
        %sub3A_183 = arith.constant 1 : i32
        %sub3A_184 = vector.broadcast %sub3A_183 : i32 to vector<16xi32>
        %sub3A_185 = arith.subi %sub3A_184, %convert_element_type3A_168 : vector<16xi32>
        %add3A_186 = arith.constant 16384 : i32
        %add3A_187 = vector.broadcast %add3A_186 : i32 to vector<16xi32>
        %add3A_188 = arith.addi %add3A_187, %iota3A : vector<16xi32>
        %mul3A_189 = arith.muli %sub3A_185, %add3A_188 : vector<16xi32>
        %add3A_190 = arith.addi %mul3A_182, %mul3A_189 : vector<16xi32>
        tpu.vector_store_idx %arg7[%add3A_190], %get3A_158 : memref<16400xi32, #tpu.memory_space<vmem>>[vector<16xi32>], vector<16xi32>,
        %add3A_191 = arith.addi %while3A_155, %reduce_sum3A_171 : i32
        scf.yield %add3A_191 : i32
      } else {
        scf.yield %while3A_155 : i32
      }
      scf.yield %cond3A_177 : i32
    }
    %gt3A_100 = arith.constant 0 : i32
    %gt3A_101 = arith.cmpi sgt, %while3A_99, %gt3A_100 : i32
    %convert_element_type3A_102 = arith.extui %gt3A_101 : i1 to i32
    %cond3A_103 = arith.constant 0 : i32
    %cond3A_104 = arith.cmpi ne, %convert_element_type3A_102, %cond3A_103 : i32
    %cond3A_105 = scf.if %cond3A_104 -> (i32) {
      %neg3A_154 = arith.constant 0 : i32
      %neg3A_155 = arith.subi %neg3A_154, %while3A_99 : i32
      %jit3A_156 = arith.constant 16 : i32
      %div3A_157 = arith.divsi %neg3A_155, %jit3A_156 : i32
      %sign3A_158 = arith.constant 0 : i32
      %sign3A_159 = arith.cmpi sgt, %neg3A_155, %sign3A_158 : i32
      %sign3A_160 = arith.extui %sign3A_159 : i1 to i32
      %sign3A_161 = arith.constant 0 : i32
      %sign3A_162 = arith.cmpi slt, %neg3A_155, %sign3A_161 : i32
      %sign3A_163 = arith.extui %sign3A_162 : i1 to i32
      %sign3A_164 = arith.subi %sign3A_160, %sign3A_163 : i32
      %sign3A_165 = arith.constant 0 : i32
      %sign3A_166 = arith.cmpi sgt, %jit3A_156, %sign3A_165 : i32
      %sign3A_167 = arith.extui %sign3A_166 : i1 to i32
      %sign3A_168 = arith.constant 0 : i32
      %sign3A_169 = arith.cmpi slt, %jit3A_156, %sign3A_168 : i32
      %sign3A_170 = arith.extui %sign3A_169 : i1 to i32
      %sign3A_171 = arith.subi %sign3A_167, %sign3A_170 : i32
      %ne3A_172 = arith.cmpi ne, %sign3A_164, %sign3A_171 : i32
      %rem3A_173 = arith.remsi %neg3A_155, %jit3A_156 : i32
      %ne3A_174 = arith.constant 0 : i32
      %ne3A_175 = arith.cmpi ne, %rem3A_173, %ne3A_174 : i32
      %and3A_176 = arith.andi %ne3A_172, %ne3A_175 : i1
      %sub3A_177 = arith.constant 1 : i32
      %sub3A_178 = arith.subi %div3A_157, %sub3A_177 : i32
      %select_n3A_179 = arith.select %and3A_176, %sub3A_178, %div3A_157 : i32
      %neg3A_180 = arith.constant 0 : i32
      %neg3A_181 = arith.subi %neg3A_180, %select_n3A_179 : i32
      %while3A_182 = arith.constant 0 : i32
      %while3A_183 = arith.subi %neg3A_181, %while3A_182 : i32
      %while3A_184 = arith.addi %while3A_182, %while3A_183 : i32
      %while3A_185 = arith.constant 1 : i32
      %while3A_186 = arith.divsi %while3A_183, %while3A_185 : i32
      %while3A_187 = arith.muli %while3A_186, %while3A_185 : i32
      %while3A_188 = arith.addi %while3A_182, %while3A_187 : i32
      %while3A_189 = arith.constant 1 : i32
      %while3A_190 = scf.for %while3A_193 = %while3A_182 to %while3A_188 step %while3A_189 iter_args(%while3A_194 = %scan3A_78) -> (i32)  : i32 {
        %mul3A_195 = arith.constant 16 : i32
        %mul3A_196 = arith.muli %while3A_193, %mul3A_195 : i32
        %get3A = arith.index_cast %mul3A_196 : i32 to index
        %get3A_197 = tpu.vector_load %arg7[%get3A] {strides = array<i32>} : memref<16400xi32, #tpu.memory_space<vmem>>, vector<16xi32>,
        %mul3A_198 = arith.constant 16 : i32
        %mul3A_199 = arith.muli %while3A_193, %mul3A_198 : i32
        %sub3A_200 = arith.subi %while3A_99, %mul3A_199 : i32
        %lt3A = vector.broadcast %sub3A_200 : i32 to vector<16xi32>
        %lt3A_201 = arith.cmpi slt, %iota3A, %lt3A : vector<16xi32>
        %convert_element_type3A_202 = arith.extui %lt3A_201 : vector<16xi1> to vector<16xi32>
        %rem3A_203 = arith.constant 8 : i32
        %rem3A_204 = arith.remsi %while3A_194, %rem3A_203 : i32
        %div3A_205 = arith.constant 8 : i32
        %div3A_206 = arith.divsi %while3A_194, %div3A_205 : i32
        %rem3A_207 = arith.constant 2 : i32
        %rem3A_208 = arith.remsi %div3A_206, %rem3A_207 : i32
        %eq3A_209 = arith.constant 0 : i32
        %eq3A_210 = arith.cmpi eq, %rem3A_204, %eq3A_209 : i32
        %ge3A = arith.constant 16 : i32
        %ge3A_211 = arith.cmpi sge, %while3A_194, %ge3A : i32
        %and3A_212 = arith.andi %eq3A_210, %ge3A_211 : i1
        %eq3A_213 = arith.constant 0 : i32
        %eq3A_214 = arith.cmpi eq, %rem3A_208, %eq3A_213 : i32
        %and3A_215 = arith.andi %and3A_212, %eq3A_214 : i1
        %convert_element_type3A_216 = arith.extui %and3A_215 : i1 to i32
        %cond3A_217 = arith.constant 0 : i32
        %cond3A_218 = arith.cmpi ne, %convert_element_type3A_216, %cond3A_217 : i32
        scf.if %cond3A_218 {
          %dma_wait3A = arith.constant 0 : i32
          %dma_wait3A_606 = arith.constant 0 : i32
          %dma_wait3A_607 = tpu.memref_slice %arg11[%dma_wait3A, %dma_wait3A_606] : memref<256x128xf32, #tpu.memory_space<vmem>> -> memref<128x128xf32, #tpu.memory_space<vmem>>
          %dma_wait3A_608 = arith.constant 0 : i32
          %dma_wait3A_609 = arith.constant 0 : i32
          %dma_wait3A_610 = tpu.memref_slice %arg5[%dma_wait3A_608, %dma_wait3A_609] : memref<16512x128xf32, #tpu.memory_space<hbm>> -> memref<128x128xf32, #tpu.memory_space<hbm>>
          %dma_wait3A_611 = arith.constant 0 : i32
          %dma_wait3A_612 = arith.constant 0 : i32
          %dma_wait3A_613 = tpu.memref_slice %arg11[%dma_wait3A_611, %dma_wait3A_612] : memref<256x128xf32, #tpu.memory_space<vmem>> -> memref<128x128xf32, #tpu.memory_space<vmem>>
          %dma_wait3A_614 = arith.constant 0 : i32
          %dma_wait3A_615 = arith.constant 0 : i32
          %dma_wait3A_616 = tpu.memref_slice %arg5[%dma_wait3A_614, %dma_wait3A_615] : memref<16512x128xf32, #tpu.memory_space<hbm>> -> memref<128x128xf32, #tpu.memory_space<hbm>>
          tpu.wait_dma2 semaphore(%arg16 : memref<!tpu.dma_semaphore, #tpu.memory_space<semaphore_mem>>) src(%dma_wait3A_616 : memref<128x128xf32, #tpu.memory_space<hbm>>) dst(%dma_wait3A_613 : memref<128x128xf32, #tpu.memory_space<vmem>>)
        } else {
        }
        %eq3A_219 = arith.constant 0 : i32
        %eq3A_220 = arith.cmpi eq, %rem3A_204, %eq3A_219 : i32
        %ge3A_221 = arith.constant 16 : i32
        %ge3A_222 = arith.cmpi sge, %while3A_194, %ge3A_221 : i32
        %and3A_223 = arith.andi %eq3A_220, %ge3A_222 : i1
        %eq3A_224 = arith.constant 1 : i32
        %eq3A_225 = arith.cmpi eq, %rem3A_208, %eq3A_224 : i32
        %and3A_226 = arith.andi %and3A_223, %eq3A_225 : i1
        %convert_element_type3A_227 = arith.extui %and3A_226 : i1 to i32
        %cond3A_228 = arith.constant 0 : i32
        %cond3A_229 = arith.cmpi ne, %convert_element_type3A_227, %cond3A_228 : i32
        scf.if %cond3A_229 {
          %dma_wait3A = arith.constant 0 : i32
          %dma_wait3A_606 = arith.constant 0 : i32
          %dma_wait3A_607 = tpu.memref_slice %arg11[%dma_wait3A, %dma_wait3A_606] : memref<256x128xf32, #tpu.memory_space<vmem>> -> memref<128x128xf32, #tpu.memory_space<vmem>>
          %dma_wait3A_608 = arith.constant 0 : i32
          %dma_wait3A_609 = arith.constant 0 : i32
          %dma_wait3A_610 = tpu.memref_slice %arg5[%dma_wait3A_608, %dma_wait3A_609] : memref<16512x128xf32, #tpu.memory_space<hbm>> -> memref<128x128xf32, #tpu.memory_space<hbm>>
          %dma_wait3A_611 = arith.constant 0 : i32
          %dma_wait3A_612 = arith.constant 0 : i32
          %dma_wait3A_613 = tpu.memref_slice %arg11[%dma_wait3A_611, %dma_wait3A_612] : memref<256x128xf32, #tpu.memory_space<vmem>> -> memref<128x128xf32, #tpu.memory_space<vmem>>
          %dma_wait3A_614 = arith.constant 0 : i32
          %dma_wait3A_615 = arith.constant 0 : i32
          %dma_wait3A_616 = tpu.memref_slice %arg5[%dma_wait3A_614, %dma_wait3A_615] : memref<16512x128xf32, #tpu.memory_space<hbm>> -> memref<128x128xf32, #tpu.memory_space<hbm>>
          tpu.wait_dma2 semaphore(%arg17 : memref<!tpu.dma_semaphore, #tpu.memory_space<semaphore_mem>>) src(%dma_wait3A_616 : memref<128x128xf32, #tpu.memory_space<hbm>>) dst(%dma_wait3A_613 : memref<128x128xf32, #tpu.memory_space<vmem>>)
        } else {
        }
        %shift_right_logical3A = arith.constant 14 : i32
        %shift_right_logical3A_230 = vector.broadcast %shift_right_logical3A : i32 to vector<16xi32>
        %shift_right_logical3A_231 = arith.shrui %get3A_197, %shift_right_logical3A_230 : vector<16xi32>
        %and3A_232 = arith.constant 16383 : i32
        %and3A_233 = vector.broadcast %and3A_232 : i32 to vector<16xi32>
        %and3A_234 = arith.andi %get3A_197, %and3A_233 : vector<16xi32>
        %sub3A_235 = vector.broadcast %min3A_84 : i32 to vector<16xi32>
        %sub3A_236 = arith.subi %shift_right_logical3A_231, %sub3A_235 : vector<16xi32>
        %jit3A_237 = arith.constant 0 : i32
        %jit3A_238 = arith.constant 63 : i32
        %max3A_239 = vector.broadcast %jit3A_237 : i32 to vector<16xi32>
        %max3A_240 = arith.maxsi %max3A_239, %sub3A_236 : vector<16xi32>
        %min3A_241 = vector.broadcast %jit3A_238 : i32 to vector<16xi32>
        %min3A_242 = arith.minsi %min3A_241, %max3A_240 : vector<16xi32>
        %mul3A_243 = arith.constant 8 : i32
        %mul3A_244 = arith.muli %rem3A_208, %mul3A_243 : i32
        %add3A_245 = arith.addi %mul3A_244, %rem3A_204 : i32
        %mul3A_246 = arith.constant 16 : i32
        %mul3A_247 = arith.muli %add3A_245, %mul3A_246 : i32
        %multiple_of3A = tpu.assume_multiple %mul3A_247, 16 : i32
        %broadcast_in_dim3A = arith.constant 0 : i32
        %broadcast_in_dim3A_248 = vector.broadcast %broadcast_in_dim3A : i32 to vector<16xi32>
        %gather3A = tpu.vector_load_idx %arg10[%broadcast_in_dim3A_248, %min3A_242] : memref<64x64xf32, #tpu.memory_space<vmem>>[vector<16xi32>, vector<16xi32>], vector<16xf32>,
        %add3A_249 = vector.broadcast %multiple_of3A : i32 to vector<16xi32>
        %add3A_250 = arith.addi %add3A_249, %iota3A : vector<16xi32>
        tpu.vector_store_idx %arg11[%add3A_250, %broadcast_in_dim3A_248], %gather3A : memref<256x128xf32, #tpu.memory_space<vmem>>[vector<16xi32>, vector<16xi32>], vector<16xf32>,
        %broadcast_in_dim3A_251 = arith.constant 1 : i32
        %broadcast_in_dim3A_252 = vector.broadcast %broadcast_in_dim3A_251 : i32 to vector<16xi32>
        %gather3A_253 = tpu.vector_load_idx %arg10[%broadcast_in_dim3A_252, %min3A_242] : memref<64x64xf32, #tpu.memory_space<vmem>>[vector<16xi32>, vector<16xi32>], vector<16xf32>,
        %add3A_254 = vector.broadcast %multiple_of3A : i32 to vector<16xi32>
        %add3A_255 = arith.addi %add3A_254, %iota3A : vector<16xi32>
        tpu.vector_store_idx %arg11[%add3A_255, %broadcast_in_dim3A_252], %gather3A_253 : memref<256x128xf32, #tpu.memory_space<vmem>>[vector<16xi32>, vector<16xi32>], vector<16xf32>,
        %broadcast_in_dim3A_256 = arith.constant 2 : i32
        %broadcast_in_dim3A_257 = vector.broadcast %broadcast_in_dim3A_256 : i32 to vector<16xi32>
        %gather3A_258 = tpu.vector_load_idx %arg10[%broadcast_in_dim3A_257, %min3A_242] : memref<64x64xf32, #tpu.memory_space<vmem>>[vector<16xi32>, vector<16xi32>], vector<16xf32>,
        %add3A_259 = vector.broadcast %multiple_of3A : i32 to vector<16xi32>
        %add3A_260 = arith.addi %add3A_259, %iota3A : vector<16xi32>
        tpu.vector_store_idx %arg11[%add3A_260, %broadcast_in_dim3A_257], %gather3A_258 : memref<256x128xf32, #tpu.memory_space<vmem>>[vector<16xi32>, vector<16xi32>], vector<16xf32>,
        %broadcast_in_dim3A_261 = arith.constant 3 : i32
        %broadcast_in_dim3A_262 = vector.broadcast %broadcast_in_dim3A_261 : i32 to vector<16xi32>
        %gather3A_263 = tpu.vector_load_idx %arg10[%broadcast_in_dim3A_262, %min3A_242] : memref<64x64xf32, #tpu.memory_space<vmem>>[vector<16xi32>, vector<16xi32>], vector<16xf32>,
        %add3A_264 = vector.broadcast %multiple_of3A : i32 to vector<16xi32>
        %add3A_265 = arith.addi %add3A_264, %iota3A : vector<16xi32>
        tpu.vector_store_idx %arg11[%add3A_265, %broadcast_in_dim3A_262], %gather3A_263 : memref<256x128xf32, #tpu.memory_space<vmem>>[vector<16xi32>, vector<16xi32>], vector<16xf32>,
        %broadcast_in_dim3A_266 = arith.constant 4 : i32
        %broadcast_in_dim3A_267 = vector.broadcast %broadcast_in_dim3A_266 : i32 to vector<16xi32>
        %gather3A_268 = tpu.vector_load_idx %arg10[%broadcast_in_dim3A_267, %min3A_242] : memref<64x64xf32, #tpu.memory_space<vmem>>[vector<16xi32>, vector<16xi32>], vector<16xf32>,
        %add3A_269 = vector.broadcast %multiple_of3A : i32 to vector<16xi32>
        %add3A_270 = arith.addi %add3A_269, %iota3A : vector<16xi32>
        tpu.vector_store_idx %arg11[%add3A_270, %broadcast_in_dim3A_267], %gather3A_268 : memref<256x128xf32, #tpu.memory_space<vmem>>[vector<16xi32>, vector<16xi32>], vector<16xf32>,
        %broadcast_in_dim3A_271 = arith.constant 5 : i32
        %broadcast_in_dim3A_272 = vector.broadcast %broadcast_in_dim3A_271 : i32 to vector<16xi32>
        %gather3A_273 = tpu.vector_load_idx %arg10[%broadcast_in_dim3A_272, %min3A_242] : memref<64x64xf32, #tpu.memory_space<vmem>>[vector<16xi32>, vector<16xi32>], vector<16xf32>,
        %add3A_274 = vector.broadcast %multiple_of3A : i32 to vector<16xi32>
        %add3A_275 = arith.addi %add3A_274, %iota3A : vector<16xi32>
        tpu.vector_store_idx %arg11[%add3A_275, %broadcast_in_dim3A_272], %gather3A_273 : memref<256x128xf32, #tpu.memory_space<vmem>>[vector<16xi32>, vector<16xi32>], vector<16xf32>,
        %broadcast_in_dim3A_276 = arith.constant 6 : i32
        %broadcast_in_dim3A_277 = vector.broadcast %broadcast_in_dim3A_276 : i32 to vector<16xi32>
        %gather3A_278 = tpu.vector_load_idx %arg10[%broadcast_in_dim3A_277, %min3A_242] : memref<64x64xf32, #tpu.memory_space<vmem>>[vector<16xi32>, vector<16xi32>], vector<16xf32>,
        %add3A_279 = vector.broadcast %multiple_of3A : i32 to vector<16xi32>
        %add3A_280 = arith.addi %add3A_279, %iota3A : vector<16xi32>
        tpu.vector_store_idx %arg11[%add3A_280, %broadcast_in_dim3A_277], %gather3A_278 : memref<256x128xf32, #tpu.memory_space<vmem>>[vector<16xi32>, vector<16xi32>], vector<16xf32>,
        %broadcast_in_dim3A_281 = arith.constant 7 : i32
        %broadcast_in_dim3A_282 = vector.broadcast %broadcast_in_dim3A_281 : i32 to vector<16xi32>
        %gather3A_283 = tpu.vector_load_idx %arg10[%broadcast_in_dim3A_282, %min3A_242] : memref<64x64xf32, #tpu.memory_space<vmem>>[vector<16xi32>, vector<16xi32>], vector<16xf32>,
        %add3A_284 = vector.broadcast %multiple_of3A : i32 to vector<16xi32>
        %add3A_285 = arith.addi %add3A_284, %iota3A : vector<16xi32>
        tpu.vector_store_idx %arg11[%add3A_285, %broadcast_in_dim3A_282], %gather3A_283 : memref<256x128xf32, #tpu.memory_space<vmem>>[vector<16xi32>, vector<16xi32>], vector<16xf32>,
        %broadcast_in_dim3A_286 = arith.constant 8 : i32
        %broadcast_in_dim3A_287 = vector.broadcast %broadcast_in_dim3A_286 : i32 to vector<16xi32>
        %gather3A_288 = tpu.vector_load_idx %arg10[%broadcast_in_dim3A_287, %min3A_242] : memref<64x64xf32, #tpu.memory_space<vmem>>[vector<16xi32>, vector<16xi32>], vector<16xf32>,
        %add3A_289 = vector.broadcast %multiple_of3A : i32 to vector<16xi32>
        %add3A_290 = arith.addi %add3A_289, %iota3A : vector<16xi32>
        tpu.vector_store_idx %arg11[%add3A_290, %broadcast_in_dim3A_287], %gather3A_288 : memref<256x128xf32, #tpu.memory_space<vmem>>[vector<16xi32>, vector<16xi32>], vector<16xf32>,
        %broadcast_in_dim3A_291 = arith.constant 9 : i32
        %broadcast_in_dim3A_292 = vector.broadcast %broadcast_in_dim3A_291 : i32 to vector<16xi32>
        %gather3A_293 = tpu.vector_load_idx %arg10[%broadcast_in_dim3A_292, %min3A_242] : memref<64x64xf32, #tpu.memory_space<vmem>>[vector<16xi32>, vector<16xi32>], vector<16xf32>,
        %add3A_294 = vector.broadcast %multiple_of3A : i32 to vector<16xi32>
        %add3A_295 = arith.addi %add3A_294, %iota3A : vector<16xi32>
        tpu.vector_store_idx %arg11[%add3A_295, %broadcast_in_dim3A_292], %gather3A_293 : memref<256x128xf32, #tpu.memory_space<vmem>>[vector<16xi32>, vector<16xi32>], vector<16xf32>,
        %broadcast_in_dim3A_296 = arith.constant 10 : i32
        %broadcast_in_dim3A_297 = vector.broadcast %broadcast_in_dim3A_296 : i32 to vector<16xi32>
        %gather3A_298 = tpu.vector_load_idx %arg10[%broadcast_in_dim3A_297, %min3A_242] : memref<64x64xf32, #tpu.memory_space<vmem>>[vector<16xi32>, vector<16xi32>], vector<16xf32>,
        %add3A_299 = vector.broadcast %multiple_of3A : i32 to vector<16xi32>
        %add3A_300 = arith.addi %add3A_299, %iota3A : vector<16xi32>
        tpu.vector_store_idx %arg11[%add3A_300, %broadcast_in_dim3A_297], %gather3A_298 : memref<256x128xf32, #tpu.memory_space<vmem>>[vector<16xi32>, vector<16xi32>], vector<16xf32>,
        %broadcast_in_dim3A_301 = arith.constant 11 : i32
        %broadcast_in_dim3A_302 = vector.broadcast %broadcast_in_dim3A_301 : i32 to vector<16xi32>
        %gather3A_303 = tpu.vector_load_idx %arg10[%broadcast_in_dim3A_302, %min3A_242] : memref<64x64xf32, #tpu.memory_space<vmem>>[vector<16xi32>, vector<16xi32>], vector<16xf32>,
        %add3A_304 = vector.broadcast %multiple_of3A : i32 to vector<16xi32>
        %add3A_305 = arith.addi %add3A_304, %iota3A : vector<16xi32>
        tpu.vector_store_idx %arg11[%add3A_305, %broadcast_in_dim3A_302], %gather3A_303 : memref<256x128xf32, #tpu.memory_space<vmem>>[vector<16xi32>, vector<16xi32>], vector<16xf32>,
        %broadcast_in_dim3A_306 = arith.constant 12 : i32
        %broadcast_in_dim3A_307 = vector.broadcast %broadcast_in_dim3A_306 : i32 to vector<16xi32>
        %gather3A_308 = tpu.vector_load_idx %arg10[%broadcast_in_dim3A_307, %min3A_242] : memref<64x64xf32, #tpu.memory_space<vmem>>[vector<16xi32>, vector<16xi32>], vector<16xf32>,
        %add3A_309 = vector.broadcast %multiple_of3A : i32 to vector<16xi32>
        %add3A_310 = arith.addi %add3A_309, %iota3A : vector<16xi32>
        tpu.vector_store_idx %arg11[%add3A_310, %broadcast_in_dim3A_307], %gather3A_308 : memref<256x128xf32, #tpu.memory_space<vmem>>[vector<16xi32>, vector<16xi32>], vector<16xf32>,
        %broadcast_in_dim3A_311 = arith.constant 13 : i32
        %broadcast_in_dim3A_312 = vector.broadcast %broadcast_in_dim3A_311 : i32 to vector<16xi32>
        %gather3A_313 = tpu.vector_load_idx %arg10[%broadcast_in_dim3A_312, %min3A_242] : memref<64x64xf32, #tpu.memory_space<vmem>>[vector<16xi32>, vector<16xi32>], vector<16xf32>,
        %add3A_314 = vector.broadcast %multiple_of3A : i32 to vector<16xi32>
        %add3A_315 = arith.addi %add3A_314, %iota3A : vector<16xi32>
        tpu.vector_store_idx %arg11[%add3A_315, %broadcast_in_dim3A_312], %gather3A_313 : memref<256x128xf32, #tpu.memory_space<vmem>>[vector<16xi32>, vector<16xi32>], vector<16xf32>,
        %broadcast_in_dim3A_316 = arith.constant 14 : i32
        %broadcast_in_dim3A_317 = vector.broadcast %broadcast_in_dim3A_316 : i32 to vector<16xi32>
        %gather3A_318 = tpu.vector_load_idx %arg10[%broadcast_in_dim3A_317, %min3A_242] : memref<64x64xf32, #tpu.memory_space<vmem>>[vector<16xi32>, vector<16xi32>], vector<16xf32>,
        %add3A_319 = vector.broadcast %multiple_of3A : i32 to vector<16xi32>
        %add3A_320 = arith.addi %add3A_319, %iota3A : vector<16xi32>
        tpu.vector_store_idx %arg11[%add3A_320, %broadcast_in_dim3A_317], %gather3A_318 : memref<256x128xf32, #tpu.memory_space<vmem>>[vector<16xi32>, vector<16xi32>], vector<16xf32>,
        %broadcast_in_dim3A_321 = arith.constant 15 : i32
        %broadcast_in_dim3A_322 = vector.broadcast %broadcast_in_dim3A_321 : i32 to vector<16xi32>
        %gather3A_323 = tpu.vector_load_idx %arg10[%broadcast_in_dim3A_322, %min3A_242] : memref<64x64xf32, #tpu.memory_space<vmem>>[vector<16xi32>, vector<16xi32>], vector<16xf32>,
        %add3A_324 = vector.broadcast %multiple_of3A : i32 to vector<16xi32>
        %add3A_325 = arith.addi %add3A_324, %iota3A : vector<16xi32>
        tpu.vector_store_idx %arg11[%add3A_325, %broadcast_in_dim3A_322], %gather3A_323 : memref<256x128xf32, #tpu.memory_space<vmem>>[vector<16xi32>, vector<16xi32>], vector<16xf32>,
        %broadcast_in_dim3A_326 = arith.constant 16 : i32
        %broadcast_in_dim3A_327 = vector.broadcast %broadcast_in_dim3A_326 : i32 to vector<16xi32>
        %gather3A_328 = tpu.vector_load_idx %arg10[%broadcast_in_dim3A_327, %min3A_242] : memref<64x64xf32, #tpu.memory_space<vmem>>[vector<16xi32>, vector<16xi32>], vector<16xf32>,
        %add3A_329 = vector.broadcast %multiple_of3A : i32 to vector<16xi32>
        %add3A_330 = arith.addi %add3A_329, %iota3A : vector<16xi32>
        tpu.vector_store_idx %arg11[%add3A_330, %broadcast_in_dim3A_327], %gather3A_328 : memref<256x128xf32, #tpu.memory_space<vmem>>[vector<16xi32>, vector<16xi32>], vector<16xf32>,
        %broadcast_in_dim3A_331 = arith.constant 17 : i32
        %broadcast_in_dim3A_332 = vector.broadcast %broadcast_in_dim3A_331 : i32 to vector<16xi32>
        %gather3A_333 = tpu.vector_load_idx %arg10[%broadcast_in_dim3A_332, %min3A_242] : memref<64x64xf32, #tpu.memory_space<vmem>>[vector<16xi32>, vector<16xi32>], vector<16xf32>,
        %add3A_334 = vector.broadcast %multiple_of3A : i32 to vector<16xi32>
        %add3A_335 = arith.addi %add3A_334, %iota3A : vector<16xi32>
        tpu.vector_store_idx %arg11[%add3A_335, %broadcast_in_dim3A_332], %gather3A_333 : memref<256x128xf32, #tpu.memory_space<vmem>>[vector<16xi32>, vector<16xi32>], vector<16xf32>,
        %broadcast_in_dim3A_336 = arith.constant 18 : i32
        %broadcast_in_dim3A_337 = vector.broadcast %broadcast_in_dim3A_336 : i32 to vector<16xi32>
        %gather3A_338 = tpu.vector_load_idx %arg10[%broadcast_in_dim3A_337, %min3A_242] : memref<64x64xf32, #tpu.memory_space<vmem>>[vector<16xi32>, vector<16xi32>], vector<16xf32>,
        %add3A_339 = vector.broadcast %multiple_of3A : i32 to vector<16xi32>
        %add3A_340 = arith.addi %add3A_339, %iota3A : vector<16xi32>
        tpu.vector_store_idx %arg11[%add3A_340, %broadcast_in_dim3A_337], %gather3A_338 : memref<256x128xf32, #tpu.memory_space<vmem>>[vector<16xi32>, vector<16xi32>], vector<16xf32>,
        %broadcast_in_dim3A_341 = arith.constant 19 : i32
        %broadcast_in_dim3A_342 = vector.broadcast %broadcast_in_dim3A_341 : i32 to vector<16xi32>
        %gather3A_343 = tpu.vector_load_idx %arg10[%broadcast_in_dim3A_342, %min3A_242] : memref<64x64xf32, #tpu.memory_space<vmem>>[vector<16xi32>, vector<16xi32>], vector<16xf32>,
        %add3A_344 = vector.broadcast %multiple_of3A : i32 to vector<16xi32>
        %add3A_345 = arith.addi %add3A_344, %iota3A : vector<16xi32>
        tpu.vector_store_idx %arg11[%add3A_345, %broadcast_in_dim3A_342], %gather3A_343 : memref<256x128xf32, #tpu.memory_space<vmem>>[vector<16xi32>, vector<16xi32>], vector<16xf32>,
        %broadcast_in_dim3A_346 = arith.constant 20 : i32
        %broadcast_in_dim3A_347 = vector.broadcast %broadcast_in_dim3A_346 : i32 to vector<16xi32>
        %gather3A_348 = tpu.vector_load_idx %arg10[%broadcast_in_dim3A_347, %min3A_242] : memref<64x64xf32, #tpu.memory_space<vmem>>[vector<16xi32>, vector<16xi32>], vector<16xf32>,
        %add3A_349 = vector.broadcast %multiple_of3A : i32 to vector<16xi32>
        %add3A_350 = arith.addi %add3A_349, %iota3A : vector<16xi32>
        tpu.vector_store_idx %arg11[%add3A_350, %broadcast_in_dim3A_347], %gather3A_348 : memref<256x128xf32, #tpu.memory_space<vmem>>[vector<16xi32>, vector<16xi32>], vector<16xf32>,
        %broadcast_in_dim3A_351 = arith.constant 21 : i32
        %broadcast_in_dim3A_352 = vector.broadcast %broadcast_in_dim3A_351 : i32 to vector<16xi32>
        %gather3A_353 = tpu.vector_load_idx %arg10[%broadcast_in_dim3A_352, %min3A_242] : memref<64x64xf32, #tpu.memory_space<vmem>>[vector<16xi32>, vector<16xi32>], vector<16xf32>,
        %add3A_354 = vector.broadcast %multiple_of3A : i32 to vector<16xi32>
        %add3A_355 = arith.addi %add3A_354, %iota3A : vector<16xi32>
        tpu.vector_store_idx %arg11[%add3A_355, %broadcast_in_dim3A_352], %gather3A_353 : memref<256x128xf32, #tpu.memory_space<vmem>>[vector<16xi32>, vector<16xi32>], vector<16xf32>,
        %broadcast_in_dim3A_356 = arith.constant 22 : i32
        %broadcast_in_dim3A_357 = vector.broadcast %broadcast_in_dim3A_356 : i32 to vector<16xi32>
        %gather3A_358 = tpu.vector_load_idx %arg10[%broadcast_in_dim3A_357, %min3A_242] : memref<64x64xf32, #tpu.memory_space<vmem>>[vector<16xi32>, vector<16xi32>], vector<16xf32>,
        %add3A_359 = vector.broadcast %multiple_of3A : i32 to vector<16xi32>
        %add3A_360 = arith.addi %add3A_359, %iota3A : vector<16xi32>
        tpu.vector_store_idx %arg11[%add3A_360, %broadcast_in_dim3A_357], %gather3A_358 : memref<256x128xf32, #tpu.memory_space<vmem>>[vector<16xi32>, vector<16xi32>], vector<16xf32>,
        %broadcast_in_dim3A_361 = arith.constant 23 : i32
        %broadcast_in_dim3A_362 = vector.broadcast %broadcast_in_dim3A_361 : i32 to vector<16xi32>
        %gather3A_363 = tpu.vector_load_idx %arg10[%broadcast_in_dim3A_362, %min3A_242] : memref<64x64xf32, #tpu.memory_space<vmem>>[vector<16xi32>, vector<16xi32>], vector<16xf32>,
        %add3A_364 = vector.broadcast %multiple_of3A : i32 to vector<16xi32>
        %add3A_365 = arith.addi %add3A_364, %iota3A : vector<16xi32>
        tpu.vector_store_idx %arg11[%add3A_365, %broadcast_in_dim3A_362], %gather3A_363 : memref<256x128xf32, #tpu.memory_space<vmem>>[vector<16xi32>, vector<16xi32>], vector<16xf32>,
        %broadcast_in_dim3A_366 = arith.constant 24 : i32
        %broadcast_in_dim3A_367 = vector.broadcast %broadcast_in_dim3A_366 : i32 to vector<16xi32>
        %gather3A_368 = tpu.vector_load_idx %arg10[%broadcast_in_dim3A_367, %min3A_242] : memref<64x64xf32, #tpu.memory_space<vmem>>[vector<16xi32>, vector<16xi32>], vector<16xf32>,
        %add3A_369 = vector.broadcast %multiple_of3A : i32 to vector<16xi32>
        %add3A_370 = arith.addi %add3A_369, %iota3A : vector<16xi32>
        tpu.vector_store_idx %arg11[%add3A_370, %broadcast_in_dim3A_367], %gather3A_368 : memref<256x128xf32, #tpu.memory_space<vmem>>[vector<16xi32>, vector<16xi32>], vector<16xf32>,
        %broadcast_in_dim3A_371 = arith.constant 25 : i32
        %broadcast_in_dim3A_372 = vector.broadcast %broadcast_in_dim3A_371 : i32 to vector<16xi32>
        %gather3A_373 = tpu.vector_load_idx %arg10[%broadcast_in_dim3A_372, %min3A_242] : memref<64x64xf32, #tpu.memory_space<vmem>>[vector<16xi32>, vector<16xi32>], vector<16xf32>,
        %add3A_374 = vector.broadcast %multiple_of3A : i32 to vector<16xi32>
        %add3A_375 = arith.addi %add3A_374, %iota3A : vector<16xi32>
        tpu.vector_store_idx %arg11[%add3A_375, %broadcast_in_dim3A_372], %gather3A_373 : memref<256x128xf32, #tpu.memory_space<vmem>>[vector<16xi32>, vector<16xi32>], vector<16xf32>,
        %broadcast_in_dim3A_376 = arith.constant 26 : i32
        %broadcast_in_dim3A_377 = vector.broadcast %broadcast_in_dim3A_376 : i32 to vector<16xi32>
        %gather3A_378 = tpu.vector_load_idx %arg10[%broadcast_in_dim3A_377, %min3A_242] : memref<64x64xf32, #tpu.memory_space<vmem>>[vector<16xi32>, vector<16xi32>], vector<16xf32>,
        %add3A_379 = vector.broadcast %multiple_of3A : i32 to vector<16xi32>
        %add3A_380 = arith.addi %add3A_379, %iota3A : vector<16xi32>
        tpu.vector_store_idx %arg11[%add3A_380, %broadcast_in_dim3A_377], %gather3A_378 : memref<256x128xf32, #tpu.memory_space<vmem>>[vector<16xi32>, vector<16xi32>], vector<16xf32>,
        %broadcast_in_dim3A_381 = arith.constant 27 : i32
        %broadcast_in_dim3A_382 = vector.broadcast %broadcast_in_dim3A_381 : i32 to vector<16xi32>
        %gather3A_383 = tpu.vector_load_idx %arg10[%broadcast_in_dim3A_382, %min3A_242] : memref<64x64xf32, #tpu.memory_space<vmem>>[vector<16xi32>, vector<16xi32>], vector<16xf32>,
        %add3A_384 = vector.broadcast %multiple_of3A : i32 to vector<16xi32>
        %add3A_385 = arith.addi %add3A_384, %iota3A : vector<16xi32>
        tpu.vector_store_idx %arg11[%add3A_385, %broadcast_in_dim3A_382], %gather3A_383 : memref<256x128xf32, #tpu.memory_space<vmem>>[vector<16xi32>, vector<16xi32>], vector<16xf32>,
        %broadcast_in_dim3A_386 = arith.constant 28 : i32
        %broadcast_in_dim3A_387 = vector.broadcast %broadcast_in_dim3A_386 : i32 to vector<16xi32>
        %gather3A_388 = tpu.vector_load_idx %arg10[%broadcast_in_dim3A_387, %min3A_242] : memref<64x64xf32, #tpu.memory_space<vmem>>[vector<16xi32>, vector<16xi32>], vector<16xf32>,
        %add3A_389 = vector.broadcast %multiple_of3A : i32 to vector<16xi32>
        %add3A_390 = arith.addi %add3A_389, %iota3A : vector<16xi32>
        tpu.vector_store_idx %arg11[%add3A_390, %broadcast_in_dim3A_387], %gather3A_388 : memref<256x128xf32, #tpu.memory_space<vmem>>[vector<16xi32>, vector<16xi32>], vector<16xf32>,
        %broadcast_in_dim3A_391 = arith.constant 29 : i32
        %broadcast_in_dim3A_392 = vector.broadcast %broadcast_in_dim3A_391 : i32 to vector<16xi32>
        %gather3A_393 = tpu.vector_load_idx %arg10[%broadcast_in_dim3A_392, %min3A_242] : memref<64x64xf32, #tpu.memory_space<vmem>>[vector<16xi32>, vector<16xi32>], vector<16xf32>,
        %add3A_394 = vector.broadcast %multiple_of3A : i32 to vector<16xi32>
        %add3A_395 = arith.addi %add3A_394, %iota3A : vector<16xi32>
        tpu.vector_store_idx %arg11[%add3A_395, %broadcast_in_dim3A_392], %gather3A_393 : memref<256x128xf32, #tpu.memory_space<vmem>>[vector<16xi32>, vector<16xi32>], vector<16xf32>,
        %broadcast_in_dim3A_396 = arith.constant 30 : i32
        %broadcast_in_dim3A_397 = vector.broadcast %broadcast_in_dim3A_396 : i32 to vector<16xi32>
        %gather3A_398 = tpu.vector_load_idx %arg10[%broadcast_in_dim3A_397, %min3A_242] : memref<64x64xf32, #tpu.memory_space<vmem>>[vector<16xi32>, vector<16xi32>], vector<16xf32>,
        %add3A_399 = vector.broadcast %multiple_of3A : i32 to vector<16xi32>
        %add3A_400 = arith.addi %add3A_399, %iota3A : vector<16xi32>
        tpu.vector_store_idx %arg11[%add3A_400, %broadcast_in_dim3A_397], %gather3A_398 : memref<256x128xf32, #tpu.memory_space<vmem>>[vector<16xi32>, vector<16xi32>], vector<16xf32>,
        %broadcast_in_dim3A_401 = arith.constant 31 : i32
        %broadcast_in_dim3A_402 = vector.broadcast %broadcast_in_dim3A_401 : i32 to vector<16xi32>
        %gather3A_403 = tpu.vector_load_idx %arg10[%broadcast_in_dim3A_402, %min3A_242] : memref<64x64xf32, #tpu.memory_space<vmem>>[vector<16xi32>, vector<16xi32>], vector<16xf32>,
        %add3A_404 = vector.broadcast %multiple_of3A : i32 to vector<16xi32>
        %add3A_405 = arith.addi %add3A_404, %iota3A : vector<16xi32>
        tpu.vector_store_idx %arg11[%add3A_405, %broadcast_in_dim3A_402], %gather3A_403 : memref<256x128xf32, #tpu.memory_space<vmem>>[vector<16xi32>, vector<16xi32>], vector<16xf32>,
        %broadcast_in_dim3A_406 = arith.constant 32 : i32
        %broadcast_in_dim3A_407 = vector.broadcast %broadcast_in_dim3A_406 : i32 to vector<16xi32>
        %gather3A_408 = tpu.vector_load_idx %arg10[%broadcast_in_dim3A_407, %min3A_242] : memref<64x64xf32, #tpu.memory_space<vmem>>[vector<16xi32>, vector<16xi32>], vector<16xf32>,
        %add3A_409 = vector.broadcast %multiple_of3A : i32 to vector<16xi32>
        %add3A_410 = arith.addi %add3A_409, %iota3A : vector<16xi32>
        tpu.vector_store_idx %arg11[%add3A_410, %broadcast_in_dim3A_407], %gather3A_408 : memref<256x128xf32, #tpu.memory_space<vmem>>[vector<16xi32>, vector<16xi32>], vector<16xf32>,
        %broadcast_in_dim3A_411 = arith.constant 33 : i32
        %broadcast_in_dim3A_412 = vector.broadcast %broadcast_in_dim3A_411 : i32 to vector<16xi32>
        %gather3A_413 = tpu.vector_load_idx %arg10[%broadcast_in_dim3A_412, %min3A_242] : memref<64x64xf32, #tpu.memory_space<vmem>>[vector<16xi32>, vector<16xi32>], vector<16xf32>,
        %add3A_414 = vector.broadcast %multiple_of3A : i32 to vector<16xi32>
        %add3A_415 = arith.addi %add3A_414, %iota3A : vector<16xi32>
        tpu.vector_store_idx %arg11[%add3A_415, %broadcast_in_dim3A_412], %gather3A_413 : memref<256x128xf32, #tpu.memory_space<vmem>>[vector<16xi32>, vector<16xi32>], vector<16xf32>,
        %broadcast_in_dim3A_416 = arith.constant 34 : i32
        %broadcast_in_dim3A_417 = vector.broadcast %broadcast_in_dim3A_416 : i32 to vector<16xi32>
        %gather3A_418 = tpu.vector_load_idx %arg10[%broadcast_in_dim3A_417, %min3A_242] : memref<64x64xf32, #tpu.memory_space<vmem>>[vector<16xi32>, vector<16xi32>], vector<16xf32>,
        %add3A_419 = vector.broadcast %multiple_of3A : i32 to vector<16xi32>
        %add3A_420 = arith.addi %add3A_419, %iota3A : vector<16xi32>
        tpu.vector_store_idx %arg11[%add3A_420, %broadcast_in_dim3A_417], %gather3A_418 : memref<256x128xf32, #tpu.memory_space<vmem>>[vector<16xi32>, vector<16xi32>], vector<16xf32>,
        %broadcast_in_dim3A_421 = arith.constant 35 : i32
        %broadcast_in_dim3A_422 = vector.broadcast %broadcast_in_dim3A_421 : i32 to vector<16xi32>
        %gather3A_423 = tpu.vector_load_idx %arg10[%broadcast_in_dim3A_422, %min3A_242] : memref<64x64xf32, #tpu.memory_space<vmem>>[vector<16xi32>, vector<16xi32>], vector<16xf32>,
        %add3A_424 = vector.broadcast %multiple_of3A : i32 to vector<16xi32>
        %add3A_425 = arith.addi %add3A_424, %iota3A : vector<16xi32>
        tpu.vector_store_idx %arg11[%add3A_425, %broadcast_in_dim3A_422], %gather3A_423 : memref<256x128xf32, #tpu.memory_space<vmem>>[vector<16xi32>, vector<16xi32>], vector<16xf32>,
        %broadcast_in_dim3A_426 = arith.constant 36 : i32
        %broadcast_in_dim3A_427 = vector.broadcast %broadcast_in_dim3A_426 : i32 to vector<16xi32>
        %gather3A_428 = tpu.vector_load_idx %arg10[%broadcast_in_dim3A_427, %min3A_242] : memref<64x64xf32, #tpu.memory_space<vmem>>[vector<16xi32>, vector<16xi32>], vector<16xf32>,
        %add3A_429 = vector.broadcast %multiple_of3A : i32 to vector<16xi32>
        %add3A_430 = arith.addi %add3A_429, %iota3A : vector<16xi32>
        tpu.vector_store_idx %arg11[%add3A_430, %broadcast_in_dim3A_427], %gather3A_428 : memref<256x128xf32, #tpu.memory_space<vmem>>[vector<16xi32>, vector<16xi32>], vector<16xf32>,
        %broadcast_in_dim3A_431 = arith.constant 37 : i32
        %broadcast_in_dim3A_432 = vector.broadcast %broadcast_in_dim3A_431 : i32 to vector<16xi32>
        %gather3A_433 = tpu.vector_load_idx %arg10[%broadcast_in_dim3A_432, %min3A_242] : memref<64x64xf32, #tpu.memory_space<vmem>>[vector<16xi32>, vector<16xi32>], vector<16xf32>,
        %add3A_434 = vector.broadcast %multiple_of3A : i32 to vector<16xi32>
        %add3A_435 = arith.addi %add3A_434, %iota3A : vector<16xi32>
        tpu.vector_store_idx %arg11[%add3A_435, %broadcast_in_dim3A_432], %gather3A_433 : memref<256x128xf32, #tpu.memory_space<vmem>>[vector<16xi32>, vector<16xi32>], vector<16xf32>,
        %broadcast_in_dim3A_436 = arith.constant 38 : i32
        %broadcast_in_dim3A_437 = vector.broadcast %broadcast_in_dim3A_436 : i32 to vector<16xi32>
        %gather3A_438 = tpu.vector_load_idx %arg10[%broadcast_in_dim3A_437, %min3A_242] : memref<64x64xf32, #tpu.memory_space<vmem>>[vector<16xi32>, vector<16xi32>], vector<16xf32>,
        %add3A_439 = vector.broadcast %multiple_of3A : i32 to vector<16xi32>
        %add3A_440 = arith.addi %add3A_439, %iota3A : vector<16xi32>
        tpu.vector_store_idx %arg11[%add3A_440, %broadcast_in_dim3A_437], %gather3A_438 : memref<256x128xf32, #tpu.memory_space<vmem>>[vector<16xi32>, vector<16xi32>], vector<16xf32>,
        %broadcast_in_dim3A_441 = arith.constant 39 : i32
        %broadcast_in_dim3A_442 = vector.broadcast %broadcast_in_dim3A_441 : i32 to vector<16xi32>
        %gather3A_443 = tpu.vector_load_idx %arg10[%broadcast_in_dim3A_442, %min3A_242] : memref<64x64xf32, #tpu.memory_space<vmem>>[vector<16xi32>, vector<16xi32>], vector<16xf32>,
        %add3A_444 = vector.broadcast %multiple_of3A : i32 to vector<16xi32>
        %add3A_445 = arith.addi %add3A_444, %iota3A : vector<16xi32>
        tpu.vector_store_idx %arg11[%add3A_445, %broadcast_in_dim3A_442], %gather3A_443 : memref<256x128xf32, #tpu.memory_space<vmem>>[vector<16xi32>, vector<16xi32>], vector<16xf32>,
        %broadcast_in_dim3A_446 = arith.constant 40 : i32
        %broadcast_in_dim3A_447 = vector.broadcast %broadcast_in_dim3A_446 : i32 to vector<16xi32>
        %gather3A_448 = tpu.vector_load_idx %arg10[%broadcast_in_dim3A_447, %min3A_242] : memref<64x64xf32, #tpu.memory_space<vmem>>[vector<16xi32>, vector<16xi32>], vector<16xf32>,
        %add3A_449 = vector.broadcast %multiple_of3A : i32 to vector<16xi32>
        %add3A_450 = arith.addi %add3A_449, %iota3A : vector<16xi32>
        tpu.vector_store_idx %arg11[%add3A_450, %broadcast_in_dim3A_447], %gather3A_448 : memref<256x128xf32, #tpu.memory_space<vmem>>[vector<16xi32>, vector<16xi32>], vector<16xf32>,
        %broadcast_in_dim3A_451 = arith.constant 41 : i32
        %broadcast_in_dim3A_452 = vector.broadcast %broadcast_in_dim3A_451 : i32 to vector<16xi32>
        %gather3A_453 = tpu.vector_load_idx %arg10[%broadcast_in_dim3A_452, %min3A_242] : memref<64x64xf32, #tpu.memory_space<vmem>>[vector<16xi32>, vector<16xi32>], vector<16xf32>,
        %add3A_454 = vector.broadcast %multiple_of3A : i32 to vector<16xi32>
        %add3A_455 = arith.addi %add3A_454, %iota3A : vector<16xi32>
        tpu.vector_store_idx %arg11[%add3A_455, %broadcast_in_dim3A_452], %gather3A_453 : memref<256x128xf32, #tpu.memory_space<vmem>>[vector<16xi32>, vector<16xi32>], vector<16xf32>,
        %broadcast_in_dim3A_456 = arith.constant 42 : i32
        %broadcast_in_dim3A_457 = vector.broadcast %broadcast_in_dim3A_456 : i32 to vector<16xi32>
        %gather3A_458 = tpu.vector_load_idx %arg10[%broadcast_in_dim3A_457, %min3A_242] : memref<64x64xf32, #tpu.memory_space<vmem>>[vector<16xi32>, vector<16xi32>], vector<16xf32>,
        %add3A_459 = vector.broadcast %multiple_of3A : i32 to vector<16xi32>
        %add3A_460 = arith.addi %add3A_459, %iota3A : vector<16xi32>
        tpu.vector_store_idx %arg11[%add3A_460, %broadcast_in_dim3A_457], %gather3A_458 : memref<256x128xf32, #tpu.memory_space<vmem>>[vector<16xi32>, vector<16xi32>], vector<16xf32>,
        %broadcast_in_dim3A_461 = arith.constant 43 : i32
        %broadcast_in_dim3A_462 = vector.broadcast %broadcast_in_dim3A_461 : i32 to vector<16xi32>
        %gather3A_463 = tpu.vector_load_idx %arg10[%broadcast_in_dim3A_462, %min3A_242] : memref<64x64xf32, #tpu.memory_space<vmem>>[vector<16xi32>, vector<16xi32>], vector<16xf32>,
        %add3A_464 = vector.broadcast %multiple_of3A : i32 to vector<16xi32>
        %add3A_465 = arith.addi %add3A_464, %iota3A : vector<16xi32>
        tpu.vector_store_idx %arg11[%add3A_465, %broadcast_in_dim3A_462], %gather3A_463 : memref<256x128xf32, #tpu.memory_space<vmem>>[vector<16xi32>, vector<16xi32>], vector<16xf32>,
        %broadcast_in_dim3A_466 = arith.constant 44 : i32
        %broadcast_in_dim3A_467 = vector.broadcast %broadcast_in_dim3A_466 : i32 to vector<16xi32>
        %gather3A_468 = tpu.vector_load_idx %arg10[%broadcast_in_dim3A_467, %min3A_242] : memref<64x64xf32, #tpu.memory_space<vmem>>[vector<16xi32>, vector<16xi32>], vector<16xf32>,
        %add3A_469 = vector.broadcast %multiple_of3A : i32 to vector<16xi32>
        %add3A_470 = arith.addi %add3A_469, %iota3A : vector<16xi32>
        tpu.vector_store_idx %arg11[%add3A_470, %broadcast_in_dim3A_467], %gather3A_468 : memref<256x128xf32, #tpu.memory_space<vmem>>[vector<16xi32>, vector<16xi32>], vector<16xf32>,
        %broadcast_in_dim3A_471 = arith.constant 45 : i32
        %broadcast_in_dim3A_472 = vector.broadcast %broadcast_in_dim3A_471 : i32 to vector<16xi32>
        %gather3A_473 = tpu.vector_load_idx %arg10[%broadcast_in_dim3A_472, %min3A_242] : memref<64x64xf32, #tpu.memory_space<vmem>>[vector<16xi32>, vector<16xi32>], vector<16xf32>,
        %add3A_474 = vector.broadcast %multiple_of3A : i32 to vector<16xi32>
        %add3A_475 = arith.addi %add3A_474, %iota3A : vector<16xi32>
        tpu.vector_store_idx %arg11[%add3A_475, %broadcast_in_dim3A_472], %gather3A_473 : memref<256x128xf32, #tpu.memory_space<vmem>>[vector<16xi32>, vector<16xi32>], vector<16xf32>,
        %broadcast_in_dim3A_476 = arith.constant 46 : i32
        %broadcast_in_dim3A_477 = vector.broadcast %broadcast_in_dim3A_476 : i32 to vector<16xi32>
        %gather3A_478 = tpu.vector_load_idx %arg10[%broadcast_in_dim3A_477, %min3A_242] : memref<64x64xf32, #tpu.memory_space<vmem>>[vector<16xi32>, vector<16xi32>], vector<16xf32>,
        %add3A_479 = vector.broadcast %multiple_of3A : i32 to vector<16xi32>
        %add3A_480 = arith.addi %add3A_479, %iota3A : vector<16xi32>
        tpu.vector_store_idx %arg11[%add3A_480, %broadcast_in_dim3A_477], %gather3A_478 : memref<256x128xf32, #tpu.memory_space<vmem>>[vector<16xi32>, vector<16xi32>], vector<16xf32>,
        %broadcast_in_dim3A_481 = arith.constant 47 : i32
        %broadcast_in_dim3A_482 = vector.broadcast %broadcast_in_dim3A_481 : i32 to vector<16xi32>
        %gather3A_483 = tpu.vector_load_idx %arg10[%broadcast_in_dim3A_482, %min3A_242] : memref<64x64xf32, #tpu.memory_space<vmem>>[vector<16xi32>, vector<16xi32>], vector<16xf32>,
        %add3A_484 = vector.broadcast %multiple_of3A : i32 to vector<16xi32>
        %add3A_485 = arith.addi %add3A_484, %iota3A : vector<16xi32>
        tpu.vector_store_idx %arg11[%add3A_485, %broadcast_in_dim3A_482], %gather3A_483 : memref<256x128xf32, #tpu.memory_space<vmem>>[vector<16xi32>, vector<16xi32>], vector<16xf32>,
        %broadcast_in_dim3A_486 = arith.constant 48 : i32
        %broadcast_in_dim3A_487 = vector.broadcast %broadcast_in_dim3A_486 : i32 to vector<16xi32>
        %gather3A_488 = tpu.vector_load_idx %arg10[%broadcast_in_dim3A_487, %min3A_242] : memref<64x64xf32, #tpu.memory_space<vmem>>[vector<16xi32>, vector<16xi32>], vector<16xf32>,
        %add3A_489 = vector.broadcast %multiple_of3A : i32 to vector<16xi32>
        %add3A_490 = arith.addi %add3A_489, %iota3A : vector<16xi32>
        tpu.vector_store_idx %arg11[%add3A_490, %broadcast_in_dim3A_487], %gather3A_488 : memref<256x128xf32, #tpu.memory_space<vmem>>[vector<16xi32>, vector<16xi32>], vector<16xf32>,
        %broadcast_in_dim3A_491 = arith.constant 49 : i32
        %broadcast_in_dim3A_492 = vector.broadcast %broadcast_in_dim3A_491 : i32 to vector<16xi32>
        %gather3A_493 = tpu.vector_load_idx %arg10[%broadcast_in_dim3A_492, %min3A_242] : memref<64x64xf32, #tpu.memory_space<vmem>>[vector<16xi32>, vector<16xi32>], vector<16xf32>,
        %add3A_494 = vector.broadcast %multiple_of3A : i32 to vector<16xi32>
        %add3A_495 = arith.addi %add3A_494, %iota3A : vector<16xi32>
        tpu.vector_store_idx %arg11[%add3A_495, %broadcast_in_dim3A_492], %gather3A_493 : memref<256x128xf32, #tpu.memory_space<vmem>>[vector<16xi32>, vector<16xi32>], vector<16xf32>,
        %broadcast_in_dim3A_496 = arith.constant 50 : i32
        %broadcast_in_dim3A_497 = vector.broadcast %broadcast_in_dim3A_496 : i32 to vector<16xi32>
        %gather3A_498 = tpu.vector_load_idx %arg10[%broadcast_in_dim3A_497, %min3A_242] : memref<64x64xf32, #tpu.memory_space<vmem>>[vector<16xi32>, vector<16xi32>], vector<16xf32>,
        %add3A_499 = vector.broadcast %multiple_of3A : i32 to vector<16xi32>
        %add3A_500 = arith.addi %add3A_499, %iota3A : vector<16xi32>
        tpu.vector_store_idx %arg11[%add3A_500, %broadcast_in_dim3A_497], %gather3A_498 : memref<256x128xf32, #tpu.memory_space<vmem>>[vector<16xi32>, vector<16xi32>], vector<16xf32>,
        %broadcast_in_dim3A_501 = arith.constant 51 : i32
        %broadcast_in_dim3A_502 = vector.broadcast %broadcast_in_dim3A_501 : i32 to vector<16xi32>
        %gather3A_503 = tpu.vector_load_idx %arg10[%broadcast_in_dim3A_502, %min3A_242] : memref<64x64xf32, #tpu.memory_space<vmem>>[vector<16xi32>, vector<16xi32>], vector<16xf32>,
        %add3A_504 = vector.broadcast %multiple_of3A : i32 to vector<16xi32>
        %add3A_505 = arith.addi %add3A_504, %iota3A : vector<16xi32>
        tpu.vector_store_idx %arg11[%add3A_505, %broadcast_in_dim3A_502], %gather3A_503 : memref<256x128xf32, #tpu.memory_space<vmem>>[vector<16xi32>, vector<16xi32>], vector<16xf32>,
        %broadcast_in_dim3A_506 = arith.constant 52 : i32
        %broadcast_in_dim3A_507 = vector.broadcast %broadcast_in_dim3A_506 : i32 to vector<16xi32>
        %gather3A_508 = tpu.vector_load_idx %arg10[%broadcast_in_dim3A_507, %min3A_242] : memref<64x64xf32, #tpu.memory_space<vmem>>[vector<16xi32>, vector<16xi32>], vector<16xf32>,
        %add3A_509 = vector.broadcast %multiple_of3A : i32 to vector<16xi32>
        %add3A_510 = arith.addi %add3A_509, %iota3A : vector<16xi32>
        tpu.vector_store_idx %arg11[%add3A_510, %broadcast_in_dim3A_507], %gather3A_508 : memref<256x128xf32, #tpu.memory_space<vmem>>[vector<16xi32>, vector<16xi32>], vector<16xf32>,
        %broadcast_in_dim3A_511 = arith.constant 53 : i32
        %broadcast_in_dim3A_512 = vector.broadcast %broadcast_in_dim3A_511 : i32 to vector<16xi32>
        %gather3A_513 = tpu.vector_load_idx %arg10[%broadcast_in_dim3A_512, %min3A_242] : memref<64x64xf32, #tpu.memory_space<vmem>>[vector<16xi32>, vector<16xi32>], vector<16xf32>,
        %add3A_514 = vector.broadcast %multiple_of3A : i32 to vector<16xi32>
        %add3A_515 = arith.addi %add3A_514, %iota3A : vector<16xi32>
        tpu.vector_store_idx %arg11[%add3A_515, %broadcast_in_dim3A_512], %gather3A_513 : memref<256x128xf32, #tpu.memory_space<vmem>>[vector<16xi32>, vector<16xi32>], vector<16xf32>,
        %broadcast_in_dim3A_516 = arith.constant 54 : i32
        %broadcast_in_dim3A_517 = vector.broadcast %broadcast_in_dim3A_516 : i32 to vector<16xi32>
        %gather3A_518 = tpu.vector_load_idx %arg10[%broadcast_in_dim3A_517, %min3A_242] : memref<64x64xf32, #tpu.memory_space<vmem>>[vector<16xi32>, vector<16xi32>], vector<16xf32>,
        %add3A_519 = vector.broadcast %multiple_of3A : i32 to vector<16xi32>
        %add3A_520 = arith.addi %add3A_519, %iota3A : vector<16xi32>
        tpu.vector_store_idx %arg11[%add3A_520, %broadcast_in_dim3A_517], %gather3A_518 : memref<256x128xf32, #tpu.memory_space<vmem>>[vector<16xi32>, vector<16xi32>], vector<16xf32>,
        %broadcast_in_dim3A_521 = arith.constant 55 : i32
        %broadcast_in_dim3A_522 = vector.broadcast %broadcast_in_dim3A_521 : i32 to vector<16xi32>
        %gather3A_523 = tpu.vector_load_idx %arg10[%broadcast_in_dim3A_522, %min3A_242] : memref<64x64xf32, #tpu.memory_space<vmem>>[vector<16xi32>, vector<16xi32>], vector<16xf32>,
        %add3A_524 = vector.broadcast %multiple_of3A : i32 to vector<16xi32>
        %add3A_525 = arith.addi %add3A_524, %iota3A : vector<16xi32>
        tpu.vector_store_idx %arg11[%add3A_525, %broadcast_in_dim3A_522], %gather3A_523 : memref<256x128xf32, #tpu.memory_space<vmem>>[vector<16xi32>, vector<16xi32>], vector<16xf32>,
        %broadcast_in_dim3A_526 = arith.constant 56 : i32
        %broadcast_in_dim3A_527 = vector.broadcast %broadcast_in_dim3A_526 : i32 to vector<16xi32>
        %gather3A_528 = tpu.vector_load_idx %arg10[%broadcast_in_dim3A_527, %min3A_242] : memref<64x64xf32, #tpu.memory_space<vmem>>[vector<16xi32>, vector<16xi32>], vector<16xf32>,
        %add3A_529 = vector.broadcast %multiple_of3A : i32 to vector<16xi32>
        %add3A_530 = arith.addi %add3A_529, %iota3A : vector<16xi32>
        tpu.vector_store_idx %arg11[%add3A_530, %broadcast_in_dim3A_527], %gather3A_528 : memref<256x128xf32, #tpu.memory_space<vmem>>[vector<16xi32>, vector<16xi32>], vector<16xf32>,
        %broadcast_in_dim3A_531 = arith.constant 57 : i32
        %broadcast_in_dim3A_532 = vector.broadcast %broadcast_in_dim3A_531 : i32 to vector<16xi32>
        %gather3A_533 = tpu.vector_load_idx %arg10[%broadcast_in_dim3A_532, %min3A_242] : memref<64x64xf32, #tpu.memory_space<vmem>>[vector<16xi32>, vector<16xi32>], vector<16xf32>,
        %add3A_534 = vector.broadcast %multiple_of3A : i32 to vector<16xi32>
        %add3A_535 = arith.addi %add3A_534, %iota3A : vector<16xi32>
        tpu.vector_store_idx %arg11[%add3A_535, %broadcast_in_dim3A_532], %gather3A_533 : memref<256x128xf32, #tpu.memory_space<vmem>>[vector<16xi32>, vector<16xi32>], vector<16xf32>,
        %broadcast_in_dim3A_536 = arith.constant 58 : i32
        %broadcast_in_dim3A_537 = vector.broadcast %broadcast_in_dim3A_536 : i32 to vector<16xi32>
        %gather3A_538 = tpu.vector_load_idx %arg10[%broadcast_in_dim3A_537, %min3A_242] : memref<64x64xf32, #tpu.memory_space<vmem>>[vector<16xi32>, vector<16xi32>], vector<16xf32>,
        %add3A_539 = vector.broadcast %multiple_of3A : i32 to vector<16xi32>
        %add3A_540 = arith.addi %add3A_539, %iota3A : vector<16xi32>
        tpu.vector_store_idx %arg11[%add3A_540, %broadcast_in_dim3A_537], %gather3A_538 : memref<256x128xf32, #tpu.memory_space<vmem>>[vector<16xi32>, vector<16xi32>], vector<16xf32>,
        %broadcast_in_dim3A_541 = arith.constant 59 : i32
        %broadcast_in_dim3A_542 = vector.broadcast %broadcast_in_dim3A_541 : i32 to vector<16xi32>
        %gather3A_543 = tpu.vector_load_idx %arg10[%broadcast_in_dim3A_542, %min3A_242] : memref<64x64xf32, #tpu.memory_space<vmem>>[vector<16xi32>, vector<16xi32>], vector<16xf32>,
        %add3A_544 = vector.broadcast %multiple_of3A : i32 to vector<16xi32>
        %add3A_545 = arith.addi %add3A_544, %iota3A : vector<16xi32>
        tpu.vector_store_idx %arg11[%add3A_545, %broadcast_in_dim3A_542], %gather3A_543 : memref<256x128xf32, #tpu.memory_space<vmem>>[vector<16xi32>, vector<16xi32>], vector<16xf32>,
        %broadcast_in_dim3A_546 = arith.constant 60 : i32
        %broadcast_in_dim3A_547 = vector.broadcast %broadcast_in_dim3A_546 : i32 to vector<16xi32>
        %gather3A_548 = tpu.vector_load_idx %arg10[%broadcast_in_dim3A_547, %min3A_242] : memref<64x64xf32, #tpu.memory_space<vmem>>[vector<16xi32>, vector<16xi32>], vector<16xf32>,
        %add3A_549 = vector.broadcast %multiple_of3A : i32 to vector<16xi32>
        %add3A_550 = arith.addi %add3A_549, %iota3A : vector<16xi32>
        tpu.vector_store_idx %arg11[%add3A_550, %broadcast_in_dim3A_547], %gather3A_548 : memref<256x128xf32, #tpu.memory_space<vmem>>[vector<16xi32>, vector<16xi32>], vector<16xf32>,
        %broadcast_in_dim3A_551 = arith.constant 61 : i32
        %broadcast_in_dim3A_552 = vector.broadcast %broadcast_in_dim3A_551 : i32 to vector<16xi32>
        %gather3A_553 = tpu.vector_load_idx %arg10[%broadcast_in_dim3A_552, %min3A_242] : memref<64x64xf32, #tpu.memory_space<vmem>>[vector<16xi32>, vector<16xi32>], vector<16xf32>,
        %add3A_554 = vector.broadcast %multiple_of3A : i32 to vector<16xi32>
        %add3A_555 = arith.addi %add3A_554, %iota3A : vector<16xi32>
        tpu.vector_store_idx %arg11[%add3A_555, %broadcast_in_dim3A_552], %gather3A_553 : memref<256x128xf32, #tpu.memory_space<vmem>>[vector<16xi32>, vector<16xi32>], vector<16xf32>,
        %broadcast_in_dim3A_556 = arith.constant 62 : i32
        %broadcast_in_dim3A_557 = vector.broadcast %broadcast_in_dim3A_556 : i32 to vector<16xi32>
        %gather3A_558 = tpu.vector_load_idx %arg10[%broadcast_in_dim3A_557, %min3A_242] : memref<64x64xf32, #tpu.memory_space<vmem>>[vector<16xi32>, vector<16xi32>], vector<16xf32>,
        %add3A_559 = vector.broadcast %multiple_of3A : i32 to vector<16xi32>
        %add3A_560 = arith.addi %add3A_559, %iota3A : vector<16xi32>
        tpu.vector_store_idx %arg11[%add3A_560, %broadcast_in_dim3A_557], %gather3A_558 : memref<256x128xf32, #tpu.memory_space<vmem>>[vector<16xi32>, vector<16xi32>], vector<16xf32>,
        %broadcast_in_dim3A_561 = arith.constant 63 : i32
        %broadcast_in_dim3A_562 = vector.broadcast %broadcast_in_dim3A_561 : i32 to vector<16xi32>
        %gather3A_563 = tpu.vector_load_idx %arg10[%broadcast_in_dim3A_562, %min3A_242] : memref<64x64xf32, #tpu.memory_space<vmem>>[vector<16xi32>, vector<16xi32>], vector<16xf32>,
        %add3A_564 = vector.broadcast %multiple_of3A : i32 to vector<16xi32>
        %add3A_565 = arith.addi %add3A_564, %iota3A : vector<16xi32>
        tpu.vector_store_idx %arg11[%add3A_565, %broadcast_in_dim3A_562], %gather3A_563 : memref<256x128xf32, #tpu.memory_space<vmem>>[vector<16xi32>, vector<16xi32>], vector<16xf32>,
        %mul3A_566 = arith.muli %convert_element_type3A_202, %and3A_234 : vector<16xi32>
        %sub3A_567 = arith.constant 1 : i32
        %sub3A_568 = vector.broadcast %sub3A_567 : i32 to vector<16xi32>
        %sub3A_569 = arith.subi %sub3A_568, %convert_element_type3A_202 : vector<16xi32>
        %mul3A_570 = arith.constant 16 : i32
        %mul3A_571 = arith.muli %rem3A_204, %mul3A_570 : i32
        %add3A_572 = arith.constant 16384 : i32
        %add3A_573 = arith.addi %add3A_572, %mul3A_571 : i32
        %add3A_574 = vector.broadcast %add3A_573 : i32 to vector<16xi32>
        %add3A_575 = arith.addi %add3A_574, %iota3A : vector<16xi32>
        %mul3A_576 = arith.muli %sub3A_569, %add3A_575 : vector<16xi32>
        %add3A_577 = arith.addi %mul3A_566, %mul3A_576 : vector<16xi32>
        %eq3A_578 = arith.constant 0 : i32
        %eq3A_579 = arith.cmpi eq, %rem3A_208, %eq3A_578 : i32
        %convert_element_type3A_580 = arith.extui %eq3A_579 : i1 to i32
        %cond3A_581 = arith.constant 0 : i32
        %cond3A_582 = arith.cmpi ne, %convert_element_type3A_580, %cond3A_581 : i32
        scf.if %cond3A_582 {
          %mul3A_606 = arith.constant 16 : i32
          %mul3A_607 = arith.muli %rem3A_204, %mul3A_606 : i32
          %multiple_of3A_608 = tpu.assume_multiple %mul3A_607, 16 : i32
          %swap3A = arith.index_cast %multiple_of3A_608 : i32 to index
          %swap3A_609 = tpu.vector_load %arg12[%swap3A] {strides = array<i32>} : memref<128xi32, #tpu.memory_space<vmem>>, vector<16xi32>,
          tpu.vector_store %arg12[%swap3A], %add3A_577 {strides = array<i32>} : memref<128xi32, #tpu.memory_space<vmem>>, vector<16xi32>,
        } else {
        }
        %eq3A_583 = arith.constant 1 : i32
        %eq3A_584 = arith.cmpi eq, %rem3A_208, %eq3A_583 : i32
        %convert_element_type3A_585 = arith.extui %eq3A_584 : i1 to i32
        %cond3A_586 = arith.constant 0 : i32
        %cond3A_587 = arith.cmpi ne, %convert_element_type3A_585, %cond3A_586 : i32
        scf.if %cond3A_587 {
          %mul3A_606 = arith.constant 16 : i32
          %mul3A_607 = arith.muli %rem3A_204, %mul3A_606 : i32
          %multiple_of3A_608 = tpu.assume_multiple %mul3A_607, 16 : i32
          %swap3A = arith.index_cast %multiple_of3A_608 : i32 to index
          %swap3A_609 = tpu.vector_load %arg13[%swap3A] {strides = array<i32>} : memref<128xi32, #tpu.memory_space<vmem>>, vector<16xi32>,
          tpu.vector_store %arg13[%swap3A], %add3A_577 {strides = array<i32>} : memref<128xi32, #tpu.memory_space<vmem>>, vector<16xi32>,
        } else {
        }
        %eq3A_588 = arith.constant 7 : i32
        %eq3A_589 = arith.cmpi eq, %rem3A_204, %eq3A_588 : i32
        %eq3A_590 = arith.constant 0 : i32
        %eq3A_591 = arith.cmpi eq, %rem3A_208, %eq3A_590 : i32
        %and3A_592 = arith.andi %eq3A_589, %eq3A_591 : i1
        %convert_element_type3A_593 = arith.extui %and3A_592 : i1 to i32
        %cond3A_594 = arith.constant 0 : i32
        %cond3A_595 = arith.cmpi ne, %convert_element_type3A_593, %cond3A_594 : i32
        scf.if %cond3A_595 {
          %dma_start3A = arith.constant 0 : i32
          %dma_start3A_606 = arith.constant 0 : i32
          %dma_start3A_607 = tpu.memref_slice %arg11[%dma_start3A, %dma_start3A_606] : memref<256x128xf32, #tpu.memory_space<vmem>> -> memref<128x128xf32, #tpu.memory_space<vmem>>
          %dma_start3A_608 = arith.constant 0 : i32
          %dma_start3A_609 = arith.constant 0 : i32
          %dma_start3A_610 = tpu.memref_slice %arg5[%dma_start3A_608, %dma_start3A_609] : memref<16512x128xf32, #tpu.memory_space<hbm>> -> memref<16512x128xf32, #tpu.memory_space<hbm>>
          tpu.enqueue_indirect_dma source(%dma_start3A_607 : memref<128x128xf32, #tpu.memory_space<vmem>>) target(%dma_start3A_610 : memref<16512x128xf32, #tpu.memory_space<hbm>>) offsets(%arg12 : memref<128xi32, #tpu.memory_space<vmem>>) semaphore(%arg16 : memref<!tpu.dma_semaphore, #tpu.memory_space<semaphore_mem>>)
        } else {
        }
        %eq3A_596 = arith.constant 7 : i32
        %eq3A_597 = arith.cmpi eq, %rem3A_204, %eq3A_596 : i32
        %eq3A_598 = arith.constant 1 : i32
        %eq3A_599 = arith.cmpi eq, %rem3A_208, %eq3A_598 : i32
        %and3A_600 = arith.andi %eq3A_597, %eq3A_599 : i1
        %convert_element_type3A_601 = arith.extui %and3A_600 : i1 to i32
        %cond3A_602 = arith.constant 0 : i32
        %cond3A_603 = arith.cmpi ne, %convert_element_type3A_601, %cond3A_602 : i32
        scf.if %cond3A_603 {
          %dma_start3A = arith.constant 128 : i32
          %dma_start3A_606 = arith.constant 0 : i32
          %dma_start3A_607 = tpu.memref_slice %arg11[%dma_start3A, %dma_start3A_606] : memref<256x128xf32, #tpu.memory_space<vmem>> -> memref<128x128xf32, #tpu.memory_space<vmem>>
          %dma_start3A_608 = arith.constant 0 : i32
          %dma_start3A_609 = arith.constant 0 : i32
          %dma_start3A_610 = tpu.memref_slice %arg5[%dma_start3A_608, %dma_start3A_609] : memref<16512x128xf32, #tpu.memory_space<hbm>> -> memref<16512x128xf32, #tpu.memory_space<hbm>>
          tpu.enqueue_indirect_dma source(%dma_start3A_607 : memref<128x128xf32, #tpu.memory_space<vmem>>) target(%dma_start3A_610 : memref<16512x128xf32, #tpu.memory_space<hbm>>) offsets(%arg13 : memref<128xi32, #tpu.memory_space<vmem>>) semaphore(%arg17 : memref<!tpu.dma_semaphore, #tpu.memory_space<semaphore_mem>>)
        } else {
        }
        %add3A_604 = arith.constant 1 : i32
        %add3A_605 = arith.addi %while3A_194, %add3A_604 : i32
        scf.yield %add3A_605 : i32
      }
      %while3A_191 = arith.constant 1 : i32
      %while3A_192 = scf.for %while3A_193 = %while3A_188 to %while3A_184 step %while3A_191 iter_args(%while3A_194 = %while3A_190) -> (i32)  : i32 {
        %mul3A_195 = arith.constant 16 : i32
        %mul3A_196 = arith.muli %while3A_193, %mul3A_195 : i32
        %get3A = arith.index_cast %mul3A_196 : i32 to index
        %get3A_197 = tpu.vector_load %arg7[%get3A] {strides = array<i32>} : memref<16400xi32, #tpu.memory_space<vmem>>, vector<16xi32>,
        %mul3A_198 = arith.constant 16 : i32
        %mul3A_199 = arith.muli %while3A_193, %mul3A_198 : i32
        %sub3A_200 = arith.subi %while3A_99, %mul3A_199 : i32
        %lt3A = vector.broadcast %sub3A_200 : i32 to vector<16xi32>
        %lt3A_201 = arith.cmpi slt, %iota3A, %lt3A : vector<16xi32>
        %convert_element_type3A_202 = arith.extui %lt3A_201 : vector<16xi1> to vector<16xi32>
        %rem3A_203 = arith.constant 8 : i32
        %rem3A_204 = arith.remsi %while3A_194, %rem3A_203 : i32
        %div3A_205 = arith.constant 8 : i32
        %div3A_206 = arith.divsi %while3A_194, %div3A_205 : i32
        %rem3A_207 = arith.constant 2 : i32
        %rem3A_208 = arith.remsi %div3A_206, %rem3A_207 : i32
        %eq3A_209 = arith.constant 0 : i32
        %eq3A_210 = arith.cmpi eq, %rem3A_204, %eq3A_209 : i32
        %ge3A = arith.constant 16 : i32
        %ge3A_211 = arith.cmpi sge, %while3A_194, %ge3A : i32
        %and3A_212 = arith.andi %eq3A_210, %ge3A_211 : i1
        %eq3A_213 = arith.constant 0 : i32
        %eq3A_214 = arith.cmpi eq, %rem3A_208, %eq3A_213 : i32
        %and3A_215 = arith.andi %and3A_212, %eq3A_214 : i1
        %convert_element_type3A_216 = arith.extui %and3A_215 : i1 to i32
        %cond3A_217 = arith.constant 0 : i32
        %cond3A_218 = arith.cmpi ne, %convert_element_type3A_216, %cond3A_217 : i32
        scf.if %cond3A_218 {
          %dma_wait3A = arith.constant 0 : i32
          %dma_wait3A_606 = arith.constant 0 : i32
          %dma_wait3A_607 = tpu.memref_slice %arg11[%dma_wait3A, %dma_wait3A_606] : memref<256x128xf32, #tpu.memory_space<vmem>> -> memref<128x128xf32, #tpu.memory_space<vmem>>
          %dma_wait3A_608 = arith.constant 0 : i32
          %dma_wait3A_609 = arith.constant 0 : i32
          %dma_wait3A_610 = tpu.memref_slice %arg5[%dma_wait3A_608, %dma_wait3A_609] : memref<16512x128xf32, #tpu.memory_space<hbm>> -> memref<128x128xf32, #tpu.memory_space<hbm>>
          %dma_wait3A_611 = arith.constant 0 : i32
          %dma_wait3A_612 = arith.constant 0 : i32
          %dma_wait3A_613 = tpu.memref_slice %arg11[%dma_wait3A_611, %dma_wait3A_612] : memref<256x128xf32, #tpu.memory_space<vmem>> -> memref<128x128xf32, #tpu.memory_space<vmem>>
          %dma_wait3A_614 = arith.constant 0 : i32
          %dma_wait3A_615 = arith.constant 0 : i32
          %dma_wait3A_616 = tpu.memref_slice %arg5[%dma_wait3A_614, %dma_wait3A_615] : memref<16512x128xf32, #tpu.memory_space<hbm>> -> memref<128x128xf32, #tpu.memory_space<hbm>>
          tpu.wait_dma2 semaphore(%arg16 : memref<!tpu.dma_semaphore, #tpu.memory_space<semaphore_mem>>) src(%dma_wait3A_616 : memref<128x128xf32, #tpu.memory_space<hbm>>) dst(%dma_wait3A_613 : memref<128x128xf32, #tpu.memory_space<vmem>>)
        } else {
        }
        %eq3A_219 = arith.constant 0 : i32
        %eq3A_220 = arith.cmpi eq, %rem3A_204, %eq3A_219 : i32
        %ge3A_221 = arith.constant 16 : i32
        %ge3A_222 = arith.cmpi sge, %while3A_194, %ge3A_221 : i32
        %and3A_223 = arith.andi %eq3A_220, %ge3A_222 : i1
        %eq3A_224 = arith.constant 1 : i32
        %eq3A_225 = arith.cmpi eq, %rem3A_208, %eq3A_224 : i32
        %and3A_226 = arith.andi %and3A_223, %eq3A_225 : i1
        %convert_element_type3A_227 = arith.extui %and3A_226 : i1 to i32
        %cond3A_228 = arith.constant 0 : i32
        %cond3A_229 = arith.cmpi ne, %convert_element_type3A_227, %cond3A_228 : i32
        scf.if %cond3A_229 {
          %dma_wait3A = arith.constant 0 : i32
          %dma_wait3A_606 = arith.constant 0 : i32
          %dma_wait3A_607 = tpu.memref_slice %arg11[%dma_wait3A, %dma_wait3A_606] : memref<256x128xf32, #tpu.memory_space<vmem>> -> memref<128x128xf32, #tpu.memory_space<vmem>>
          %dma_wait3A_608 = arith.constant 0 : i32
          %dma_wait3A_609 = arith.constant 0 : i32
          %dma_wait3A_610 = tpu.memref_slice %arg5[%dma_wait3A_608, %dma_wait3A_609] : memref<16512x128xf32, #tpu.memory_space<hbm>> -> memref<128x128xf32, #tpu.memory_space<hbm>>
          %dma_wait3A_611 = arith.constant 0 : i32
          %dma_wait3A_612 = arith.constant 0 : i32
          %dma_wait3A_613 = tpu.memref_slice %arg11[%dma_wait3A_611, %dma_wait3A_612] : memref<256x128xf32, #tpu.memory_space<vmem>> -> memref<128x128xf32, #tpu.memory_space<vmem>>
          %dma_wait3A_614 = arith.constant 0 : i32
          %dma_wait3A_615 = arith.constant 0 : i32
          %dma_wait3A_616 = tpu.memref_slice %arg5[%dma_wait3A_614, %dma_wait3A_615] : memref<16512x128xf32, #tpu.memory_space<hbm>> -> memref<128x128xf32, #tpu.memory_space<hbm>>
          tpu.wait_dma2 semaphore(%arg17 : memref<!tpu.dma_semaphore, #tpu.memory_space<semaphore_mem>>) src(%dma_wait3A_616 : memref<128x128xf32, #tpu.memory_space<hbm>>) dst(%dma_wait3A_613 : memref<128x128xf32, #tpu.memory_space<vmem>>)
        } else {
        }
        %shift_right_logical3A = arith.constant 14 : i32
        %shift_right_logical3A_230 = vector.broadcast %shift_right_logical3A : i32 to vector<16xi32>
        %shift_right_logical3A_231 = arith.shrui %get3A_197, %shift_right_logical3A_230 : vector<16xi32>
        %and3A_232 = arith.constant 16383 : i32
        %and3A_233 = vector.broadcast %and3A_232 : i32 to vector<16xi32>
        %and3A_234 = arith.andi %get3A_197, %and3A_233 : vector<16xi32>
        %sub3A_235 = vector.broadcast %min3A_84 : i32 to vector<16xi32>
        %sub3A_236 = arith.subi %shift_right_logical3A_231, %sub3A_235 : vector<16xi32>
        %jit3A_237 = arith.constant 0 : i32
        %jit3A_238 = arith.constant 63 : i32
        %max3A_239 = vector.broadcast %jit3A_237 : i32 to vector<16xi32>
        %max3A_240 = arith.maxsi %max3A_239, %sub3A_236 : vector<16xi32>
        %min3A_241 = vector.broadcast %jit3A_238 : i32 to vector<16xi32>
        %min3A_242 = arith.minsi %min3A_241, %max3A_240 : vector<16xi32>
        %mul3A_243 = arith.constant 8 : i32
        %mul3A_244 = arith.muli %rem3A_208, %mul3A_243 : i32
        %add3A_245 = arith.addi %mul3A_244, %rem3A_204 : i32
        %mul3A_246 = arith.constant 16 : i32
        %mul3A_247 = arith.muli %add3A_245, %mul3A_246 : i32
        %multiple_of3A = tpu.assume_multiple %mul3A_247, 16 : i32
        %broadcast_in_dim3A = arith.constant 0 : i32
        %broadcast_in_dim3A_248 = vector.broadcast %broadcast_in_dim3A : i32 to vector<16xi32>
        %gather3A = tpu.vector_load_idx %arg10[%broadcast_in_dim3A_248, %min3A_242] : memref<64x64xf32, #tpu.memory_space<vmem>>[vector<16xi32>, vector<16xi32>], vector<16xf32>,
        %add3A_249 = vector.broadcast %multiple_of3A : i32 to vector<16xi32>
        %add3A_250 = arith.addi %add3A_249, %iota3A : vector<16xi32>
        tpu.vector_store_idx %arg11[%add3A_250, %broadcast_in_dim3A_248], %gather3A : memref<256x128xf32, #tpu.memory_space<vmem>>[vector<16xi32>, vector<16xi32>], vector<16xf32>,
        %broadcast_in_dim3A_251 = arith.constant 1 : i32
        %broadcast_in_dim3A_252 = vector.broadcast %broadcast_in_dim3A_251 : i32 to vector<16xi32>
        %gather3A_253 = tpu.vector_load_idx %arg10[%broadcast_in_dim3A_252, %min3A_242] : memref<64x64xf32, #tpu.memory_space<vmem>>[vector<16xi32>, vector<16xi32>], vector<16xf32>,
        %add3A_254 = vector.broadcast %multiple_of3A : i32 to vector<16xi32>
        %add3A_255 = arith.addi %add3A_254, %iota3A : vector<16xi32>
        tpu.vector_store_idx %arg11[%add3A_255, %broadcast_in_dim3A_252], %gather3A_253 : memref<256x128xf32, #tpu.memory_space<vmem>>[vector<16xi32>, vector<16xi32>], vector<16xf32>,
        %broadcast_in_dim3A_256 = arith.constant 2 : i32
        %broadcast_in_dim3A_257 = vector.broadcast %broadcast_in_dim3A_256 : i32 to vector<16xi32>
        %gather3A_258 = tpu.vector_load_idx %arg10[%broadcast_in_dim3A_257, %min3A_242] : memref<64x64xf32, #tpu.memory_space<vmem>>[vector<16xi32>, vector<16xi32>], vector<16xf32>,
        %add3A_259 = vector.broadcast %multiple_of3A : i32 to vector<16xi32>
        %add3A_260 = arith.addi %add3A_259, %iota3A : vector<16xi32>
        tpu.vector_store_idx %arg11[%add3A_260, %broadcast_in_dim3A_257], %gather3A_258 : memref<256x128xf32, #tpu.memory_space<vmem>>[vector<16xi32>, vector<16xi32>], vector<16xf32>,
        %broadcast_in_dim3A_261 = arith.constant 3 : i32
        %broadcast_in_dim3A_262 = vector.broadcast %broadcast_in_dim3A_261 : i32 to vector<16xi32>
        %gather3A_263 = tpu.vector_load_idx %arg10[%broadcast_in_dim3A_262, %min3A_242] : memref<64x64xf32, #tpu.memory_space<vmem>>[vector<16xi32>, vector<16xi32>], vector<16xf32>,
        %add3A_264 = vector.broadcast %multiple_of3A : i32 to vector<16xi32>
        %add3A_265 = arith.addi %add3A_264, %iota3A : vector<16xi32>
        tpu.vector_store_idx %arg11[%add3A_265, %broadcast_in_dim3A_262], %gather3A_263 : memref<256x128xf32, #tpu.memory_space<vmem>>[vector<16xi32>, vector<16xi32>], vector<16xf32>,
        %broadcast_in_dim3A_266 = arith.constant 4 : i32
        %broadcast_in_dim3A_267 = vector.broadcast %broadcast_in_dim3A_266 : i32 to vector<16xi32>
        %gather3A_268 = tpu.vector_load_idx %arg10[%broadcast_in_dim3A_267, %min3A_242] : memref<64x64xf32, #tpu.memory_space<vmem>>[vector<16xi32>, vector<16xi32>], vector<16xf32>,
        %add3A_269 = vector.broadcast %multiple_of3A : i32 to vector<16xi32>
        %add3A_270 = arith.addi %add3A_269, %iota3A : vector<16xi32>
        tpu.vector_store_idx %arg11[%add3A_270, %broadcast_in_dim3A_267], %gather3A_268 : memref<256x128xf32, #tpu.memory_space<vmem>>[vector<16xi32>, vector<16xi32>], vector<16xf32>,
        %broadcast_in_dim3A_271 = arith.constant 5 : i32
        %broadcast_in_dim3A_272 = vector.broadcast %broadcast_in_dim3A_271 : i32 to vector<16xi32>
        %gather3A_273 = tpu.vector_load_idx %arg10[%broadcast_in_dim3A_272, %min3A_242] : memref<64x64xf32, #tpu.memory_space<vmem>>[vector<16xi32>, vector<16xi32>], vector<16xf32>,
        %add3A_274 = vector.broadcast %multiple_of3A : i32 to vector<16xi32>
        %add3A_275 = arith.addi %add3A_274, %iota3A : vector<16xi32>
        tpu.vector_store_idx %arg11[%add3A_275, %broadcast_in_dim3A_272], %gather3A_273 : memref<256x128xf32, #tpu.memory_space<vmem>>[vector<16xi32>, vector<16xi32>], vector<16xf32>,
        %broadcast_in_dim3A_276 = arith.constant 6 : i32
        %broadcast_in_dim3A_277 = vector.broadcast %broadcast_in_dim3A_276 : i32 to vector<16xi32>
        %gather3A_278 = tpu.vector_load_idx %arg10[%broadcast_in_dim3A_277, %min3A_242] : memref<64x64xf32, #tpu.memory_space<vmem>>[vector<16xi32>, vector<16xi32>], vector<16xf32>,
        %add3A_279 = vector.broadcast %multiple_of3A : i32 to vector<16xi32>
        %add3A_280 = arith.addi %add3A_279, %iota3A : vector<16xi32>
        tpu.vector_store_idx %arg11[%add3A_280, %broadcast_in_dim3A_277], %gather3A_278 : memref<256x128xf32, #tpu.memory_space<vmem>>[vector<16xi32>, vector<16xi32>], vector<16xf32>,
        %broadcast_in_dim3A_281 = arith.constant 7 : i32
        %broadcast_in_dim3A_282 = vector.broadcast %broadcast_in_dim3A_281 : i32 to vector<16xi32>
        %gather3A_283 = tpu.vector_load_idx %arg10[%broadcast_in_dim3A_282, %min3A_242] : memref<64x64xf32, #tpu.memory_space<vmem>>[vector<16xi32>, vector<16xi32>], vector<16xf32>,
        %add3A_284 = vector.broadcast %multiple_of3A : i32 to vector<16xi32>
        %add3A_285 = arith.addi %add3A_284, %iota3A : vector<16xi32>
        tpu.vector_store_idx %arg11[%add3A_285, %broadcast_in_dim3A_282], %gather3A_283 : memref<256x128xf32, #tpu.memory_space<vmem>>[vector<16xi32>, vector<16xi32>], vector<16xf32>,
        %broadcast_in_dim3A_286 = arith.constant 8 : i32
        %broadcast_in_dim3A_287 = vector.broadcast %broadcast_in_dim3A_286 : i32 to vector<16xi32>
        %gather3A_288 = tpu.vector_load_idx %arg10[%broadcast_in_dim3A_287, %min3A_242] : memref<64x64xf32, #tpu.memory_space<vmem>>[vector<16xi32>, vector<16xi32>], vector<16xf32>,
        %add3A_289 = vector.broadcast %multiple_of3A : i32 to vector<16xi32>
        %add3A_290 = arith.addi %add3A_289, %iota3A : vector<16xi32>
        tpu.vector_store_idx %arg11[%add3A_290, %broadcast_in_dim3A_287], %gather3A_288 : memref<256x128xf32, #tpu.memory_space<vmem>>[vector<16xi32>, vector<16xi32>], vector<16xf32>,
        %broadcast_in_dim3A_291 = arith.constant 9 : i32
        %broadcast_in_dim3A_292 = vector.broadcast %broadcast_in_dim3A_291 : i32 to vector<16xi32>
        %gather3A_293 = tpu.vector_load_idx %arg10[%broadcast_in_dim3A_292, %min3A_242] : memref<64x64xf32, #tpu.memory_space<vmem>>[vector<16xi32>, vector<16xi32>], vector<16xf32>,
        %add3A_294 = vector.broadcast %multiple_of3A : i32 to vector<16xi32>
        %add3A_295 = arith.addi %add3A_294, %iota3A : vector<16xi32>
        tpu.vector_store_idx %arg11[%add3A_295, %broadcast_in_dim3A_292], %gather3A_293 : memref<256x128xf32, #tpu.memory_space<vmem>>[vector<16xi32>, vector<16xi32>], vector<16xf32>,
        %broadcast_in_dim3A_296 = arith.constant 10 : i32
        %broadcast_in_dim3A_297 = vector.broadcast %broadcast_in_dim3A_296 : i32 to vector<16xi32>
        %gather3A_298 = tpu.vector_load_idx %arg10[%broadcast_in_dim3A_297, %min3A_242] : memref<64x64xf32, #tpu.memory_space<vmem>>[vector<16xi32>, vector<16xi32>], vector<16xf32>,
        %add3A_299 = vector.broadcast %multiple_of3A : i32 to vector<16xi32>
        %add3A_300 = arith.addi %add3A_299, %iota3A : vector<16xi32>
        tpu.vector_store_idx %arg11[%add3A_300, %broadcast_in_dim3A_297], %gather3A_298 : memref<256x128xf32, #tpu.memory_space<vmem>>[vector<16xi32>, vector<16xi32>], vector<16xf32>,
        %broadcast_in_dim3A_301 = arith.constant 11 : i32
        %broadcast_in_dim3A_302 = vector.broadcast %broadcast_in_dim3A_301 : i32 to vector<16xi32>
        %gather3A_303 = tpu.vector_load_idx %arg10[%broadcast_in_dim3A_302, %min3A_242] : memref<64x64xf32, #tpu.memory_space<vmem>>[vector<16xi32>, vector<16xi32>], vector<16xf32>,
        %add3A_304 = vector.broadcast %multiple_of3A : i32 to vector<16xi32>
        %add3A_305 = arith.addi %add3A_304, %iota3A : vector<16xi32>
        tpu.vector_store_idx %arg11[%add3A_305, %broadcast_in_dim3A_302], %gather3A_303 : memref<256x128xf32, #tpu.memory_space<vmem>>[vector<16xi32>, vector<16xi32>], vector<16xf32>,
        %broadcast_in_dim3A_306 = arith.constant 12 : i32
        %broadcast_in_dim3A_307 = vector.broadcast %broadcast_in_dim3A_306 : i32 to vector<16xi32>
        %gather3A_308 = tpu.vector_load_idx %arg10[%broadcast_in_dim3A_307, %min3A_242] : memref<64x64xf32, #tpu.memory_space<vmem>>[vector<16xi32>, vector<16xi32>], vector<16xf32>,
        %add3A_309 = vector.broadcast %multiple_of3A : i32 to vector<16xi32>
        %add3A_310 = arith.addi %add3A_309, %iota3A : vector<16xi32>
        tpu.vector_store_idx %arg11[%add3A_310, %broadcast_in_dim3A_307], %gather3A_308 : memref<256x128xf32, #tpu.memory_space<vmem>>[vector<16xi32>, vector<16xi32>], vector<16xf32>,
        %broadcast_in_dim3A_311 = arith.constant 13 : i32
        %broadcast_in_dim3A_312 = vector.broadcast %broadcast_in_dim3A_311 : i32 to vector<16xi32>
        %gather3A_313 = tpu.vector_load_idx %arg10[%broadcast_in_dim3A_312, %min3A_242] : memref<64x64xf32, #tpu.memory_space<vmem>>[vector<16xi32>, vector<16xi32>], vector<16xf32>,
        %add3A_314 = vector.broadcast %multiple_of3A : i32 to vector<16xi32>
        %add3A_315 = arith.addi %add3A_314, %iota3A : vector<16xi32>
        tpu.vector_store_idx %arg11[%add3A_315, %broadcast_in_dim3A_312], %gather3A_313 : memref<256x128xf32, #tpu.memory_space<vmem>>[vector<16xi32>, vector<16xi32>], vector<16xf32>,
        %broadcast_in_dim3A_316 = arith.constant 14 : i32
        %broadcast_in_dim3A_317 = vector.broadcast %broadcast_in_dim3A_316 : i32 to vector<16xi32>
        %gather3A_318 = tpu.vector_load_idx %arg10[%broadcast_in_dim3A_317, %min3A_242] : memref<64x64xf32, #tpu.memory_space<vmem>>[vector<16xi32>, vector<16xi32>], vector<16xf32>,
        %add3A_319 = vector.broadcast %multiple_of3A : i32 to vector<16xi32>
        %add3A_320 = arith.addi %add3A_319, %iota3A : vector<16xi32>
        tpu.vector_store_idx %arg11[%add3A_320, %broadcast_in_dim3A_317], %gather3A_318 : memref<256x128xf32, #tpu.memory_space<vmem>>[vector<16xi32>, vector<16xi32>], vector<16xf32>,
        %broadcast_in_dim3A_321 = arith.constant 15 : i32
        %broadcast_in_dim3A_322 = vector.broadcast %broadcast_in_dim3A_321 : i32 to vector<16xi32>
        %gather3A_323 = tpu.vector_load_idx %arg10[%broadcast_in_dim3A_322, %min3A_242] : memref<64x64xf32, #tpu.memory_space<vmem>>[vector<16xi32>, vector<16xi32>], vector<16xf32>,
        %add3A_324 = vector.broadcast %multiple_of3A : i32 to vector<16xi32>
        %add3A_325 = arith.addi %add3A_324, %iota3A : vector<16xi32>
        tpu.vector_store_idx %arg11[%add3A_325, %broadcast_in_dim3A_322], %gather3A_323 : memref<256x128xf32, #tpu.memory_space<vmem>>[vector<16xi32>, vector<16xi32>], vector<16xf32>,
        %broadcast_in_dim3A_326 = arith.constant 16 : i32
        %broadcast_in_dim3A_327 = vector.broadcast %broadcast_in_dim3A_326 : i32 to vector<16xi32>
        %gather3A_328 = tpu.vector_load_idx %arg10[%broadcast_in_dim3A_327, %min3A_242] : memref<64x64xf32, #tpu.memory_space<vmem>>[vector<16xi32>, vector<16xi32>], vector<16xf32>,
        %add3A_329 = vector.broadcast %multiple_of3A : i32 to vector<16xi32>
        %add3A_330 = arith.addi %add3A_329, %iota3A : vector<16xi32>
        tpu.vector_store_idx %arg11[%add3A_330, %broadcast_in_dim3A_327], %gather3A_328 : memref<256x128xf32, #tpu.memory_space<vmem>>[vector<16xi32>, vector<16xi32>], vector<16xf32>,
        %broadcast_in_dim3A_331 = arith.constant 17 : i32
        %broadcast_in_dim3A_332 = vector.broadcast %broadcast_in_dim3A_331 : i32 to vector<16xi32>
        %gather3A_333 = tpu.vector_load_idx %arg10[%broadcast_in_dim3A_332, %min3A_242] : memref<64x64xf32, #tpu.memory_space<vmem>>[vector<16xi32>, vector<16xi32>], vector<16xf32>,
        %add3A_334 = vector.broadcast %multiple_of3A : i32 to vector<16xi32>
        %add3A_335 = arith.addi %add3A_334, %iota3A : vector<16xi32>
        tpu.vector_store_idx %arg11[%add3A_335, %broadcast_in_dim3A_332], %gather3A_333 : memref<256x128xf32, #tpu.memory_space<vmem>>[vector<16xi32>, vector<16xi32>], vector<16xf32>,
        %broadcast_in_dim3A_336 = arith.constant 18 : i32
        %broadcast_in_dim3A_337 = vector.broadcast %broadcast_in_dim3A_336 : i32 to vector<16xi32>
        %gather3A_338 = tpu.vector_load_idx %arg10[%broadcast_in_dim3A_337, %min3A_242] : memref<64x64xf32, #tpu.memory_space<vmem>>[vector<16xi32>, vector<16xi32>], vector<16xf32>,
        %add3A_339 = vector.broadcast %multiple_of3A : i32 to vector<16xi32>
        %add3A_340 = arith.addi %add3A_339, %iota3A : vector<16xi32>
        tpu.vector_store_idx %arg11[%add3A_340, %broadcast_in_dim3A_337], %gather3A_338 : memref<256x128xf32, #tpu.memory_space<vmem>>[vector<16xi32>, vector<16xi32>], vector<16xf32>,
        %broadcast_in_dim3A_341 = arith.constant 19 : i32
        %broadcast_in_dim3A_342 = vector.broadcast %broadcast_in_dim3A_341 : i32 to vector<16xi32>
        %gather3A_343 = tpu.vector_load_idx %arg10[%broadcast_in_dim3A_342, %min3A_242] : memref<64x64xf32, #tpu.memory_space<vmem>>[vector<16xi32>, vector<16xi32>], vector<16xf32>,
        %add3A_344 = vector.broadcast %multiple_of3A : i32 to vector<16xi32>
        %add3A_345 = arith.addi %add3A_344, %iota3A : vector<16xi32>
        tpu.vector_store_idx %arg11[%add3A_345, %broadcast_in_dim3A_342], %gather3A_343 : memref<256x128xf32, #tpu.memory_space<vmem>>[vector<16xi32>, vector<16xi32>], vector<16xf32>,
        %broadcast_in_dim3A_346 = arith.constant 20 : i32
        %broadcast_in_dim3A_347 = vector.broadcast %broadcast_in_dim3A_346 : i32 to vector<16xi32>
        %gather3A_348 = tpu.vector_load_idx %arg10[%broadcast_in_dim3A_347, %min3A_242] : memref<64x64xf32, #tpu.memory_space<vmem>>[vector<16xi32>, vector<16xi32>], vector<16xf32>,
        %add3A_349 = vector.broadcast %multiple_of3A : i32 to vector<16xi32>
        %add3A_350 = arith.addi %add3A_349, %iota3A : vector<16xi32>
        tpu.vector_store_idx %arg11[%add3A_350, %broadcast_in_dim3A_347], %gather3A_348 : memref<256x128xf32, #tpu.memory_space<vmem>>[vector<16xi32>, vector<16xi32>], vector<16xf32>,
        %broadcast_in_dim3A_351 = arith.constant 21 : i32
        %broadcast_in_dim3A_352 = vector.broadcast %broadcast_in_dim3A_351 : i32 to vector<16xi32>
        %gather3A_353 = tpu.vector_load_idx %arg10[%broadcast_in_dim3A_352, %min3A_242] : memref<64x64xf32, #tpu.memory_space<vmem>>[vector<16xi32>, vector<16xi32>], vector<16xf32>,
        %add3A_354 = vector.broadcast %multiple_of3A : i32 to vector<16xi32>
        %add3A_355 = arith.addi %add3A_354, %iota3A : vector<16xi32>
        tpu.vector_store_idx %arg11[%add3A_355, %broadcast_in_dim3A_352], %gather3A_353 : memref<256x128xf32, #tpu.memory_space<vmem>>[vector<16xi32>, vector<16xi32>], vector<16xf32>,
        %broadcast_in_dim3A_356 = arith.constant 22 : i32
        %broadcast_in_dim3A_357 = vector.broadcast %broadcast_in_dim3A_356 : i32 to vector<16xi32>
        %gather3A_358 = tpu.vector_load_idx %arg10[%broadcast_in_dim3A_357, %min3A_242] : memref<64x64xf32, #tpu.memory_space<vmem>>[vector<16xi32>, vector<16xi32>], vector<16xf32>,
        %add3A_359 = vector.broadcast %multiple_of3A : i32 to vector<16xi32>
        %add3A_360 = arith.addi %add3A_359, %iota3A : vector<16xi32>
        tpu.vector_store_idx %arg11[%add3A_360, %broadcast_in_dim3A_357], %gather3A_358 : memref<256x128xf32, #tpu.memory_space<vmem>>[vector<16xi32>, vector<16xi32>], vector<16xf32>,
        %broadcast_in_dim3A_361 = arith.constant 23 : i32
        %broadcast_in_dim3A_362 = vector.broadcast %broadcast_in_dim3A_361 : i32 to vector<16xi32>
        %gather3A_363 = tpu.vector_load_idx %arg10[%broadcast_in_dim3A_362, %min3A_242] : memref<64x64xf32, #tpu.memory_space<vmem>>[vector<16xi32>, vector<16xi32>], vector<16xf32>,
        %add3A_364 = vector.broadcast %multiple_of3A : i32 to vector<16xi32>
        %add3A_365 = arith.addi %add3A_364, %iota3A : vector<16xi32>
        tpu.vector_store_idx %arg11[%add3A_365, %broadcast_in_dim3A_362], %gather3A_363 : memref<256x128xf32, #tpu.memory_space<vmem>>[vector<16xi32>, vector<16xi32>], vector<16xf32>,
        %broadcast_in_dim3A_366 = arith.constant 24 : i32
        %broadcast_in_dim3A_367 = vector.broadcast %broadcast_in_dim3A_366 : i32 to vector<16xi32>
        %gather3A_368 = tpu.vector_load_idx %arg10[%broadcast_in_dim3A_367, %min3A_242] : memref<64x64xf32, #tpu.memory_space<vmem>>[vector<16xi32>, vector<16xi32>], vector<16xf32>,
        %add3A_369 = vector.broadcast %multiple_of3A : i32 to vector<16xi32>
        %add3A_370 = arith.addi %add3A_369, %iota3A : vector<16xi32>
        tpu.vector_store_idx %arg11[%add3A_370, %broadcast_in_dim3A_367], %gather3A_368 : memref<256x128xf32, #tpu.memory_space<vmem>>[vector<16xi32>, vector<16xi32>], vector<16xf32>,
        %broadcast_in_dim3A_371 = arith.constant 25 : i32
        %broadcast_in_dim3A_372 = vector.broadcast %broadcast_in_dim3A_371 : i32 to vector<16xi32>
        %gather3A_373 = tpu.vector_load_idx %arg10[%broadcast_in_dim3A_372, %min3A_242] : memref<64x64xf32, #tpu.memory_space<vmem>>[vector<16xi32>, vector<16xi32>], vector<16xf32>,
        %add3A_374 = vector.broadcast %multiple_of3A : i32 to vector<16xi32>
        %add3A_375 = arith.addi %add3A_374, %iota3A : vector<16xi32>
        tpu.vector_store_idx %arg11[%add3A_375, %broadcast_in_dim3A_372], %gather3A_373 : memref<256x128xf32, #tpu.memory_space<vmem>>[vector<16xi32>, vector<16xi32>], vector<16xf32>,
        %broadcast_in_dim3A_376 = arith.constant 26 : i32
        %broadcast_in_dim3A_377 = vector.broadcast %broadcast_in_dim3A_376 : i32 to vector<16xi32>
        %gather3A_378 = tpu.vector_load_idx %arg10[%broadcast_in_dim3A_377, %min3A_242] : memref<64x64xf32, #tpu.memory_space<vmem>>[vector<16xi32>, vector<16xi32>], vector<16xf32>,
        %add3A_379 = vector.broadcast %multiple_of3A : i32 to vector<16xi32>
        %add3A_380 = arith.addi %add3A_379, %iota3A : vector<16xi32>
        tpu.vector_store_idx %arg11[%add3A_380, %broadcast_in_dim3A_377], %gather3A_378 : memref<256x128xf32, #tpu.memory_space<vmem>>[vector<16xi32>, vector<16xi32>], vector<16xf32>,
        %broadcast_in_dim3A_381 = arith.constant 27 : i32
        %broadcast_in_dim3A_382 = vector.broadcast %broadcast_in_dim3A_381 : i32 to vector<16xi32>
        %gather3A_383 = tpu.vector_load_idx %arg10[%broadcast_in_dim3A_382, %min3A_242] : memref<64x64xf32, #tpu.memory_space<vmem>>[vector<16xi32>, vector<16xi32>], vector<16xf32>,
        %add3A_384 = vector.broadcast %multiple_of3A : i32 to vector<16xi32>
        %add3A_385 = arith.addi %add3A_384, %iota3A : vector<16xi32>
        tpu.vector_store_idx %arg11[%add3A_385, %broadcast_in_dim3A_382], %gather3A_383 : memref<256x128xf32, #tpu.memory_space<vmem>>[vector<16xi32>, vector<16xi32>], vector<16xf32>,
        %broadcast_in_dim3A_386 = arith.constant 28 : i32
        %broadcast_in_dim3A_387 = vector.broadcast %broadcast_in_dim3A_386 : i32 to vector<16xi32>
        %gather3A_388 = tpu.vector_load_idx %arg10[%broadcast_in_dim3A_387, %min3A_242] : memref<64x64xf32, #tpu.memory_space<vmem>>[vector<16xi32>, vector<16xi32>], vector<16xf32>,
        %add3A_389 = vector.broadcast %multiple_of3A : i32 to vector<16xi32>
        %add3A_390 = arith.addi %add3A_389, %iota3A : vector<16xi32>
        tpu.vector_store_idx %arg11[%add3A_390, %broadcast_in_dim3A_387], %gather3A_388 : memref<256x128xf32, #tpu.memory_space<vmem>>[vector<16xi32>, vector<16xi32>], vector<16xf32>,
        %broadcast_in_dim3A_391 = arith.constant 29 : i32
        %broadcast_in_dim3A_392 = vector.broadcast %broadcast_in_dim3A_391 : i32 to vector<16xi32>
        %gather3A_393 = tpu.vector_load_idx %arg10[%broadcast_in_dim3A_392, %min3A_242] : memref<64x64xf32, #tpu.memory_space<vmem>>[vector<16xi32>, vector<16xi32>], vector<16xf32>,
        %add3A_394 = vector.broadcast %multiple_of3A : i32 to vector<16xi32>
        %add3A_395 = arith.addi %add3A_394, %iota3A : vector<16xi32>
        tpu.vector_store_idx %arg11[%add3A_395, %broadcast_in_dim3A_392], %gather3A_393 : memref<256x128xf32, #tpu.memory_space<vmem>>[vector<16xi32>, vector<16xi32>], vector<16xf32>,
        %broadcast_in_dim3A_396 = arith.constant 30 : i32
        %broadcast_in_dim3A_397 = vector.broadcast %broadcast_in_dim3A_396 : i32 to vector<16xi32>
        %gather3A_398 = tpu.vector_load_idx %arg10[%broadcast_in_dim3A_397, %min3A_242] : memref<64x64xf32, #tpu.memory_space<vmem>>[vector<16xi32>, vector<16xi32>], vector<16xf32>,
        %add3A_399 = vector.broadcast %multiple_of3A : i32 to vector<16xi32>
        %add3A_400 = arith.addi %add3A_399, %iota3A : vector<16xi32>
        tpu.vector_store_idx %arg11[%add3A_400, %broadcast_in_dim3A_397], %gather3A_398 : memref<256x128xf32, #tpu.memory_space<vmem>>[vector<16xi32>, vector<16xi32>], vector<16xf32>,
        %broadcast_in_dim3A_401 = arith.constant 31 : i32
        %broadcast_in_dim3A_402 = vector.broadcast %broadcast_in_dim3A_401 : i32 to vector<16xi32>
        %gather3A_403 = tpu.vector_load_idx %arg10[%broadcast_in_dim3A_402, %min3A_242] : memref<64x64xf32, #tpu.memory_space<vmem>>[vector<16xi32>, vector<16xi32>], vector<16xf32>,
        %add3A_404 = vector.broadcast %multiple_of3A : i32 to vector<16xi32>
        %add3A_405 = arith.addi %add3A_404, %iota3A : vector<16xi32>
        tpu.vector_store_idx %arg11[%add3A_405, %broadcast_in_dim3A_402], %gather3A_403 : memref<256x128xf32, #tpu.memory_space<vmem>>[vector<16xi32>, vector<16xi32>], vector<16xf32>,
        %broadcast_in_dim3A_406 = arith.constant 32 : i32
        %broadcast_in_dim3A_407 = vector.broadcast %broadcast_in_dim3A_406 : i32 to vector<16xi32>
        %gather3A_408 = tpu.vector_load_idx %arg10[%broadcast_in_dim3A_407, %min3A_242] : memref<64x64xf32, #tpu.memory_space<vmem>>[vector<16xi32>, vector<16xi32>], vector<16xf32>,
        %add3A_409 = vector.broadcast %multiple_of3A : i32 to vector<16xi32>
        %add3A_410 = arith.addi %add3A_409, %iota3A : vector<16xi32>
        tpu.vector_store_idx %arg11[%add3A_410, %broadcast_in_dim3A_407], %gather3A_408 : memref<256x128xf32, #tpu.memory_space<vmem>>[vector<16xi32>, vector<16xi32>], vector<16xf32>,
        %broadcast_in_dim3A_411 = arith.constant 33 : i32
        %broadcast_in_dim3A_412 = vector.broadcast %broadcast_in_dim3A_411 : i32 to vector<16xi32>
        %gather3A_413 = tpu.vector_load_idx %arg10[%broadcast_in_dim3A_412, %min3A_242] : memref<64x64xf32, #tpu.memory_space<vmem>>[vector<16xi32>, vector<16xi32>], vector<16xf32>,
        %add3A_414 = vector.broadcast %multiple_of3A : i32 to vector<16xi32>
        %add3A_415 = arith.addi %add3A_414, %iota3A : vector<16xi32>
        tpu.vector_store_idx %arg11[%add3A_415, %broadcast_in_dim3A_412], %gather3A_413 : memref<256x128xf32, #tpu.memory_space<vmem>>[vector<16xi32>, vector<16xi32>], vector<16xf32>,
        %broadcast_in_dim3A_416 = arith.constant 34 : i32
        %broadcast_in_dim3A_417 = vector.broadcast %broadcast_in_dim3A_416 : i32 to vector<16xi32>
        %gather3A_418 = tpu.vector_load_idx %arg10[%broadcast_in_dim3A_417, %min3A_242] : memref<64x64xf32, #tpu.memory_space<vmem>>[vector<16xi32>, vector<16xi32>], vector<16xf32>,
        %add3A_419 = vector.broadcast %multiple_of3A : i32 to vector<16xi32>
        %add3A_420 = arith.addi %add3A_419, %iota3A : vector<16xi32>
        tpu.vector_store_idx %arg11[%add3A_420, %broadcast_in_dim3A_417], %gather3A_418 : memref<256x128xf32, #tpu.memory_space<vmem>>[vector<16xi32>, vector<16xi32>], vector<16xf32>,
        %broadcast_in_dim3A_421 = arith.constant 35 : i32
        %broadcast_in_dim3A_422 = vector.broadcast %broadcast_in_dim3A_421 : i32 to vector<16xi32>
        %gather3A_423 = tpu.vector_load_idx %arg10[%broadcast_in_dim3A_422, %min3A_242] : memref<64x64xf32, #tpu.memory_space<vmem>>[vector<16xi32>, vector<16xi32>], vector<16xf32>,
        %add3A_424 = vector.broadcast %multiple_of3A : i32 to vector<16xi32>
        %add3A_425 = arith.addi %add3A_424, %iota3A : vector<16xi32>
        tpu.vector_store_idx %arg11[%add3A_425, %broadcast_in_dim3A_422], %gather3A_423 : memref<256x128xf32, #tpu.memory_space<vmem>>[vector<16xi32>, vector<16xi32>], vector<16xf32>,
        %broadcast_in_dim3A_426 = arith.constant 36 : i32
        %broadcast_in_dim3A_427 = vector.broadcast %broadcast_in_dim3A_426 : i32 to vector<16xi32>
        %gather3A_428 = tpu.vector_load_idx %arg10[%broadcast_in_dim3A_427, %min3A_242] : memref<64x64xf32, #tpu.memory_space<vmem>>[vector<16xi32>, vector<16xi32>], vector<16xf32>,
        %add3A_429 = vector.broadcast %multiple_of3A : i32 to vector<16xi32>
        %add3A_430 = arith.addi %add3A_429, %iota3A : vector<16xi32>
        tpu.vector_store_idx %arg11[%add3A_430, %broadcast_in_dim3A_427], %gather3A_428 : memref<256x128xf32, #tpu.memory_space<vmem>>[vector<16xi32>, vector<16xi32>], vector<16xf32>,
        %broadcast_in_dim3A_431 = arith.constant 37 : i32
        %broadcast_in_dim3A_432 = vector.broadcast %broadcast_in_dim3A_431 : i32 to vector<16xi32>
        %gather3A_433 = tpu.vector_load_idx %arg10[%broadcast_in_dim3A_432, %min3A_242] : memref<64x64xf32, #tpu.memory_space<vmem>>[vector<16xi32>, vector<16xi32>], vector<16xf32>,
        %add3A_434 = vector.broadcast %multiple_of3A : i32 to vector<16xi32>
        %add3A_435 = arith.addi %add3A_434, %iota3A : vector<16xi32>
        tpu.vector_store_idx %arg11[%add3A_435, %broadcast_in_dim3A_432], %gather3A_433 : memref<256x128xf32, #tpu.memory_space<vmem>>[vector<16xi32>, vector<16xi32>], vector<16xf32>,
        %broadcast_in_dim3A_436 = arith.constant 38 : i32
        %broadcast_in_dim3A_437 = vector.broadcast %broadcast_in_dim3A_436 : i32 to vector<16xi32>
        %gather3A_438 = tpu.vector_load_idx %arg10[%broadcast_in_dim3A_437, %min3A_242] : memref<64x64xf32, #tpu.memory_space<vmem>>[vector<16xi32>, vector<16xi32>], vector<16xf32>,
        %add3A_439 = vector.broadcast %multiple_of3A : i32 to vector<16xi32>
        %add3A_440 = arith.addi %add3A_439, %iota3A : vector<16xi32>
        tpu.vector_store_idx %arg11[%add3A_440, %broadcast_in_dim3A_437], %gather3A_438 : memref<256x128xf32, #tpu.memory_space<vmem>>[vector<16xi32>, vector<16xi32>], vector<16xf32>,
        %broadcast_in_dim3A_441 = arith.constant 39 : i32
        %broadcast_in_dim3A_442 = vector.broadcast %broadcast_in_dim3A_441 : i32 to vector<16xi32>
        %gather3A_443 = tpu.vector_load_idx %arg10[%broadcast_in_dim3A_442, %min3A_242] : memref<64x64xf32, #tpu.memory_space<vmem>>[vector<16xi32>, vector<16xi32>], vector<16xf32>,
        %add3A_444 = vector.broadcast %multiple_of3A : i32 to vector<16xi32>
        %add3A_445 = arith.addi %add3A_444, %iota3A : vector<16xi32>
        tpu.vector_store_idx %arg11[%add3A_445, %broadcast_in_dim3A_442], %gather3A_443 : memref<256x128xf32, #tpu.memory_space<vmem>>[vector<16xi32>, vector<16xi32>], vector<16xf32>,
        %broadcast_in_dim3A_446 = arith.constant 40 : i32
        %broadcast_in_dim3A_447 = vector.broadcast %broadcast_in_dim3A_446 : i32 to vector<16xi32>
        %gather3A_448 = tpu.vector_load_idx %arg10[%broadcast_in_dim3A_447, %min3A_242] : memref<64x64xf32, #tpu.memory_space<vmem>>[vector<16xi32>, vector<16xi32>], vector<16xf32>,
        %add3A_449 = vector.broadcast %multiple_of3A : i32 to vector<16xi32>
        %add3A_450 = arith.addi %add3A_449, %iota3A : vector<16xi32>
        tpu.vector_store_idx %arg11[%add3A_450, %broadcast_in_dim3A_447], %gather3A_448 : memref<256x128xf32, #tpu.memory_space<vmem>>[vector<16xi32>, vector<16xi32>], vector<16xf32>,
        %broadcast_in_dim3A_451 = arith.constant 41 : i32
        %broadcast_in_dim3A_452 = vector.broadcast %broadcast_in_dim3A_451 : i32 to vector<16xi32>
        %gather3A_453 = tpu.vector_load_idx %arg10[%broadcast_in_dim3A_452, %min3A_242] : memref<64x64xf32, #tpu.memory_space<vmem>>[vector<16xi32>, vector<16xi32>], vector<16xf32>,
        %add3A_454 = vector.broadcast %multiple_of3A : i32 to vector<16xi32>
        %add3A_455 = arith.addi %add3A_454, %iota3A : vector<16xi32>
        tpu.vector_store_idx %arg11[%add3A_455, %broadcast_in_dim3A_452], %gather3A_453 : memref<256x128xf32, #tpu.memory_space<vmem>>[vector<16xi32>, vector<16xi32>], vector<16xf32>,
        %broadcast_in_dim3A_456 = arith.constant 42 : i32
        %broadcast_in_dim3A_457 = vector.broadcast %broadcast_in_dim3A_456 : i32 to vector<16xi32>
        %gather3A_458 = tpu.vector_load_idx %arg10[%broadcast_in_dim3A_457, %min3A_242] : memref<64x64xf32, #tpu.memory_space<vmem>>[vector<16xi32>, vector<16xi32>], vector<16xf32>,
        %add3A_459 = vector.broadcast %multiple_of3A : i32 to vector<16xi32>
        %add3A_460 = arith.addi %add3A_459, %iota3A : vector<16xi32>
        tpu.vector_store_idx %arg11[%add3A_460, %broadcast_in_dim3A_457], %gather3A_458 : memref<256x128xf32, #tpu.memory_space<vmem>>[vector<16xi32>, vector<16xi32>], vector<16xf32>,
        %broadcast_in_dim3A_461 = arith.constant 43 : i32
        %broadcast_in_dim3A_462 = vector.broadcast %broadcast_in_dim3A_461 : i32 to vector<16xi32>
        %gather3A_463 = tpu.vector_load_idx %arg10[%broadcast_in_dim3A_462, %min3A_242] : memref<64x64xf32, #tpu.memory_space<vmem>>[vector<16xi32>, vector<16xi32>], vector<16xf32>,
        %add3A_464 = vector.broadcast %multiple_of3A : i32 to vector<16xi32>
        %add3A_465 = arith.addi %add3A_464, %iota3A : vector<16xi32>
        tpu.vector_store_idx %arg11[%add3A_465, %broadcast_in_dim3A_462], %gather3A_463 : memref<256x128xf32, #tpu.memory_space<vmem>>[vector<16xi32>, vector<16xi32>], vector<16xf32>,
        %broadcast_in_dim3A_466 = arith.constant 44 : i32
        %broadcast_in_dim3A_467 = vector.broadcast %broadcast_in_dim3A_466 : i32 to vector<16xi32>
        %gather3A_468 = tpu.vector_load_idx %arg10[%broadcast_in_dim3A_467, %min3A_242] : memref<64x64xf32, #tpu.memory_space<vmem>>[vector<16xi32>, vector<16xi32>], vector<16xf32>,
        %add3A_469 = vector.broadcast %multiple_of3A : i32 to vector<16xi32>
        %add3A_470 = arith.addi %add3A_469, %iota3A : vector<16xi32>
        tpu.vector_store_idx %arg11[%add3A_470, %broadcast_in_dim3A_467], %gather3A_468 : memref<256x128xf32, #tpu.memory_space<vmem>>[vector<16xi32>, vector<16xi32>], vector<16xf32>,
        %broadcast_in_dim3A_471 = arith.constant 45 : i32
        %broadcast_in_dim3A_472 = vector.broadcast %broadcast_in_dim3A_471 : i32 to vector<16xi32>
        %gather3A_473 = tpu.vector_load_idx %arg10[%broadcast_in_dim3A_472, %min3A_242] : memref<64x64xf32, #tpu.memory_space<vmem>>[vector<16xi32>, vector<16xi32>], vector<16xf32>,
        %add3A_474 = vector.broadcast %multiple_of3A : i32 to vector<16xi32>
        %add3A_475 = arith.addi %add3A_474, %iota3A : vector<16xi32>
        tpu.vector_store_idx %arg11[%add3A_475, %broadcast_in_dim3A_472], %gather3A_473 : memref<256x128xf32, #tpu.memory_space<vmem>>[vector<16xi32>, vector<16xi32>], vector<16xf32>,
        %broadcast_in_dim3A_476 = arith.constant 46 : i32
        %broadcast_in_dim3A_477 = vector.broadcast %broadcast_in_dim3A_476 : i32 to vector<16xi32>
        %gather3A_478 = tpu.vector_load_idx %arg10[%broadcast_in_dim3A_477, %min3A_242] : memref<64x64xf32, #tpu.memory_space<vmem>>[vector<16xi32>, vector<16xi32>], vector<16xf32>,
        %add3A_479 = vector.broadcast %multiple_of3A : i32 to vector<16xi32>
        %add3A_480 = arith.addi %add3A_479, %iota3A : vector<16xi32>
        tpu.vector_store_idx %arg11[%add3A_480, %broadcast_in_dim3A_477], %gather3A_478 : memref<256x128xf32, #tpu.memory_space<vmem>>[vector<16xi32>, vector<16xi32>], vector<16xf32>,
        %broadcast_in_dim3A_481 = arith.constant 47 : i32
        %broadcast_in_dim3A_482 = vector.broadcast %broadcast_in_dim3A_481 : i32 to vector<16xi32>
        %gather3A_483 = tpu.vector_load_idx %arg10[%broadcast_in_dim3A_482, %min3A_242] : memref<64x64xf32, #tpu.memory_space<vmem>>[vector<16xi32>, vector<16xi32>], vector<16xf32>,
        %add3A_484 = vector.broadcast %multiple_of3A : i32 to vector<16xi32>
        %add3A_485 = arith.addi %add3A_484, %iota3A : vector<16xi32>
        tpu.vector_store_idx %arg11[%add3A_485, %broadcast_in_dim3A_482], %gather3A_483 : memref<256x128xf32, #tpu.memory_space<vmem>>[vector<16xi32>, vector<16xi32>], vector<16xf32>,
        %broadcast_in_dim3A_486 = arith.constant 48 : i32
        %broadcast_in_dim3A_487 = vector.broadcast %broadcast_in_dim3A_486 : i32 to vector<16xi32>
        %gather3A_488 = tpu.vector_load_idx %arg10[%broadcast_in_dim3A_487, %min3A_242] : memref<64x64xf32, #tpu.memory_space<vmem>>[vector<16xi32>, vector<16xi32>], vector<16xf32>,
        %add3A_489 = vector.broadcast %multiple_of3A : i32 to vector<16xi32>
        %add3A_490 = arith.addi %add3A_489, %iota3A : vector<16xi32>
        tpu.vector_store_idx %arg11[%add3A_490, %broadcast_in_dim3A_487], %gather3A_488 : memref<256x128xf32, #tpu.memory_space<vmem>>[vector<16xi32>, vector<16xi32>], vector<16xf32>,
        %broadcast_in_dim3A_491 = arith.constant 49 : i32
        %broadcast_in_dim3A_492 = vector.broadcast %broadcast_in_dim3A_491 : i32 to vector<16xi32>
        %gather3A_493 = tpu.vector_load_idx %arg10[%broadcast_in_dim3A_492, %min3A_242] : memref<64x64xf32, #tpu.memory_space<vmem>>[vector<16xi32>, vector<16xi32>], vector<16xf32>,
        %add3A_494 = vector.broadcast %multiple_of3A : i32 to vector<16xi32>
        %add3A_495 = arith.addi %add3A_494, %iota3A : vector<16xi32>
        tpu.vector_store_idx %arg11[%add3A_495, %broadcast_in_dim3A_492], %gather3A_493 : memref<256x128xf32, #tpu.memory_space<vmem>>[vector<16xi32>, vector<16xi32>], vector<16xf32>,
        %broadcast_in_dim3A_496 = arith.constant 50 : i32
        %broadcast_in_dim3A_497 = vector.broadcast %broadcast_in_dim3A_496 : i32 to vector<16xi32>
        %gather3A_498 = tpu.vector_load_idx %arg10[%broadcast_in_dim3A_497, %min3A_242] : memref<64x64xf32, #tpu.memory_space<vmem>>[vector<16xi32>, vector<16xi32>], vector<16xf32>,
        %add3A_499 = vector.broadcast %multiple_of3A : i32 to vector<16xi32>
        %add3A_500 = arith.addi %add3A_499, %iota3A : vector<16xi32>
        tpu.vector_store_idx %arg11[%add3A_500, %broadcast_in_dim3A_497], %gather3A_498 : memref<256x128xf32, #tpu.memory_space<vmem>>[vector<16xi32>, vector<16xi32>], vector<16xf32>,
        %broadcast_in_dim3A_501 = arith.constant 51 : i32
        %broadcast_in_dim3A_502 = vector.broadcast %broadcast_in_dim3A_501 : i32 to vector<16xi32>
        %gather3A_503 = tpu.vector_load_idx %arg10[%broadcast_in_dim3A_502, %min3A_242] : memref<64x64xf32, #tpu.memory_space<vmem>>[vector<16xi32>, vector<16xi32>], vector<16xf32>,
        %add3A_504 = vector.broadcast %multiple_of3A : i32 to vector<16xi32>
        %add3A_505 = arith.addi %add3A_504, %iota3A : vector<16xi32>
        tpu.vector_store_idx %arg11[%add3A_505, %broadcast_in_dim3A_502], %gather3A_503 : memref<256x128xf32, #tpu.memory_space<vmem>>[vector<16xi32>, vector<16xi32>], vector<16xf32>,
        %broadcast_in_dim3A_506 = arith.constant 52 : i32
        %broadcast_in_dim3A_507 = vector.broadcast %broadcast_in_dim3A_506 : i32 to vector<16xi32>
        %gather3A_508 = tpu.vector_load_idx %arg10[%broadcast_in_dim3A_507, %min3A_242] : memref<64x64xf32, #tpu.memory_space<vmem>>[vector<16xi32>, vector<16xi32>], vector<16xf32>,
        %add3A_509 = vector.broadcast %multiple_of3A : i32 to vector<16xi32>
        %add3A_510 = arith.addi %add3A_509, %iota3A : vector<16xi32>
        tpu.vector_store_idx %arg11[%add3A_510, %broadcast_in_dim3A_507], %gather3A_508 : memref<256x128xf32, #tpu.memory_space<vmem>>[vector<16xi32>, vector<16xi32>], vector<16xf32>,
        %broadcast_in_dim3A_511 = arith.constant 53 : i32
        %broadcast_in_dim3A_512 = vector.broadcast %broadcast_in_dim3A_511 : i32 to vector<16xi32>
        %gather3A_513 = tpu.vector_load_idx %arg10[%broadcast_in_dim3A_512, %min3A_242] : memref<64x64xf32, #tpu.memory_space<vmem>>[vector<16xi32>, vector<16xi32>], vector<16xf32>,
        %add3A_514 = vector.broadcast %multiple_of3A : i32 to vector<16xi32>
        %add3A_515 = arith.addi %add3A_514, %iota3A : vector<16xi32>
        tpu.vector_store_idx %arg11[%add3A_515, %broadcast_in_dim3A_512], %gather3A_513 : memref<256x128xf32, #tpu.memory_space<vmem>>[vector<16xi32>, vector<16xi32>], vector<16xf32>,
        %broadcast_in_dim3A_516 = arith.constant 54 : i32
        %broadcast_in_dim3A_517 = vector.broadcast %broadcast_in_dim3A_516 : i32 to vector<16xi32>
        %gather3A_518 = tpu.vector_load_idx %arg10[%broadcast_in_dim3A_517, %min3A_242] : memref<64x64xf32, #tpu.memory_space<vmem>>[vector<16xi32>, vector<16xi32>], vector<16xf32>,
        %add3A_519 = vector.broadcast %multiple_of3A : i32 to vector<16xi32>
        %add3A_520 = arith.addi %add3A_519, %iota3A : vector<16xi32>
        tpu.vector_store_idx %arg11[%add3A_520, %broadcast_in_dim3A_517], %gather3A_518 : memref<256x128xf32, #tpu.memory_space<vmem>>[vector<16xi32>, vector<16xi32>], vector<16xf32>,
        %broadcast_in_dim3A_521 = arith.constant 55 : i32
        %broadcast_in_dim3A_522 = vector.broadcast %broadcast_in_dim3A_521 : i32 to vector<16xi32>
        %gather3A_523 = tpu.vector_load_idx %arg10[%broadcast_in_dim3A_522, %min3A_242] : memref<64x64xf32, #tpu.memory_space<vmem>>[vector<16xi32>, vector<16xi32>], vector<16xf32>,
        %add3A_524 = vector.broadcast %multiple_of3A : i32 to vector<16xi32>
        %add3A_525 = arith.addi %add3A_524, %iota3A : vector<16xi32>
        tpu.vector_store_idx %arg11[%add3A_525, %broadcast_in_dim3A_522], %gather3A_523 : memref<256x128xf32, #tpu.memory_space<vmem>>[vector<16xi32>, vector<16xi32>], vector<16xf32>,
        %broadcast_in_dim3A_526 = arith.constant 56 : i32
        %broadcast_in_dim3A_527 = vector.broadcast %broadcast_in_dim3A_526 : i32 to vector<16xi32>
        %gather3A_528 = tpu.vector_load_idx %arg10[%broadcast_in_dim3A_527, %min3A_242] : memref<64x64xf32, #tpu.memory_space<vmem>>[vector<16xi32>, vector<16xi32>], vector<16xf32>,
        %add3A_529 = vector.broadcast %multiple_of3A : i32 to vector<16xi32>
        %add3A_530 = arith.addi %add3A_529, %iota3A : vector<16xi32>
        tpu.vector_store_idx %arg11[%add3A_530, %broadcast_in_dim3A_527], %gather3A_528 : memref<256x128xf32, #tpu.memory_space<vmem>>[vector<16xi32>, vector<16xi32>], vector<16xf32>,
        %broadcast_in_dim3A_531 = arith.constant 57 : i32
        %broadcast_in_dim3A_532 = vector.broadcast %broadcast_in_dim3A_531 : i32 to vector<16xi32>
        %gather3A_533 = tpu.vector_load_idx %arg10[%broadcast_in_dim3A_532, %min3A_242] : memref<64x64xf32, #tpu.memory_space<vmem>>[vector<16xi32>, vector<16xi32>], vector<16xf32>,
        %add3A_534 = vector.broadcast %multiple_of3A : i32 to vector<16xi32>
        %add3A_535 = arith.addi %add3A_534, %iota3A : vector<16xi32>
        tpu.vector_store_idx %arg11[%add3A_535, %broadcast_in_dim3A_532], %gather3A_533 : memref<256x128xf32, #tpu.memory_space<vmem>>[vector<16xi32>, vector<16xi32>], vector<16xf32>,
        %broadcast_in_dim3A_536 = arith.constant 58 : i32
        %broadcast_in_dim3A_537 = vector.broadcast %broadcast_in_dim3A_536 : i32 to vector<16xi32>
        %gather3A_538 = tpu.vector_load_idx %arg10[%broadcast_in_dim3A_537, %min3A_242] : memref<64x64xf32, #tpu.memory_space<vmem>>[vector<16xi32>, vector<16xi32>], vector<16xf32>,
        %add3A_539 = vector.broadcast %multiple_of3A : i32 to vector<16xi32>
        %add3A_540 = arith.addi %add3A_539, %iota3A : vector<16xi32>
        tpu.vector_store_idx %arg11[%add3A_540, %broadcast_in_dim3A_537], %gather3A_538 : memref<256x128xf32, #tpu.memory_space<vmem>>[vector<16xi32>, vector<16xi32>], vector<16xf32>,
        %broadcast_in_dim3A_541 = arith.constant 59 : i32
        %broadcast_in_dim3A_542 = vector.broadcast %broadcast_in_dim3A_541 : i32 to vector<16xi32>
        %gather3A_543 = tpu.vector_load_idx %arg10[%broadcast_in_dim3A_542, %min3A_242] : memref<64x64xf32, #tpu.memory_space<vmem>>[vector<16xi32>, vector<16xi32>], vector<16xf32>,
        %add3A_544 = vector.broadcast %multiple_of3A : i32 to vector<16xi32>
        %add3A_545 = arith.addi %add3A_544, %iota3A : vector<16xi32>
        tpu.vector_store_idx %arg11[%add3A_545, %broadcast_in_dim3A_542], %gather3A_543 : memref<256x128xf32, #tpu.memory_space<vmem>>[vector<16xi32>, vector<16xi32>], vector<16xf32>,
        %broadcast_in_dim3A_546 = arith.constant 60 : i32
        %broadcast_in_dim3A_547 = vector.broadcast %broadcast_in_dim3A_546 : i32 to vector<16xi32>
        %gather3A_548 = tpu.vector_load_idx %arg10[%broadcast_in_dim3A_547, %min3A_242] : memref<64x64xf32, #tpu.memory_space<vmem>>[vector<16xi32>, vector<16xi32>], vector<16xf32>,
        %add3A_549 = vector.broadcast %multiple_of3A : i32 to vector<16xi32>
        %add3A_550 = arith.addi %add3A_549, %iota3A : vector<16xi32>
        tpu.vector_store_idx %arg11[%add3A_550, %broadcast_in_dim3A_547], %gather3A_548 : memref<256x128xf32, #tpu.memory_space<vmem>>[vector<16xi32>, vector<16xi32>], vector<16xf32>,
        %broadcast_in_dim3A_551 = arith.constant 61 : i32
        %broadcast_in_dim3A_552 = vector.broadcast %broadcast_in_dim3A_551 : i32 to vector<16xi32>
        %gather3A_553 = tpu.vector_load_idx %arg10[%broadcast_in_dim3A_552, %min3A_242] : memref<64x64xf32, #tpu.memory_space<vmem>>[vector<16xi32>, vector<16xi32>], vector<16xf32>,
        %add3A_554 = vector.broadcast %multiple_of3A : i32 to vector<16xi32>
        %add3A_555 = arith.addi %add3A_554, %iota3A : vector<16xi32>
        tpu.vector_store_idx %arg11[%add3A_555, %broadcast_in_dim3A_552], %gather3A_553 : memref<256x128xf32, #tpu.memory_space<vmem>>[vector<16xi32>, vector<16xi32>], vector<16xf32>,
        %broadcast_in_dim3A_556 = arith.constant 62 : i32
        %broadcast_in_dim3A_557 = vector.broadcast %broadcast_in_dim3A_556 : i32 to vector<16xi32>
        %gather3A_558 = tpu.vector_load_idx %arg10[%broadcast_in_dim3A_557, %min3A_242] : memref<64x64xf32, #tpu.memory_space<vmem>>[vector<16xi32>, vector<16xi32>], vector<16xf32>,
        %add3A_559 = vector.broadcast %multiple_of3A : i32 to vector<16xi32>
        %add3A_560 = arith.addi %add3A_559, %iota3A : vector<16xi32>
        tpu.vector_store_idx %arg11[%add3A_560, %broadcast_in_dim3A_557], %gather3A_558 : memref<256x128xf32, #tpu.memory_space<vmem>>[vector<16xi32>, vector<16xi32>], vector<16xf32>,
        %broadcast_in_dim3A_561 = arith.constant 63 : i32
        %broadcast_in_dim3A_562 = vector.broadcast %broadcast_in_dim3A_561 : i32 to vector<16xi32>
        %gather3A_563 = tpu.vector_load_idx %arg10[%broadcast_in_dim3A_562, %min3A_242] : memref<64x64xf32, #tpu.memory_space<vmem>>[vector<16xi32>, vector<16xi32>], vector<16xf32>,
        %add3A_564 = vector.broadcast %multiple_of3A : i32 to vector<16xi32>
        %add3A_565 = arith.addi %add3A_564, %iota3A : vector<16xi32>
        tpu.vector_store_idx %arg11[%add3A_565, %broadcast_in_dim3A_562], %gather3A_563 : memref<256x128xf32, #tpu.memory_space<vmem>>[vector<16xi32>, vector<16xi32>], vector<16xf32>,
        %mul3A_566 = arith.muli %convert_element_type3A_202, %and3A_234 : vector<16xi32>
        %sub3A_567 = arith.constant 1 : i32
        %sub3A_568 = vector.broadcast %sub3A_567 : i32 to vector<16xi32>
        %sub3A_569 = arith.subi %sub3A_568, %convert_element_type3A_202 : vector<16xi32>
        %mul3A_570 = arith.constant 16 : i32
        %mul3A_571 = arith.muli %rem3A_204, %mul3A_570 : i32
        %add3A_572 = arith.constant 16384 : i32
        %add3A_573 = arith.addi %add3A_572, %mul3A_571 : i32
        %add3A_574 = vector.broadcast %add3A_573 : i32 to vector<16xi32>
        %add3A_575 = arith.addi %add3A_574, %iota3A : vector<16xi32>
        %mul3A_576 = arith.muli %sub3A_569, %add3A_575 : vector<16xi32>
        %add3A_577 = arith.addi %mul3A_566, %mul3A_576 : vector<16xi32>
        %eq3A_578 = arith.constant 0 : i32
        %eq3A_579 = arith.cmpi eq, %rem3A_208, %eq3A_578 : i32
        %convert_element_type3A_580 = arith.extui %eq3A_579 : i1 to i32
        %cond3A_581 = arith.constant 0 : i32
        %cond3A_582 = arith.cmpi ne, %convert_element_type3A_580, %cond3A_581 : i32
        scf.if %cond3A_582 {
          %mul3A_606 = arith.constant 16 : i32
          %mul3A_607 = arith.muli %rem3A_204, %mul3A_606 : i32
          %multiple_of3A_608 = tpu.assume_multiple %mul3A_607, 16 : i32
          %swap3A = arith.index_cast %multiple_of3A_608 : i32 to index
          %swap3A_609 = tpu.vector_load %arg12[%swap3A] {strides = array<i32>} : memref<128xi32, #tpu.memory_space<vmem>>, vector<16xi32>,
          tpu.vector_store %arg12[%swap3A], %add3A_577 {strides = array<i32>} : memref<128xi32, #tpu.memory_space<vmem>>, vector<16xi32>,
        } else {
        }
        %eq3A_583 = arith.constant 1 : i32
        %eq3A_584 = arith.cmpi eq, %rem3A_208, %eq3A_583 : i32
        %convert_element_type3A_585 = arith.extui %eq3A_584 : i1 to i32
        %cond3A_586 = arith.constant 0 : i32
        %cond3A_587 = arith.cmpi ne, %convert_element_type3A_585, %cond3A_586 : i32
        scf.if %cond3A_587 {
          %mul3A_606 = arith.constant 16 : i32
          %mul3A_607 = arith.muli %rem3A_204, %mul3A_606 : i32
          %multiple_of3A_608 = tpu.assume_multiple %mul3A_607, 16 : i32
          %swap3A = arith.index_cast %multiple_of3A_608 : i32 to index
          %swap3A_609 = tpu.vector_load %arg13[%swap3A] {strides = array<i32>} : memref<128xi32, #tpu.memory_space<vmem>>, vector<16xi32>,
          tpu.vector_store %arg13[%swap3A], %add3A_577 {strides = array<i32>} : memref<128xi32, #tpu.memory_space<vmem>>, vector<16xi32>,
        } else {
        }
        %eq3A_588 = arith.constant 7 : i32
        %eq3A_589 = arith.cmpi eq, %rem3A_204, %eq3A_588 : i32
        %eq3A_590 = arith.constant 0 : i32
        %eq3A_591 = arith.cmpi eq, %rem3A_208, %eq3A_590 : i32
        %and3A_592 = arith.andi %eq3A_589, %eq3A_591 : i1
        %convert_element_type3A_593 = arith.extui %and3A_592 : i1 to i32
        %cond3A_594 = arith.constant 0 : i32
        %cond3A_595 = arith.cmpi ne, %convert_element_type3A_593, %cond3A_594 : i32
        scf.if %cond3A_595 {
          %dma_start3A = arith.constant 0 : i32
          %dma_start3A_606 = arith.constant 0 : i32
          %dma_start3A_607 = tpu.memref_slice %arg11[%dma_start3A, %dma_start3A_606] : memref<256x128xf32, #tpu.memory_space<vmem>> -> memref<128x128xf32, #tpu.memory_space<vmem>>
          %dma_start3A_608 = arith.constant 0 : i32
          %dma_start3A_609 = arith.constant 0 : i32
          %dma_start3A_610 = tpu.memref_slice %arg5[%dma_start3A_608, %dma_start3A_609] : memref<16512x128xf32, #tpu.memory_space<hbm>> -> memref<16512x128xf32, #tpu.memory_space<hbm>>
          tpu.enqueue_indirect_dma source(%dma_start3A_607 : memref<128x128xf32, #tpu.memory_space<vmem>>) target(%dma_start3A_610 : memref<16512x128xf32, #tpu.memory_space<hbm>>) offsets(%arg12 : memref<128xi32, #tpu.memory_space<vmem>>) semaphore(%arg16 : memref<!tpu.dma_semaphore, #tpu.memory_space<semaphore_mem>>)
        } else {
        }
        %eq3A_596 = arith.constant 7 : i32
        %eq3A_597 = arith.cmpi eq, %rem3A_204, %eq3A_596 : i32
        %eq3A_598 = arith.constant 1 : i32
        %eq3A_599 = arith.cmpi eq, %rem3A_208, %eq3A_598 : i32
        %and3A_600 = arith.andi %eq3A_597, %eq3A_599 : i1
        %convert_element_type3A_601 = arith.extui %and3A_600 : i1 to i32
        %cond3A_602 = arith.constant 0 : i32
        %cond3A_603 = arith.cmpi ne, %convert_element_type3A_601, %cond3A_602 : i32
        scf.if %cond3A_603 {
          %dma_start3A = arith.constant 128 : i32
          %dma_start3A_606 = arith.constant 0 : i32
          %dma_start3A_607 = tpu.memref_slice %arg11[%dma_start3A, %dma_start3A_606] : memref<256x128xf32, #tpu.memory_space<vmem>> -> memref<128x128xf32, #tpu.memory_space<vmem>>
          %dma_start3A_608 = arith.constant 0 : i32
          %dma_start3A_609 = arith.constant 0 : i32
          %dma_start3A_610 = tpu.memref_slice %arg5[%dma_start3A_608, %dma_start3A_609] : memref<16512x128xf32, #tpu.memory_space<hbm>> -> memref<16512x128xf32, #tpu.memory_space<hbm>>
          tpu.enqueue_indirect_dma source(%dma_start3A_607 : memref<128x128xf32, #tpu.memory_space<vmem>>) target(%dma_start3A_610 : memref<16512x128xf32, #tpu.memory_space<hbm>>) offsets(%arg13 : memref<128xi32, #tpu.memory_space<vmem>>) semaphore(%arg17 : memref<!tpu.dma_semaphore, #tpu.memory_space<semaphore_mem>>)
        } else {
        }
        %add3A_604 = arith.constant 1 : i32
        %add3A_605 = arith.addi %while3A_194, %add3A_604 : i32
        scf.yield %add3A_605 : i32
      }
      scf.yield %while3A_192 : i32
    } else {
      scf.yield %scan3A_78 : i32
    }
    %rem3A_106 = arith.constant 8 : i32
    %rem3A_107 = arith.remsi %cond3A_105, %rem3A_106 : i32
    %div3A_108 = arith.constant 8 : i32
    %div3A_109 = arith.divsi %cond3A_105, %div3A_108 : i32
    %rem3A_110 = arith.constant 2 : i32
    %rem3A_111 = arith.remsi %div3A_109, %rem3A_110 : i32
    %gt3A_112 = arith.constant 0 : i32
    %gt3A_113 = arith.cmpi sgt, %rem3A_107, %gt3A_112 : i32
    %convert_element_type3A_114 = arith.extui %gt3A_113 : i1 to i32
    %cond3A_115 = arith.constant 0 : i32
    %cond3A_116 = arith.cmpi ne, %convert_element_type3A_114, %cond3A_115 : i32
    scf.if %cond3A_116 {
      %while3A_154 = arith.constant 0 : i32
      %while3A_155 = arith.constant 8 : i32
      %while3A_156 = arith.subi %while3A_155, %rem3A_107 : i32
      %while3A_157 = arith.addi %rem3A_107, %while3A_156 : i32
      %while3A_158 = arith.constant 1 : i32
      %while3A_159 = arith.divsi %while3A_156, %while3A_158 : i32
      %while3A_160 = arith.muli %while3A_159, %while3A_158 : i32
      %while3A_161 = arith.addi %rem3A_107, %while3A_160 : i32
      %while3A_162 = arith.constant 1 : i32
      scf.for %while3A_164 = %rem3A_107 to %while3A_161 step %while3A_162  : i32 {
        %mul3A_165 = arith.constant 16 : i32
        %mul3A_166 = arith.muli %while3A_164, %mul3A_165 : i32
        %add3A_167 = arith.constant 16384 : i32
        %add3A_168 = arith.addi %add3A_167, %mul3A_166 : i32
        %add3A_169 = vector.broadcast %add3A_168 : i32 to vector<16xi32>
        %add3A_170 = arith.addi %add3A_169, %iota3A : vector<16xi32>
        %eq3A_171 = arith.constant 0 : i32
        %eq3A_172 = arith.cmpi eq, %rem3A_111, %eq3A_171 : i32
        %convert_element_type3A_173 = arith.extui %eq3A_172 : i1 to i32
        %cond3A_174 = arith.constant 0 : i32
        %cond3A_175 = arith.cmpi ne, %convert_element_type3A_173, %cond3A_174 : i32
        scf.if %cond3A_175 {
          %mul3A_181 = arith.constant 16 : i32
          %mul3A_182 = arith.muli %while3A_164, %mul3A_181 : i32
          %multiple_of3A = tpu.assume_multiple %mul3A_182, 16 : i32
          %swap3A = arith.index_cast %multiple_of3A : i32 to index
          %swap3A_183 = tpu.vector_load %arg12[%swap3A] {strides = array<i32>} : memref<128xi32, #tpu.memory_space<vmem>>, vector<16xi32>,
          tpu.vector_store %arg12[%swap3A], %add3A_170 {strides = array<i32>} : memref<128xi32, #tpu.memory_space<vmem>>, vector<16xi32>,
        } else {
        }
        %eq3A_176 = arith.constant 1 : i32
        %eq3A_177 = arith.cmpi eq, %rem3A_111, %eq3A_176 : i32
        %convert_element_type3A_178 = arith.extui %eq3A_177 : i1 to i32
        %cond3A_179 = arith.constant 0 : i32
        %cond3A_180 = arith.cmpi ne, %convert_element_type3A_178, %cond3A_179 : i32
        scf.if %cond3A_180 {
          %mul3A_181 = arith.constant 16 : i32
          %mul3A_182 = arith.muli %while3A_164, %mul3A_181 : i32
          %multiple_of3A = tpu.assume_multiple %mul3A_182, 16 : i32
          %swap3A = arith.index_cast %multiple_of3A : i32 to index
          %swap3A_183 = tpu.vector_load %arg13[%swap3A] {strides = array<i32>} : memref<128xi32, #tpu.memory_space<vmem>>, vector<16xi32>,
          tpu.vector_store %arg13[%swap3A], %add3A_170 {strides = array<i32>} : memref<128xi32, #tpu.memory_space<vmem>>, vector<16xi32>,
        } else {
        }
      }
      %while3A_163 = arith.constant 1 : i32
      scf.for %while3A_164 = %while3A_161 to %while3A_157 step %while3A_163  : i32 {
        %mul3A_165 = arith.constant 16 : i32
        %mul3A_166 = arith.muli %while3A_164, %mul3A_165 : i32
        %add3A_167 = arith.constant 16384 : i32
        %add3A_168 = arith.addi %add3A_167, %mul3A_166 : i32
        %add3A_169 = vector.broadcast %add3A_168 : i32 to vector<16xi32>
        %add3A_170 = arith.addi %add3A_169, %iota3A : vector<16xi32>
        %eq3A_171 = arith.constant 0 : i32
        %eq3A_172 = arith.cmpi eq, %rem3A_111, %eq3A_171 : i32
        %convert_element_type3A_173 = arith.extui %eq3A_172 : i1 to i32
        %cond3A_174 = arith.constant 0 : i32
        %cond3A_175 = arith.cmpi ne, %convert_element_type3A_173, %cond3A_174 : i32
        scf.if %cond3A_175 {
          %mul3A_181 = arith.constant 16 : i32
          %mul3A_182 = arith.muli %while3A_164, %mul3A_181 : i32
          %multiple_of3A = tpu.assume_multiple %mul3A_182, 16 : i32
          %swap3A = arith.index_cast %multiple_of3A : i32 to index
          %swap3A_183 = tpu.vector_load %arg12[%swap3A] {strides = array<i32>} : memref<128xi32, #tpu.memory_space<vmem>>, vector<16xi32>,
          tpu.vector_store %arg12[%swap3A], %add3A_170 {strides = array<i32>} : memref<128xi32, #tpu.memory_space<vmem>>, vector<16xi32>,
        } else {
        }
        %eq3A_176 = arith.constant 1 : i32
        %eq3A_177 = arith.cmpi eq, %rem3A_111, %eq3A_176 : i32
        %convert_element_type3A_178 = arith.extui %eq3A_177 : i1 to i32
        %cond3A_179 = arith.constant 0 : i32
        %cond3A_180 = arith.cmpi ne, %convert_element_type3A_178, %cond3A_179 : i32
        scf.if %cond3A_180 {
          %mul3A_181 = arith.constant 16 : i32
          %mul3A_182 = arith.muli %while3A_164, %mul3A_181 : i32
          %multiple_of3A = tpu.assume_multiple %mul3A_182, 16 : i32
          %swap3A = arith.index_cast %multiple_of3A : i32 to index
          %swap3A_183 = tpu.vector_load %arg13[%swap3A] {strides = array<i32>} : memref<128xi32, #tpu.memory_space<vmem>>, vector<16xi32>,
          tpu.vector_store %arg13[%swap3A], %add3A_170 {strides = array<i32>} : memref<128xi32, #tpu.memory_space<vmem>>, vector<16xi32>,
        } else {
        }
      }
    } else {
    }
    %gt3A_117 = arith.constant 0 : i32
    %gt3A_118 = arith.cmpi sgt, %rem3A_107, %gt3A_117 : i32
    %eq3A = arith.constant 0 : i32
    %eq3A_119 = arith.cmpi eq, %rem3A_111, %eq3A : i32
    %and3A_120 = arith.andi %gt3A_118, %eq3A_119 : i1
    %convert_element_type3A_121 = arith.extui %and3A_120 : i1 to i32
    %cond3A_122 = arith.constant 0 : i32
    %cond3A_123 = arith.cmpi ne, %convert_element_type3A_121, %cond3A_122 : i32
    scf.if %cond3A_123 {
      %dma_start3A = arith.constant 0 : i32
      %dma_start3A_154 = arith.constant 0 : i32
      %dma_start3A_155 = tpu.memref_slice %arg11[%dma_start3A, %dma_start3A_154] : memref<256x128xf32, #tpu.memory_space<vmem>> -> memref<128x128xf32, #tpu.memory_space<vmem>>
      %dma_start3A_156 = arith.constant 0 : i32
      %dma_start3A_157 = arith.constant 0 : i32
      %dma_start3A_158 = tpu.memref_slice %arg5[%dma_start3A_156, %dma_start3A_157] : memref<16512x128xf32, #tpu.memory_space<hbm>> -> memref<16512x128xf32, #tpu.memory_space<hbm>>
      tpu.enqueue_indirect_dma source(%dma_start3A_155 : memref<128x128xf32, #tpu.memory_space<vmem>>) target(%dma_start3A_158 : memref<16512x128xf32, #tpu.memory_space<hbm>>) offsets(%arg12 : memref<128xi32, #tpu.memory_space<vmem>>) semaphore(%arg16 : memref<!tpu.dma_semaphore, #tpu.memory_space<semaphore_mem>>)
    } else {
    }
    %gt3A_124 = arith.constant 0 : i32
    %gt3A_125 = arith.cmpi sgt, %rem3A_107, %gt3A_124 : i32
    %eq3A_126 = arith.constant 1 : i32
    %eq3A_127 = arith.cmpi eq, %rem3A_111, %eq3A_126 : i32
    %and3A_128 = arith.andi %gt3A_125, %eq3A_127 : i1
    %convert_element_type3A_129 = arith.extui %and3A_128 : i1 to i32
    %cond3A_130 = arith.constant 0 : i32
    %cond3A_131 = arith.cmpi ne, %convert_element_type3A_129, %cond3A_130 : i32
    scf.if %cond3A_131 {
      %dma_start3A = arith.constant 128 : i32
      %dma_start3A_154 = arith.constant 0 : i32
      %dma_start3A_155 = tpu.memref_slice %arg11[%dma_start3A, %dma_start3A_154] : memref<256x128xf32, #tpu.memory_space<vmem>> -> memref<128x128xf32, #tpu.memory_space<vmem>>
      %dma_start3A_156 = arith.constant 0 : i32
      %dma_start3A_157 = arith.constant 0 : i32
      %dma_start3A_158 = tpu.memref_slice %arg5[%dma_start3A_156, %dma_start3A_157] : memref<16512x128xf32, #tpu.memory_space<hbm>> -> memref<16512x128xf32, #tpu.memory_space<hbm>>
      tpu.enqueue_indirect_dma source(%dma_start3A_155 : memref<128x128xf32, #tpu.memory_space<vmem>>) target(%dma_start3A_158 : memref<16512x128xf32, #tpu.memory_space<hbm>>) offsets(%arg13 : memref<128xi32, #tpu.memory_space<vmem>>) semaphore(%arg17 : memref<!tpu.dma_semaphore, #tpu.memory_space<semaphore_mem>>)
    } else {
    }
    %div3A_132 = arith.constant 8 : i32
    %div3A_133 = arith.divsi %cond3A_105, %div3A_132 : i32
    %gt3A_134 = arith.constant 0 : i32
    %gt3A_135 = arith.cmpi sgt, %rem3A_107, %gt3A_134 : i32
    %convert_element_type3A_136 = arith.extui %gt3A_135 : i1 to i32
    %add3A_137 = arith.addi %div3A_133, %convert_element_type3A_136 : i32
    %add3A_138 = arith.constant 1 : i32
    %add3A_139 = arith.addi %add3A_137, %add3A_138 : i32
    %div3A_140 = arith.constant 2 : i32
    %div3A_141 = arith.divsi %add3A_139, %div3A_140 : i32
    %div3A_142 = arith.constant 2 : i32
    %div3A_143 = arith.divsi %add3A_137, %div3A_142 : i32
    %gt3A_144 = arith.constant 0 : i32
    %gt3A_145 = arith.cmpi sgt, %div3A_141, %gt3A_144 : i32
    %convert_element_type3A_146 = arith.extui %gt3A_145 : i1 to i32
    %cond3A_147 = arith.constant 0 : i32
    %cond3A_148 = arith.cmpi ne, %convert_element_type3A_146, %cond3A_147 : i32
    scf.if %cond3A_148 {
      %dma_wait3A = arith.constant 0 : i32
      %dma_wait3A_154 = arith.constant 0 : i32
      %dma_wait3A_155 = tpu.memref_slice %arg11[%dma_wait3A, %dma_wait3A_154] : memref<256x128xf32, #tpu.memory_space<vmem>> -> memref<128x128xf32, #tpu.memory_space<vmem>>
      %dma_wait3A_156 = arith.constant 0 : i32
      %dma_wait3A_157 = arith.constant 0 : i32
      %dma_wait3A_158 = tpu.memref_slice %arg5[%dma_wait3A_156, %dma_wait3A_157] : memref<16512x128xf32, #tpu.memory_space<hbm>> -> memref<128x128xf32, #tpu.memory_space<hbm>>
      %dma_wait3A_159 = arith.constant 0 : i32
      %dma_wait3A_160 = arith.constant 0 : i32
      %dma_wait3A_161 = tpu.memref_slice %arg11[%dma_wait3A_159, %dma_wait3A_160] : memref<256x128xf32, #tpu.memory_space<vmem>> -> memref<128x128xf32, #tpu.memory_space<vmem>>
      %dma_wait3A_162 = arith.constant 0 : i32
      %dma_wait3A_163 = arith.constant 0 : i32
      %dma_wait3A_164 = tpu.memref_slice %arg5[%dma_wait3A_162, %dma_wait3A_163] : memref<16512x128xf32, #tpu.memory_space<hbm>> -> memref<128x128xf32, #tpu.memory_space<hbm>>
      tpu.wait_dma2 semaphore(%arg16 : memref<!tpu.dma_semaphore, #tpu.memory_space<semaphore_mem>>) src(%dma_wait3A_164 : memref<128x128xf32, #tpu.memory_space<hbm>>) dst(%dma_wait3A_161 : memref<128x128xf32, #tpu.memory_space<vmem>>)
    } else {
    }
    %gt3A_149 = arith.constant 0 : i32
    %gt3A_150 = arith.cmpi sgt, %div3A_143, %gt3A_149 : i32
    %convert_element_type3A_151 = arith.extui %gt3A_150 : i1 to i32
    %cond3A_152 = arith.constant 0 : i32
    %cond3A_153 = arith.cmpi ne, %convert_element_type3A_151, %cond3A_152 : i32
    scf.if %cond3A_153 {
      %dma_wait3A = arith.constant 0 : i32
      %dma_wait3A_154 = arith.constant 0 : i32
      %dma_wait3A_155 = tpu.memref_slice %arg11[%dma_wait3A, %dma_wait3A_154] : memref<256x128xf32, #tpu.memory_space<vmem>> -> memref<128x128xf32, #tpu.memory_space<vmem>>
      %dma_wait3A_156 = arith.constant 0 : i32
      %dma_wait3A_157 = arith.constant 0 : i32
      %dma_wait3A_158 = tpu.memref_slice %arg5[%dma_wait3A_156, %dma_wait3A_157] : memref<16512x128xf32, #tpu.memory_space<hbm>> -> memref<128x128xf32, #tpu.memory_space<hbm>>
      %dma_wait3A_159 = arith.constant 0 : i32
      %dma_wait3A_160 = arith.constant 0 : i32
      %dma_wait3A_161 = tpu.memref_slice %arg11[%dma_wait3A_159, %dma_wait3A_160] : memref<256x128xf32, #tpu.memory_space<vmem>> -> memref<128x128xf32, #tpu.memory_space<vmem>>
      %dma_wait3A_162 = arith.constant 0 : i32
      %dma_wait3A_163 = arith.constant 0 : i32
      %dma_wait3A_164 = tpu.memref_slice %arg5[%dma_wait3A_162, %dma_wait3A_163] : memref<16512x128xf32, #tpu.memory_space<hbm>> -> memref<128x128xf32, #tpu.memory_space<hbm>>
      tpu.wait_dma2 semaphore(%arg17 : memref<!tpu.dma_semaphore, #tpu.memory_space<semaphore_mem>>) src(%dma_wait3A_164 : memref<128x128xf32, #tpu.memory_space<hbm>>) dst(%dma_wait3A_161 : memref<128x128xf32, #tpu.memory_space<vmem>>)
    } else {
    }
    return
  }
}

</mosaic_0001>

<sc_bundles>
// kernel: kernel.3.cloned.1.call-start
scs
__scs_entry_jumppad:
0x0: {  	(pc) =	sbr.rel $0x88, $3  }
0x1: {  	(tag) =	ssettag $0x0;
	lr =	simm.s32 $0x1  }
0x2: {  	[smem:$0x3F9F] =	sst lr;
	_ =	strace $0xD0000000  }
0x3: {  	_ = 	snop  }
0x4: {  	_ = 	snop  }
0x5: {  	_ = 	snop  }
0x6: {  	_ = 	snop  }
0x7: {  	_ = 	snop  }
__scs_overlays_trampoline_lowered:
0x8: {  	[smem:$0x3FAE] =	sst s0  }
0x9: {  	[smem:$0x3FAF] =	sst s1  }
0xa: {  	[smem:$0x3FB0] =	sst s2  }
0xb: {  	[smem:$0x3FB1] =	sst s3  }
0xc: {  	[smem:$0x3FB2] =	sst s4  }
0xd: {  	[smem:$0x3FB3] =	sst s5  }
0xe: {  	[smem:$0x3FB4] =	sst s6  }
0xf: {  	[smem:$0x3FB5] =	sst s7  }
0x10: {  	[smem:$0x3FB6] =	sst s8  }
0x11: {  	[smem:$0x3FB7] =	sst s9;
	s0 =	simm.s32 @!p0 $0x0  }
0x12: {  	s1 =	sld [smem:$0x3F9D];
	s0 =	simm.s32 @p0 $0x1  }
0x13: {  	[smem:$0x3FB8] =	sst s0;
	s0 =	simm.s32 @!p1 $0x0  }
0x14: {  	s2 =	sld [smem:$0x3F9C];
	s0 =	simm.s32 @p1 $0x1  }
0x15: {  	[smem:$0x3FB9] =	sst s0;
	s0 =	simm.s32 @!p2 $0x0  }
0x16: {  	s3 =	sld [smem:$0x3FDB];
	s0 =	simm.s32 @p2 $0x1  }
0x17: {  	s4 =	simm.s32 $0x1BF5;
	[smem:$0x3FBB] =	sst s0  }
0x18: {  	s0 =	sld [smem:$0x3F9E];
	_ =	swait.ge [sflag:s4], $0x0  }
0x19: {  	s7 =	sld [smem:$0x3F9F]  }
0x1a: {  	s8 =	sadd.s32 $0xFFFFE003, lr  }
0x1b: {  	s9 =	sadd.s32 $0xFFFFFEF7, lr;
	s5 =	simm.s32 $0xFFFFFFFF;
	p2 =	slt.u32 s8, $0xFFFFF086  }
0x1c: {  	p1 =	slt.u32 s9, $0xF7A;
	s5 =	simm.s32 @!p2 $0x0  }
0x1d: {  	s5 =	simm.s32 @p1 $0x1;
	p0 =	seq.s32 s7, s2  }
0x1e: {  	s7 =	smul.u32 @!p0 $0xF7A, s2;
	p2 =	seq.s32 @!p0 s5, $0x0  }
0x1f: {  	s9 =	smul.u32 $0xF7A, s1;
	s8 =	simm.s32 @!p0 $0x1BF5;
	p2 =	por !p2, p0  }
0x20: {  	[sflag:s8] =	ssyncset.s32 @!p0 $0xFFFFF086;
	s6 =	sadd.s32 @!p0 s3, s7;
	s7 =	simm.s32 @!p0 $0x108  }
0x21: {  	s3 =	sadd.s32 s3, s9;
	s6 =	sadd.s32 @!p0 $0x88, s6;
	s7 =	simm.s32 @p2 $0x1082  }
0x22: {  	[simem:s7], [sflag:s8] =	dma.local @!p0 [hbm:s6], $0xF7A  }
0x23: {  	s9 =	sor.u32 $0xD0000000, s2;
	s6 =	simm.s32 $0x108;
	_ =	swait.ge @!p0 [sflag:s8], $0x0  }
0x24: {  	s3 =	sadd.s32 $0x88, s3;
	s6 =	simm.s32 @!p1 $0x1082;
	[sflag:s4] =	ssyncset.s32 $0xFFFFF086  }
0x25: {  	[simem:s6], [sflag:s4] =	dma.local [hbm:s3], $0xF7A  }
0x26: {  	[smem:$0x3F9F] =	sst s1;
	(tag) =	ssettag s2;
	_ =	strace s9  }
0x27: {  	s1 =	sld [smem:$0x3FAF]  }
0x28: {  	s2 =	sld [smem:$0x3FB0]  }
0x29: {  	s4 =	sld [smem:$0x3FB2]  }
0x2a: {  	p0 =	seq.s32 s5, $0x0;
	s5 =	sld [smem:$0x3FB3]  }
0x2b: {  	s6 =	sld [smem:$0x3FB4]  }
0x2c: {  	s7 =	sld [smem:$0x3FB5]  }
0x2d: {  	s3 =	simm.s32 $0x108;
	s8 =	sld [smem:$0x3FB6]  }
0x2e: {  	s3 =	simm.s32 @!p0 $0x1082;
	s9 =	sld [smem:$0x3FB7]  }
0x2f: {  	lr =	sadd.s32 s0, s3;
	s0 =	sld [smem:$0x3FAE]  }
0x30: {  	s3 =	sld [smem:$0x3FB1]  }
0x31: {  	[smem:$0x3FBA] =	sst s10  }
0x32: {  	s10 =	sld [smem:$0x3FB8];
	_ =	sdelay $0x3  }
0x33: {  	p0 =	seq.s32 s10, $0x1;
	s10 =	sld [smem:$0x3FBA];
	_ =	sdelay $0x3  }
0x34: {  	[smem:$0x3FBA] =	sst s10  }
0x35: {  	s10 =	sld [smem:$0x3FB9];
	_ =	sdelay $0x3  }
0x36: {  	p1 =	seq.s32 s10, $0x1;
	s10 =	sld [smem:$0x3FBA];
	_ =	sdelay $0x3  }
0x37: {  	[smem:$0x3FBA] =	sst s10  }
0x38: {  	s10 =	sld [smem:$0x3FBB]  }
0x39: {  	_ = 	snop;
	(pc) =	sbr.ind lr, $3  }
0x3a: {  	_ = 	snop  }
0x3b: {  	_ = 	snop  }
0x3c: {  	p2 =	seq.s32 s10, $0x1;
	s10 =	sld [smem:$0x3FBA]  }
0x3d: {  	_ =	shalt  }
0x3e: {  	_ =	shalt  }
0x3f: {  	_ =	shalt  }
0x40: {  	_ =	shalt  }
0x41: {  	_ =	shalt  }
0x42: {  	_ =	shalt  }
0x43: {  	_ =	shalt  }
0x44: {  	_ =	shalt  }
0x45: {  	_ =	shalt  }
0x46: {  	_ =	shalt  }
0x47: {  	_ =	shalt  }
0x48: {  	_ =	shalt  }
0x49: {  	_ =	shalt  }
0x4a: {  	_ =	shalt  }
0x4b: {  	_ =	shalt  }
0x4c: {  	_ =	shalt  }
0x4d: {  	_ =	shalt  }
0x4e: {  	_ =	shalt  }
0x4f: {  	_ =	shalt  }
0x50: {  	_ =	shalt  }
0x51: {  	_ =	shalt  }
0x52: {  	_ =	shalt  }
0x53: {  	_ =	shalt  }
0x54: {  	_ =	shalt  }
0x55: {  	_ =	shalt  }
0x56: {  	_ =	shalt  }
0x57: {  	_ =	shalt  }
0x58: {  	_ =	shalt  }
0x59: {  	_ =	shalt  }
0x5a: {  	_ =	shalt  }
0x5b: {  	_ =	shalt  }
0x5c: {  	_ =	shalt  }
0x5d: {  	_ =	shalt  }
0x5e: {  	_ =	shalt  }
0x5f: {  	_ =	shalt  }
0x60: {  	_ =	shalt  }
0x61: {  	_ =	shalt  }
0x62: {  	_ =	shalt  }
0x63: {  	_ =	shalt  }
0x64: {  	_ =	shalt  }
0x65: {  	_ =	shalt  }
0x66: {  	_ =	shalt  }
0x67: {  	_ =	shalt  }
0x68: {  	_ =	shalt  }
0x69: {  	_ =	shalt  }
0x6a: {  	_ =	shalt  }
0x6b: {  	_ =	shalt  }
0x6c: {  	_ =	shalt  }
0x6d: {  	_ =	shalt  }
0x6e: {  	_ =	shalt  }
0x6f: {  	_ =	shalt  }
0x70: {  	_ =	shalt  }
0x71: {  	_ =	shalt  }
0x72: {  	_ =	shalt  }
0x73: {  	_ =	shalt  }
0x74: {  	_ =	shalt  }
0x75: {  	_ =	shalt  }
0x76: {  	_ =	shalt  }
0x77: {  	_ =	shalt  }
0x78: {  	_ =	shalt  }
0x79: {  	_ =	shalt  }
0x7a: {  	_ =	shalt  }
0x7b: {  	_ =	shalt  }
0x7c: {  	_ =	shalt  }
0x7d: {  	_ =	shalt  }
0x7e: {  	_ =	shalt  }
0x7f: {  	_ =	shalt  }
0x80: {  	_ =	shalt  }
0x81: {  	_ =	shalt  }
0x82: {  	_ =	shalt  }
0x83: {  	_ =	shalt  }
0x84: {  	_ =	shalt  }
0x85: {  	_ =	shalt  }
0x86: {  	_ =	shalt  }
0x87: {  	_ =	shalt  }
.Lfunc_end0:
.L_simem_size_0:
called_computation_lowered:
.L_overlay_start_0:
0x88: {  	s2 =	sld [smem:$0x3FD9]  }
0x89: {  	s3 =	sld [smem:$0x3FFE];
	_ =	sdelay $0x1  }
0x8a: {  	s1 =	srdreg.scid  }
0x8b: {  	s0 =	sand.u32 $0x1, s1  }
0x8c: {  	s17 =	sshll.u32 s0, $0xA;
	s2 =	sadd.s32 s3, s2  }
0x8d: {  	s2 =	sadd.s32 s2, s17  }
0x8e: {  	[smem:$0x3FC6] =	sst s2  }
0x8f: {  	_ = 	snop  }
0x90: {  	s2 =	sld [smem:$0x3FC9]  }
0x91: {  	s18 =	sld [smem:$0x3FC8]  }
0x92: {  	s4 =	sld [smem:$0x3FD0];
	(tm) =	ssettm $0x1  }
0x93: {  	s5 =	sld [smem:$0x3FFB];
	_ =	sdelay $0x3  }
0x94: {  	_ =	strace s5  }
0x95: {  	s5 =	sld [smem:$0x3FFC];
	_ =	sdelay $0x3  }
0x96: {  	_ =	strace s5  }
0x97: {  	s5 =	sld [smem:$0x3FFD];
	_ =	sdelay $0x3  }
0x98: {  	_ =	strace s5  }
0x99: {  	_ =	strace $0x8FFFFFFF  }
0x9a: {  	s19 =	sld [smem:$0x3FDB];
	_ =	sdelay $0x1  }
0x9b: {  	s6 =	simm.s32 $_scs_section_size  }
0x9c: {  	s7 =	simm.s32 $_size__tile_overlayer_lowered;
	s8 =	simm.s32 $_tile_overlayer_lowered  }
0x9d: {  	s22 =	simm.s32 $0x1BFF;
	s21 =	sshll.u32 s8, $0x1;
	s5 =	sadd.s32 s6, s19  }
0x9e: {  	s9 =	simm.s32 $0x0;
	s20 =	sshll.u32 s7, $0x1;
	s7 =	sadd.s32 s21, s5  }
0x9f: {  	[timem:s9], [sflag:s22] =	dma.local [hbm:s7], s20  }
0xa0: {  	_ =	swait.ge [sflag:s22], s20  }
0xa1: {  	s6 =	ssub.s32 $0x0, s20;
	[sflag:s22] =	ssyncset.done $0x0  }
0xa2: {  	[sflag:s22] =	ssyncadd.s32 s6;
	_ =	sdelay $0x1  }
0xa3: {  	s23 =	simm.s32 $0x1B8B  }
0xa4: {  	_ =	swait.ge [sflag:s23], $0x1  }
0xa5: {  	[sflag:s23] =	ssyncset.done $0x0  }
0xa6: {  	s25 =	simm.s32 $0x1B8E;
	s24 =	sld [smem:$0x3FFE];
	[sflag:s23] =	ssyncadd.s32 $0xFFFFFFFF  }
0xa7: {  	s26 =	simm.s32 $execute0_lowered;
	[smem:$0x3FD2] =	sst s25  }
0xa8: {  	s7 =	sshll.u32 s26, $0x1;
	_ =	strace $0x80000046;
	[dreg:$0x1] =	wrdreg $0xFFFFFFFF  }
0xa9: {  	s28 =	simm.s32 $_size_execute0_lowered;
	s5 =	sadd.s32 s5, s7;
	[dreg:$0x0] =	wrdreg $0x0  }
0xaa: {  	s7 =	sshll.u32 s28, $0x1;
	[dreg:$0x2] =	wrdreg s5  }
0xab: {  	[dreg:$0x3] =	wrdreg s7  }
0xac: {  	[dreg:$0x4] =	wrdreg $0xC0  }
0xad: {  	_ =	task [dreg:s9], $0x5FFFF  }
0xae: {  	[dreg:$0x1] =	wrdreg $0xFFFFFFFF  }
0xaf: {  	[dreg:$0x0] =	wrdreg $0x60  }
0xb0: {  	[dreg:$0x2] =	wrdreg s18  }
0xb1: {  	[dreg:$0x3] =	wrdreg s2  }
0xb2: {  	[dreg:$0x4] =	wrdreg s4  }
0xb3: {  	[dreg:$0x5] =	wrdreg s24  }
0xb4: {  	[dreg:$0x6] =	wrdreg $0x9  }
0xb5: {  	_ =	task.clear_ibuf [dreg:s9], $0x7FFFF;
	_ =	strace $0x90000046  }
0xb6: {  	s29 =	simm.s32 $0x9;
	_ =	strace $0x80000048  }
0xb7: {  	_ =	swait.ge [sflag:s29], $0x1  }
0xb8: {  	[sflag:s29] =	ssyncadd.s32 $0xFFFFFFFF  }
0xb9: {  	_ =	strace $0x90000048  }
0xba: {  	_ =	sfence  }
0xbb: {  	s30 =	sld [smem:$0x0];
	_ =	sdelay $0x2  }
0xbc: {  	s31 =	sshll.u32 s1, $0xD;
	s1 =	sshrl.u32 s1, $0x2  }
0xbd: {  	s3 =	sand.u32 $0x4000, s31;
	s1 =	sadd.s32 s1, s30  }
0xbe: {  	s0 =	sor.u32 s3, s0;
	s1 =	sshll.u32 s1, $0x11  }
0xbf: {  	s0 =	sor.u32 s1, s0  }
0xc0: {  	s0 =	sadd.s32 $0x8F2B, s0  }
0xc1: {  	[sflag:s0] =	ssyncadd.remote.s32 $0x1  }
0xc2: {  	_ =	sfence.sel $0xFFFF  }
0xc3: {  	[dreg:$0x0] =	wrdreg $0xFFFFFFFF;
	(pc) =	sbr.abs _section_cstart, $3  }
0xc4: {  	[dreg:$0x1] =	wrdreg $0xFFFFFFFF  }
0xc5: {  	_ =	task.clear_ibuf [dreg:s9], $0x2FFFF;
	_ =	strace $0x9FFFFFFF  }
0xc6: {  	(tm) =	ssettm $0x7FFFFFFF  }
0xc7: {  	_ =	shalt  }
tec
execute0_lowered:
.L_overlay_start_1:
0x0: {  	(tag) =	ssettag $0x1  }
0x1: {  	s0 =	srdreg.scid  }
0x2: {  	s2 =	stileid.u32;
	s1 =	rddreg [dreg:$0x0]  }
0x3: {  	s3 =	rddreg [dreg:$0x3];
	s0 =	sand.u32 $0x1, s0;
	s2 =	sshll.u32 s2, $0x1  }
0x4: {  	s6 =	simm.s32 $0x0;
	s15 =	simm.s32 $0x5;
	s2 =	sor.u32 s0, s2  }
0x5: {  	s16 =	simm.s32 $0x14100;
	s17 =	simm.s32 $0x8100;
	s5 =	smul.u32 $0xF5, s2  }
0x6: {  	s18 =	simm.s32 $0x16100;
	s19 =	simm.s32 $0xE100;
	s0 =	ssub.s32 $0x2, s0  }
0x7: {  	[smem:$0x7FF] =	sst s6;
	s11 =	sshrl.u32 s0, $0x1;
	s4 =	smin.u32 s5, $0x1D90  }
0x8: {  	s7 =	sadd.s32 $0x400, s3;
	s0 =	ssub.s32 s0, s11;
	s4 =	sadd.s32 $0xF5, s4  }
0x9: {  	s8 =	smul.u32 $0x7A80, s2;
	s0 =	smax.u32 s0, $0x1;
	s9 =	ssub.s32 s5, s4  }
0xa: {  	_ =	strace $0x80000047;
	[dreg:$0x6] =	wrdreg s0;
	s24 =	smul.u32 $0x5555, s9  }
0xb: {  	s25 =	sshll.u32 s4, $0x7;
	p0 =	sne.s32 s5, s4;
	s10 =	smul.u32 $0xFFFFAAAB, s9  }
0xc: {  	s4 =	simm.s32 $0x1;
	s2 =	smin.u32 s25, $0xF4240;
	s3 =	sshrl.u32 s24, $0x10  }
0xd: {  	s4 =	simm.s32 @!p0 $0x0;
	s10 =	sadd.s32 $0x2AAA, s10;
	s3 =	ssub.s32 s3, s9  }
0xe: {  	s9 =	sshra.s32 s9, $0x1F;
	s26 =	sand.u32 $0xFFFF, s10;
	s10 =	ssub.s32 s2, s8  }
0xf: {  	s12 =	sand.u32 $0x8000, s3;
	s4 =	sor.u32 s4, s9;
	s3 =	sshll.u32 s3, $0x10  }
0x10: {  	p1 =	sgt.u32 s26, $0x5554;
	s9 =	ssub.s32 $0xF4200, s8;
	p6 =	sne.s32 s4, $0x1  }
0x11: {  	s31 =	sshll.u32 s10, $0xE;
	s28 =	sshrl.u32 s12, $0xF;
	p0 =	por !p1, !p6  }
0x12: {  	s3 =	sshra.s32 s3, $0x11;
	s4 =	simm.s32 $0x1;
	p0 =	por !p0, !p0  }
.Ltmp0:
0x13: {  	s3 =	sadd.s32 s28, s3;
	s4 =	simm.s32 @!p0 $0x0;
	(pc) =	sbr.rel .LBB2_1-.Ltmp0, $4  }
0x14: {  	v5 =	vlaneseq.u32;
	p0 =	slt.s32 s10, s9;
	s11 =	sadd.s32 s4, s3;
	s3 =	smov.u32 s9  }
0x15: {  	v6 =	vimm.s32 $0x0;
	v7 =	vadd.s32 $0x1, v5;
	s12 =	sadd.s32 s1, s8;
	s3 =	smov.u32 @p0 s10;
	p0 =	slt.s32 s11, $0x1  }
0x16: {  	v8 =	vmul.u32 $0x80, v5;
	v0 =	vmov s8;
	v1 =	vmov s2;
	s29 =	sadd.s32 $0x180, s12;
	s30 =	sshll.u32 s3, $0xE;
	p1 =	seq.s32 @!p0 s11, $0x1  }
0x17: {  	s20 =	simm.s32 $0x0;
	v3 =	vmov s31;
	[dreg:$0x5] =	wrdreg s29;
	v4 =	vmov s3;
	v2 =	vmov s30;
	p1 =	por p1, p0  }
.LBB2_39:
0x18: {  	p2 =	seq.s32 s3, $0x1  }
0x19: {  	s4 =	simm.s32 @p2 $0x80  }
0x1a: {  	s13 =	simm.s32 @p2 $0x1E180;
	s14 =	simm.s32 @p2 $0x1A100;
	p3 =	sne.s32 @!p2 s3, $0x0  }
0x1b: {  	[hbm4b:s7+s4] =	stream.indirect.scatter @p2 [tilespmem:s14], [sflag:$0x4], $0x80, s13, s4, $0xb8;
	[tilespmem:$0x1E200] =	vst v63  }
0x1c: {  	p2 =	por p3, p2  }
0x1d: {  	s3 =	simm.s32 @!p2 $0x80;
	s4 =	simm.s32 @!p2 $0x1E100;
	s13 =	simm.s32 @!p2 $0x16100  }
0x1e: {  	[hbm4b:s7+s3] =	stream.indirect.scatter @!p2 [tilespmem:s13], [sflag:$0x3], $0x80, s4, s3, $0xb8;
	[tilespmem:$0x1E200] =	vst v63  }
.LBB2_40:
0x1f: {  	p2 =	sgt.s32 s2, $0x0;
	s2 =	simm.s32 $0x1  }
0x20: {  	s2 =	simm.s32 @!p2 $0x0  }
0x21: {  	s0 =	sadd.s32 s2, s0  }
0x22: {  	p2 =	slt.s32 s0, $0x1  }
0x23: {  	s2 =	simm.s32 @!p2 $0x3  }
0x24: {  	p3 =	seq.s32 @!p2 s0, $0x1;
	_ =	swait.ge @!p2 [sflag:s2], $0x4000  }
0x25: {  	p3 =	por p3, p2;
	[sflag:s2] =	ssyncset.done @!p2 $0x0  }
0x26: {  	s0 =	simm.s32 @!p3 $0x4;
	[sflag:s2] =	ssyncadd.s32 @!p2 $0xFFFFC000  }
0x27: {  	_ =	swait.ge @!p3 [sflag:s0], $0x4000  }
0x28: {  	s20 =	sadd.s32 $0x1, s20;
	s31 =	rddreg [dreg:$0x6]  }
0x29: {  	p2 =	sne.s32 s20, s31  }
.Ltmp1:
0x2a: {  	_ = 	snop;
	(pc) =	sbr.rel @!p2 .LBB2_41-.Ltmp1, $3  }
0x2b: {  	_ =	sdelay $0x1  }
0x2c: {  	[sflag:s0] =	ssyncset.done @!p3 $0x0  }
0x2d: {  	[sflag:s0] =	ssyncadd.s32 @!p3 $0xFFFFC000  }
.LBB2_1:
0x2e: {  	s0 =	simm.s32 @!p0 $0xC00  }
0x2f: {  	s2 =	simm.s32 @!p0 $0x7A1400;
	s3 =	simm.s32 @!p0 $0x8100;
	s4 =	rddreg [dreg:$0x5]  }
0x30: {  	[tilespmem:s3], [sflag:$0x1] =	stream.strided.gather @!p0 [hbm4b:s12+s0], $0x6000, s2, s0, $0x38;
	[tilespmem:$0x1E200] =	vst v63  }
0x31: {  	s0 =	simm.s32 @!p1 $0xC00;
	s2 =	simm.s32 @!p1 $0x7A1400;
	s3 =	simm.s32 @!p1 $0xE100  }
0x32: {  	[tilespmem:s3], [sflag:$0x2] =	stream.strided.gather @!p1 [hbm4b:s4+s0], $0x6000, s2, s0, $0x38;
	[tilespmem:$0x1E200] =	vst v63  }
0x33: {  	s30 =	rddreg [dreg:$0x1];
	s0 =	simm.s32 $0x4080  }
0x34: {  	[tilespmem:s0], [sflag:$0x5] =	stream.linear.gather [hbm4b:s30+s6], $0x4000, $0x38;
	[tilespmem:$0x1E200] =	vst v63  }
0x35: {  	_ =	swait.ge [sflag:s15], $0x4000  }
0x36: {  	[sflag:s15] =	ssyncset.done $0x0  }
0x37: {  	[sflag:s15] =	ssyncadd.s32 $0xFFFFC000  }
0x38: {  	s31 =	rddreg [dreg:$0x2]  }
0x39: {  	[tilespmem:s16], [sflag:$0x5] =	stream.linear.gather [hbm4b:s31+s6], $0x2000, $0x38;
	[tilespmem:$0x1E200] =	vst v63  }
0x3a: {  	_ =	swait.ge [sflag:s15], $0x2000  }
0x3b: {  	[sflag:s15] =	ssyncset.done $0x0  }
0x3c: {  	[sflag:s15] =	ssyncadd.s32 $0xFFFFE000  }
0x3d: {  	v9 =	vld [tilespmem:s0+$0x0];
	_ =	sdelay $0x4  }
0x3e: {  	vm0 =	vge.s32 v9, v0;
	vm1 =	vlt.s32 v9, v1  }
0x3f: {  	vm0 =	vmand vm0, vm1  }
0x40: {  	v10 =	vsel vm0, $0x1, v6  }
0x41: {  	(xrf0) =	vadd.scan.msk.s32 $0xffff, v10;
	_ =	sdelay $0x5  }
0x42: {  	v10, _, _ =	vpop (xrf0)  }
0x43: {  	(v2sf) =	vpush v10, $0xF;
	_ =	sdelay $0xe  }
0x44: {  	s2 =	spop (v2sf)  }
0x45: {  	p2 =	slt.s32 s2, $0x1  }
0x46: {  	v11 =	vimm.s32 @!p2 $0x0  }
0x47: {  	v11 =	vsel @!p2 vm0, $0xFFFFFFFF, v11  }
0x48: {  	v12 =	vlaneseq.u32 @!p2;
	v11 =	vadd.s32 @!p2 s6, v11  }
0x49: {  	v13 =	vor.u32 @!p2 $0x4000, v12;
	v10 =	vadd.s32 @!p2 v10, v11  }
0x4a: {  	v9 =	vsub.s32 @!p2 v9, v0;
	v10 =	vsel @!p2 vm0, v10, v13  }
0x4b: {  	v9 =	vshll.u32 @!p2 v9, $0xE  }
0x4c: {  	s21 =	sadd.s32 @!p2 $0x0, s2;
	v9 =	vadd.s32 @!p2 s6, v9  }
0x4d: {  	s3 =	simm.s32 $0x10;
	s13 =	simm.s32 @!p2 $0x0;
	s21 =	smov.u32 @p2 s6;
	v9 =	vadd.s32 @!p2 v12, v9  }
.LBB2_2:
0x4e: {  	s22 =	smov.u32 s21;
	s2 =	smov.u32 s21  }
0x4f: {  	s0 =	sadd.s32 $0x10, s0;
	[tilespmem:v10+s13+$0x0] =	vst.idx.msk @!p2 $0xffff, v9;
	s13 =	smov.u32 s3;
	s3 =	sadd.s32 $0x10, s3  }
0x50: {  	s23 =	smov.u32 s21;
	v9 =	vld [tilespmem:s0+$0x0];
	p3 =	sne.s32 s3, $0x4000;
	_ =	sdelay $0x4  }
0x51: {  	vm0 =	vge.s32 v9, v0;
	vm1 =	vlt.s32 v9, v1  }
0x52: {  	vm0 =	vmand vm0, vm1  }
0x53: {  	v10 =	vsel vm0, $0x1, v6  }
0x54: {  	(xrf0) =	vadd.scan.msk.s32 $0xffff, v10;
	_ =	sdelay $0x5  }
0x55: {  	v10, _, _ =	vpop (xrf0)  }
0x56: {  	(v2sf) =	vpush v10, $0xF;
	_ =	sdelay $0xe  }
0x57: {  	s4 =	spop (v2sf)  }
0x58: {  	p2 =	slt.s32 s4, $0x1  }
0x59: {  	v11 =	vimm.s32 @!p2 $0x0;
	v12 =	vlaneseq.u32 @!p2;
	v9 =	vsub.s32 @!p2 v9, v0;
	s21 =	sadd.s32 @!p2 s21, s4  }
0x5a: {  	v11 =	vsel @!p2 vm0, $0xFFFFFFFF, v11;
	v13 =	vor.u32 @!p2 $0x4000, v12;
	v9 =	vshll.u32 @!p2 v9, $0xE;
	s21 =	smov.u32 @p2 s22  }
0x5b: {  	v11 =	vadd.s32 @!p2 s23, v11;
	v9 =	vadd.s32 @!p2 s13, v9  }
0x5c: {  	v10 =	vadd.s32 @!p2 v10, v11;
	v9 =	vadd.s32 @!p2 v12, v9  }
.Ltmp2:
0x5d: {  	v10 =	vsel @!p2 vm0, v10, v13;
	(pc) =	sbr.rel @p3 .LBB2_2-.Ltmp2, $2  }
0x5e: {  	_ =	sdelay $0x2  }
0x5f: {  	s13 =	simm.s32 @!p2 $0x0  }
0x60: {  	s0 =	ssub.s32 $0x0, s21;
	p3 =	sne.s32 s21, $0x0;
	s3 =	simm.s32 $0x1  }
0x61: {  	s22 =	sshra.s32 s0, $0x1F;
	s3 =	simm.s32 @!p3 $0x0  }
0x62: {  	s0 =	sand.u32 $0xF, s0;
	s3 =	sor.u32 s3, s22  }
0x63: {  	p4 =	sne.s32 s0, $0x0;
	p6 =	sne.s32 s3, $0x1  }
.Ltmp3:
0x64: {  	p3 =	por !p4, !p6;
	(pc) =	sbr.rel .LBB2_4-.Ltmp3, $4  }
0x65: {  	s31 =	sshrl.u32 s22, $0x1C;
	s3 =	simm.s32 $0x1;
	p3 =	por !p3, !p3  }
0x66: {  	s0 =	ssub.s32 s31, s21;
	s3 =	simm.s32 @!p3 $0x0;
	p3 =	sgt.s32 s4, $0x0  }
0x67: {  	s24 =	simm.s32 $0x0;
	s0 =	sshra.s32 s0, $0x4;
	s4 =	simm.s32 @!p3 $0x0  }
0x68: {  	[tilespmem:v10+s13+$0x0] =	vst.idx.msk @!p2 $0xffff, v9;
	s21 =	simm.s32 $0x0;
	s23 =	ssub.s32 s3, s0;
	s22 =	sadd.s32 s4, s2  }
.LBB2_14:
0x69: {  	s21 =	smov.u32 @p2 s21  }
.LBB2_22:
0x6a: {  	s0 =	sadd.s32 $0x3, s25  }
0x6b: {  	p2 =	sge.s32 s0, s11  }
0x6c: {  	s0 =	smul.u32 @!p2 $0x3, s0;
	_ =	sdelay $0x1  }
0x6d: {  	s0 =	sadd.s32 @!p2 s5, s0  }
0x6e: {  	s0 =	sshll.u32 @!p2 s0, $0x7  }
0x6f: {  	s24 =	sadd.s32 $0x1, s24;
	s2 =	simm.s32 @!p2 $0xC00;
	s0 =	smin.u32 @!p2 s0, $0xF4080  }
0x70: {  	s3 =	simm.s32 @!p2 $0x7A1400;
	s4 =	simm.s32 @!p2 $0xE100;
	s0 =	sadd.s32 @!p2 s1, s0  }
0x71: {  	[tilespmem:s4], [sflag:$0x2] =	stream.strided.gather @!p2 [hbm4b:s0+s2], $0x6000, s3, s2, $0x38;
	[tilespmem:$0x1E200] =	vst v63  }
0x72: {  	p2 =	sne.s32 s24, $0x29  }
.Ltmp4:
0x73: {  	_ = 	snop;
	(pc) =	sbr.rel @!p2 .LBB2_23-.Ltmp4, $1  }
0x74: {  	_ =	sdelay $0x3  }
.LBB2_4:
0x75: {  	s25 =	sshll.u32 s24, $0x1  }
0x76: {  	p2 =	sge.s32 s25, s11  }
0x77: {  	p3 =	slt.s32 @!p2 s23, $0x1  }
0x78: {  	p3 =	por p2, p3  }
.Ltmp5:
0x79: {  	_ = 	snop;
	(pc) =	sbr.rel @p3 .LBB2_5-.Ltmp5, $4  }
0x7a: {  	s0 =	simm.s32 @!p2 $0x1  }
0x7b: {  	_ =	swait.ge @!p2 [sflag:s0], $0x6000  }
0x7c: {  	[sflag:s0] =	ssyncset.done @!p2 $0x0  }
0x7d: {  	[sflag:s0] =	ssyncadd.s32 @!p2 $0xFFFFA000  }
0x7e: {  	s0 =	smul.u32 $0x300, s24;
	_ =	sdelay $0x1  }
0x7f: {  	s2 =	sadd.s32 $0x180, s0;
	s0 =	simm.s32 $0x0  }
0x80: {  	s2 =	smin.u32 s2, s9;
	v11 =	vld [tilespmem:s0+$0x0]  }
0x81: {  	p3 =	slt.s32 s10, s2  }
0x82: {  	s3 =	smul.u32 $0xC00000, s24;
	s2 =	smov.u32 @p3 s10  }
0x83: {  	s2 =	sshll.u32 s2, $0xE  }
0x84: {  	v9 =	vmov s3;
	v10 =	vmov s2  }
0x85: {  	v12 =	vmov s22;
	vm0 =	vge.s32 v11, v9;
	vm1 =	vlt.s32 v11, v10  }
0x86: {  	vm15 =	vgt.s32 v12, v5;
	vm0 =	vmand vm0, vm1  }
0x87: {  	vm0 =	vmand vm15, vm0  }
0x88: {  	v63 =	vsel vm0, $0x1, v6  }
0x89: {  	(xrf0) =	vadd.scan.msk.s32 $0xffff, v63;
	_ =	sdelay $0x5  }
0x8a: {  	v12, _, _ =	vpop (xrf0)  }
0x8b: {  	(v2sf) =	vpush v12, $0xF;
	_ =	sdelay $0xe  }
0x8c: {  	s31 =	spop (v2sf)  }
0x8d: {  	p3 =	slt.s32 s31, $0x1  }
0x8e: {  	v13 =	vimm.s32 @!p3 $0x0  }
0x8f: {  	v13 =	vsel @!p3 vm0, $0xFFFFFFFF, v13  }
0x90: {  	v14 =	vlaneseq.u32 @!p3;
	v13 =	vadd.s32 @!p3 s0, v13  }
0x91: {  	s3 =	sadd.s32 $0xFFFFFFFF, s23;
	v12 =	vadd.s32 @!p3 v12, v13;
	v13 =	vor.u32 @!p3 $0x4000, v14  }
0x92: {  	p4 =	sne.s32 s3, $0x0;
	s2 =	smul.u32 @!p2 $0x6, s24;
	v12 =	vsel @!p3 vm0, v12, v13  }
.Ltmp6:
0x93: {  	_ = 	snop;
	(pc) =	sbr.rel @!p4 .LBB2_8-.Ltmp6, $4  }
0x94: {  	s2 =	sadd.s32 @!p2 s5, s2  }
0x95: {  	s26 =	smov.u32 s22;
	s2 =	sshll.u32 @!p2 s2, $0x7  }
0x96: {  	s2 =	smin.u32 @!p2 s2, $0xF4080;
	s28 =	sadd.s32 @!p3 $0x0, s31;
	s4 =	simm.s32 @!p3 $0x4080  }
0x97: {  	s2 =	ssub.s32 @!p2 s8, s2;
	s28 =	smov.u32 @p3 s0;
	[tilespmem:v12+s4+$0x0] =	vst.idx.msk @!p3 $0xffff, v11;
	s4 =	simm.s32 $0x10  }
.LBB2_7:
0x98: {  	s13 =	smov.u32 s28;
	s0 =	smov.u32 s28  }
0x99: {  	s3 =	sadd.s32 $0xFFFFFFFF, s3;
	s29 =	smov.u32 s28;
	v11 =	vld [tilespmem:s4+$0x0]  }
0x9a: {  	p2 =	sne.s32 s3, $0x0;
	_ =	sdelay $0x2  }
0x9b: {  	s26 =	sadd.s32 $0xFFFFFFF0, s26  }
0x9c: {  	v12 =	vmov s26;
	vm0 =	vge.s32 v11, v9;
	vm1 =	vlt.s32 v11, v10  }
0x9d: {  	vm0 =	vmand vm0, vm1;
	vm1 =	vgt.s32 v12, v5  }
0x9e: {  	vm0 =	vmand vm1, vm0  }
0x9f: {  	v12 =	vsel vm0, $0x1, v6  }
0xa0: {  	(xrf0) =	vadd.scan.msk.s32 $0xffff, v12;
	_ =	sdelay $0x5  }
0xa1: {  	v12, _, _ =	vpop (xrf0)  }
0xa2: {  	(v2sf) =	vpush v12, $0xF;
	_ =	sdelay $0xe  }
0xa3: {  	s31 =	spop (v2sf)  }
0xa4: {  	p3 =	slt.s32 s31, $0x1  }
0xa5: {  	v13 =	vimm.s32 @!p3 $0x0;
	s28 =	sadd.s32 @!p3 s28, s31  }
0xa6: {  	v13 =	vsel @!p3 vm0, $0xFFFFFFFF, v13;
	s28 =	smov.u32 @p3 s13  }
0xa7: {  	v14 =	vlaneseq.u32 @!p3;
	v13 =	vadd.s32 @!p3 s29, v13  }
0xa8: {  	v12 =	vadd.s32 @!p3 v12, v13;
	v13 =	vor.u32 @!p3 $0x4000, v14  }
0xa9: {  	v12 =	vsel @!p3 vm0, v12, v13  }
.Ltmp7:
0xaa: {  	(pc) =	sbr.rel @p2 .LBB2_7-.Ltmp7, $3  }
0xab: {  	_ =	sdelay $0x1  }
0xac: {  	s13 =	simm.s32 @!p3 $0x4080  }
0xad: {  	s4 =	sadd.s32 $0x10, s4;
	[tilespmem:v12+s13+$0x0] =	vst.idx.msk @!p3 $0xffff, v11  }
.LBB2_8:
0xae: {  	p2 =	slt.s32 s28, $0x1  }
.Ltmp8:
0xaf: {  	_ = 	snop;
	(pc) =	sbr.rel @p2 .LBB2_13-.Ltmp8, $1  }
0xb0: {  	_ =	sdelay $0x3  }
.Ltmp9:
0xb1: {  	(pc) =	sbr.rel .LBB2_10-.Ltmp9, $4  }
0xb2: {  	s3 =	sshll.u32 s21, $0x6;
	s4 =	sadd.s32 $0xF, s28;
	p2 =	sgt.s32 s31, $0x0  }
0xb3: {  	s14 =	sshll.u32 s21, $0x4;
	v9 =	vmov s2;
	s2 =	simm.s32 $0x4080;
	s3 =	sshra.s32 s3, $0x2  }
0xb4: {  	s26 =	sshrl.u32 s4, $0x4;
	s31 =	simm.s32 @!p2 $0x0;
	s30 =	sadd.s32 $0x4000, s14  }
0xb5: {  	s28 =	sadd.s32 $0x1E180, s3;
	s29 =	sadd.s32 $0x1E100, s3;
	s31 =	sadd.s32 s31, s0  }
.LBB2_12:
0xb6: {  	v11 =	vshrl.u32 v10, $0xE  }
0xb7: {  	v11 =	vadd.s32 v9, v11  }
0xb8: {  	vm0 =	vgt.s32 v11, $0x0  }
0xb9: {  	v11 =	vnsel vm0, $0x0, v11  }
0xba: {  	v13 =	vmin.u32 v11, $0x17F  }
0xbb: {  	s13 =	sshrl.u32 s13, $0x1C;
	v11 =	vshll.u32 v13, $0x3  }
0xbc: {  	s13 =	sadd.s32 s13, s21;
	v12 =	vand.u32 $0x7F, v13;
	v14 =	vand.u32 $0xC00, v11  }
0xbd: {  	s13 =	sand.u32 $0xFFFFFF0, s13;
	v11 =	vor.u32 v12, v14  }
0xbe: {  	s13 =	ssub.s32 s21, s13  }
0xbf: {  	s13 =	sshll.u32 s13, $0x4  }
0xc0: {  	v31 =	vmov s13  }
0xc1: {  	v12 =	vshll.u32 v31, $0x7  }
0xc2: {  	v12 =	vor.u32 v8, v12;
	v15 =	vld.idx.msk [tilespmem:v11+s17+$0x0], $0xffff  }
0xc3: {  	v16 =	vor.u32 $0x80, v11;
	_ =	sdelay $0x3  }
0xc4: {  	[tilespmem:v12+s18+$0x0] =	vst.idx.msk $0xffff, v15  }
0xc5: {  	v32 =	vor.u32 $0x1, v12;
	v15 =	vld.idx.msk [tilespmem:v16+s17+$0x0], $0xffff  }
0xc6: {  	v17 =	vor.u32 $0x100, v11;
	_ =	sdelay $0x3  }
0xc7: {  	[tilespmem:v32+s18+$0x0] =	vst.idx.msk $0xffff, v15  }
0xc8: {  	v13 =	vor.u32 v13, v14;
	v33 =	vor.u32 $0x2, v12;
	v15 =	vld.idx.msk [tilespmem:v17+s17+$0x0], $0xffff  }
0xc9: {  	v14 =	vor.u32 $0x180, v13;
	_ =	sdelay $0x3  }
0xca: {  	[tilespmem:v33+s18+$0x0] =	vst.idx.msk $0xffff, v15  }
0xcb: {  	v34 =	vor.u32 $0x3, v12;
	v14 =	vld.idx.msk [tilespmem:v14+s17+$0x0], $0xffff  }
0xcc: {  	v35 =	vor.u32 $0x200, v11;
	_ =	sdelay $0x3  }
0xcd: {  	[tilespmem:v34+s18+$0x0] =	vst.idx.msk $0xffff, v14  }
0xce: {  	v36 =	vor.u32 $0x4, v12;
	v14 =	vld.idx.msk [tilespmem:v35+s17+$0x0], $0xffff  }
0xcf: {  	v37 =	vor.u32 $0x280, v11;
	_ =	sdelay $0x3  }
0xd0: {  	[tilespmem:v36+s18+$0x0] =	vst.idx.msk $0xffff, v14  }
0xd1: {  	v38 =	vor.u32 $0x5, v12;
	v14 =	vld.idx.msk [tilespmem:v37+s17+$0x0], $0xffff  }
0xd2: {  	v39 =	vor.u32 $0x300, v11;
	_ =	sdelay $0x3  }
0xd3: {  	[tilespmem:v38+s18+$0x0] =	vst.idx.msk $0xffff, v14  }
0xd4: {  	v40 =	vor.u32 $0x6, v12;
	v14 =	vld.idx.msk [tilespmem:v39+s17+$0x0], $0xffff  }
0xd5: {  	v41 =	vor.u32 $0x380, v13;
	_ =	sdelay $0x3  }
0xd6: {  	[tilespmem:v40+s18+$0x0] =	vst.idx.msk $0xffff, v14  }
0xd7: {  	v42 =	vor.u32 $0x7, v12;
	v14 =	vld.idx.msk [tilespmem:v41+s17+$0x0], $0xffff  }
0xd8: {  	v43 =	vadd.s32 $0xC00, v11;
	_ =	sdelay $0x3  }
0xd9: {  	[tilespmem:v42+s18+$0x0] =	vst.idx.msk $0xffff, v14  }
0xda: {  	v44 =	vor.u32 $0x8, v12;
	v14 =	vld.idx.msk [tilespmem:v43+s17+$0x0], $0xffff  }
0xdb: {  	v45 =	vadd.s32 $0xC80, v11;
	_ =	sdelay $0x3  }
0xdc: {  	[tilespmem:v44+s18+$0x0] =	vst.idx.msk $0xffff, v14  }
0xdd: {  	v46 =	vor.u32 $0x9, v12;
	v14 =	vld.idx.msk [tilespmem:v45+s17+$0x0], $0xffff  }
0xde: {  	v47 =	vadd.s32 $0xD00, v11;
	_ =	sdelay $0x3  }
0xdf: {  	[tilespmem:v46+s18+$0x0] =	vst.idx.msk $0xffff, v14  }
0xe0: {  	v48 =	vor.u32 $0xA, v12;
	v14 =	vld.idx.msk [tilespmem:v47+s17+$0x0], $0xffff  }
0xe1: {  	v49 =	vadd.s32 $0xD80, v11;
	_ =	sdelay $0x3  }
0xe2: {  	[tilespmem:v48+s18+$0x0] =	vst.idx.msk $0xffff, v14  }
0xe3: {  	v50 =	vor.u32 $0xB, v12;
	v14 =	vld.idx.msk [tilespmem:v49+s17+$0x0], $0xffff  }
0xe4: {  	v51 =	vadd.s32 $0xE00, v11;
	_ =	sdelay $0x3  }
0xe5: {  	[tilespmem:v50+s18+$0x0] =	vst.idx.msk $0xffff, v14  }
0xe6: {  	v52 =	vor.u32 $0xC, v12;
	v14 =	vld.idx.msk [tilespmem:v51+s17+$0x0], $0xffff  }
0xe7: {  	v53 =	vadd.s32 $0xE80, v11;
	_ =	sdelay $0x3  }
0xe8: {  	[tilespmem:v52+s18+$0x0] =	vst.idx.msk $0xffff, v14  }
0xe9: {  	v54 =	vor.u32 $0xD, v12;
	v14 =	vld.idx.msk [tilespmem:v53+s17+$0x0], $0xffff  }
0xea: {  	v55 =	vadd.s32 $0xF00, v11;
	_ =	sdelay $0x3  }
0xeb: {  	[tilespmem:v54+s18+$0x0] =	vst.idx.msk $0xffff, v14  }
0xec: {  	v56 =	vor.u32 $0xE, v12;
	v14 =	vld.idx.msk [tilespmem:v55+s17+$0x0], $0xffff  }
0xed: {  	v57 =	vadd.s32 $0xF80, v11;
	_ =	sdelay $0x3  }
0xee: {  	[tilespmem:v56+s18+$0x0] =	vst.idx.msk $0xffff, v14  }
0xef: {  	v58 =	vor.u32 $0xF, v12;
	v14 =	vld.idx.msk [tilespmem:v57+s17+$0x0], $0xffff  }
0xf0: {  	v59 =	vadd.s32 $0x1800, v11;
	_ =	sdelay $0x3  }
0xf1: {  	[tilespmem:v58+s18+$0x0] =	vst.idx.msk $0xffff, v14  }
0xf2: {  	v60 =	vor.u32 $0x10, v12;
	v14 =	vld.idx.msk [tilespmem:v59+s17+$0x0], $0xffff  }
0xf3: {  	v61 =	vadd.s32 $0x1880, v11;
	_ =	sdelay $0x3  }
0xf4: {  	[tilespmem:v60+s18+$0x0] =	vst.idx.msk $0xffff, v14  }
0xf5: {  	v62 =	vor.u32 $0x11, v12;
	v14 =	vld.idx.msk [tilespmem:v61+s17+$0x0], $0xffff  }
0xf6: {  	v63 =	vadd.s32 $0x1900, v11;
	_ =	sdelay $0x3  }
0xf7: {  	[tilespmem:v62+s18+$0x0] =	vst.idx.msk $0xffff, v14  }
0xf8: {  	v20 =	vor.u32 $0x12, v12;
	v14 =	vld.idx.msk [tilespmem:v63+s17+$0x0], $0xffff  }
0xf9: {  	v21 =	vadd.s32 $0x1980, v11;
	_ =	sdelay $0x3  }
0xfa: {  	[tilespmem:v20+s18+$0x0] =	vst.idx.msk $0xffff, v14  }
0xfb: {  	v22 =	vor.u32 $0x13, v12;
	v14 =	vld.idx.msk [tilespmem:v21+s17+$0x0], $0xffff  }
0xfc: {  	v23 =	vadd.s32 $0x1A00, v11;
	_ =	sdelay $0x3  }
0xfd: {  	[tilespmem:v22+s18+$0x0] =	vst.idx.msk $0xffff, v14  }
0xfe: {  	v24 =	vor.u32 $0x14, v12;
	v14 =	vld.idx.msk [tilespmem:v23+s17+$0x0], $0xffff  }
0xff: {  	v25 =	vadd.s32 $0x1A80, v11;
	_ =	sdelay $0x3  }
0x100: {  	[tilespmem:v24+s18+$0x0] =	vst.idx.msk $0xffff, v14  }
0x101: {  	v26 =	vor.u32 $0x15, v12;
	v14 =	vld.idx.msk [tilespmem:v25+s17+$0x0], $0xffff  }
0x102: {  	v27 =	vadd.s32 $0x1B00, v11;
	_ =	sdelay $0x3  }
0x103: {  	[tilespmem:v26+s18+$0x0] =	vst.idx.msk $0xffff, v14  }
0x104: {  	v28 =	vor.u32 $0x16, v12;
	v14 =	vld.idx.msk [tilespmem:v27+s17+$0x0], $0xffff  }
0x105: {  	v29 =	vadd.s32 $0x1B80, v11;
	_ =	sdelay $0x3  }
0x106: {  	[tilespmem:v28+s18+$0x0] =	vst.idx.msk $0xffff, v14  }
0x107: {  	v30 =	vor.u32 $0x17, v12;
	v14 =	vld.idx.msk [tilespmem:v29+s17+$0x0], $0xffff  }
0x108: {  	v31 =	vadd.s32 $0x2400, v11;
	_ =	sdelay $0x3  }
0x109: {  	[tilespmem:v30+s18+$0x0] =	vst.idx.msk $0xffff, v14  }
0x10a: {  	v32 =	vor.u32 $0x18, v12;
	v14 =	vld.idx.msk [tilespmem:v31+s17+$0x0], $0xffff  }
0x10b: {  	v33 =	vadd.s32 $0x2480, v11;
	_ =	sdelay $0x3  }
0x10c: {  	[tilespmem:v32+s18+$0x0] =	vst.idx.msk $0xffff, v14  }
0x10d: {  	v34 =	vor.u32 $0x19, v12;
	v14 =	vld.idx.msk [tilespmem:v33+s17+$0x0], $0xffff  }
0x10e: {  	v35 =	vadd.s32 $0x2500, v11;
	_ =	sdelay $0x3  }
0x10f: {  	[tilespmem:v34+s18+$0x0] =	vst.idx.msk $0xffff, v14  }
0x110: {  	v36 =	vor.u32 $0x1A, v12;
	v14 =	vld.idx.msk [tilespmem:v35+s17+$0x0], $0xffff  }
0x111: {  	v37 =	vadd.s32 $0x2580, v11;
	_ =	sdelay $0x3  }
0x112: {  	[tilespmem:v36+s18+$0x0] =	vst.idx.msk $0xffff, v14  }
0x113: {  	v38 =	vor.u32 $0x1B, v12;
	v14 =	vld.idx.msk [tilespmem:v37+s17+$0x0], $0xffff  }
0x114: {  	v39 =	vadd.s32 $0x2600, v11;
	_ =	sdelay $0x3  }
0x115: {  	[tilespmem:v38+s18+$0x0] =	vst.idx.msk $0xffff, v14  }
0x116: {  	v40 =	vor.u32 $0x1C, v12;
	v14 =	vld.idx.msk [tilespmem:v39+s17+$0x0], $0xffff  }
0x117: {  	v41 =	vadd.s32 $0x2680, v11;
	_ =	sdelay $0x3  }
0x118: {  	[tilespmem:v40+s18+$0x0] =	vst.idx.msk $0xffff, v14  }
0x119: {  	v42 =	vor.u32 $0x1D, v12;
	v14 =	vld.idx.msk [tilespmem:v41+s17+$0x0], $0xffff  }
0x11a: {  	v43 =	vadd.s32 $0x2700, v11;
	_ =	sdelay $0x3  }
0x11b: {  	[tilespmem:v42+s18+$0x0] =	vst.idx.msk $0xffff, v14  }
0x11c: {  	v44 =	vor.u32 $0x1E, v12;
	v14 =	vld.idx.msk [tilespmem:v43+s17+$0x0], $0xffff  }
0x11d: {  	v45 =	vadd.s32 $0x2780, v11;
	_ =	sdelay $0x3  }
0x11e: {  	[tilespmem:v44+s18+$0x0] =	vst.idx.msk $0xffff, v14  }
0x11f: {  	v46 =	vor.u32 $0x1F, v12;
	v14 =	vld.idx.msk [tilespmem:v45+s17+$0x0], $0xffff  }
0x120: {  	v47 =	vor.u32 $0x3000, v11;
	_ =	sdelay $0x3  }
0x121: {  	[tilespmem:v46+s18+$0x0] =	vst.idx.msk $0xffff, v14  }
0x122: {  	v48 =	vor.u32 $0x20, v12;
	v14 =	vld.idx.msk [tilespmem:v47+s17+$0x0], $0xffff  }
0x123: {  	v49 =	vor.u32 $0x3080, v11;
	_ =	sdelay $0x3  }
0x124: {  	[tilespmem:v48+s18+$0x0] =	vst.idx.msk $0xffff, v14  }
0x125: {  	v50 =	vor.u32 $0x21, v12;
	v14 =	vld.idx.msk [tilespmem:v49+s17+$0x0], $0xffff  }
0x126: {  	v51 =	vor.u32 $0x3100, v11;
	_ =	sdelay $0x3  }
0x127: {  	[tilespmem:v50+s18+$0x0] =	vst.idx.msk $0xffff, v14  }
0x128: {  	v52 =	vor.u32 $0x22, v12;
	v14 =	vld.idx.msk [tilespmem:v51+s17+$0x0], $0xffff  }
0x129: {  	v53 =	vor.u32 $0x3180, v13;
	_ =	sdelay $0x3  }
0x12a: {  	[tilespmem:v52+s18+$0x0] =	vst.idx.msk $0xffff, v14  }
0x12b: {  	v54 =	vor.u32 $0x23, v12;
	v14 =	vld.idx.msk [tilespmem:v53+s17+$0x0], $0xffff  }
0x12c: {  	v55 =	vor.u32 $0x3200, v11;
	_ =	sdelay $0x3  }
0x12d: {  	[tilespmem:v54+s18+$0x0] =	vst.idx.msk $0xffff, v14  }
0x12e: {  	v56 =	vor.u32 $0x24, v12;
	v14 =	vld.idx.msk [tilespmem:v55+s17+$0x0], $0xffff  }
0x12f: {  	v57 =	vor.u32 $0x3280, v11;
	_ =	sdelay $0x3  }
0x130: {  	[tilespmem:v56+s18+$0x0] =	vst.idx.msk $0xffff, v14  }
0x131: {  	v58 =	vor.u32 $0x25, v12;
	v14 =	vld.idx.msk [tilespmem:v57+s17+$0x0], $0xffff  }
0x132: {  	v59 =	vor.u32 $0x3300, v11;
	_ =	sdelay $0x3  }
0x133: {  	[tilespmem:v58+s18+$0x0] =	vst.idx.msk $0xffff, v14  }
0x134: {  	v60 =	vor.u32 $0x26, v12;
	v14 =	vld.idx.msk [tilespmem:v59+s17+$0x0], $0xffff  }
0x135: {  	v13 =	vor.u32 $0x3380, v13;
	_ =	sdelay $0x3  }
0x136: {  	[tilespmem:v60+s18+$0x0] =	vst.idx.msk $0xffff, v14  }
0x137: {  	v61 =	vor.u32 $0x27, v12;
	v13 =	vld.idx.msk [tilespmem:v13+s17+$0x0], $0xffff  }
0x138: {  	v62 =	vadd.s32 $0x3C00, v11;
	_ =	sdelay $0x3  }
0x139: {  	[tilespmem:v61+s18+$0x0] =	vst.idx.msk $0xffff, v13  }
0x13a: {  	v63 =	vor.u32 $0x28, v12;
	v13 =	vld.idx.msk [tilespmem:v62+s17+$0x0], $0xffff  }
0x13b: {  	v18 =	vadd.s32 $0x3C80, v11;
	_ =	sdelay $0x3  }
0x13c: {  	[tilespmem:v63+s18+$0x0] =	vst.idx.msk $0xffff, v13  }
0x13d: {  	v19 =	vor.u32 $0x29, v12;
	v13 =	vld.idx.msk [tilespmem:v18+s17+$0x0], $0xffff  }
0x13e: {  	v20 =	vadd.s32 $0x3D00, v11;
	_ =	sdelay $0x3  }
0x13f: {  	[tilespmem:v19+s18+$0x0] =	vst.idx.msk $0xffff, v13  }
0x140: {  	v21 =	vor.u32 $0x2A, v12;
	v13 =	vld.idx.msk [tilespmem:v20+s17+$0x0], $0xffff  }
0x141: {  	v22 =	vadd.s32 $0x3D80, v11;
	_ =	sdelay $0x3  }
0x142: {  	[tilespmem:v21+s18+$0x0] =	vst.idx.msk $0xffff, v13  }
0x143: {  	v23 =	vor.u32 $0x2B, v12;
	v13 =	vld.idx.msk [tilespmem:v22+s17+$0x0], $0xffff  }
0x144: {  	v24 =	vadd.s32 $0x3E00, v11;
	_ =	sdelay $0x3  }
0x145: {  	[tilespmem:v23+s18+$0x0] =	vst.idx.msk $0xffff, v13  }
0x146: {  	v25 =	vor.u32 $0x2C, v12;
	v13 =	vld.idx.msk [tilespmem:v24+s17+$0x0], $0xffff  }
0x147: {  	v26 =	vadd.s32 $0x3E80, v11;
	_ =	sdelay $0x3  }
0x148: {  	[tilespmem:v25+s18+$0x0] =	vst.idx.msk $0xffff, v13  }
0x149: {  	v27 =	vor.u32 $0x2D, v12;
	v13 =	vld.idx.msk [tilespmem:v26+s17+$0x0], $0xffff  }
0x14a: {  	v28 =	vadd.s32 $0x3F00, v11;
	_ =	sdelay $0x3  }
0x14b: {  	[tilespmem:v27+s18+$0x0] =	vst.idx.msk $0xffff, v13  }
0x14c: {  	v29 =	vor.u32 $0x2E, v12;
	v13 =	vld.idx.msk [tilespmem:v28+s17+$0x0], $0xffff  }
0x14d: {  	v30 =	vadd.s32 $0x3F80, v11;
	_ =	sdelay $0x3  }
0x14e: {  	[tilespmem:v29+s18+$0x0] =	vst.idx.msk $0xffff, v13  }
0x14f: {  	v31 =	vor.u32 $0x2F, v12;
	v13 =	vld.idx.msk [tilespmem:v30+s17+$0x0], $0xffff  }
0x150: {  	v32 =	vadd.s32 $0x4800, v11;
	_ =	sdelay $0x3  }
0x151: {  	[tilespmem:v31+s18+$0x0] =	vst.idx.msk $0xffff, v13  }
0x152: {  	v33 =	vor.u32 $0x30, v12;
	v13 =	vld.idx.msk [tilespmem:v32+s17+$0x0], $0xffff  }
0x153: {  	v34 =	vadd.s32 $0x4880, v11;
	_ =	sdelay $0x3  }
0x154: {  	[tilespmem:v33+s18+$0x0] =	vst.idx.msk $0xffff, v13  }
0x155: {  	v35 =	vor.u32 $0x31, v12;
	v13 =	vld.idx.msk [tilespmem:v34+s17+$0x0], $0xffff  }
0x156: {  	v36 =	vadd.s32 $0x4900, v11;
	_ =	sdelay $0x3  }
0x157: {  	[tilespmem:v35+s18+$0x0] =	vst.idx.msk $0xffff, v13  }
0x158: {  	v37 =	vor.u32 $0x32, v12;
	v13 =	vld.idx.msk [tilespmem:v36+s17+$0x0], $0xffff  }
0x159: {  	v38 =	vadd.s32 $0x4980, v11;
	_ =	sdelay $0x3  }
0x15a: {  	[tilespmem:v37+s18+$0x0] =	vst.idx.msk $0xffff, v13  }
0x15b: {  	v39 =	vor.u32 $0x33, v12;
	v13 =	vld.idx.msk [tilespmem:v38+s17+$0x0], $0xffff  }
0x15c: {  	v40 =	vadd.s32 $0x4A00, v11;
	_ =	sdelay $0x3  }
0x15d: {  	[tilespmem:v39+s18+$0x0] =	vst.idx.msk $0xffff, v13  }
0x15e: {  	v41 =	vor.u32 $0x34, v12;
	v13 =	vld.idx.msk [tilespmem:v40+s17+$0x0], $0xffff  }
0x15f: {  	v42 =	vadd.s32 $0x4A80, v11;
	_ =	sdelay $0x3  }
0x160: {  	[tilespmem:v41+s18+$0x0] =	vst.idx.msk $0xffff, v13  }
0x161: {  	v43 =	vor.u32 $0x35, v12;
	v13 =	vld.idx.msk [tilespmem:v42+s17+$0x0], $0xffff  }
0x162: {  	v44 =	vadd.s32 $0x4B00, v11;
	_ =	sdelay $0x3  }
0x163: {  	[tilespmem:v43+s18+$0x0] =	vst.idx.msk $0xffff, v13  }
0x164: {  	v45 =	vor.u32 $0x36, v12;
	v13 =	vld.idx.msk [tilespmem:v44+s17+$0x0], $0xffff  }
0x165: {  	v46 =	vadd.s32 $0x4B80, v11;
	_ =	sdelay $0x3  }
0x166: {  	[tilespmem:v45+s18+$0x0] =	vst.idx.msk $0xffff, v13  }
0x167: {  	v47 =	vor.u32 $0x37, v12;
	v13 =	vld.idx.msk [tilespmem:v46+s17+$0x0], $0xffff  }
0x168: {  	v48 =	vadd.s32 $0x5400, v11;
	_ =	sdelay $0x3  }
0x169: {  	[tilespmem:v47+s18+$0x0] =	vst.idx.msk $0xffff, v13  }
0x16a: {  	v49 =	vor.u32 $0x38, v12;
	v13 =	vld.idx.msk [tilespmem:v48+s17+$0x0], $0xffff  }
0x16b: {  	v50 =	vadd.s32 $0x5480, v11;
	_ =	sdelay $0x3  }
0x16c: {  	[tilespmem:v49+s18+$0x0] =	vst.idx.msk $0xffff, v13  }
0x16d: {  	v51 =	vor.u32 $0x39, v12;
	v13 =	vld.idx.msk [tilespmem:v50+s17+$0x0], $0xffff  }
0x16e: {  	v52 =	vadd.s32 $0x5500, v11;
	_ =	sdelay $0x3  }
0x16f: {  	[tilespmem:v51+s18+$0x0] =	vst.idx.msk $0xffff, v13  }
0x170: {  	v53 =	vor.u32 $0x3A, v12;
	v13 =	vld.idx.msk [tilespmem:v52+s17+$0x0], $0xffff  }
0x171: {  	v54 =	vadd.s32 $0x5580, v11;
	_ =	sdelay $0x3  }
0x172: {  	[tilespmem:v53+s18+$0x0] =	vst.idx.msk $0xffff, v13  }
0x173: {  	v55 =	vor.u32 $0x3B, v12;
	v13 =	vld.idx.msk [tilespmem:v54+s17+$0x0], $0xffff  }
0x174: {  	v56 =	vadd.s32 $0x5600, v11;
	_ =	sdelay $0x3  }
0x175: {  	[tilespmem:v55+s18+$0x0] =	vst.idx.msk $0xffff, v13  }
0x176: {  	v57 =	vor.u32 $0x3C, v12;
	v13 =	vld.idx.msk [tilespmem:v56+s17+$0x0], $0xffff  }
0x177: {  	v58 =	vadd.s32 $0x5680, v11;
	_ =	sdelay $0x3  }
0x178: {  	[tilespmem:v57+s18+$0x0] =	vst.idx.msk $0xffff, v13  }
0x179: {  	v59 =	vor.u32 $0x3D, v12;
	v13 =	vld.idx.msk [tilespmem:v58+s17+$0x0], $0xffff  }
0x17a: {  	v60 =	vadd.s32 $0x5700, v11;
	_ =	sdelay $0x3  }
0x17b: {  	[tilespmem:v59+s18+$0x0] =	vst.idx.msk $0xffff, v13  }
0x17c: {  	v61 =	vor.u32 $0x3E, v12;
	v13 =	vld.idx.msk [tilespmem:v60+s17+$0x0], $0xffff  }
0x17d: {  	v11 =	vadd.s32 $0x5780, v11;
	_ =	sdelay $0x3  }
0x17e: {  	[tilespmem:v61+s18+$0x0] =	vst.idx.msk $0xffff, v13  }
0x17f: {  	v12 =	vor.u32 $0x3F, v12;
	v11 =	vld.idx.msk [tilespmem:v11+s17+$0x0], $0xffff  }
0x180: {  	p3 =	sne.s32 s0, $0x0  }
0x181: {  	s4 =	sor.u32 $0x7, s4;
	s14 =	sshll.u32 @!p3 s3, $0x9;
	s13 =	sshll.u32 s3, $0x7  }
0x182: {  	s14 =	ssub.s32 @!p3 $0x0, s14;
	s3 =	sshll.u32 @p2 s3, $0x9;
	s13 =	ssub.s32 s30, s13;
	v62 =	vmov s31  }
0x183: {  	v10 =	vand.u32 $0x3FFF, v10;
	p4 =	sne.s32 s4, s21;
	s3 =	ssub.s32 @p2 $0x0, s3;
	vm15 =	vlt.s32 v62, v7;
	v63 =	vor.u32 s13, v5;
	s13 =	sshra.s32 @!p3 s14, $0x2  }
0x184: {  	p5 =	sne.s32 @!p4 s0, $0x0;
	s3 =	sshra.s32 @p2 s3, $0x2;
	v10 =	vsel vm15, v63, v10;
	s4 =	sadd.s32 @!p3 s13, s29;
	[tilespmem:v12+s18+$0x0] =	vst.idx.msk $0xffff, v11  }
0x185: {  	s0 =	sadd.s32 @p2 s3, s28;
	[tilespmem:s4+$0x0] =	vst @!p3 v10;
	p3 =	por p5, p4  }
0x186: {  	p6 =	por !p2, !p2;
	s26 =	sadd.s32 $0xFFFFFFFF, s26;
	[tilespmem:s0+$0x0] =	vst @p2 v10;
	s0 =	simm.s32 @!p3 $0x80  }
0x187: {  	s3 =	simm.s32 @!p3 $0x1E100;
	s4 =	simm.s32 @!p3 $0x16100;
	p2 =	por p4, p6  }
0x188: {  	[hbm4b:s7+s0] =	stream.indirect.scatter @!p3 [tilespmem:s4], [sflag:$0x3], $0x80, s3, s0, $0xb8;
	[tilespmem:$0x1E200] =	vst v63  }
0x189: {  	s0 =	simm.s32 @!p2 $0x80;
	s3 =	simm.s32 @!p2 $0x1E180;
	s4 =	simm.s32 @!p2 $0x1A100  }
0x18a: {  	[hbm4b:s7+s0] =	stream.indirect.scatter @!p2 [tilespmem:s4], [sflag:$0x4], $0x80, s3, s0, $0xb8;
	[tilespmem:$0x1E200] =	vst v63  }
0x18b: {  	p2 =	sne.s32 s26, $0x0  }
.Ltmp10:
0x18c: {  	_ = 	snop;
	(pc) =	sbr.rel @!p2 .LBB2_13-.Ltmp10, $3  }
0x18d: {  	_ =	sdelay $0x1  }
0x18e: {  	s2 =	sadd.s32 $0x10, s2;
	s21 =	sadd.s32 $0x1, s21;
	s30 =	sadd.s32 $0x10, s30  }
0x18f: {  	s28 =	sadd.s32 $0x10, s28;
	s31 =	sadd.s32 $0xFFFFFFF0, s31;
	s29 =	sadd.s32 $0x10, s29  }
.LBB2_10:
0x190: {  	s13 =	sshra.s32 s21, $0x1F  }
0x191: {  	s0 =	sshrl.u32 s13, $0x1D  }
0x192: {  	s0 =	sadd.s32 s0, s21  }
0x193: {  	s3 =	sshra.s32 s0, $0x3;
	s14 =	sshrl.u32 s0, $0x1F  }
0x194: {  	s4 =	sand.u32 $0xFFFFFFF8, s0;
	s14 =	sadd.s32 s14, s3  }
0x195: {  	p3 =	sgt.s32 s21, $0xF;
	p2 =	seq.s32 s21, s4;
	s0 =	sand.u32 $0xFFFFFFFE, s14  }
0x196: {  	p2 =	por !p3, !p2;
	s0 =	ssub.s32 s3, s0  }
0x197: {  	p4 =	por !p2, !p2;
	p6 =	seq.s32 s0, $0x0  }
0x198: {  	p2 =	por !p4, !p6  }
0x199: {  	p3 =	por !p2, !p2  }
0x19a: {  	p2 =	seq.s32 @!p3 s0, $0x1  }
0x19b: {  	p4 =	por @!p3 !p4, !p2  }
0x19c: {  	p4 =	por @!p3 !p4, !p4  }
0x19d: {  	p4 =	por p3, p4  }
.Ltmp11:
0x19e: {  	v10 =	vld [tilespmem:s2+$0x0];
	(pc) =	sbr.rel @!p4 .LBB2_12-.Ltmp11, $1  }
0x19f: {  	_ =	sdelay $0x3  }
.Ltmp12:
0x1a0: {  	s14 =	simm.s32 @!p3 $0x4;
	(pc) =	sbr.rel .LBB2_12-.Ltmp12, $4  }
0x1a1: {  	s14 =	simm.s32 @p3 $0x3  }
0x1a2: {  	_ =	swait.ge [sflag:s14], $0x4000  }
0x1a3: {  	[sflag:s14] =	ssyncset.done $0x0  }
0x1a4: {  	p2 =	por !p3, !p3;
	[sflag:s14] =	ssyncadd.s32 $0xFFFFC000  }
.LBB2_5:
0x1a5: {  	s21 =	smov.u32 @p2 s21  }
.LBB2_13:
0x1a6: {  	s0 =	sadd.s32 $0x2, s25  }
0x1a7: {  	p2 =	sge.s32 s0, s11  }
0x1a8: {  	s0 =	smul.u32 @!p2 $0x3, s0;
	_ =	sdelay $0x1  }
0x1a9: {  	s0 =	sadd.s32 @!p2 s5, s0  }
0x1aa: {  	s0 =	sshll.u32 @!p2 s0, $0x7  }
0x1ab: {  	s2 =	sshllo.u32 s24, $0x1;
	s3 =	simm.s32 @!p2 $0xC00;
	s0 =	smin.u32 @!p2 s0, $0xF4080  }
0x1ac: {  	s4 =	simm.s32 @!p2 $0x7A1400;
	s13 =	simm.s32 @!p2 $0x8100;
	s0 =	sadd.s32 @!p2 s1, s0  }
0x1ad: {  	[tilespmem:s13], [sflag:$0x1] =	stream.strided.gather @!p2 [hbm4b:s0+s3], $0x6000, s4, s3, $0x38;
	[tilespmem:$0x1E200] =	vst v63  }
0x1ae: {  	p2 =	sge.s32 s2, s11  }
0x1af: {  	p3 =	slt.s32 @!p2 s23, $0x1  }
0x1b0: {  	p3 =	por p2, p3  }
.Ltmp13:
0x1b1: {  	_ = 	snop;
	(pc) =	sbr.rel @p3 .LBB2_14-.Ltmp13, $4  }
0x1b2: {  	s0 =	simm.s32 @!p2 $0x2  }
0x1b3: {  	_ =	swait.ge @!p2 [sflag:s0], $0x6000  }
0x1b4: {  	[sflag:s0] =	ssyncset.done @!p2 $0x0  }
0x1b5: {  	[sflag:s0] =	ssyncadd.s32 @!p2 $0xFFFFA000  }
0x1b6: {  	s0 =	smul.u32 $0x180, s2;
	_ =	sdelay $0x1  }
0x1b7: {  	s3 =	sadd.s32 $0x180, s0;
	s0 =	simm.s32 $0x0  }
0x1b8: {  	s3 =	smin.u32 s3, s9;
	v11 =	vld [tilespmem:s0+$0x0]  }
0x1b9: {  	p3 =	slt.s32 s10, s3  }
0x1ba: {  	s4 =	smul.u32 $0x600000, s2;
	s3 =	smov.u32 @p3 s10  }
0x1bb: {  	s3 =	sshll.u32 s3, $0xE  }
0x1bc: {  	v9 =	vmov s4;
	v10 =	vmov s3  }
0x1bd: {  	v12 =	vmov s22;
	vm0 =	vge.s32 v11, v9;
	vm1 =	vlt.s32 v11, v10  }
0x1be: {  	vm15 =	vgt.s32 v12, v5;
	vm0 =	vmand vm0, vm1  }
0x1bf: {  	vm0 =	vmand vm15, vm0  }
0x1c0: {  	v63 =	vsel vm0, $0x1, v6  }
0x1c1: {  	(xrf0) =	vadd.scan.msk.s32 $0xffff, v63;
	_ =	sdelay $0x5  }
0x1c2: {  	v12, _, _ =	vpop (xrf0)  }
0x1c3: {  	(v2sf) =	vpush v12, $0xF;
	_ =	sdelay $0xe  }
0x1c4: {  	s31 =	spop (v2sf)  }
0x1c5: {  	p3 =	slt.s32 s31, $0x1  }
0x1c6: {  	v13 =	vimm.s32 @!p3 $0x0  }
0x1c7: {  	v13 =	vsel @!p3 vm0, $0xFFFFFFFF, v13  }
0x1c8: {  	v14 =	vlaneseq.u32 @!p3;
	v13 =	vadd.s32 @!p3 s0, v13  }
0x1c9: {  	s3 =	sadd.s32 $0xFFFFFFFF, s23;
	v12 =	vadd.s32 @!p3 v12, v13;
	v13 =	vor.u32 @!p3 $0x4000, v14  }
0x1ca: {  	s2 =	smul.u32 @!p2 $0x3, s2;
	p4 =	sne.s32 s3, $0x0;
	v12 =	vsel @!p3 vm0, v12, v13  }
.Ltmp14:
0x1cb: {  	_ = 	snop;
	(pc) =	sbr.rel @!p4 .LBB2_17-.Ltmp14, $4  }
0x1cc: {  	s2 =	sadd.s32 @!p2 s5, s2  }
0x1cd: {  	s26 =	smov.u32 s22;
	s2 =	sshll.u32 @!p2 s2, $0x7  }
0x1ce: {  	s2 =	smin.u32 @!p2 s2, $0xF4080;
	s28 =	sadd.s32 @!p3 $0x0, s31;
	s4 =	simm.s32 @!p3 $0x4080  }
0x1cf: {  	s2 =	ssub.s32 @!p2 s8, s2;
	s28 =	smov.u32 @p3 s0;
	[tilespmem:v12+s4+$0x0] =	vst.idx.msk @!p3 $0xffff, v11;
	s4 =	simm.s32 $0x10  }
.LBB2_16:
0x1d0: {  	s13 =	smov.u32 s28;
	s0 =	smov.u32 s28  }
0x1d1: {  	s3 =	sadd.s32 $0xFFFFFFFF, s3;
	s14 =	smov.u32 s28;
	v11 =	vld [tilespmem:s4+$0x0]  }
0x1d2: {  	p2 =	sne.s32 s3, $0x0;
	_ =	sdelay $0x2  }
0x1d3: {  	s26 =	sadd.s32 $0xFFFFFFF0, s26  }
0x1d4: {  	v12 =	vmov s26;
	vm0 =	vge.s32 v11, v9;
	vm1 =	vlt.s32 v11, v10  }
0x1d5: {  	vm0 =	vmand vm0, vm1;
	vm1 =	vgt.s32 v12, v5  }
0x1d6: {  	vm0 =	vmand vm1, vm0  }
0x1d7: {  	v12 =	vsel vm0, $0x1, v6  }
0x1d8: {  	(xrf0) =	vadd.scan.msk.s32 $0xffff, v12;
	_ =	sdelay $0x5  }
0x1d9: {  	v12, _, _ =	vpop (xrf0)  }
0x1da: {  	(v2sf) =	vpush v12, $0xF;
	_ =	sdelay $0xe  }
0x1db: {  	s31 =	spop (v2sf)  }
0x1dc: {  	p3 =	slt.s32 s31, $0x1  }
0x1dd: {  	v13 =	vimm.s32 @!p3 $0x0;
	s28 =	sadd.s32 @!p3 s28, s31  }
0x1de: {  	v13 =	vsel @!p3 vm0, $0xFFFFFFFF, v13;
	s28 =	smov.u32 @p3 s13  }
0x1df: {  	v14 =	vlaneseq.u32 @!p3;
	v13 =	vadd.s32 @!p3 s14, v13  }
0x1e0: {  	v12 =	vadd.s32 @!p3 v12, v13;
	v13 =	vor.u32 @!p3 $0x4000, v14  }
0x1e1: {  	v12 =	vsel @!p3 vm0, v12, v13  }
.Ltmp15:
0x1e2: {  	(pc) =	sbr.rel @p2 .LBB2_16-.Ltmp15, $3  }
0x1e3: {  	_ =	sdelay $0x1  }
0x1e4: {  	s13 =	simm.s32 @!p3 $0x4080  }
0x1e5: {  	s4 =	sadd.s32 $0x10, s4;
	[tilespmem:v12+s13+$0x0] =	vst.idx.msk @!p3 $0xffff, v11  }
.LBB2_17:
0x1e6: {  	p2 =	slt.s32 s28, $0x1  }
.Ltmp16:
0x1e7: {  	_ = 	snop;
	(pc) =	sbr.rel @p2 .LBB2_22-.Ltmp16, $1  }
0x1e8: {  	_ =	sdelay $0x3  }
.Ltmp17:
0x1e9: {  	(pc) =	sbr.rel .LBB2_19-.Ltmp17, $4  }
0x1ea: {  	s3 =	sshll.u32 s21, $0x6;
	s4 =	sadd.s32 $0xF, s28;
	p2 =	sgt.s32 s31, $0x0  }
0x1eb: {  	s14 =	sshll.u32 s21, $0x4;
	v9 =	vmov s2;
	s2 =	simm.s32 $0x4080;
	s3 =	sshra.s32 s3, $0x2  }
0x1ec: {  	s26 =	sshrl.u32 s4, $0x4;
	s31 =	simm.s32 @!p2 $0x0;
	s30 =	sadd.s32 $0x4000, s14  }
0x1ed: {  	s28 =	sadd.s32 $0x1E180, s3;
	s29 =	sadd.s32 $0x1E100, s3;
	s31 =	sadd.s32 s31, s0  }
.LBB2_21:
0x1ee: {  	v11 =	vshrl.u32 v10, $0xE  }
0x1ef: {  	v11 =	vadd.s32 v9, v11  }
0x1f0: {  	vm0 =	vgt.s32 v11, $0x0  }
0x1f1: {  	v11 =	vnsel vm0, $0x0, v11  }
0x1f2: {  	v13 =	vmin.u32 v11, $0x17F  }
0x1f3: {  	s13 =	sshrl.u32 s13, $0x1C;
	v11 =	vshll.u32 v13, $0x3  }
0x1f4: {  	s13 =	sadd.s32 s13, s21;
	v12 =	vand.u32 $0x7F, v13;
	v14 =	vand.u32 $0xC00, v11  }
0x1f5: {  	s13 =	sand.u32 $0xFFFFFF0, s13;
	v11 =	vor.u32 v12, v14  }
0x1f6: {  	s13 =	ssub.s32 s21, s13  }
0x1f7: {  	s13 =	sshll.u32 s13, $0x4  }
0x1f8: {  	v31 =	vmov s13  }
0x1f9: {  	v12 =	vshll.u32 v31, $0x7  }
0x1fa: {  	v12 =	vor.u32 v8, v12;
	v15 =	vld.idx.msk [tilespmem:v11+s19+$0x0], $0xffff  }
0x1fb: {  	v16 =	vor.u32 $0x80, v11;
	_ =	sdelay $0x3  }
0x1fc: {  	[tilespmem:v12+s18+$0x0] =	vst.idx.msk $0xffff, v15  }
0x1fd: {  	v32 =	vor.u32 $0x1, v12;
	v15 =	vld.idx.msk [tilespmem:v16+s19+$0x0], $0xffff  }
0x1fe: {  	v17 =	vor.u32 $0x100, v11;
	_ =	sdelay $0x3  }
0x1ff: {  	[tilespmem:v32+s18+$0x0] =	vst.idx.msk $0xffff, v15  }
0x200: {  	v13 =	vor.u32 v13, v14;
	v33 =	vor.u32 $0x2, v12;
	v15 =	vld.idx.msk [tilespmem:v17+s19+$0x0], $0xffff  }
0x201: {  	v14 =	vor.u32 $0x180, v13;
	_ =	sdelay $0x3  }
0x202: {  	[tilespmem:v33+s18+$0x0] =	vst.idx.msk $0xffff, v15  }
0x203: {  	v34 =	vor.u32 $0x3, v12;
	v14 =	vld.idx.msk [tilespmem:v14+s19+$0x0], $0xffff  }
0x204: {  	v35 =	vor.u32 $0x200, v11;
	_ =	sdelay $0x3  }
0x205: {  	[tilespmem:v34+s18+$0x0] =	vst.idx.msk $0xffff, v14  }
0x206: {  	v36 =	vor.u32 $0x4, v12;
	v14 =	vld.idx.msk [tilespmem:v35+s19+$0x0], $0xffff  }
0x207: {  	v37 =	vor.u32 $0x280, v11;
	_ =	sdelay $0x3  }
0x208: {  	[tilespmem:v36+s18+$0x0] =	vst.idx.msk $0xffff, v14  }
0x209: {  	v38 =	vor.u32 $0x5, v12;
	v14 =	vld.idx.msk [tilespmem:v37+s19+$0x0], $0xffff  }
0x20a: {  	v39 =	vor.u32 $0x300, v11;
	_ =	sdelay $0x3  }
0x20b: {  	[tilespmem:v38+s18+$0x0] =	vst.idx.msk $0xffff, v14  }
0x20c: {  	v40 =	vor.u32 $0x6, v12;
	v14 =	vld.idx.msk [tilespmem:v39+s19+$0x0], $0xffff  }
0x20d: {  	v41 =	vor.u32 $0x380, v13;
	_ =	sdelay $0x3  }
0x20e: {  	[tilespmem:v40+s18+$0x0] =	vst.idx.msk $0xffff, v14  }
0x20f: {  	v42 =	vor.u32 $0x7, v12;
	v14 =	vld.idx.msk [tilespmem:v41+s19+$0x0], $0xffff  }
0x210: {  	v43 =	vadd.s32 $0xC00, v11;
	_ =	sdelay $0x3  }
0x211: {  	[tilespmem:v42+s18+$0x0] =	vst.idx.msk $0xffff, v14  }
0x212: {  	v44 =	vor.u32 $0x8, v12;
	v14 =	vld.idx.msk [tilespmem:v43+s19+$0x0], $0xffff  }
0x213: {  	v45 =	vadd.s32 $0xC80, v11;
	_ =	sdelay $0x3  }
0x214: {  	[tilespmem:v44+s18+$0x0] =	vst.idx.msk $0xffff, v14  }
0x215: {  	v46 =	vor.u32 $0x9, v12;
	v14 =	vld.idx.msk [tilespmem:v45+s19+$0x0], $0xffff  }
0x216: {  	v47 =	vadd.s32 $0xD00, v11;
	_ =	sdelay $0x3  }
0x217: {  	[tilespmem:v46+s18+$0x0] =	vst.idx.msk $0xffff, v14  }
0x218: {  	v48 =	vor.u32 $0xA, v12;
	v14 =	vld.idx.msk [tilespmem:v47+s19+$0x0], $0xffff  }
0x219: {  	v49 =	vadd.s32 $0xD80, v11;
	_ =	sdelay $0x3  }
0x21a: {  	[tilespmem:v48+s18+$0x0] =	vst.idx.msk $0xffff, v14  }
0x21b: {  	v50 =	vor.u32 $0xB, v12;
	v14 =	vld.idx.msk [tilespmem:v49+s19+$0x0], $0xffff  }
0x21c: {  	v51 =	vadd.s32 $0xE00, v11;
	_ =	sdelay $0x3  }
0x21d: {  	[tilespmem:v50+s18+$0x0] =	vst.idx.msk $0xffff, v14  }
0x21e: {  	v52 =	vor.u32 $0xC, v12;
	v14 =	vld.idx.msk [tilespmem:v51+s19+$0x0], $0xffff  }
0x21f: {  	v53 =	vadd.s32 $0xE80, v11;
	_ =	sdelay $0x3  }
0x220: {  	[tilespmem:v52+s18+$0x0] =	vst.idx.msk $0xffff, v14  }
0x221: {  	v54 =	vor.u32 $0xD, v12;
	v14 =	vld.idx.msk [tilespmem:v53+s19+$0x0], $0xffff  }
0x222: {  	v55 =	vadd.s32 $0xF00, v11;
	_ =	sdelay $0x3  }
0x223: {  	[tilespmem:v54+s18+$0x0] =	vst.idx.msk $0xffff, v14  }
0x224: {  	v56 =	vor.u32 $0xE, v12;
	v14 =	vld.idx.msk [tilespmem:v55+s19+$0x0], $0xffff  }
0x225: {  	v57 =	vadd.s32 $0xF80, v11;
	_ =	sdelay $0x3  }
0x226: {  	[tilespmem:v56+s18+$0x0] =	vst.idx.msk $0xffff, v14  }
0x227: {  	v58 =	vor.u32 $0xF, v12;
	v14 =	vld.idx.msk [tilespmem:v57+s19+$0x0], $0xffff  }
0x228: {  	v59 =	vadd.s32 $0x1800, v11;
	_ =	sdelay $0x3  }
0x229: {  	[tilespmem:v58+s18+$0x0] =	vst.idx.msk $0xffff, v14  }
0x22a: {  	v60 =	vor.u32 $0x10, v12;
	v14 =	vld.idx.msk [tilespmem:v59+s19+$0x0], $0xffff  }
0x22b: {  	v61 =	vadd.s32 $0x1880, v11;
	_ =	sdelay $0x3  }
0x22c: {  	[tilespmem:v60+s18+$0x0] =	vst.idx.msk $0xffff, v14  }
0x22d: {  	v62 =	vor.u32 $0x11, v12;
	v14 =	vld.idx.msk [tilespmem:v61+s19+$0x0], $0xffff  }
0x22e: {  	v63 =	vadd.s32 $0x1900, v11;
	_ =	sdelay $0x3  }
0x22f: {  	[tilespmem:v62+s18+$0x0] =	vst.idx.msk $0xffff, v14  }
0x230: {  	v20 =	vor.u32 $0x12, v12;
	v14 =	vld.idx.msk [tilespmem:v63+s19+$0x0], $0xffff  }
0x231: {  	v21 =	vadd.s32 $0x1980, v11;
	_ =	sdelay $0x3  }
0x232: {  	[tilespmem:v20+s18+$0x0] =	vst.idx.msk $0xffff, v14  }
0x233: {  	v22 =	vor.u32 $0x13, v12;
	v14 =	vld.idx.msk [tilespmem:v21+s19+$0x0], $0xffff  }
0x234: {  	v23 =	vadd.s32 $0x1A00, v11;
	_ =	sdelay $0x3  }
0x235: {  	[tilespmem:v22+s18+$0x0] =	vst.idx.msk $0xffff, v14  }
0x236: {  	v24 =	vor.u32 $0x14, v12;
	v14 =	vld.idx.msk [tilespmem:v23+s19+$0x0], $0xffff  }
0x237: {  	v25 =	vadd.s32 $0x1A80, v11;
	_ =	sdelay $0x3  }
0x238: {  	[tilespmem:v24+s18+$0x0] =	vst.idx.msk $0xffff, v14  }
0x239: {  	v26 =	vor.u32 $0x15, v12;
	v14 =	vld.idx.msk [tilespmem:v25+s19+$0x0], $0xffff  }
0x23a: {  	v27 =	vadd.s32 $0x1B00, v11;
	_ =	sdelay $0x3  }
0x23b: {  	[tilespmem:v26+s18+$0x0] =	vst.idx.msk $0xffff, v14  }
0x23c: {  	v28 =	vor.u32 $0x16, v12;
	v14 =	vld.idx.msk [tilespmem:v27+s19+$0x0], $0xffff  }
0x23d: {  	v29 =	vadd.s32 $0x1B80, v11;
	_ =	sdelay $0x3  }
0x23e: {  	[tilespmem:v28+s18+$0x0] =	vst.idx.msk $0xffff, v14  }
0x23f: {  	v30 =	vor.u32 $0x17, v12;
	v14 =	vld.idx.msk [tilespmem:v29+s19+$0x0], $0xffff  }
0x240: {  	v31 =	vadd.s32 $0x2400, v11;
	_ =	sdelay $0x3  }
0x241: {  	[tilespmem:v30+s18+$0x0] =	vst.idx.msk $0xffff, v14  }
0x242: {  	v32 =	vor.u32 $0x18, v12;
	v14 =	vld.idx.msk [tilespmem:v31+s19+$0x0], $0xffff  }
0x243: {  	v33 =	vadd.s32 $0x2480, v11;
	_ =	sdelay $0x3  }
0x244: {  	[tilespmem:v32+s18+$0x0] =	vst.idx.msk $0xffff, v14  }
0x245: {  	v34 =	vor.u32 $0x19, v12;
	v14 =	vld.idx.msk [tilespmem:v33+s19+$0x0], $0xffff  }
0x246: {  	v35 =	vadd.s32 $0x2500, v11;
	_ =	sdelay $0x3  }
0x247: {  	[tilespmem:v34+s18+$0x0] =	vst.idx.msk $0xffff, v14  }
0x248: {  	v36 =	vor.u32 $0x1A, v12;
	v14 =	vld.idx.msk [tilespmem:v35+s19+$0x0], $0xffff  }
0x249: {  	v37 =	vadd.s32 $0x2580, v11;
	_ =	sdelay $0x3  }
0x24a: {  	[tilespmem:v36+s18+$0x0] =	vst.idx.msk $0xffff, v14  }
0x24b: {  	v38 =	vor.u32 $0x1B, v12;
	v14 =	vld.idx.msk [tilespmem:v37+s19+$0x0], $0xffff  }
0x24c: {  	v39 =	vadd.s32 $0x2600, v11;
	_ =	sdelay $0x3  }
0x24d: {  	[tilespmem:v38+s18+$0x0] =	vst.idx.msk $0xffff, v14  }
0x24e: {  	v40 =	vor.u32 $0x1C, v12;
	v14 =	vld.idx.msk [tilespmem:v39+s19+$0x0], $0xffff  }
0x24f: {  	v41 =	vadd.s32 $0x2680, v11;
	_ =	sdelay $0x3  }
0x250: {  	[tilespmem:v40+s18+$0x0] =	vst.idx.msk $0xffff, v14  }
0x251: {  	v42 =	vor.u32 $0x1D, v12;
	v14 =	vld.idx.msk [tilespmem:v41+s19+$0x0], $0xffff  }
0x252: {  	v43 =	vadd.s32 $0x2700, v11;
	_ =	sdelay $0x3  }
0x253: {  	[tilespmem:v42+s18+$0x0] =	vst.idx.msk $0xffff, v14  }
0x254: {  	v44 =	vor.u32 $0x1E, v12;
	v14 =	vld.idx.msk [tilespmem:v43+s19+$0x0], $0xffff  }
0x255: {  	v45 =	vadd.s32 $0x2780, v11;
	_ =	sdelay $0x3  }
0x256: {  	[tilespmem:v44+s18+$0x0] =	vst.idx.msk $0xffff, v14  }
0x257: {  	v46 =	vor.u32 $0x1F, v12;
	v14 =	vld.idx.msk [tilespmem:v45+s19+$0x0], $0xffff  }
0x258: {  	v47 =	vor.u32 $0x3000, v11;
	_ =	sdelay $0x3  }
0x259: {  	[tilespmem:v46+s18+$0x0] =	vst.idx.msk $0xffff, v14  }
0x25a: {  	v48 =	vor.u32 $0x20, v12;
	v14 =	vld.idx.msk [tilespmem:v47+s19+$0x0], $0xffff  }
0x25b: {  	v49 =	vor.u32 $0x3080, v11;
	_ =	sdelay $0x3  }
0x25c: {  	[tilespmem:v48+s18+$0x0] =	vst.idx.msk $0xffff, v14  }
0x25d: {  	v50 =	vor.u32 $0x21, v12;
	v14 =	vld.idx.msk [tilespmem:v49+s19+$0x0], $0xffff  }
0x25e: {  	v51 =	vor.u32 $0x3100, v11;
	_ =	sdelay $0x3  }
0x25f: {  	[tilespmem:v50+s18+$0x0] =	vst.idx.msk $0xffff, v14  }
0x260: {  	v52 =	vor.u32 $0x22, v12;
	v14 =	vld.idx.msk [tilespmem:v51+s19+$0x0], $0xffff  }
0x261: {  	v53 =	vor.u32 $0x3180, v13;
	_ =	sdelay $0x3  }
0x262: {  	[tilespmem:v52+s18+$0x0] =	vst.idx.msk $0xffff, v14  }
0x263: {  	v54 =	vor.u32 $0x23, v12;
	v14 =	vld.idx.msk [tilespmem:v53+s19+$0x0], $0xffff  }
0x264: {  	v55 =	vor.u32 $0x3200, v11;
	_ =	sdelay $0x3  }
0x265: {  	[tilespmem:v54+s18+$0x0] =	vst.idx.msk $0xffff, v14  }
0x266: {  	v56 =	vor.u32 $0x24, v12;
	v14 =	vld.idx.msk [tilespmem:v55+s19+$0x0], $0xffff  }
0x267: {  	v57 =	vor.u32 $0x3280, v11;
	_ =	sdelay $0x3  }
0x268: {  	[tilespmem:v56+s18+$0x0] =	vst.idx.msk $0xffff, v14  }
0x269: {  	v58 =	vor.u32 $0x25, v12;
	v14 =	vld.idx.msk [tilespmem:v57+s19+$0x0], $0xffff  }
0x26a: {  	v59 =	vor.u32 $0x3300, v11;
	_ =	sdelay $0x3  }
0x26b: {  	[tilespmem:v58+s18+$0x0] =	vst.idx.msk $0xffff, v14  }
0x26c: {  	v60 =	vor.u32 $0x26, v12;
	v14 =	vld.idx.msk [tilespmem:v59+s19+$0x0], $0xffff  }
0x26d: {  	v13 =	vor.u32 $0x3380, v13;
	_ =	sdelay $0x3  }
0x26e: {  	[tilespmem:v60+s18+$0x0] =	vst.idx.msk $0xffff, v14  }
0x26f: {  	v61 =	vor.u32 $0x27, v12;
	v13 =	vld.idx.msk [tilespmem:v13+s19+$0x0], $0xffff  }
0x270: {  	v62 =	vadd.s32 $0x3C00, v11;
	_ =	sdelay $0x3  }
0x271: {  	[tilespmem:v61+s18+$0x0] =	vst.idx.msk $0xffff, v13  }
0x272: {  	v63 =	vor.u32 $0x28, v12;
	v13 =	vld.idx.msk [tilespmem:v62+s19+$0x0], $0xffff  }
0x273: {  	v18 =	vadd.s32 $0x3C80, v11;
	_ =	sdelay $0x3  }
0x274: {  	[tilespmem:v63+s18+$0x0] =	vst.idx.msk $0xffff, v13  }
0x275: {  	v19 =	vor.u32 $0x29, v12;
	v13 =	vld.idx.msk [tilespmem:v18+s19+$0x0], $0xffff  }
0x276: {  	v20 =	vadd.s32 $0x3D00, v11;
	_ =	sdelay $0x3  }
0x277: {  	[tilespmem:v19+s18+$0x0] =	vst.idx.msk $0xffff, v13  }
0x278: {  	v21 =	vor.u32 $0x2A, v12;
	v13 =	vld.idx.msk [tilespmem:v20+s19+$0x0], $0xffff  }
0x279: {  	v22 =	vadd.s32 $0x3D80, v11;
	_ =	sdelay $0x3  }
0x27a: {  	[tilespmem:v21+s18+$0x0] =	vst.idx.msk $0xffff, v13  }
0x27b: {  	v23 =	vor.u32 $0x2B, v12;
	v13 =	vld.idx.msk [tilespmem:v22+s19+$0x0], $0xffff  }
0x27c: {  	v24 =	vadd.s32 $0x3E00, v11;
	_ =	sdelay $0x3  }
0x27d: {  	[tilespmem:v23+s18+$0x0] =	vst.idx.msk $0xffff, v13  }
0x27e: {  	v25 =	vor.u32 $0x2C, v12;
	v13 =	vld.idx.msk [tilespmem:v24+s19+$0x0], $0xffff  }
0x27f: {  	v26 =	vadd.s32 $0x3E80, v11;
	_ =	sdelay $0x3  }
0x280: {  	[tilespmem:v25+s18+$0x0] =	vst.idx.msk $0xffff, v13  }
0x281: {  	v27 =	vor.u32 $0x2D, v12;
	v13 =	vld.idx.msk [tilespmem:v26+s19+$0x0], $0xffff  }
0x282: {  	v28 =	vadd.s32 $0x3F00, v11;
	_ =	sdelay $0x3  }
0x283: {  	[tilespmem:v27+s18+$0x0] =	vst.idx.msk $0xffff, v13  }
0x284: {  	v29 =	vor.u32 $0x2E, v12;
	v13 =	vld.idx.msk [tilespmem:v28+s19+$0x0], $0xffff  }
0x285: {  	v30 =	vadd.s32 $0x3F80, v11;
	_ =	sdelay $0x3  }
0x286: {  	[tilespmem:v29+s18+$0x0] =	vst.idx.msk $0xffff, v13  }
0x287: {  	v31 =	vor.u32 $0x2F, v12;
	v13 =	vld.idx.msk [tilespmem:v30+s19+$0x0], $0xffff  }
0x288: {  	v32 =	vadd.s32 $0x4800, v11;
	_ =	sdelay $0x3  }
0x289: {  	[tilespmem:v31+s18+$0x0] =	vst.idx.msk $0xffff, v13  }
0x28a: {  	v33 =	vor.u32 $0x30, v12;
	v13 =	vld.idx.msk [tilespmem:v32+s19+$0x0], $0xffff  }
0x28b: {  	v34 =	vadd.s32 $0x4880, v11;
	_ =	sdelay $0x3  }
0x28c: {  	[tilespmem:v33+s18+$0x0] =	vst.idx.msk $0xffff, v13  }
0x28d: {  	v35 =	vor.u32 $0x31, v12;
	v13 =	vld.idx.msk [tilespmem:v34+s19+$0x0], $0xffff  }
0x28e: {  	v36 =	vadd.s32 $0x4900, v11;
	_ =	sdelay $0x3  }
0x28f: {  	[tilespmem:v35+s18+$0x0] =	vst.idx.msk $0xffff, v13  }
0x290: {  	v37 =	vor.u32 $0x32, v12;
	v13 =	vld.idx.msk [tilespmem:v36+s19+$0x0], $0xffff  }
0x291: {  	v38 =	vadd.s32 $0x4980, v11;
	_ =	sdelay $0x3  }
0x292: {  	[tilespmem:v37+s18+$0x0] =	vst.idx.msk $0xffff, v13  }
0x293: {  	v39 =	vor.u32 $0x33, v12;
	v13 =	vld.idx.msk [tilespmem:v38+s19+$0x0], $0xffff  }
0x294: {  	v40 =	vadd.s32 $0x4A00, v11;
	_ =	sdelay $0x3  }
0x295: {  	[tilespmem:v39+s18+$0x0] =	vst.idx.msk $0xffff, v13  }
0x296: {  	v41 =	vor.u32 $0x34, v12;
	v13 =	vld.idx.msk [tilespmem:v40+s19+$0x0], $0xffff  }
0x297: {  	v42 =	vadd.s32 $0x4A80, v11;
	_ =	sdelay $0x3  }
0x298: {  	[tilespmem:v41+s18+$0x0] =	vst.idx.msk $0xffff, v13  }
0x299: {  	v43 =	vor.u32 $0x35, v12;
	v13 =	vld.idx.msk [tilespmem:v42+s19+$0x0], $0xffff  }
0x29a: {  	v44 =	vadd.s32 $0x4B00, v11;
	_ =	sdelay $0x3  }
0x29b: {  	[tilespmem:v43+s18+$0x0] =	vst.idx.msk $0xffff, v13  }
0x29c: {  	v45 =	vor.u32 $0x36, v12;
	v13 =	vld.idx.msk [tilespmem:v44+s19+$0x0], $0xffff  }
0x29d: {  	v46 =	vadd.s32 $0x4B80, v11;
	_ =	sdelay $0x3  }
0x29e: {  	[tilespmem:v45+s18+$0x0] =	vst.idx.msk $0xffff, v13  }
0x29f: {  	v47 =	vor.u32 $0x37, v12;
	v13 =	vld.idx.msk [tilespmem:v46+s19+$0x0], $0xffff  }
0x2a0: {  	v48 =	vadd.s32 $0x5400, v11;
	_ =	sdelay $0x3  }
0x2a1: {  	[tilespmem:v47+s18+$0x0] =	vst.idx.msk $0xffff, v13  }
0x2a2: {  	v49 =	vor.u32 $0x38, v12;
	v13 =	vld.idx.msk [tilespmem:v48+s19+$0x0], $0xffff  }
0x2a3: {  	v50 =	vadd.s32 $0x5480, v11;
	_ =	sdelay $0x3  }
0x2a4: {  	[tilespmem:v49+s18+$0x0] =	vst.idx.msk $0xffff, v13  }
0x2a5: {  	v51 =	vor.u32 $0x39, v12;
	v13 =	vld.idx.msk [tilespmem:v50+s19+$0x0], $0xffff  }
0x2a6: {  	v52 =	vadd.s32 $0x5500, v11;
	_ =	sdelay $0x3  }
0x2a7: {  	[tilespmem:v51+s18+$0x0] =	vst.idx.msk $0xffff, v13  }
0x2a8: {  	v53 =	vor.u32 $0x3A, v12;
	v13 =	vld.idx.msk [tilespmem:v52+s19+$0x0], $0xffff  }
0x2a9: {  	v54 =	vadd.s32 $0x5580, v11;
	_ =	sdelay $0x3  }
0x2aa: {  	[tilespmem:v53+s18+$0x0] =	vst.idx.msk $0xffff, v13  }
0x2ab: {  	v55 =	vor.u32 $0x3B, v12;
	v13 =	vld.idx.msk [tilespmem:v54+s19+$0x0], $0xffff  }
0x2ac: {  	v56 =	vadd.s32 $0x5600, v11;
	_ =	sdelay $0x3  }
0x2ad: {  	[tilespmem:v55+s18+$0x0] =	vst.idx.msk $0xffff, v13  }
0x2ae: {  	v57 =	vor.u32 $0x3C, v12;
	v13 =	vld.idx.msk [tilespmem:v56+s19+$0x0], $0xffff  }
0x2af: {  	v58 =	vadd.s32 $0x5680, v11;
	_ =	sdelay $0x3  }
0x2b0: {  	[tilespmem:v57+s18+$0x0] =	vst.idx.msk $0xffff, v13  }
0x2b1: {  	v59 =	vor.u32 $0x3D, v12;
	v13 =	vld.idx.msk [tilespmem:v58+s19+$0x0], $0xffff  }
0x2b2: {  	v60 =	vadd.s32 $0x5700, v11;
	_ =	sdelay $0x3  }
0x2b3: {  	[tilespmem:v59+s18+$0x0] =	vst.idx.msk $0xffff, v13  }
0x2b4: {  	v61 =	vor.u32 $0x3E, v12;
	v13 =	vld.idx.msk [tilespmem:v60+s19+$0x0], $0xffff  }
0x2b5: {  	v11 =	vadd.s32 $0x5780, v11;
	_ =	sdelay $0x3  }
0x2b6: {  	[tilespmem:v61+s18+$0x0] =	vst.idx.msk $0xffff, v13  }
0x2b7: {  	v12 =	vor.u32 $0x3F, v12;
	v11 =	vld.idx.msk [tilespmem:v11+s19+$0x0], $0xffff  }
0x2b8: {  	p3 =	sne.s32 s0, $0x0  }
0x2b9: {  	s4 =	sor.u32 $0x7, s4;
	s14 =	sshll.u32 @!p3 s3, $0x9;
	s13 =	sshll.u32 s3, $0x7  }
0x2ba: {  	s14 =	ssub.s32 @!p3 $0x0, s14;
	s3 =	sshll.u32 @p2 s3, $0x9;
	s13 =	ssub.s32 s30, s13;
	v62 =	vmov s31  }
0x2bb: {  	v10 =	vand.u32 $0x3FFF, v10;
	p4 =	sne.s32 s4, s21;
	s3 =	ssub.s32 @p2 $0x0, s3;
	vm15 =	vlt.s32 v62, v7;
	v63 =	vor.u32 s13, v5;
	s13 =	sshra.s32 @!p3 s14, $0x2  }
0x2bc: {  	p5 =	sne.s32 @!p4 s0, $0x0;
	s3 =	sshra.s32 @p2 s3, $0x2;
	v10 =	vsel vm15, v63, v10;
	s4 =	sadd.s32 @!p3 s13, s29;
	[tilespmem:v12+s18+$0x0] =	vst.idx.msk $0xffff, v11  }
0x2bd: {  	s0 =	sadd.s32 @p2 s3, s28;
	[tilespmem:s4+$0x0] =	vst @!p3 v10;
	p3 =	por p5, p4  }
0x2be: {  	p6 =	por !p2, !p2;
	s26 =	sadd.s32 $0xFFFFFFFF, s26;
	[tilespmem:s0+$0x0] =	vst @p2 v10;
	s0 =	simm.s32 @!p3 $0x80  }
0x2bf: {  	s3 =	simm.s32 @!p3 $0x1E100;
	s4 =	simm.s32 @!p3 $0x16100;
	p2 =	por p4, p6  }
0x2c0: {  	[hbm4b:s7+s0] =	stream.indirect.scatter @!p3 [tilespmem:s4], [sflag:$0x3], $0x80, s3, s0, $0xb8;
	[tilespmem:$0x1E200] =	vst v63  }
0x2c1: {  	s0 =	simm.s32 @!p2 $0x80;
	s3 =	simm.s32 @!p2 $0x1E180;
	s4 =	simm.s32 @!p2 $0x1A100  }
0x2c2: {  	[hbm4b:s7+s0] =	stream.indirect.scatter @!p2 [tilespmem:s4], [sflag:$0x4], $0x80, s3, s0, $0xb8;
	[tilespmem:$0x1E200] =	vst v63  }
0x2c3: {  	p2 =	sne.s32 s26, $0x0  }
.Ltmp18:
0x2c4: {  	_ = 	snop;
	(pc) =	sbr.rel @!p2 .LBB2_22-.Ltmp18, $3  }
0x2c5: {  	_ =	sdelay $0x1  }
0x2c6: {  	s2 =	sadd.s32 $0x10, s2;
	s21 =	sadd.s32 $0x1, s21;
	s30 =	sadd.s32 $0x10, s30  }
0x2c7: {  	s28 =	sadd.s32 $0x10, s28;
	s31 =	sadd.s32 $0xFFFFFFF0, s31;
	s29 =	sadd.s32 $0x10, s29  }
.LBB2_19:
0x2c8: {  	s13 =	sshra.s32 s21, $0x1F  }
0x2c9: {  	s0 =	sshrl.u32 s13, $0x1D  }
0x2ca: {  	s0 =	sadd.s32 s0, s21  }
0x2cb: {  	s3 =	sshra.s32 s0, $0x3;
	s14 =	sshrl.u32 s0, $0x1F  }
0x2cc: {  	s4 =	sand.u32 $0xFFFFFFF8, s0;
	s14 =	sadd.s32 s14, s3  }
0x2cd: {  	p3 =	sgt.s32 s21, $0xF;
	p2 =	seq.s32 s21, s4;
	s0 =	sand.u32 $0xFFFFFFFE, s14  }
0x2ce: {  	p2 =	por !p3, !p2;
	s0 =	ssub.s32 s3, s0  }
0x2cf: {  	p4 =	por !p2, !p2;
	p6 =	seq.s32 s0, $0x0  }
0x2d0: {  	p2 =	por !p4, !p6  }
0x2d1: {  	p3 =	por !p2, !p2  }
0x2d2: {  	p2 =	seq.s32 @!p3 s0, $0x1  }
0x2d3: {  	p4 =	por @!p3 !p4, !p2  }
0x2d4: {  	p4 =	por @!p3 !p4, !p4  }
0x2d5: {  	p4 =	por p3, p4  }
.Ltmp19:
0x2d6: {  	v10 =	vld [tilespmem:s2+$0x0];
	(pc) =	sbr.rel @!p4 .LBB2_21-.Ltmp19, $1  }
0x2d7: {  	_ =	sdelay $0x3  }
.Ltmp20:
0x2d8: {  	s14 =	simm.s32 @!p3 $0x4;
	(pc) =	sbr.rel .LBB2_21-.Ltmp20, $4  }
0x2d9: {  	s14 =	simm.s32 @p3 $0x3  }
0x2da: {  	_ =	swait.ge [sflag:s14], $0x4000  }
0x2db: {  	[sflag:s14] =	ssyncset.done $0x0  }
0x2dc: {  	p2 =	por !p3, !p3;
	[sflag:s14] =	ssyncadd.s32 $0xFFFFC000  }
.LBB2_23:
0x2dd: {  	p2 =	slt.s32 s23, $0x1  }
.Ltmp21:
0x2de: {  	_ = 	snop;
	(pc) =	sbr.rel @p2 .LBB2_31-.Ltmp21, $2  }
0x2df: {  	_ =	sdelay $0x2  }
0x2e0: {  	s0 =	simm.s32 $0x0  }
0x2e1: {  	v9 =	vld [tilespmem:s0+$0x0];
	_ =	sdelay $0x4  }
0x2e2: {  	v10 =	vmov s22;
	vm0 =	vge.s32 v9, v2;
	vm1 =	vlt.s32 v9, v3  }
0x2e3: {  	vm15 =	vgt.s32 v10, v5;
	vm0 =	vmand vm0, vm1  }
0x2e4: {  	vm0 =	vmand vm15, vm0  }
0x2e5: {  	v10 =	vsel vm0, $0x1, v6  }
0x2e6: {  	(xrf0) =	vadd.scan.msk.s32 $0xffff, v10;
	_ =	sdelay $0x5  }
0x2e7: {  	v10, _, _ =	vpop (xrf0)  }
0x2e8: {  	(v2sf) =	vpush v10, $0xF;
	_ =	sdelay $0xe  }
0x2e9: {  	s4 =	spop (v2sf)  }
0x2ea: {  	p2 =	slt.s32 s4, $0x1  }
0x2eb: {  	v11 =	vimm.s32 @!p2 $0x0  }
0x2ec: {  	v11 =	vsel @!p2 vm0, $0xFFFFFFFF, v11  }
0x2ed: {  	v12 =	vlaneseq.u32 @!p2;
	v11 =	vadd.s32 @!p2 s0, v11  }
0x2ee: {  	s2 =	sadd.s32 $0xFFFFFFFF, s23;
	v10 =	vadd.s32 @!p2 v10, v11;
	v11 =	vor.u32 @!p2 $0x4000, v12  }
0x2ef: {  	p3 =	sne.s32 s2, $0x0;
	v10 =	vsel @!p2 vm0, v10, v11  }
.Ltmp22:
0x2f0: {  	_ = 	snop;
	(pc) =	sbr.rel @!p3 .LBB2_26-.Ltmp22, $3  }
0x2f1: {  	_ =	sdelay $0x1  }
0x2f2: {  	s13 =	sadd.s32 @!p2 $0x0, s4;
	s3 =	simm.s32 @!p2 $0x4080  }
0x2f3: {  	s13 =	smov.u32 @p2 s0;
	[tilespmem:v10+s3+$0x0] =	vst.idx.msk @!p2 $0xffff, v9;
	s3 =	simm.s32 $0x10  }
.LBB2_25:
0x2f4: {  	s14 =	smov.u32 s13  }
0x2f5: {  	s2 =	sadd.s32 $0xFFFFFFFF, s2;
	s23 =	smov.u32 s13;
	v9 =	vld [tilespmem:s3+$0x0]  }
0x2f6: {  	p2 =	sne.s32 s2, $0x0;
	_ =	sdelay $0x2  }
0x2f7: {  	s22 =	sadd.s32 $0xFFFFFFF0, s22  }
0x2f8: {  	v10 =	vmov s22;
	vm0 =	vge.s32 v9, v2;
	vm1 =	vlt.s32 v9, v3  }
0x2f9: {  	vm0 =	vmand vm0, vm1;
	vm1 =	vgt.s32 v10, v5  }
0x2fa: {  	vm0 =	vmand vm1, vm0  }
0x2fb: {  	v10 =	vsel vm0, $0x1, v6  }
0x2fc: {  	(xrf0) =	vadd.scan.msk.s32 $0xffff, v10;
	_ =	sdelay $0x5  }
0x2fd: {  	v10, _, _ =	vpop (xrf0)  }
0x2fe: {  	(v2sf) =	vpush v10, $0xF;
	_ =	sdelay $0xe  }
0x2ff: {  	s4 =	spop (v2sf)  }
0x300: {  	p3 =	slt.s32 s4, $0x1  }
0x301: {  	v11 =	vimm.s32 @!p3 $0x0;
	s13 =	sadd.s32 @!p3 s13, s4  }
0x302: {  	v11 =	vsel @!p3 vm0, $0xFFFFFFFF, v11;
	s13 =	smov.u32 @p3 s14  }
0x303: {  	v12 =	vlaneseq.u32 @!p3;
	v11 =	vadd.s32 @!p3 s23, v11  }
0x304: {  	v10 =	vadd.s32 @!p3 v10, v11;
	v11 =	vor.u32 @!p3 $0x4000, v12  }
0x305: {  	v10 =	vsel @!p3 vm0, v10, v11  }
.Ltmp23:
0x306: {  	(pc) =	sbr.rel @p2 .LBB2_25-.Ltmp23, $3  }
0x307: {  	_ =	sdelay $0x1  }
0x308: {  	s14 =	simm.s32 @!p3 $0x4080  }
0x309: {  	s3 =	sadd.s32 $0x10, s3;
	[tilespmem:v10+s14+$0x0] =	vst.idx.msk @!p3 $0xffff, v9  }
.LBB2_26:
0x30a: {  	p2 =	slt.s32 s13, $0x1  }
.Ltmp24:
0x30b: {  	_ = 	snop;
	(pc) =	sbr.rel @p2 .LBB2_31-.Ltmp24, $1  }
0x30c: {  	_ =	sdelay $0x3  }
.Ltmp25:
0x30d: {  	(pc) =	sbr.rel .LBB2_28-.Ltmp25, $4  }
0x30e: {  	s2 =	sshll.u32 s21, $0x6;
	s3 =	sadd.s32 $0xF, s13;
	p2 =	sgt.s32 s4, $0x0  }
0x30f: {  	s31 =	sshll.u32 s21, $0x4;
	s26 =	simm.s32 $0x4080;
	s2 =	sshra.s32 s2, $0x2  }
0x310: {  	s22 =	sshrl.u32 s3, $0x4;
	s4 =	simm.s32 @!p2 $0x0;
	s24 =	sadd.s32 $0x4000, s31  }
0x311: {  	s23 =	sadd.s32 $0x1E180, s2;
	s2 =	sadd.s32 $0x1E100, s2;
	s25 =	sadd.s32 s4, s0  }
.LBB2_30:
0x312: {  	v10 =	vshrl.u32 v9, $0xE  }
0x313: {  	v10 =	vsub.s32 v10, v4  }
0x314: {  	s13 =	sshrl.u32 s13, $0x1C;
	vm0 =	vgt.s32 v10, $0x0  }
0x315: {  	s13 =	sadd.s32 s13, s21;
	v10 =	vnsel vm0, $0x0, v10  }
0x316: {  	s13 =	sand.u32 $0xFFFFFF0, s13;
	v10 =	vmin.u32 v10, $0x3F  }
0x317: {  	s13 =	ssub.s32 s21, s13  }
0x318: {  	s13 =	sshll.u32 s13, $0x4  }
0x319: {  	v11 =	vmov s13  }
0x31a: {  	v11 =	vshll.u32 v11, $0x7  }
0x31b: {  	v11 =	vor.u32 v8, v11;
	v12 =	vld.idx.msk [tilespmem:v10+s16+$0x0], $0xffff  }
0x31c: {  	v13 =	vor.u32 $0x80, v10;
	_ =	sdelay $0x3  }
0x31d: {  	[tilespmem:v11+s18+$0x0] =	vst.idx.msk $0xffff, v12  }
0x31e: {  	v36 =	vor.u32 $0x1, v11;
	v12 =	vld.idx.msk [tilespmem:v13+s16+$0x0], $0xffff  }
0x31f: {  	v14 =	vor.u32 $0x100, v10;
	_ =	sdelay $0x3  }
0x320: {  	[tilespmem:v36+s18+$0x0] =	vst.idx.msk $0xffff, v12  }
0x321: {  	v37 =	vor.u32 $0x2, v11;
	v12 =	vld.idx.msk [tilespmem:v14+s16+$0x0], $0xffff  }
0x322: {  	v38 =	vor.u32 $0x180, v10;
	_ =	sdelay $0x3  }
0x323: {  	[tilespmem:v37+s18+$0x0] =	vst.idx.msk $0xffff, v12  }
0x324: {  	v39 =	vor.u32 $0x3, v11;
	v12 =	vld.idx.msk [tilespmem:v38+s16+$0x0], $0xffff  }
0x325: {  	v40 =	vor.u32 $0x200, v10;
	_ =	sdelay $0x3  }
0x326: {  	[tilespmem:v39+s18+$0x0] =	vst.idx.msk $0xffff, v12  }
0x327: {  	v41 =	vor.u32 $0x4, v11;
	v12 =	vld.idx.msk [tilespmem:v40+s16+$0x0], $0xffff  }
0x328: {  	v42 =	vor.u32 $0x280, v10;
	_ =	sdelay $0x3  }
0x329: {  	[tilespmem:v41+s18+$0x0] =	vst.idx.msk $0xffff, v12  }
0x32a: {  	v43 =	vor.u32 $0x5, v11;
	v12 =	vld.idx.msk [tilespmem:v42+s16+$0x0], $0xffff  }
0x32b: {  	v44 =	vor.u32 $0x300, v10;
	_ =	sdelay $0x3  }
0x32c: {  	[tilespmem:v43+s18+$0x0] =	vst.idx.msk $0xffff, v12  }
0x32d: {  	v45 =	vor.u32 $0x6, v11;
	v12 =	vld.idx.msk [tilespmem:v44+s16+$0x0], $0xffff  }
0x32e: {  	v46 =	vor.u32 $0x380, v10;
	_ =	sdelay $0x3  }
0x32f: {  	[tilespmem:v45+s18+$0x0] =	vst.idx.msk $0xffff, v12  }
0x330: {  	v47 =	vor.u32 $0x7, v11;
	v12 =	vld.idx.msk [tilespmem:v46+s16+$0x0], $0xffff  }
0x331: {  	v48 =	vor.u32 $0x400, v10;
	_ =	sdelay $0x3  }
0x332: {  	[tilespmem:v47+s18+$0x0] =	vst.idx.msk $0xffff, v12  }
0x333: {  	v49 =	vor.u32 $0x8, v11;
	v12 =	vld.idx.msk [tilespmem:v48+s16+$0x0], $0xffff  }
0x334: {  	v50 =	vor.u32 $0x480, v10;
	_ =	sdelay $0x3  }
0x335: {  	[tilespmem:v49+s18+$0x0] =	vst.idx.msk $0xffff, v12  }
0x336: {  	v51 =	vor.u32 $0x9, v11;
	v12 =	vld.idx.msk [tilespmem:v50+s16+$0x0], $0xffff  }
0x337: {  	v52 =	vor.u32 $0x500, v10;
	_ =	sdelay $0x3  }
0x338: {  	[tilespmem:v51+s18+$0x0] =	vst.idx.msk $0xffff, v12  }
0x339: {  	v53 =	vor.u32 $0xA, v11;
	v12 =	vld.idx.msk [tilespmem:v52+s16+$0x0], $0xffff  }
0x33a: {  	v54 =	vor.u32 $0x580, v10;
	_ =	sdelay $0x3  }
0x33b: {  	[tilespmem:v53+s18+$0x0] =	vst.idx.msk $0xffff, v12  }
0x33c: {  	v55 =	vor.u32 $0xB, v11;
	v12 =	vld.idx.msk [tilespmem:v54+s16+$0x0], $0xffff  }
0x33d: {  	v56 =	vor.u32 $0x600, v10;
	_ =	sdelay $0x3  }
0x33e: {  	[tilespmem:v55+s18+$0x0] =	vst.idx.msk $0xffff, v12  }
0x33f: {  	v57 =	vor.u32 $0xC, v11;
	v12 =	vld.idx.msk [tilespmem:v56+s16+$0x0], $0xffff  }
0x340: {  	v58 =	vor.u32 $0x680, v10;
	_ =	sdelay $0x3  }
0x341: {  	[tilespmem:v57+s18+$0x0] =	vst.idx.msk $0xffff, v12  }
0x342: {  	v59 =	vor.u32 $0xD, v11;
	v12 =	vld.idx.msk [tilespmem:v58+s16+$0x0], $0xffff  }
0x343: {  	v60 =	vor.u32 $0x700, v10;
	_ =	sdelay $0x3  }
0x344: {  	[tilespmem:v59+s18+$0x0] =	vst.idx.msk $0xffff, v12  }
0x345: {  	v61 =	vor.u32 $0xE, v11;
	v12 =	vld.idx.msk [tilespmem:v60+s16+$0x0], $0xffff  }
0x346: {  	v62 =	vor.u32 $0x780, v10;
	_ =	sdelay $0x3  }
0x347: {  	[tilespmem:v61+s18+$0x0] =	vst.idx.msk $0xffff, v12  }
0x348: {  	v63 =	vor.u32 $0xF, v11;
	v12 =	vld.idx.msk [tilespmem:v62+s16+$0x0], $0xffff  }
0x349: {  	v16 =	vor.u32 $0x800, v10;
	_ =	sdelay $0x3  }
0x34a: {  	[tilespmem:v63+s18+$0x0] =	vst.idx.msk $0xffff, v12  }
0x34b: {  	v17 =	vor.u32 $0x10, v11;
	v12 =	vld.idx.msk [tilespmem:v16+s16+$0x0], $0xffff  }
0x34c: {  	v18 =	vor.u32 $0x880, v10;
	_ =	sdelay $0x3  }
0x34d: {  	[tilespmem:v17+s18+$0x0] =	vst.idx.msk $0xffff, v12  }
0x34e: {  	v19 =	vor.u32 $0x11, v11;
	v12 =	vld.idx.msk [tilespmem:v18+s16+$0x0], $0xffff  }
0x34f: {  	v20 =	vor.u32 $0x900, v10;
	_ =	sdelay $0x3  }
0x350: {  	[tilespmem:v19+s18+$0x0] =	vst.idx.msk $0xffff, v12  }
0x351: {  	v21 =	vor.u32 $0x12, v11;
	v12 =	vld.idx.msk [tilespmem:v20+s16+$0x0], $0xffff  }
0x352: {  	v22 =	vor.u32 $0x980, v10;
	_ =	sdelay $0x3  }
0x353: {  	[tilespmem:v21+s18+$0x0] =	vst.idx.msk $0xffff, v12  }
0x354: {  	v23 =	vor.u32 $0x13, v11;
	v12 =	vld.idx.msk [tilespmem:v22+s16+$0x0], $0xffff  }
0x355: {  	v24 =	vor.u32 $0xA00, v10;
	_ =	sdelay $0x3  }
0x356: {  	[tilespmem:v23+s18+$0x0] =	vst.idx.msk $0xffff, v12  }
0x357: {  	v25 =	vor.u32 $0x14, v11;
	v12 =	vld.idx.msk [tilespmem:v24+s16+$0x0], $0xffff  }
0x358: {  	v26 =	vor.u32 $0xA80, v10;
	_ =	sdelay $0x3  }
0x359: {  	[tilespmem:v25+s18+$0x0] =	vst.idx.msk $0xffff, v12  }
0x35a: {  	v27 =	vor.u32 $0x15, v11;
	v12 =	vld.idx.msk [tilespmem:v26+s16+$0x0], $0xffff  }
0x35b: {  	v28 =	vor.u32 $0xB00, v10;
	_ =	sdelay $0x3  }
0x35c: {  	[tilespmem:v27+s18+$0x0] =	vst.idx.msk $0xffff, v12  }
0x35d: {  	v29 =	vor.u32 $0x16, v11;
	v12 =	vld.idx.msk [tilespmem:v28+s16+$0x0], $0xffff  }
0x35e: {  	v30 =	vor.u32 $0xB80, v10;
	_ =	sdelay $0x3  }
0x35f: {  	[tilespmem:v29+s18+$0x0] =	vst.idx.msk $0xffff, v12  }
0x360: {  	v31 =	vor.u32 $0x17, v11;
	v12 =	vld.idx.msk [tilespmem:v30+s16+$0x0], $0xffff  }
0x361: {  	v32 =	vor.u32 $0xC00, v10;
	_ =	sdelay $0x3  }
0x362: {  	[tilespmem:v31+s18+$0x0] =	vst.idx.msk $0xffff, v12  }
0x363: {  	v33 =	vor.u32 $0x18, v11;
	v12 =	vld.idx.msk [tilespmem:v32+s16+$0x0], $0xffff  }
0x364: {  	v34 =	vor.u32 $0xC80, v10;
	_ =	sdelay $0x3  }
0x365: {  	[tilespmem:v33+s18+$0x0] =	vst.idx.msk $0xffff, v12  }
0x366: {  	v35 =	vor.u32 $0x19, v11;
	v12 =	vld.idx.msk [tilespmem:v34+s16+$0x0], $0xffff  }
0x367: {  	v36 =	vor.u32 $0xD00, v10;
	_ =	sdelay $0x3  }
0x368: {  	[tilespmem:v35+s18+$0x0] =	vst.idx.msk $0xffff, v12  }
0x369: {  	v37 =	vor.u32 $0x1A, v11;
	v12 =	vld.idx.msk [tilespmem:v36+s16+$0x0], $0xffff  }
0x36a: {  	v38 =	vor.u32 $0xD80, v10;
	_ =	sdelay $0x3  }
0x36b: {  	[tilespmem:v37+s18+$0x0] =	vst.idx.msk $0xffff, v12  }
0x36c: {  	v39 =	vor.u32 $0x1B, v11;
	v12 =	vld.idx.msk [tilespmem:v38+s16+$0x0], $0xffff  }
0x36d: {  	v40 =	vor.u32 $0xE00, v10;
	_ =	sdelay $0x3  }
0x36e: {  	[tilespmem:v39+s18+$0x0] =	vst.idx.msk $0xffff, v12  }
0x36f: {  	v41 =	vor.u32 $0x1C, v11;
	v12 =	vld.idx.msk [tilespmem:v40+s16+$0x0], $0xffff  }
0x370: {  	v42 =	vor.u32 $0xE80, v10;
	_ =	sdelay $0x3  }
0x371: {  	[tilespmem:v41+s18+$0x0] =	vst.idx.msk $0xffff, v12  }
0x372: {  	v43 =	vor.u32 $0x1D, v11;
	v12 =	vld.idx.msk [tilespmem:v42+s16+$0x0], $0xffff  }
0x373: {  	v44 =	vor.u32 $0xF00, v10;
	_ =	sdelay $0x3  }
0x374: {  	[tilespmem:v43+s18+$0x0] =	vst.idx.msk $0xffff, v12  }
0x375: {  	v45 =	vor.u32 $0x1E, v11;
	v12 =	vld.idx.msk [tilespmem:v44+s16+$0x0], $0xffff  }
0x376: {  	v46 =	vor.u32 $0xF80, v10;
	_ =	sdelay $0x3  }
0x377: {  	[tilespmem:v45+s18+$0x0] =	vst.idx.msk $0xffff, v12  }
0x378: {  	v47 =	vor.u32 $0x1F, v11;
	v12 =	vld.idx.msk [tilespmem:v46+s16+$0x0], $0xffff  }
0x379: {  	v48 =	vor.u32 $0x1000, v10;
	_ =	sdelay $0x3  }
0x37a: {  	[tilespmem:v47+s18+$0x0] =	vst.idx.msk $0xffff, v12  }
0x37b: {  	v49 =	vor.u32 $0x20, v11;
	v12 =	vld.idx.msk [tilespmem:v48+s16+$0x0], $0xffff  }
0x37c: {  	v50 =	vor.u32 $0x1080, v10;
	_ =	sdelay $0x3  }
0x37d: {  	[tilespmem:v49+s18+$0x0] =	vst.idx.msk $0xffff, v12  }
0x37e: {  	v51 =	vor.u32 $0x21, v11;
	v12 =	vld.idx.msk [tilespmem:v50+s16+$0x0], $0xffff  }
0x37f: {  	v52 =	vor.u32 $0x1100, v10;
	_ =	sdelay $0x3  }
0x380: {  	[tilespmem:v51+s18+$0x0] =	vst.idx.msk $0xffff, v12  }
0x381: {  	v53 =	vor.u32 $0x22, v11;
	v12 =	vld.idx.msk [tilespmem:v52+s16+$0x0], $0xffff  }
0x382: {  	v54 =	vor.u32 $0x1180, v10;
	_ =	sdelay $0x3  }
0x383: {  	[tilespmem:v53+s18+$0x0] =	vst.idx.msk $0xffff, v12  }
0x384: {  	v55 =	vor.u32 $0x23, v11;
	v12 =	vld.idx.msk [tilespmem:v54+s16+$0x0], $0xffff  }
0x385: {  	v56 =	vor.u32 $0x1200, v10;
	_ =	sdelay $0x3  }
0x386: {  	[tilespmem:v55+s18+$0x0] =	vst.idx.msk $0xffff, v12  }
0x387: {  	v57 =	vor.u32 $0x24, v11;
	v12 =	vld.idx.msk [tilespmem:v56+s16+$0x0], $0xffff  }
0x388: {  	v58 =	vor.u32 $0x1280, v10;
	_ =	sdelay $0x3  }
0x389: {  	[tilespmem:v57+s18+$0x0] =	vst.idx.msk $0xffff, v12  }
0x38a: {  	v59 =	vor.u32 $0x25, v11;
	v12 =	vld.idx.msk [tilespmem:v58+s16+$0x0], $0xffff  }
0x38b: {  	v60 =	vor.u32 $0x1300, v10;
	_ =	sdelay $0x3  }
0x38c: {  	[tilespmem:v59+s18+$0x0] =	vst.idx.msk $0xffff, v12  }
0x38d: {  	v61 =	vor.u32 $0x26, v11;
	v12 =	vld.idx.msk [tilespmem:v60+s16+$0x0], $0xffff  }
0x38e: {  	v62 =	vor.u32 $0x1380, v10;
	_ =	sdelay $0x3  }
0x38f: {  	[tilespmem:v61+s18+$0x0] =	vst.idx.msk $0xffff, v12  }
0x390: {  	v63 =	vor.u32 $0x27, v11;
	v12 =	vld.idx.msk [tilespmem:v62+s16+$0x0], $0xffff  }
0x391: {  	v16 =	vor.u32 $0x1400, v10;
	_ =	sdelay $0x3  }
0x392: {  	[tilespmem:v63+s18+$0x0] =	vst.idx.msk $0xffff, v12  }
0x393: {  	v17 =	vor.u32 $0x28, v11;
	v12 =	vld.idx.msk [tilespmem:v16+s16+$0x0], $0xffff  }
0x394: {  	v18 =	vor.u32 $0x1480, v10;
	_ =	sdelay $0x3  }
0x395: {  	[tilespmem:v17+s18+$0x0] =	vst.idx.msk $0xffff, v12  }
0x396: {  	v19 =	vor.u32 $0x29, v11;
	v12 =	vld.idx.msk [tilespmem:v18+s16+$0x0], $0xffff  }
0x397: {  	v20 =	vor.u32 $0x1500, v10;
	_ =	sdelay $0x3  }
0x398: {  	[tilespmem:v19+s18+$0x0] =	vst.idx.msk $0xffff, v12  }
0x399: {  	v21 =	vor.u32 $0x2A, v11;
	v12 =	vld.idx.msk [tilespmem:v20+s16+$0x0], $0xffff  }
0x39a: {  	v22 =	vor.u32 $0x1580, v10;
	_ =	sdelay $0x3  }
0x39b: {  	[tilespmem:v21+s18+$0x0] =	vst.idx.msk $0xffff, v12  }
0x39c: {  	v23 =	vor.u32 $0x2B, v11;
	v12 =	vld.idx.msk [tilespmem:v22+s16+$0x0], $0xffff  }
0x39d: {  	v24 =	vor.u32 $0x1600, v10;
	_ =	sdelay $0x3  }
0x39e: {  	[tilespmem:v23+s18+$0x0] =	vst.idx.msk $0xffff, v12  }
0x39f: {  	v25 =	vor.u32 $0x2C, v11;
	v12 =	vld.idx.msk [tilespmem:v24+s16+$0x0], $0xffff  }
0x3a0: {  	v26 =	vor.u32 $0x1680, v10;
	_ =	sdelay $0x3  }
0x3a1: {  	[tilespmem:v25+s18+$0x0] =	vst.idx.msk $0xffff, v12  }
0x3a2: {  	v27 =	vor.u32 $0x2D, v11;
	v12 =	vld.idx.msk [tilespmem:v26+s16+$0x0], $0xffff  }
0x3a3: {  	v28 =	vor.u32 $0x1700, v10;
	_ =	sdelay $0x3  }
0x3a4: {  	[tilespmem:v27+s18+$0x0] =	vst.idx.msk $0xffff, v12  }
0x3a5: {  	v29 =	vor.u32 $0x2E, v11;
	v12 =	vld.idx.msk [tilespmem:v28+s16+$0x0], $0xffff  }
0x3a6: {  	v30 =	vor.u32 $0x1780, v10;
	_ =	sdelay $0x3  }
0x3a7: {  	[tilespmem:v29+s18+$0x0] =	vst.idx.msk $0xffff, v12  }
0x3a8: {  	v31 =	vor.u32 $0x2F, v11;
	v12 =	vld.idx.msk [tilespmem:v30+s16+$0x0], $0xffff  }
0x3a9: {  	v32 =	vor.u32 $0x1800, v10;
	_ =	sdelay $0x3  }
0x3aa: {  	[tilespmem:v31+s18+$0x0] =	vst.idx.msk $0xffff, v12  }
0x3ab: {  	v33 =	vor.u32 $0x30, v11;
	v12 =	vld.idx.msk [tilespmem:v32+s16+$0x0], $0xffff  }
0x3ac: {  	v34 =	vor.u32 $0x1880, v10;
	_ =	sdelay $0x3  }
0x3ad: {  	[tilespmem:v33+s18+$0x0] =	vst.idx.msk $0xffff, v12  }
0x3ae: {  	v35 =	vor.u32 $0x31, v11;
	v12 =	vld.idx.msk [tilespmem:v34+s16+$0x0], $0xffff  }
0x3af: {  	v36 =	vor.u32 $0x1900, v10;
	_ =	sdelay $0x3  }
0x3b0: {  	[tilespmem:v35+s18+$0x0] =	vst.idx.msk $0xffff, v12  }
0x3b1: {  	v37 =	vor.u32 $0x32, v11;
	v12 =	vld.idx.msk [tilespmem:v36+s16+$0x0], $0xffff  }
0x3b2: {  	v38 =	vor.u32 $0x1980, v10;
	_ =	sdelay $0x3  }
0x3b3: {  	[tilespmem:v37+s18+$0x0] =	vst.idx.msk $0xffff, v12  }
0x3b4: {  	v39 =	vor.u32 $0x33, v11;
	v12 =	vld.idx.msk [tilespmem:v38+s16+$0x0], $0xffff  }
0x3b5: {  	v40 =	vor.u32 $0x1A00, v10;
	_ =	sdelay $0x3  }
0x3b6: {  	[tilespmem:v39+s18+$0x0] =	vst.idx.msk $0xffff, v12  }
0x3b7: {  	v41 =	vor.u32 $0x34, v11;
	v12 =	vld.idx.msk [tilespmem:v40+s16+$0x0], $0xffff  }
0x3b8: {  	v42 =	vor.u32 $0x1A80, v10;
	_ =	sdelay $0x3  }
0x3b9: {  	[tilespmem:v41+s18+$0x0] =	vst.idx.msk $0xffff, v12  }
0x3ba: {  	v43 =	vor.u32 $0x35, v11;
	v12 =	vld.idx.msk [tilespmem:v42+s16+$0x0], $0xffff  }
0x3bb: {  	v44 =	vor.u32 $0x1B00, v10;
	_ =	sdelay $0x3  }
0x3bc: {  	[tilespmem:v43+s18+$0x0] =	vst.idx.msk $0xffff, v12  }
0x3bd: {  	v45 =	vor.u32 $0x36, v11;
	v12 =	vld.idx.msk [tilespmem:v44+s16+$0x0], $0xffff  }
0x3be: {  	v46 =	vor.u32 $0x1B80, v10;
	_ =	sdelay $0x3  }
0x3bf: {  	[tilespmem:v45+s18+$0x0] =	vst.idx.msk $0xffff, v12  }
0x3c0: {  	v47 =	vor.u32 $0x37, v11;
	v12 =	vld.idx.msk [tilespmem:v46+s16+$0x0], $0xffff  }
0x3c1: {  	v48 =	vor.u32 $0x1C00, v10;
	_ =	sdelay $0x3  }
0x3c2: {  	[tilespmem:v47+s18+$0x0] =	vst.idx.msk $0xffff, v12  }
0x3c3: {  	v49 =	vor.u32 $0x38, v11;
	v12 =	vld.idx.msk [tilespmem:v48+s16+$0x0], $0xffff  }
0x3c4: {  	v50 =	vor.u32 $0x1C80, v10;
	_ =	sdelay $0x3  }
0x3c5: {  	[tilespmem:v49+s18+$0x0] =	vst.idx.msk $0xffff, v12  }
0x3c6: {  	v51 =	vor.u32 $0x39, v11;
	v12 =	vld.idx.msk [tilespmem:v50+s16+$0x0], $0xffff  }
0x3c7: {  	v52 =	vor.u32 $0x1D00, v10;
	_ =	sdelay $0x3  }
0x3c8: {  	[tilespmem:v51+s18+$0x0] =	vst.idx.msk $0xffff, v12  }
0x3c9: {  	v53 =	vor.u32 $0x3A, v11;
	v12 =	vld.idx.msk [tilespmem:v52+s16+$0x0], $0xffff  }
0x3ca: {  	v54 =	vor.u32 $0x1D80, v10;
	_ =	sdelay $0x3  }
0x3cb: {  	[tilespmem:v53+s18+$0x0] =	vst.idx.msk $0xffff, v12  }
0x3cc: {  	v55 =	vor.u32 $0x3B, v11;
	v12 =	vld.idx.msk [tilespmem:v54+s16+$0x0], $0xffff  }
0x3cd: {  	v56 =	vor.u32 $0x1E00, v10;
	_ =	sdelay $0x3  }
0x3ce: {  	[tilespmem:v55+s18+$0x0] =	vst.idx.msk $0xffff, v12  }
0x3cf: {  	v57 =	vor.u32 $0x3C, v11;
	v12 =	vld.idx.msk [tilespmem:v56+s16+$0x0], $0xffff  }
0x3d0: {  	v58 =	vor.u32 $0x1E80, v10;
	_ =	sdelay $0x3  }
0x3d1: {  	[tilespmem:v57+s18+$0x0] =	vst.idx.msk $0xffff, v12  }
0x3d2: {  	v59 =	vor.u32 $0x3D, v11;
	v12 =	vld.idx.msk [tilespmem:v58+s16+$0x0], $0xffff  }
0x3d3: {  	v60 =	vor.u32 $0x1F00, v10;
	_ =	sdelay $0x3  }
0x3d4: {  	[tilespmem:v59+s18+$0x0] =	vst.idx.msk $0xffff, v12  }
0x3d5: {  	v61 =	vor.u32 $0x3E, v11;
	v12 =	vld.idx.msk [tilespmem:v60+s16+$0x0], $0xffff  }
0x3d6: {  	v10 =	vor.u32 $0x1F80, v10;
	_ =	sdelay $0x3  }
0x3d7: {  	[tilespmem:v61+s18+$0x0] =	vst.idx.msk $0xffff, v12  }
0x3d8: {  	v11 =	vor.u32 $0x3F, v11;
	v10 =	vld.idx.msk [tilespmem:v10+s16+$0x0], $0xffff  }
0x3d9: {  	p3 =	sne.s32 s0, $0x0  }
0x3da: {  	s4 =	sor.u32 $0x7, s4;
	s31 =	sshll.u32 s3, $0x7;
	s14 =	sshll.u32 @!p3 s3, $0x9  }
0x3db: {  	s3 =	sshll.u32 @p2 s3, $0x9;
	s14 =	ssub.s32 @!p3 $0x0, s14;
	s13 =	ssub.s32 s24, s31;
	v62 =	vmov s25  }
0x3dc: {  	v9 =	vand.u32 $0x3FFF, v9;
	p4 =	sne.s32 s4, s21;
	s3 =	ssub.s32 @p2 $0x0, s3;
	vm15 =	vlt.s32 v62, v7;
	v63 =	vor.u32 s13, v5;
	s13 =	sshra.s32 @!p3 s14, $0x2  }
0x3dd: {  	p5 =	sne.s32 @!p4 s0, $0x0;
	s3 =	sshra.s32 @p2 s3, $0x2;
	v9 =	vsel vm15, v63, v9;
	s4 =	sadd.s32 @!p3 s13, s2;
	[tilespmem:v11+s18+$0x0] =	vst.idx.msk $0xffff, v10  }
0x3de: {  	s0 =	sadd.s32 @p2 s3, s23;
	[tilespmem:s4+$0x0] =	vst @!p3 v9;
	p3 =	por p5, p4  }
0x3df: {  	p6 =	por !p2, !p2;
	s22 =	sadd.s32 $0xFFFFFFFF, s22;
	[tilespmem:s0+$0x0] =	vst @p2 v9;
	s0 =	simm.s32 @!p3 $0x80  }
0x3e0: {  	s3 =	simm.s32 @!p3 $0x1E100;
	s4 =	simm.s32 @!p3 $0x16100;
	p2 =	por p4, p6  }
0x3e1: {  	[hbm4b:s7+s0] =	stream.indirect.scatter @!p3 [tilespmem:s4], [sflag:$0x3], $0x80, s3, s0, $0xb8;
	[tilespmem:$0x1E200] =	vst v63  }
0x3e2: {  	s0 =	simm.s32 @!p2 $0x80;
	s3 =	simm.s32 @!p2 $0x1E180;
	s4 =	simm.s32 @!p2 $0x1A100  }
0x3e3: {  	[hbm4b:s7+s0] =	stream.indirect.scatter @!p2 [tilespmem:s4], [sflag:$0x4], $0x80, s3, s0, $0xb8;
	[tilespmem:$0x1E200] =	vst v63  }
0x3e4: {  	p2 =	sne.s32 s22, $0x0  }
.Ltmp26:
0x3e5: {  	_ = 	snop;
	(pc) =	sbr.rel @!p2 .LBB2_31-.Ltmp26, $3  }
0x3e6: {  	_ =	sdelay $0x1  }
0x3e7: {  	s26 =	sadd.s32 $0x10, s26;
	s21 =	sadd.s32 $0x1, s21;
	s23 =	sadd.s32 $0x10, s23  }
0x3e8: {  	s24 =	sadd.s32 $0x10, s24;
	s25 =	sadd.s32 $0xFFFFFFF0, s25;
	s2 =	sadd.s32 $0x10, s2  }
.LBB2_28:
0x3e9: {  	s13 =	sshra.s32 s21, $0x1F  }
0x3ea: {  	s0 =	sshrl.u32 s13, $0x1D  }
0x3eb: {  	s0 =	sadd.s32 s0, s21  }
0x3ec: {  	s3 =	sshra.s32 s0, $0x3;
	s14 =	sshrl.u32 s0, $0x1F  }
0x3ed: {  	s4 =	sand.u32 $0xFFFFFFF8, s0;
	s31 =	sadd.s32 s14, s3  }
0x3ee: {  	p3 =	sgt.s32 s21, $0xF;
	p2 =	seq.s32 s21, s4;
	s0 =	sand.u32 $0xFFFFFFFE, s31  }
0x3ef: {  	p2 =	por !p3, !p2;
	s0 =	ssub.s32 s3, s0  }
0x3f0: {  	p4 =	por !p2, !p2;
	p6 =	seq.s32 s0, $0x0  }
0x3f1: {  	p2 =	por !p4, !p6  }
0x3f2: {  	p3 =	por !p2, !p2  }
0x3f3: {  	p2 =	seq.s32 @!p3 s0, $0x1  }
0x3f4: {  	p4 =	por @!p3 !p4, !p2  }
0x3f5: {  	p4 =	por @!p3 !p4, !p4  }
0x3f6: {  	p4 =	por p3, p4  }
.Ltmp27:
0x3f7: {  	v9 =	vld [tilespmem:s26+$0x0];
	(pc) =	sbr.rel @!p4 .LBB2_30-.Ltmp27, $1  }
0x3f8: {  	_ =	sdelay $0x3  }
.Ltmp28:
0x3f9: {  	s14 =	simm.s32 @!p3 $0x4;
	(pc) =	sbr.rel .LBB2_30-.Ltmp28, $4  }
0x3fa: {  	s14 =	simm.s32 @p3 $0x3  }
0x3fb: {  	_ =	swait.ge [sflag:s14], $0x4000  }
0x3fc: {  	[sflag:s14] =	ssyncset.done $0x0  }
0x3fd: {  	p2 =	por !p3, !p3;
	[sflag:s14] =	ssyncadd.s32 $0xFFFFC000  }
.LBB2_31:
0x3fe: {  	s0 =	sshra.s32 s21, $0x1F  }
0x3ff: {  	s0 =	sshrl.u32 s0, $0x1D  }
0x400: {  	s3 =	sadd.s32 s0, s21  }
0x401: {  	s4 =	sand.u32 $0xFFFFFFF8, s3  }
0x402: {  	s2 =	ssub.s32 s21, s4  }
0x403: {  	p2 =	slt.s32 s2, $0x1  }
.Ltmp29:
0x404: {  	_ = 	snop;
	(pc) =	sbr.rel @p2 .LBB2_40-.Ltmp29, $2  }
0x405: {  	_ =	sdelay $0x2  }
0x406: {  	s0 =	sshra.s32 s3, $0x3  }
.Ltmp30:
0x407: {  	s3 =	sshrl.u32 s3, $0x1F;
	(pc) =	sbr.rel .LBB2_33-.Ltmp30, $4  }
0x408: {  	s4 =	ssub.s32 s4, s21;
	s13 =	sshll.u32 s21, $0x4;
	s14 =	sshll.u32 s0, $0x7  }
0x409: {  	s31 =	sshll.u32 s21, $0x6;
	s22 =	sshll.u32 s0, $0x9;
	s3 =	sadd.s32 s3, s0  }
0x40a: {  	s14 =	ssub.s32 s13, s14;
	s4 =	sadd.s32 $0x8, s4;
	s3 =	sand.u32 $0xFFFFFFFE, s3  }
0x40b: {  	s13 =	ssub.s32 s31, s22;
	s21 =	sadd.s32 $0x4000, s14;
	s3 =	ssub.s32 s0, s3  }
.LBB2_34:
0x40c: {  	s22 =	simm.s32 $0x1E100  }
.LBB2_37:
0x40d: {  	s14 =	sshra.s32 s13, $0x2  }
0x40e: {  	v9 =	vor.u32 s21, v5;
	s14 =	sadd.s32 s14, s22  }
0x40f: {  	[tilespmem:s14+$0x0] =	vst v9  }
.LBB2_38:
0x410: {  	s4 =	sadd.s32 $0xFFFFFFFF, s4  }
0x411: {  	p2 =	sne.s32 s4, $0x0  }
.Ltmp31:
0x412: {  	_ = 	snop;
	(pc) =	sbr.rel @!p2 .LBB2_39-.Ltmp31, $2  }
0x413: {  	_ =	sdelay $0x2  }
0x414: {  	s13 =	sadd.s32 $0x40, s13;
	s21 =	sadd.s32 $0x10, s21  }
.LBB2_33:
0x415: {  	p2 =	seq.s32 s3, $0x0  }
.Ltmp32:
0x416: {  	_ = 	snop;
	(pc) =	sbr.rel @p2 .LBB2_34-.Ltmp32, $1  }
0x417: {  	_ =	sdelay $0x3  }
0x418: {  	p2 =	sne.s32 s3, $0x1  }
.Ltmp33:
0x419: {  	_ = 	snop;
	(pc) =	sbr.rel @p2 .LBB2_38-.Ltmp33, $1  }
0x41a: {  	_ =	sdelay $0x3  }
.Ltmp34:
0x41b: {  	(pc) =	sbr.rel .LBB2_37-.Ltmp34, $2  }
0x41c: {  	_ =	sdelay $0x2  }
0x41d: {  	s22 =	simm.s32 $0x1E180  }
.LBB2_41:
0x41e: {  	_ =	sfence.sel $0x180000  }
0x41f: {  	[bflag:$0x0] =	sbarrier.arrive $0xFFFF  }
0x420: {  	_ =	strace $0x90000047  }
0x421: {  	s0 =	stileid.u32;
	[bflag:$0x2] =	sbarrier.arrive $0xFFFF  }
0x422: {  	p0 =	sne.s32 s0, $0x0;
	s0 =	rddreg [dreg:$0x4]  }
0x423: {  	s0 =	sadd.s32 @!p0 $0x100000, s0  }
0x424: {  	[sflag:s0] =	ssyncadd.tile.s32 @!p0 $0x1;
	_ =	shalt  }
.Lfunc_end2:
_tile_overlayer_lowered:
.L_overlay_start_2:
0x425: {  	(tag) =	ssettag $0x2  }
0x426: {  	s0 =	rddreg [dreg:$0x0];
	s2 =	stileid.u32  }
0x427: {  	s1 =	rddreg [dreg:$0x1];
	p0 =	sne.s32 s2, $0x0  }
0x428: {  	s3 =	rddreg [dreg:$0x2];
	[bflag:$0x3] =	sbarrier.arrive $0xFFFF;
	s2 =	simm.s32 @!p0 $0x1C05  }
0x429: {  	[timem:s3], [sflag:s2] =	dma.local @!p0 [hbm:s0], s1  }
0x42a: {  	s0 =	simm.s32 @!p0 $0x5  }
0x42b: {  	_ =	swait.ge @!p0 [sflag:s0], s1  }
0x42c: {  	s1 =	ssub.s32 @!p0 $0x0, s1;
	[sflag:s0] =	ssyncset.done @!p0 $0x0  }
0x42d: {  	[sflag:s0] =	ssyncadd.s32 @!p0 s1  }
0x42e: {  	[bflag:$0x3] =	sbarrier.arrive $0xFFFF  }
0x42f: {  	_ =	shalt  }

</sc_bundles>
